<compile_context>
chip_gen: v7x
topology: tpu7x:2x2x1
jax: 0.10.2.dev20260603
libtpu: 0.0.44.dev20260713+nightly
codegen_flags: <defaults>
</compile_context>

<pallas_src>
import functools

import jax
import jax.numpy as jnp
from jax import lax
from jax.experimental import pallas as pl
from jax.experimental.pallas import tpu as pltpu
from jax.experimental.pallas import tpu_sc as plsc

N_NODES = 10000
N_EDGES = 320000
D = 128
H = D // 2
DW = D // 2

NC = 2
NS = 16
NW = NC * NS
SLABS = 2
SLAB = N_EDGES // SLABS
EPW = SLAB // NW
CH = 40
NCH = EPW // CH
PIPE = 5


def _make_gather_mul(slab):
    src_off = slab * SLAB
    dst_off = N_EDGES + slab * SLAB
    mesh = plsc.VectorSubcoreMesh(core_axis_name="c", subcore_axis_name="s")

    @functools.partial(
        pl.kernel,
        out_type=jax.ShapeDtypeStruct((SLAB, DW), jnp.float32),
        mesh=mesh,
        compiler_params=pltpu.CompilerParams(needs_layout_passes=False),
        scratch_types=[
            pltpu.VMEM((EPW,), jnp.int32),
            pltpu.VMEM((EPW,), jnp.int32),
            [pltpu.VMEM((CH, D), jnp.float32) for _ in range(PIPE)],
            [pltpu.VMEM((CH, D), jnp.float32) for _ in range(PIPE)],
            [pltpu.VMEM((CH, DW), jnp.float32) for _ in range(PIPE)],
            [pltpu.SemaphoreType.DMA for _ in range(PIPE)],
            [pltpu.SemaphoreType.DMA for _ in range(PIPE)],
            [pltpu.SemaphoreType.DMA for _ in range(PIPE)],
        ],
    )
    def gather_mul(src_hbm, dst_hbm, eidx_hbm, out_hbm,
                   sidx_v, didx_v, srows, drows, orows, sem_s, sem_d, sem_o):
        wid = lax.axis_index("s") * NC + lax.axis_index("c")
        base = wid * EPW
        pltpu.sync_copy(eidx_hbm.at[pl.ds(src_off + base, EPW)], sidx_v)
        pltpu.sync_copy(eidx_hbm.at[pl.ds(dst_off + base, EPW)], didx_v)

        def fire_gather(c, b):
            pltpu.async_copy(src_hbm.at[sidx_v.at[pl.ds(c * CH, CH)]],
                             srows[b], sem_s[b])
            pltpu.async_copy(dst_hbm.at[didx_v.at[pl.ds(c * CH, CH)]],
                             drows[b], sem_d[b])

        def wait_gather(b):
            pltpu.make_async_copy(src_hbm.at[sidx_v.at[pl.ds(0, CH)]],
                                  srows[b], sem_s[b]).wait()
            pltpu.make_async_copy(dst_hbm.at[didx_v.at[pl.ds(0, CH)]],
                                  drows[b], sem_d[b]).wait()

        for p in range(PIPE):
            fire_gather(p, p)

        def round_body(k, carry):
            for b in range(PIPE):
                c = PIPE * k + b
                wait_gather(b)

                @pl.when(c >= PIPE)
                def _wait_prev_out():
                    pltpu.make_async_copy(
                        orows[b], out_hbm.at[pl.ds(base, CH)], sem_o[b]).wait()

                @plsc.parallel_loop(0, CH, 1, unroll=4)
                def _row_body(r):
                    fmt = plsc.PackFormat.INTERLEAVED
                    for j in range(DW // 16):
                        s0 = srows[b][r, pl.ds(2 * j * 16, 16)]
                        s1 = srows[b][r, pl.ds((2 * j + 1) * 16, 16)]
                        d0 = drows[b][r, pl.ds(2 * j * 16, 16)]
                        d1 = drows[b][r, pl.ds((2 * j + 1) * 16, 16)]
                        p = plsc.pack(s0 * d0, s1 * d1, format=fmt)
                        orows[b][r, pl.ds(j * 16, 16)] = plsc.bitcast(
                            p, jnp.float32)

                pltpu.async_copy(orows[b],
                                 out_hbm.at[pl.ds(base + c * CH, CH)],
                                 sem_o[b])

                @pl.when(c + PIPE < NCH)
                def _prefetch():
                    fire_gather(c + PIPE, b)
            return carry

        lax.fori_loop(0, NCH // PIPE, round_body, 0)
        for b in range(PIPE):
            pltpu.make_async_copy(
                orows[b], out_hbm.at[pl.ds(base, CH)], sem_o[b]).wait()

    return gather_mul


_gather_muls = [_make_gather_mul(s) for s in range(SLABS)]

BLK = 4000
NBLK = SLAB // 2 // BLK


def _mlp_body(x_ref, w1c_ref, b1_ref, w2t_ref, b2_ref, oa_ref, ob_ref):
    xi = jax.lax.bitcast_convert_type(x_ref[...], jnp.int32)
    xlo = jax.lax.bitcast_convert_type(xi << 16, jnp.float32)
    xhi = x_ref[...]
    i = pl.program_id(0)
    for o_ref, sl in ((oa_ref, slice(0, DW)), (ob_ref, slice(DW, D))):
        xc = jnp.concatenate([xlo[:, sl], xhi[:, sl]], axis=1)
        h = jnp.dot(xc, w1c_ref[...], preferred_element_type=jnp.float32)
        h = jnp.maximum(h + b1_ref[...], 0.0)
        y = jax.lax.dot_general(w2t_ref[...], h, (((1,), (1,)), ((), ())),
                                preferred_element_type=jnp.float32)
        o_ref[pl.ds(i, 1), :] = jax.nn.sigmoid(y + b2_ref[...])


def _mlp(x, W1c, b1, W2t, b2):
    grid = (NBLK,)
    return pl.pallas_call(
        _mlp_body,
        grid=grid,
        in_specs=[
            pl.BlockSpec((BLK, D), lambda i: (i, 0)),
            pl.BlockSpec((D, H), lambda i: (0, 0)),
            pl.BlockSpec((1, H), lambda i: (0, 0)),
            pl.BlockSpec((1, H), lambda i: (0, 0)),
            pl.BlockSpec((1, 1), lambda i: (0, 0)),
        ],
        out_specs=[pl.BlockSpec((NBLK, BLK), lambda i: (0, 0)),
                   pl.BlockSpec((NBLK, BLK), lambda i: (0, 0))],
        out_shape=[jax.ShapeDtypeStruct((NBLK, BLK), jnp.float32),
                   jax.ShapeDtypeStruct((NBLK, BLK), jnp.float32)],
    )(x, W1c, b1, W2t, b2)


def _pack_perms():
    lo, hi = [], []
    for j in range(D // 32):
        for w in range(16):
            lo.append(32 * j + w)
            hi.append(32 * j + 16 + w)
    return (jnp.asarray(lo, dtype=jnp.int32), jnp.asarray(hi, dtype=jnp.int32))


def kernel(dst_embs, src_embs, edge_indices, W1, b1, W2, b2):
    eidx = edge_indices.reshape(2 * N_EDGES)
    perm_lo, perm_hi = _pack_perms()
    w1c = jnp.concatenate([W1[perm_lo, :], W1[perm_hi, :]], axis=0)
    b1r, w2t, b2r = b1.reshape(1, H), W2.reshape(1, H), b2.reshape(1, 1)
    ys = []
    for s in range(SLABS):
        x = _gather_muls[s](src_embs, dst_embs, eidx)
        ya, yb = _mlp(x.reshape(SLAB // 2, D), w1c, b1r, w2t, b2r)
        ys.append(jnp.stack([ya.reshape(-1), yb.reshape(-1)], axis=1))
    y = jnp.concatenate(ys, axis=0)
    return y.reshape(N_EDGES, 1)

# --- scband reference (transcript-rebuilt; emitter-appended) ---
"""Pipeline reference for scband-hgarme-44942537786044 (READ-ONLY COPY).

The authoritative reference and input builder live on the scoring server;
editing this copy changes nothing except your own understanding.
"""

import jax, jax.numpy as jnp
import numpy as np

N_NODES = 10000
N_EDGES = 320000
D = 128
H = D // 2


def setup_inputs(seed: int = 0) -> dict:
    key = jax.random.key(seed)
    k1, k2, k3, k4, k5 = jax.random.split(key, 5)
    dst_embs = jax.random.normal(k1, (N_NODES, D), dtype=jnp.float32)
    src_embs = jax.random.normal(k2, (N_NODES, D), dtype=jnp.float32)
    edge_indices = jax.random.randint(k3, (2, N_EDGES), 0, N_NODES, dtype=jnp.int32)
    # MaskEdgeDecoder parameters (fc1: D->H, fc2: H->1)
    W1 = jax.random.normal(k4, (D, H), dtype=jnp.float32) * (1.0 / np.sqrt(D))
    b1 = jnp.zeros((H,), dtype=jnp.float32)
    W2 = jax.random.normal(k5, (H, 1), dtype=jnp.float32) * (1.0 / np.sqrt(H))
    b2 = jnp.zeros((1,), dtype=jnp.float32)
    return {"dst_embs": dst_embs, "src_embs": src_embs, "edge_indices": edge_indices,
            "W1": W1, "b1": b1, "W2": W2, "b2": b2}


def reference(dst_embs, src_embs, edge_indices, W1, b1, W2, b2):
    # Faithful translation of MaskEdgeDecoder.forward (HGARME edge-reconstruction head),
    # inference mode (dropout = identity).
    src = edge_indices[0]
    dst = edge_indices[1]
    # per-edge gather of endpoint embeddings + elementwise product
    x = jnp.take(src_embs, src, axis=0) * jnp.take(dst_embs, dst, axis=0)
    x = x @ W1 + b1
    x = jax.nn.relu(x)
    x = x @ W2 + b2
    return jax.nn.sigmoid(x)

if __name__ == "__main__":
    import jax
    _d = setup_inputs()
    print(jax.jit(kernel)(*tuple(_d.values())))

</pallas_src>

<mosaic_0001>
#map = affine_map<(d0, d1) -> (0, 0)>
#map1 = affine_map<(d0, d1) -> (0)>
module attributes {stable_mosaic.version = 14 : i64} {
  func.func @gather_mul(%arg0: i32, %arg1: i32, %arg2: memref<10000x128xf32, #tpu.memory_space<hbm>>, %arg3: memref<10000x128xf32, #tpu.memory_space<hbm>>, %arg4: memref<640000xi32, #tpu.memory_space<hbm>>, %arg5: memref<160000x64xf32, #tpu.memory_space<hbm>>, %arg6: memref<5000xi32, #tpu.memory_space<vmem>>, %arg7: memref<5000xi32, #tpu.memory_space<vmem>>, %arg8: memref<40x128xf32, #tpu.memory_space<vmem>>, %arg9: memref<40x128xf32, #tpu.memory_space<vmem>>, %arg10: memref<40x128xf32, #tpu.memory_space<vmem>>, %arg11: memref<40x128xf32, #tpu.memory_space<vmem>>, %arg12: memref<40x128xf32, #tpu.memory_space<vmem>>, %arg13: memref<40x128xf32, #tpu.memory_space<vmem>>, %arg14: memref<40x128xf32, #tpu.memory_space<vmem>>, %arg15: memref<40x128xf32, #tpu.memory_space<vmem>>, %arg16: memref<40x128xf32, #tpu.memory_space<vmem>>, %arg17: memref<40x128xf32, #tpu.memory_space<vmem>>, %arg18: memref<40x64xf32, #tpu.memory_space<vmem>>, %arg19: memref<40x64xf32, #tpu.memory_space<vmem>>, %arg20: memref<40x64xf32, #tpu.memory_space<vmem>>, %arg21: memref<40x64xf32, #tpu.memory_space<vmem>>, %arg22: memref<40x64xf32, #tpu.memory_space<vmem>>, %arg23: memref<!tpu.dma_semaphore, #tpu.memory_space<semaphore_mem>>, %arg24: memref<!tpu.dma_semaphore, #tpu.memory_space<semaphore_mem>>, %arg25: memref<!tpu.dma_semaphore, #tpu.memory_space<semaphore_mem>>, %arg26: memref<!tpu.dma_semaphore, #tpu.memory_space<semaphore_mem>>, %arg27: memref<!tpu.dma_semaphore, #tpu.memory_space<semaphore_mem>>, %arg28: memref<!tpu.dma_semaphore, #tpu.memory_space<semaphore_mem>>, %arg29: memref<!tpu.dma_semaphore, #tpu.memory_space<semaphore_mem>>, %arg30: memref<!tpu.dma_semaphore, #tpu.memory_space<semaphore_mem>>, %arg31: memref<!tpu.dma_semaphore, #tpu.memory_space<semaphore_mem>>, %arg32: memref<!tpu.dma_semaphore, #tpu.memory_space<semaphore_mem>>, %arg33: memref<!tpu.dma_semaphore, #tpu.memory_space<semaphore_mem>>, %arg34: memref<!tpu.dma_semaphore, #tpu.memory_space<semaphore_mem>>, %arg35: memref<!tpu.dma_semaphore, #tpu.memory_space<semaphore_mem>>, %arg36: memref<!tpu.dma_semaphore, #tpu.memory_space<semaphore_mem>>, %arg37: memref<!tpu.dma_semaphore, #tpu.memory_space<semaphore_mem>>) attributes {dimension_semantics = [#tpu.dimension_semantics<core_parallel>, #tpu.dimension_semantics<subcore_parallel>], iteration_bounds = array<i64: 2, 16>, scalar_prefetch = 0 : i64, scratch_operands = 32 : i64, tpu.core_type = #tpu.core_type<sc_vector_subcore>, window_params = [{transform_indices = #map}, {transform_indices = #map}, {transform_indices = #map1}, {transform_indices = #map}]} {
    %mul3A = arith.constant 2 : i32
    %mul3A_0 = arith.muli %arg1, %mul3A : i32
    %add3A = arith.addi %mul3A_0, %arg0 : i32
    %mul3A_1 = arith.constant 5000 : i32
    %mul3A_2 = arith.muli %add3A, %mul3A_1 : i32
    %add3A_3 = arith.constant 160000 : i32
    %add3A_4 = arith.addi %add3A_3, %mul3A_2 : i32
    "tpu.region"() ({
      %run_scoped3A = tpu.sem_alloc : memref<!tpu.dma_semaphore, #tpu.memory_space<semaphore_mem>>
      %dma_start3A_80 = tpu.memref_slice %arg4[%add3A_4] : memref<640000xi32, #tpu.memory_space<hbm>> -> memref<5000xi32, #tpu.memory_space<hbm>>
      %dma_start3A_81 = tpu.memref_slice %arg4[%add3A_4] : memref<640000xi32, #tpu.memory_space<hbm>> -> memref<5000xi32, #tpu.memory_space<hbm>>
      tpu.enqueue_dma source(%dma_start3A_81 : memref<5000xi32, #tpu.memory_space<hbm>>) target(%arg6 : memref<5000xi32, #tpu.memory_space<vmem>>) target_semaphore(%run_scoped3A : memref<!tpu.dma_semaphore, #tpu.memory_space<semaphore_mem>>)
      %dma_wait3A_82 = tpu.memref_slice %arg4[%add3A_4] : memref<640000xi32, #tpu.memory_space<hbm>> -> memref<5000xi32, #tpu.memory_space<hbm>>
      %dma_wait3A_83 = tpu.memref_slice %arg4[%add3A_4] : memref<640000xi32, #tpu.memory_space<hbm>> -> memref<5000xi32, #tpu.memory_space<hbm>>
      tpu.wait_dma2 semaphore(%run_scoped3A : memref<!tpu.dma_semaphore, #tpu.memory_space<semaphore_mem>>) src(%dma_wait3A_83 : memref<5000xi32, #tpu.memory_space<hbm>>) dst(%arg6 : memref<5000xi32, #tpu.memory_space<vmem>>)
      tpu.yield
    }) : () -> ()
    %add3A_5 = arith.constant 480000 : i32
    %add3A_6 = arith.addi %add3A_5, %mul3A_2 : i32
    "tpu.region"() ({
      %run_scoped3A = tpu.sem_alloc : memref<!tpu.dma_semaphore, #tpu.memory_space<semaphore_mem>>
      %dma_start3A_80 = tpu.memref_slice %arg4[%add3A_6] : memref<640000xi32, #tpu.memory_space<hbm>> -> memref<5000xi32, #tpu.memory_space<hbm>>
      %dma_start3A_81 = tpu.memref_slice %arg4[%add3A_6] : memref<640000xi32, #tpu.memory_space<hbm>> -> memref<5000xi32, #tpu.memory_space<hbm>>
      tpu.enqueue_dma source(%dma_start3A_81 : memref<5000xi32, #tpu.memory_space<hbm>>) target(%arg7 : memref<5000xi32, #tpu.memory_space<vmem>>) target_semaphore(%run_scoped3A : memref<!tpu.dma_semaphore, #tpu.memory_space<semaphore_mem>>)
      %dma_wait3A_82 = tpu.memref_slice %arg4[%add3A_6] : memref<640000xi32, #tpu.memory_space<hbm>> -> memref<5000xi32, #tpu.memory_space<hbm>>
      %dma_wait3A_83 = tpu.memref_slice %arg4[%add3A_6] : memref<640000xi32, #tpu.memory_space<hbm>> -> memref<5000xi32, #tpu.memory_space<hbm>>
      tpu.wait_dma2 semaphore(%run_scoped3A : memref<!tpu.dma_semaphore, #tpu.memory_space<semaphore_mem>>) src(%dma_wait3A_83 : memref<5000xi32, #tpu.memory_space<hbm>>) dst(%arg7 : memref<5000xi32, #tpu.memory_space<vmem>>)
      tpu.yield
    }) : () -> ()
    %dma_start3A = arith.constant 0 : i32
    %dma_start3A_7 = tpu.memref_slice %arg6[%dma_start3A] : memref<5000xi32, #tpu.memory_space<vmem>> -> memref<40xi32, #tpu.memory_space<vmem>>
    %dma_start3A_8 = arith.constant 0 : i32
    %dma_start3A_9 = arith.constant 0 : i32
    %dma_start3A_10 = tpu.memref_slice %arg2[%dma_start3A_8, %dma_start3A_9] : memref<10000x128xf32, #tpu.memory_space<hbm>> -> memref<10000x128xf32, #tpu.memory_space<hbm>>
    tpu.enqueue_indirect_dma source(%dma_start3A_10 : memref<10000x128xf32, #tpu.memory_space<hbm>>) target(%arg8 : memref<40x128xf32, #tpu.memory_space<vmem>>) offsets(%dma_start3A_7 : memref<40xi32, #tpu.memory_space<vmem>>) semaphore(%arg23 : memref<!tpu.dma_semaphore, #tpu.memory_space<semaphore_mem>>)
    %dma_start3A_11 = arith.constant 0 : i32
    %dma_start3A_12 = tpu.memref_slice %arg7[%dma_start3A_11] : memref<5000xi32, #tpu.memory_space<vmem>> -> memref<40xi32, #tpu.memory_space<vmem>>
    %dma_start3A_13 = arith.constant 0 : i32
    %dma_start3A_14 = arith.constant 0 : i32
    %dma_start3A_15 = tpu.memref_slice %arg3[%dma_start3A_13, %dma_start3A_14] : memref<10000x128xf32, #tpu.memory_space<hbm>> -> memref<10000x128xf32, #tpu.memory_space<hbm>>
    tpu.enqueue_indirect_dma source(%dma_start3A_15 : memref<10000x128xf32, #tpu.memory_space<hbm>>) target(%arg13 : memref<40x128xf32, #tpu.memory_space<vmem>>) offsets(%dma_start3A_12 : memref<40xi32, #tpu.memory_space<vmem>>) semaphore(%arg28 : memref<!tpu.dma_semaphore, #tpu.memory_space<semaphore_mem>>)
    %dma_start3A_16 = arith.constant 40 : i32
    %dma_start3A_17 = tpu.memref_slice %arg6[%dma_start3A_16] : memref<5000xi32, #tpu.memory_space<vmem>> -> memref<40xi32, #tpu.memory_space<vmem>>
    %dma_start3A_18 = arith.constant 0 : i32
    %dma_start3A_19 = arith.constant 0 : i32
    %dma_start3A_20 = tpu.memref_slice %arg2[%dma_start3A_18, %dma_start3A_19] : memref<10000x128xf32, #tpu.memory_space<hbm>> -> memref<10000x128xf32, #tpu.memory_space<hbm>>
    tpu.enqueue_indirect_dma source(%dma_start3A_20 : memref<10000x128xf32, #tpu.memory_space<hbm>>) target(%arg9 : memref<40x128xf32, #tpu.memory_space<vmem>>) offsets(%dma_start3A_17 : memref<40xi32, #tpu.memory_space<vmem>>) semaphore(%arg24 : memref<!tpu.dma_semaphore, #tpu.memory_space<semaphore_mem>>)
    %dma_start3A_21 = arith.constant 40 : i32
    %dma_start3A_22 = tpu.memref_slice %arg7[%dma_start3A_21] : memref<5000xi32, #tpu.memory_space<vmem>> -> memref<40xi32, #tpu.memory_space<vmem>>
    %dma_start3A_23 = arith.constant 0 : i32
    %dma_start3A_24 = arith.constant 0 : i32
    %dma_start3A_25 = tpu.memref_slice %arg3[%dma_start3A_23, %dma_start3A_24] : memref<10000x128xf32, #tpu.memory_space<hbm>> -> memref<10000x128xf32, #tpu.memory_space<hbm>>
    tpu.enqueue_indirect_dma source(%dma_start3A_25 : memref<10000x128xf32, #tpu.memory_space<hbm>>) target(%arg14 : memref<40x128xf32, #tpu.memory_space<vmem>>) offsets(%dma_start3A_22 : memref<40xi32, #tpu.memory_space<vmem>>) semaphore(%arg29 : memref<!tpu.dma_semaphore, #tpu.memory_space<semaphore_mem>>)
    %dma_start3A_26 = arith.constant 80 : i32
    %dma_start3A_27 = tpu.memref_slice %arg6[%dma_start3A_26] : memref<5000xi32, #tpu.memory_space<vmem>> -> memref<40xi32, #tpu.memory_space<vmem>>
    %dma_start3A_28 = arith.constant 0 : i32
    %dma_start3A_29 = arith.constant 0 : i32
    %dma_start3A_30 = tpu.memref_slice %arg2[%dma_start3A_28, %dma_start3A_29] : memref<10000x128xf32, #tpu.memory_space<hbm>> -> memref<10000x128xf32, #tpu.memory_space<hbm>>
    tpu.enqueue_indirect_dma source(%dma_start3A_30 : memref<10000x128xf32, #tpu.memory_space<hbm>>) target(%arg10 : memref<40x128xf32, #tpu.memory_space<vmem>>) offsets(%dma_start3A_27 : memref<40xi32, #tpu.memory_space<vmem>>) semaphore(%arg25 : memref<!tpu.dma_semaphore, #tpu.memory_space<semaphore_mem>>)
    %dma_start3A_31 = arith.constant 80 : i32
    %dma_start3A_32 = tpu.memref_slice %arg7[%dma_start3A_31] : memref<5000xi32, #tpu.memory_space<vmem>> -> memref<40xi32, #tpu.memory_space<vmem>>
    %dma_start3A_33 = arith.constant 0 : i32
    %dma_start3A_34 = arith.constant 0 : i32
    %dma_start3A_35 = tpu.memref_slice %arg3[%dma_start3A_33, %dma_start3A_34] : memref<10000x128xf32, #tpu.memory_space<hbm>> -> memref<10000x128xf32, #tpu.memory_space<hbm>>
    tpu.enqueue_indirect_dma source(%dma_start3A_35 : memref<10000x128xf32, #tpu.memory_space<hbm>>) target(%arg15 : memref<40x128xf32, #tpu.memory_space<vmem>>) offsets(%dma_start3A_32 : memref<40xi32, #tpu.memory_space<vmem>>) semaphore(%arg30 : memref<!tpu.dma_semaphore, #tpu.memory_space<semaphore_mem>>)
    %dma_start3A_36 = arith.constant 120 : i32
    %dma_start3A_37 = tpu.memref_slice %arg6[%dma_start3A_36] : memref<5000xi32, #tpu.memory_space<vmem>> -> memref<40xi32, #tpu.memory_space<vmem>>
    %dma_start3A_38 = arith.constant 0 : i32
    %dma_start3A_39 = arith.constant 0 : i32
    %dma_start3A_40 = tpu.memref_slice %arg2[%dma_start3A_38, %dma_start3A_39] : memref<10000x128xf32, #tpu.memory_space<hbm>> -> memref<10000x128xf32, #tpu.memory_space<hbm>>
    tpu.enqueue_indirect_dma source(%dma_start3A_40 : memref<10000x128xf32, #tpu.memory_space<hbm>>) target(%arg11 : memref<40x128xf32, #tpu.memory_space<vmem>>) offsets(%dma_start3A_37 : memref<40xi32, #tpu.memory_space<vmem>>) semaphore(%arg26 : memref<!tpu.dma_semaphore, #tpu.memory_space<semaphore_mem>>)
    %dma_start3A_41 = arith.constant 120 : i32
    %dma_start3A_42 = tpu.memref_slice %arg7[%dma_start3A_41] : memref<5000xi32, #tpu.memory_space<vmem>> -> memref<40xi32, #tpu.memory_space<vmem>>
    %dma_start3A_43 = arith.constant 0 : i32
    %dma_start3A_44 = arith.constant 0 : i32
    %dma_start3A_45 = tpu.memref_slice %arg3[%dma_start3A_43, %dma_start3A_44] : memref<10000x128xf32, #tpu.memory_space<hbm>> -> memref<10000x128xf32, #tpu.memory_space<hbm>>
    tpu.enqueue_indirect_dma source(%dma_start3A_45 : memref<10000x128xf32, #tpu.memory_space<hbm>>) target(%arg16 : memref<40x128xf32, #tpu.memory_space<vmem>>) offsets(%dma_start3A_42 : memref<40xi32, #tpu.memory_space<vmem>>) semaphore(%arg31 : memref<!tpu.dma_semaphore, #tpu.memory_space<semaphore_mem>>)
    %dma_start3A_46 = arith.constant 160 : i32
    %dma_start3A_47 = tpu.memref_slice %arg6[%dma_start3A_46] : memref<5000xi32, #tpu.memory_space<vmem>> -> memref<40xi32, #tpu.memory_space<vmem>>
    %dma_start3A_48 = arith.constant 0 : i32
    %dma_start3A_49 = arith.constant 0 : i32
    %dma_start3A_50 = tpu.memref_slice %arg2[%dma_start3A_48, %dma_start3A_49] : memref<10000x128xf32, #tpu.memory_space<hbm>> -> memref<10000x128xf32, #tpu.memory_space<hbm>>
    tpu.enqueue_indirect_dma source(%dma_start3A_50 : memref<10000x128xf32, #tpu.memory_space<hbm>>) target(%arg12 : memref<40x128xf32, #tpu.memory_space<vmem>>) offsets(%dma_start3A_47 : memref<40xi32, #tpu.memory_space<vmem>>) semaphore(%arg27 : memref<!tpu.dma_semaphore, #tpu.memory_space<semaphore_mem>>)
    %dma_start3A_51 = arith.constant 160 : i32
    %dma_start3A_52 = tpu.memref_slice %arg7[%dma_start3A_51] : memref<5000xi32, #tpu.memory_space<vmem>> -> memref<40xi32, #tpu.memory_space<vmem>>
    %dma_start3A_53 = arith.constant 0 : i32
    %dma_start3A_54 = arith.constant 0 : i32
    %dma_start3A_55 = tpu.memref_slice %arg3[%dma_start3A_53, %dma_start3A_54] : memref<10000x128xf32, #tpu.memory_space<hbm>> -> memref<10000x128xf32, #tpu.memory_space<hbm>>
    tpu.enqueue_indirect_dma source(%dma_start3A_55 : memref<10000x128xf32, #tpu.memory_space<hbm>>) target(%arg17 : memref<40x128xf32, #tpu.memory_space<vmem>>) offsets(%dma_start3A_52 : memref<40xi32, #tpu.memory_space<vmem>>) semaphore(%arg32 : memref<!tpu.dma_semaphore, #tpu.memory_space<semaphore_mem>>)
    %scan3A = arith.constant 0 : i32
    %scan3A_56 = arith.constant 0 : i32
    %scan3A_57 = arith.constant 25 : i32
    %scan3A_58 = arith.addi %scan3A_56, %scan3A_57 : i32
    %scan3A_59 = arith.constant 1 : i32
    scf.for %scan3A_80 = %scan3A_56 to %scan3A_58 step %scan3A_59  : i32 {
      %mul3A_81 = arith.constant 5 : i32
      %mul3A_82 = arith.muli %mul3A_81, %scan3A_80 : i32
      %add3A_83 = arith.constant 0 : i32
      %add3A_84 = arith.addi %mul3A_82, %add3A_83 : i32
      %dma_wait3A_85 = arith.constant 0 : i32
      %dma_wait3A_86 = tpu.memref_slice %arg6[%dma_wait3A_85] : memref<5000xi32, #tpu.memory_space<vmem>> -> memref<40xi32, #tpu.memory_space<vmem>>
      %dma_wait3A_87 = arith.constant 0 : i32
      %dma_wait3A_88 = arith.constant 0 : i32
      %dma_wait3A_89 = tpu.memref_slice %arg2[%dma_wait3A_87, %dma_wait3A_88] : memref<10000x128xf32, #tpu.memory_space<hbm>> -> memref<10000x128xf32, #tpu.memory_space<hbm>>
      tpu.wait_indirect_dma semaphore(%arg23 : memref<!tpu.dma_semaphore, #tpu.memory_space<semaphore_mem>>) src(%dma_wait3A_89 : memref<10000x128xf32, #tpu.memory_space<hbm>>) dst(%arg8 : memref<40x128xf32, #tpu.memory_space<vmem>>)
      %dma_wait3A_90 = arith.constant 0 : i32
      %dma_wait3A_91 = tpu.memref_slice %arg7[%dma_wait3A_90] : memref<5000xi32, #tpu.memory_space<vmem>> -> memref<40xi32, #tpu.memory_space<vmem>>
      %dma_wait3A_92 = arith.constant 0 : i32
      %dma_wait3A_93 = arith.constant 0 : i32
      %dma_wait3A_94 = tpu.memref_slice %arg3[%dma_wait3A_92, %dma_wait3A_93] : memref<10000x128xf32, #tpu.memory_space<hbm>> -> memref<10000x128xf32, #tpu.memory_space<hbm>>
      tpu.wait_indirect_dma semaphore(%arg28 : memref<!tpu.dma_semaphore, #tpu.memory_space<semaphore_mem>>) src(%dma_wait3A_94 : memref<10000x128xf32, #tpu.memory_space<hbm>>) dst(%arg13 : memref<40x128xf32, #tpu.memory_space<vmem>>)
      %ge3A = arith.constant 5 : i32
      %ge3A_95 = arith.cmpi sge, %add3A_84, %ge3A : i32
      %convert_element_type3A = arith.extui %ge3A_95 : i1 to i32
      %cond3A = arith.constant 0 : i32
      %cond3A_96 = arith.cmpi ne, %convert_element_type3A, %cond3A : i32
      scf.if %cond3A_96 {
        %dma_wait3A_256 = arith.constant 0 : i32
        %dma_wait3A_257 = tpu.memref_slice %arg5[%mul3A_2, %dma_wait3A_256] : memref<160000x64xf32, #tpu.memory_space<hbm>> -> memref<40x64xf32, #tpu.memory_space<hbm>>
        %dma_wait3A_258 = arith.constant 0 : i32
        %dma_wait3A_259 = tpu.memref_slice %arg5[%mul3A_2, %dma_wait3A_258] : memref<160000x64xf32, #tpu.memory_space<hbm>> -> memref<40x64xf32, #tpu.memory_space<hbm>>
        tpu.wait_dma2 semaphore(%arg33 : memref<!tpu.dma_semaphore, #tpu.memory_space<semaphore_mem>>) src(%arg18 : memref<40x64xf32, #tpu.memory_space<vmem>>) dst(%dma_wait3A_259 : memref<40x64xf32, #tpu.memory_space<hbm>>)
      } else {
      }
      %parallel_loop3A = arith.constant 0 : i32
      %parallel_loop3A_97 = arith.constant 40 : i32
      %parallel_loop3A_98 = arith.constant 1 : i32
      scf.for %parallel_loop3A_256 = %parallel_loop3A to %parallel_loop3A_97 step %parallel_loop3A_98  : i32 {
        %parallel_loop3A_257 = arith.index_cast %parallel_loop3A_256 : i32 to index
        %parallel_loop3A_258 = arith.constant 0 : index
        %parallel_loop3A_259 = tpu.vector_load %arg8[%parallel_loop3A_257, %parallel_loop3A_258] {strides = array<i32>} : memref<40x128xf32, #tpu.memory_space<vmem>>, vector<16xf32>,
        %parallel_loop3A_260 = arith.index_cast %parallel_loop3A_256 : i32 to index
        %parallel_loop3A_261 = arith.constant 16 : index
        %parallel_loop3A_262 = tpu.vector_load %arg8[%parallel_loop3A_260, %parallel_loop3A_261] {strides = array<i32>} : memref<40x128xf32, #tpu.memory_space<vmem>>, vector<16xf32>,
        %parallel_loop3A_263 = arith.index_cast %parallel_loop3A_256 : i32 to index
        %parallel_loop3A_264 = arith.constant 0 : index
        %parallel_loop3A_265 = tpu.vector_load %arg13[%parallel_loop3A_263, %parallel_loop3A_264] {strides = array<i32>} : memref<40x128xf32, #tpu.memory_space<vmem>>, vector<16xf32>,
        %parallel_loop3A_266 = arith.index_cast %parallel_loop3A_256 : i32 to index
        %parallel_loop3A_267 = arith.constant 16 : index
        %parallel_loop3A_268 = tpu.vector_load %arg13[%parallel_loop3A_266, %parallel_loop3A_267] {strides = array<i32>} : memref<40x128xf32, #tpu.memory_space<vmem>>, vector<16xf32>,
        %parallel_loop3A_269 = arith.mulf %parallel_loop3A_259, %parallel_loop3A_265 : vector<16xf32>
        %parallel_loop3A_270 = arith.mulf %parallel_loop3A_262, %parallel_loop3A_268 : vector<16xf32>
        %parallel_loop3A_271 = tpu.pack_subelements %parallel_loop3A_269, %parallel_loop3A_270 {pack_format = #tpu.pack_format<interleaved>, positions = array<i32: 0, 1>} : vector<16xf32>, vector<16xf32> -> vector<32xbf16>
        %parallel_loop3A_272 = vector.bitcast %parallel_loop3A_271 : vector<32xbf16> to vector<16xf32>
        %parallel_loop3A_273 = arith.index_cast %parallel_loop3A_256 : i32 to index
        %parallel_loop3A_274 = arith.constant 0 : index
        %parallel_loop3A_275 = tpu.vector_load %arg18[%parallel_loop3A_273, %parallel_loop3A_274] {strides = array<i32>} : memref<40x64xf32, #tpu.memory_space<vmem>>, vector<16xf32>,
        tpu.vector_store %arg18[%parallel_loop3A_273, %parallel_loop3A_274], %parallel_loop3A_272 {strides = array<i32>} : memref<40x64xf32, #tpu.memory_space<vmem>>, vector<16xf32>,
        %parallel_loop3A_276 = arith.index_cast %parallel_loop3A_256 : i32 to index
        %parallel_loop3A_277 = arith.constant 32 : index
        %parallel_loop3A_278 = tpu.vector_load %arg8[%parallel_loop3A_276, %parallel_loop3A_277] {strides = array<i32>} : memref<40x128xf32, #tpu.memory_space<vmem>>, vector<16xf32>,
        %parallel_loop3A_279 = arith.index_cast %parallel_loop3A_256 : i32 to index
        %parallel_loop3A_280 = arith.constant 48 : index
        %parallel_loop3A_281 = tpu.vector_load %arg8[%parallel_loop3A_279, %parallel_loop3A_280] {strides = array<i32>} : memref<40x128xf32, #tpu.memory_space<vmem>>, vector<16xf32>,
        %parallel_loop3A_282 = arith.index_cast %parallel_loop3A_256 : i32 to index
        %parallel_loop3A_283 = arith.constant 32 : index
        %parallel_loop3A_284 = tpu.vector_load %arg13[%parallel_loop3A_282, %parallel_loop3A_283] {strides = array<i32>} : memref<40x128xf32, #tpu.memory_space<vmem>>, vector<16xf32>,
        %parallel_loop3A_285 = arith.index_cast %parallel_loop3A_256 : i32 to index
        %parallel_loop3A_286 = arith.constant 48 : index
        %parallel_loop3A_287 = tpu.vector_load %arg13[%parallel_loop3A_285, %parallel_loop3A_286] {strides = array<i32>} : memref<40x128xf32, #tpu.memory_space<vmem>>, vector<16xf32>,
        %parallel_loop3A_288 = arith.mulf %parallel_loop3A_278, %parallel_loop3A_284 : vector<16xf32>
        %parallel_loop3A_289 = arith.mulf %parallel_loop3A_281, %parallel_loop3A_287 : vector<16xf32>
        %parallel_loop3A_290 = tpu.pack_subelements %parallel_loop3A_288, %parallel_loop3A_289 {pack_format = #tpu.pack_format<interleaved>, positions = array<i32: 0, 1>} : vector<16xf32>, vector<16xf32> -> vector<32xbf16>
        %parallel_loop3A_291 = vector.bitcast %parallel_loop3A_290 : vector<32xbf16> to vector<16xf32>
        %parallel_loop3A_292 = arith.index_cast %parallel_loop3A_256 : i32 to index
        %parallel_loop3A_293 = arith.constant 16 : index
        %parallel_loop3A_294 = tpu.vector_load %arg18[%parallel_loop3A_292, %parallel_loop3A_293] {strides = array<i32>} : memref<40x64xf32, #tpu.memory_space<vmem>>, vector<16xf32>,
        tpu.vector_store %arg18[%parallel_loop3A_292, %parallel_loop3A_293], %parallel_loop3A_291 {strides = array<i32>} : memref<40x64xf32, #tpu.memory_space<vmem>>, vector<16xf32>,
        %parallel_loop3A_295 = arith.index_cast %parallel_loop3A_256 : i32 to index
        %parallel_loop3A_296 = arith.constant 64 : index
        %parallel_loop3A_297 = tpu.vector_load %arg8[%parallel_loop3A_295, %parallel_loop3A_296] {strides = array<i32>} : memref<40x128xf32, #tpu.memory_space<vmem>>, vector<16xf32>,
        %parallel_loop3A_298 = arith.index_cast %parallel_loop3A_256 : i32 to index
        %parallel_loop3A_299 = arith.constant 80 : index
        %parallel_loop3A_300 = tpu.vector_load %arg8[%parallel_loop3A_298, %parallel_loop3A_299] {strides = array<i32>} : memref<40x128xf32, #tpu.memory_space<vmem>>, vector<16xf32>,
        %parallel_loop3A_301 = arith.index_cast %parallel_loop3A_256 : i32 to index
        %parallel_loop3A_302 = arith.constant 64 : index
        %parallel_loop3A_303 = tpu.vector_load %arg13[%parallel_loop3A_301, %parallel_loop3A_302] {strides = array<i32>} : memref<40x128xf32, #tpu.memory_space<vmem>>, vector<16xf32>,
        %parallel_loop3A_304 = arith.index_cast %parallel_loop3A_256 : i32 to index
        %parallel_loop3A_305 = arith.constant 80 : index
        %parallel_loop3A_306 = tpu.vector_load %arg13[%parallel_loop3A_304, %parallel_loop3A_305] {strides = array<i32>} : memref<40x128xf32, #tpu.memory_space<vmem>>, vector<16xf32>,
        %parallel_loop3A_307 = arith.mulf %parallel_loop3A_297, %parallel_loop3A_303 : vector<16xf32>
        %parallel_loop3A_308 = arith.mulf %parallel_loop3A_300, %parallel_loop3A_306 : vector<16xf32>
        %parallel_loop3A_309 = tpu.pack_subelements %parallel_loop3A_307, %parallel_loop3A_308 {pack_format = #tpu.pack_format<interleaved>, positions = array<i32: 0, 1>} : vector<16xf32>, vector<16xf32> -> vector<32xbf16>
        %parallel_loop3A_310 = vector.bitcast %parallel_loop3A_309 : vector<32xbf16> to vector<16xf32>
        %parallel_loop3A_311 = arith.index_cast %parallel_loop3A_256 : i32 to index
        %parallel_loop3A_312 = arith.constant 32 : index
        %parallel_loop3A_313 = tpu.vector_load %arg18[%parallel_loop3A_311, %parallel_loop3A_312] {strides = array<i32>} : memref<40x64xf32, #tpu.memory_space<vmem>>, vector<16xf32>,
        tpu.vector_store %arg18[%parallel_loop3A_311, %parallel_loop3A_312], %parallel_loop3A_310 {strides = array<i32>} : memref<40x64xf32, #tpu.memory_space<vmem>>, vector<16xf32>,
        %parallel_loop3A_314 = arith.index_cast %parallel_loop3A_256 : i32 to index
        %parallel_loop3A_315 = arith.constant 96 : index
        %parallel_loop3A_316 = tpu.vector_load %arg8[%parallel_loop3A_314, %parallel_loop3A_315] {strides = array<i32>} : memref<40x128xf32, #tpu.memory_space<vmem>>, vector<16xf32>,
        %parallel_loop3A_317 = arith.index_cast %parallel_loop3A_256 : i32 to index
        %parallel_loop3A_318 = arith.constant 112 : index
        %parallel_loop3A_319 = tpu.vector_load %arg8[%parallel_loop3A_317, %parallel_loop3A_318] {strides = array<i32>} : memref<40x128xf32, #tpu.memory_space<vmem>>, vector<16xf32>,
        %parallel_loop3A_320 = arith.index_cast %parallel_loop3A_256 : i32 to index
        %parallel_loop3A_321 = arith.constant 96 : index
        %parallel_loop3A_322 = tpu.vector_load %arg13[%parallel_loop3A_320, %parallel_loop3A_321] {strides = array<i32>} : memref<40x128xf32, #tpu.memory_space<vmem>>, vector<16xf32>,
        %parallel_loop3A_323 = arith.index_cast %parallel_loop3A_256 : i32 to index
        %parallel_loop3A_324 = arith.constant 112 : index
        %parallel_loop3A_325 = tpu.vector_load %arg13[%parallel_loop3A_323, %parallel_loop3A_324] {strides = array<i32>} : memref<40x128xf32, #tpu.memory_space<vmem>>, vector<16xf32>,
        %parallel_loop3A_326 = arith.mulf %parallel_loop3A_316, %parallel_loop3A_322 : vector<16xf32>
        %parallel_loop3A_327 = arith.mulf %parallel_loop3A_319, %parallel_loop3A_325 : vector<16xf32>
        %parallel_loop3A_328 = tpu.pack_subelements %parallel_loop3A_326, %parallel_loop3A_327 {pack_format = #tpu.pack_format<interleaved>, positions = array<i32: 0, 1>} : vector<16xf32>, vector<16xf32> -> vector<32xbf16>
        %parallel_loop3A_329 = vector.bitcast %parallel_loop3A_328 : vector<32xbf16> to vector<16xf32>
        %parallel_loop3A_330 = arith.index_cast %parallel_loop3A_256 : i32 to index
        %parallel_loop3A_331 = arith.constant 48 : index
        %parallel_loop3A_332 = tpu.vector_load %arg18[%parallel_loop3A_330, %parallel_loop3A_331] {strides = array<i32>} : memref<40x64xf32, #tpu.memory_space<vmem>>, vector<16xf32>,
        tpu.vector_store %arg18[%parallel_loop3A_330, %parallel_loop3A_331], %parallel_loop3A_329 {strides = array<i32>} : memref<40x64xf32, #tpu.memory_space<vmem>>, vector<16xf32>,
      } {sc.loop_unroll_factor = 4 : i64, sc.parallel_access}
      %mul3A_99 = arith.constant 40 : i32
      %mul3A_100 = arith.muli %add3A_84, %mul3A_99 : i32
      %add3A_101 = arith.addi %mul3A_2, %mul3A_100 : i32
      %dma_start3A_102 = arith.constant 0 : i32
      %dma_start3A_103 = tpu.memref_slice %arg5[%add3A_101, %dma_start3A_102] : memref<160000x64xf32, #tpu.memory_space<hbm>> -> memref<40x64xf32, #tpu.memory_space<hbm>>
      %dma_start3A_104 = arith.constant 0 : i32
      %dma_start3A_105 = tpu.memref_slice %arg5[%add3A_101, %dma_start3A_104] : memref<160000x64xf32, #tpu.memory_space<hbm>> -> memref<40x64xf32, #tpu.memory_space<hbm>>
      tpu.enqueue_dma source(%arg18 : memref<40x64xf32, #tpu.memory_space<vmem>>) target(%dma_start3A_105 : memref<40x64xf32, #tpu.memory_space<hbm>>) target_semaphore(%arg33 : memref<!tpu.dma_semaphore, #tpu.memory_space<semaphore_mem>>)
      %add3A_106 = arith.constant 5 : i32
      %add3A_107 = arith.addi %add3A_84, %add3A_106 : i32
      %lt3A = arith.constant 125 : i32
      %lt3A_108 = arith.cmpi slt, %add3A_107, %lt3A : i32
      %convert_element_type3A_109 = arith.extui %lt3A_108 : i1 to i32
      %cond3A_110 = arith.constant 0 : i32
      %cond3A_111 = arith.cmpi ne, %convert_element_type3A_109, %cond3A_110 : i32
      scf.if %cond3A_111 {
        %add3A_256 = arith.constant 5 : i32
        %add3A_257 = arith.addi %add3A_84, %add3A_256 : i32
        %mul3A_258 = arith.constant 40 : i32
        %mul3A_259 = arith.muli %add3A_257, %mul3A_258 : i32
        %dma_start3A_260 = tpu.memref_slice %arg6[%mul3A_259] : memref<5000xi32, #tpu.memory_space<vmem>> -> memref<40xi32, #tpu.memory_space<vmem>>
        %dma_start3A_261 = arith.constant 0 : i32
        %dma_start3A_262 = arith.constant 0 : i32
        %dma_start3A_263 = tpu.memref_slice %arg2[%dma_start3A_261, %dma_start3A_262] : memref<10000x128xf32, #tpu.memory_space<hbm>> -> memref<10000x128xf32, #tpu.memory_space<hbm>>
        tpu.enqueue_indirect_dma source(%dma_start3A_263 : memref<10000x128xf32, #tpu.memory_space<hbm>>) target(%arg8 : memref<40x128xf32, #tpu.memory_space<vmem>>) offsets(%dma_start3A_260 : memref<40xi32, #tpu.memory_space<vmem>>) semaphore(%arg23 : memref<!tpu.dma_semaphore, #tpu.memory_space<semaphore_mem>>)
        %mul3A_264 = arith.constant 40 : i32
        %mul3A_265 = arith.muli %add3A_257, %mul3A_264 : i32
        %dma_start3A_266 = tpu.memref_slice %arg7[%mul3A_265] : memref<5000xi32, #tpu.memory_space<vmem>> -> memref<40xi32, #tpu.memory_space<vmem>>
        %dma_start3A_267 = arith.constant 0 : i32
        %dma_start3A_268 = arith.constant 0 : i32
        %dma_start3A_269 = tpu.memref_slice %arg3[%dma_start3A_267, %dma_start3A_268] : memref<10000x128xf32, #tpu.memory_space<hbm>> -> memref<10000x128xf32, #tpu.memory_space<hbm>>
        tpu.enqueue_indirect_dma source(%dma_start3A_269 : memref<10000x128xf32, #tpu.memory_space<hbm>>) target(%arg13 : memref<40x128xf32, #tpu.memory_space<vmem>>) offsets(%dma_start3A_266 : memref<40xi32, #tpu.memory_space<vmem>>) semaphore(%arg28 : memref<!tpu.dma_semaphore, #tpu.memory_space<semaphore_mem>>)
      } else {
      }
      %mul3A_112 = arith.constant 5 : i32
      %mul3A_113 = arith.muli %mul3A_112, %scan3A_80 : i32
      %add3A_114 = arith.constant 1 : i32
      %add3A_115 = arith.addi %mul3A_113, %add3A_114 : i32
      %dma_wait3A_116 = arith.constant 0 : i32
      %dma_wait3A_117 = tpu.memref_slice %arg6[%dma_wait3A_116] : memref<5000xi32, #tpu.memory_space<vmem>> -> memref<40xi32, #tpu.memory_space<vmem>>
      %dma_wait3A_118 = arith.constant 0 : i32
      %dma_wait3A_119 = arith.constant 0 : i32
      %dma_wait3A_120 = tpu.memref_slice %arg2[%dma_wait3A_118, %dma_wait3A_119] : memref<10000x128xf32, #tpu.memory_space<hbm>> -> memref<10000x128xf32, #tpu.memory_space<hbm>>
      tpu.wait_indirect_dma semaphore(%arg24 : memref<!tpu.dma_semaphore, #tpu.memory_space<semaphore_mem>>) src(%dma_wait3A_120 : memref<10000x128xf32, #tpu.memory_space<hbm>>) dst(%arg9 : memref<40x128xf32, #tpu.memory_space<vmem>>)
      %dma_wait3A_121 = arith.constant 0 : i32
      %dma_wait3A_122 = tpu.memref_slice %arg7[%dma_wait3A_121] : memref<5000xi32, #tpu.memory_space<vmem>> -> memref<40xi32, #tpu.memory_space<vmem>>
      %dma_wait3A_123 = arith.constant 0 : i32
      %dma_wait3A_124 = arith.constant 0 : i32
      %dma_wait3A_125 = tpu.memref_slice %arg3[%dma_wait3A_123, %dma_wait3A_124] : memref<10000x128xf32, #tpu.memory_space<hbm>> -> memref<10000x128xf32, #tpu.memory_space<hbm>>
      tpu.wait_indirect_dma semaphore(%arg29 : memref<!tpu.dma_semaphore, #tpu.memory_space<semaphore_mem>>) src(%dma_wait3A_125 : memref<10000x128xf32, #tpu.memory_space<hbm>>) dst(%arg14 : memref<40x128xf32, #tpu.memory_space<vmem>>)
      %ge3A_126 = arith.constant 5 : i32
      %ge3A_127 = arith.cmpi sge, %add3A_115, %ge3A_126 : i32
      %convert_element_type3A_128 = arith.extui %ge3A_127 : i1 to i32
      %cond3A_129 = arith.constant 0 : i32
      %cond3A_130 = arith.cmpi ne, %convert_element_type3A_128, %cond3A_129 : i32
      scf.if %cond3A_130 {
        %dma_wait3A_256 = arith.constant 0 : i32
        %dma_wait3A_257 = tpu.memref_slice %arg5[%mul3A_2, %dma_wait3A_256] : memref<160000x64xf32, #tpu.memory_space<hbm>> -> memref<40x64xf32, #tpu.memory_space<hbm>>
        %dma_wait3A_258 = arith.constant 0 : i32
        %dma_wait3A_259 = tpu.memref_slice %arg5[%mul3A_2, %dma_wait3A_258] : memref<160000x64xf32, #tpu.memory_space<hbm>> -> memref<40x64xf32, #tpu.memory_space<hbm>>
        tpu.wait_dma2 semaphore(%arg34 : memref<!tpu.dma_semaphore, #tpu.memory_space<semaphore_mem>>) src(%arg19 : memref<40x64xf32, #tpu.memory_space<vmem>>) dst(%dma_wait3A_259 : memref<40x64xf32, #tpu.memory_space<hbm>>)
      } else {
      }
      %parallel_loop3A_131 = arith.constant 0 : i32
      %parallel_loop3A_132 = arith.constant 40 : i32
      %parallel_loop3A_133 = arith.constant 1 : i32
      scf.for %parallel_loop3A_256 = %parallel_loop3A_131 to %parallel_loop3A_132 step %parallel_loop3A_133  : i32 {
        %parallel_loop3A_257 = arith.index_cast %parallel_loop3A_256 : i32 to index
        %parallel_loop3A_258 = arith.constant 0 : index
        %parallel_loop3A_259 = tpu.vector_load %arg9[%parallel_loop3A_257, %parallel_loop3A_258] {strides = array<i32>} : memref<40x128xf32, #tpu.memory_space<vmem>>, vector<16xf32>,
        %parallel_loop3A_260 = arith.index_cast %parallel_loop3A_256 : i32 to index
        %parallel_loop3A_261 = arith.constant 16 : index
        %parallel_loop3A_262 = tpu.vector_load %arg9[%parallel_loop3A_260, %parallel_loop3A_261] {strides = array<i32>} : memref<40x128xf32, #tpu.memory_space<vmem>>, vector<16xf32>,
        %parallel_loop3A_263 = arith.index_cast %parallel_loop3A_256 : i32 to index
        %parallel_loop3A_264 = arith.constant 0 : index
        %parallel_loop3A_265 = tpu.vector_load %arg14[%parallel_loop3A_263, %parallel_loop3A_264] {strides = array<i32>} : memref<40x128xf32, #tpu.memory_space<vmem>>, vector<16xf32>,
        %parallel_loop3A_266 = arith.index_cast %parallel_loop3A_256 : i32 to index
        %parallel_loop3A_267 = arith.constant 16 : index
        %parallel_loop3A_268 = tpu.vector_load %arg14[%parallel_loop3A_266, %parallel_loop3A_267] {strides = array<i32>} : memref<40x128xf32, #tpu.memory_space<vmem>>, vector<16xf32>,
        %parallel_loop3A_269 = arith.mulf %parallel_loop3A_259, %parallel_loop3A_265 : vector<16xf32>
        %parallel_loop3A_270 = arith.mulf %parallel_loop3A_262, %parallel_loop3A_268 : vector<16xf32>
        %parallel_loop3A_271 = tpu.pack_subelements %parallel_loop3A_269, %parallel_loop3A_270 {pack_format = #tpu.pack_format<interleaved>, positions = array<i32: 0, 1>} : vector<16xf32>, vector<16xf32> -> vector<32xbf16>
        %parallel_loop3A_272 = vector.bitcast %parallel_loop3A_271 : vector<32xbf16> to vector<16xf32>
        %parallel_loop3A_273 = arith.index_cast %parallel_loop3A_256 : i32 to index
        %parallel_loop3A_274 = arith.constant 0 : index
        %parallel_loop3A_275 = tpu.vector_load %arg19[%parallel_loop3A_273, %parallel_loop3A_274] {strides = array<i32>} : memref<40x64xf32, #tpu.memory_space<vmem>>, vector<16xf32>,
        tpu.vector_store %arg19[%parallel_loop3A_273, %parallel_loop3A_274], %parallel_loop3A_272 {strides = array<i32>} : memref<40x64xf32, #tpu.memory_space<vmem>>, vector<16xf32>,
        %parallel_loop3A_276 = arith.index_cast %parallel_loop3A_256 : i32 to index
        %parallel_loop3A_277 = arith.constant 32 : index
        %parallel_loop3A_278 = tpu.vector_load %arg9[%parallel_loop3A_276, %parallel_loop3A_277] {strides = array<i32>} : memref<40x128xf32, #tpu.memory_space<vmem>>, vector<16xf32>,
        %parallel_loop3A_279 = arith.index_cast %parallel_loop3A_256 : i32 to index
        %parallel_loop3A_280 = arith.constant 48 : index
        %parallel_loop3A_281 = tpu.vector_load %arg9[%parallel_loop3A_279, %parallel_loop3A_280] {strides = array<i32>} : memref<40x128xf32, #tpu.memory_space<vmem>>, vector<16xf32>,
        %parallel_loop3A_282 = arith.index_cast %parallel_loop3A_256 : i32 to index
        %parallel_loop3A_283 = arith.constant 32 : index
        %parallel_loop3A_284 = tpu.vector_load %arg14[%parallel_loop3A_282, %parallel_loop3A_283] {strides = array<i32>} : memref<40x128xf32, #tpu.memory_space<vmem>>, vector<16xf32>,
        %parallel_loop3A_285 = arith.index_cast %parallel_loop3A_256 : i32 to index
        %parallel_loop3A_286 = arith.constant 48 : index
        %parallel_loop3A_287 = tpu.vector_load %arg14[%parallel_loop3A_285, %parallel_loop3A_286] {strides = array<i32>} : memref<40x128xf32, #tpu.memory_space<vmem>>, vector<16xf32>,
        %parallel_loop3A_288 = arith.mulf %parallel_loop3A_278, %parallel_loop3A_284 : vector<16xf32>
        %parallel_loop3A_289 = arith.mulf %parallel_loop3A_281, %parallel_loop3A_287 : vector<16xf32>
        %parallel_loop3A_290 = tpu.pack_subelements %parallel_loop3A_288, %parallel_loop3A_289 {pack_format = #tpu.pack_format<interleaved>, positions = array<i32: 0, 1>} : vector<16xf32>, vector<16xf32> -> vector<32xbf16>
        %parallel_loop3A_291 = vector.bitcast %parallel_loop3A_290 : vector<32xbf16> to vector<16xf32>
        %parallel_loop3A_292 = arith.index_cast %parallel_loop3A_256 : i32 to index
        %parallel_loop3A_293 = arith.constant 16 : index
        %parallel_loop3A_294 = tpu.vector_load %arg19[%parallel_loop3A_292, %parallel_loop3A_293] {strides = array<i32>} : memref<40x64xf32, #tpu.memory_space<vmem>>, vector<16xf32>,
        tpu.vector_store %arg19[%parallel_loop3A_292, %parallel_loop3A_293], %parallel_loop3A_291 {strides = array<i32>} : memref<40x64xf32, #tpu.memory_space<vmem>>, vector<16xf32>,
        %parallel_loop3A_295 = arith.index_cast %parallel_loop3A_256 : i32 to index
        %parallel_loop3A_296 = arith.constant 64 : index
        %parallel_loop3A_297 = tpu.vector_load %arg9[%parallel_loop3A_295, %parallel_loop3A_296] {strides = array<i32>} : memref<40x128xf32, #tpu.memory_space<vmem>>, vector<16xf32>,
        %parallel_loop3A_298 = arith.index_cast %parallel_loop3A_256 : i32 to index
        %parallel_loop3A_299 = arith.constant 80 : index
        %parallel_loop3A_300 = tpu.vector_load %arg9[%parallel_loop3A_298, %parallel_loop3A_299] {strides = array<i32>} : memref<40x128xf32, #tpu.memory_space<vmem>>, vector<16xf32>,
        %parallel_loop3A_301 = arith.index_cast %parallel_loop3A_256 : i32 to index
        %parallel_loop3A_302 = arith.constant 64 : index
        %parallel_loop3A_303 = tpu.vector_load %arg14[%parallel_loop3A_301, %parallel_loop3A_302] {strides = array<i32>} : memref<40x128xf32, #tpu.memory_space<vmem>>, vector<16xf32>,
        %parallel_loop3A_304 = arith.index_cast %parallel_loop3A_256 : i32 to index
        %parallel_loop3A_305 = arith.constant 80 : index
        %parallel_loop3A_306 = tpu.vector_load %arg14[%parallel_loop3A_304, %parallel_loop3A_305] {strides = array<i32>} : memref<40x128xf32, #tpu.memory_space<vmem>>, vector<16xf32>,
        %parallel_loop3A_307 = arith.mulf %parallel_loop3A_297, %parallel_loop3A_303 : vector<16xf32>
        %parallel_loop3A_308 = arith.mulf %parallel_loop3A_300, %parallel_loop3A_306 : vector<16xf32>
        %parallel_loop3A_309 = tpu.pack_subelements %parallel_loop3A_307, %parallel_loop3A_308 {pack_format = #tpu.pack_format<interleaved>, positions = array<i32: 0, 1>} : vector<16xf32>, vector<16xf32> -> vector<32xbf16>
        %parallel_loop3A_310 = vector.bitcast %parallel_loop3A_309 : vector<32xbf16> to vector<16xf32>
        %parallel_loop3A_311 = arith.index_cast %parallel_loop3A_256 : i32 to index
        %parallel_loop3A_312 = arith.constant 32 : index
        %parallel_loop3A_313 = tpu.vector_load %arg19[%parallel_loop3A_311, %parallel_loop3A_312] {strides = array<i32>} : memref<40x64xf32, #tpu.memory_space<vmem>>, vector<16xf32>,
        tpu.vector_store %arg19[%parallel_loop3A_311, %parallel_loop3A_312], %parallel_loop3A_310 {strides = array<i32>} : memref<40x64xf32, #tpu.memory_space<vmem>>, vector<16xf32>,
        %parallel_loop3A_314 = arith.index_cast %parallel_loop3A_256 : i32 to index
        %parallel_loop3A_315 = arith.constant 96 : index
        %parallel_loop3A_316 = tpu.vector_load %arg9[%parallel_loop3A_314, %parallel_loop3A_315] {strides = array<i32>} : memref<40x128xf32, #tpu.memory_space<vmem>>, vector<16xf32>,
        %parallel_loop3A_317 = arith.index_cast %parallel_loop3A_256 : i32 to index
        %parallel_loop3A_318 = arith.constant 112 : index
        %parallel_loop3A_319 = tpu.vector_load %arg9[%parallel_loop3A_317, %parallel_loop3A_318] {strides = array<i32>} : memref<40x128xf32, #tpu.memory_space<vmem>>, vector<16xf32>,
        %parallel_loop3A_320 = arith.index_cast %parallel_loop3A_256 : i32 to index
        %parallel_loop3A_321 = arith.constant 96 : index
        %parallel_loop3A_322 = tpu.vector_load %arg14[%parallel_loop3A_320, %parallel_loop3A_321] {strides = array<i32>} : memref<40x128xf32, #tpu.memory_space<vmem>>, vector<16xf32>,
        %parallel_loop3A_323 = arith.index_cast %parallel_loop3A_256 : i32 to index
        %parallel_loop3A_324 = arith.constant 112 : index
        %parallel_loop3A_325 = tpu.vector_load %arg14[%parallel_loop3A_323, %parallel_loop3A_324] {strides = array<i32>} : memref<40x128xf32, #tpu.memory_space<vmem>>, vector<16xf32>,
        %parallel_loop3A_326 = arith.mulf %parallel_loop3A_316, %parallel_loop3A_322 : vector<16xf32>
        %parallel_loop3A_327 = arith.mulf %parallel_loop3A_319, %parallel_loop3A_325 : vector<16xf32>
        %parallel_loop3A_328 = tpu.pack_subelements %parallel_loop3A_326, %parallel_loop3A_327 {pack_format = #tpu.pack_format<interleaved>, positions = array<i32: 0, 1>} : vector<16xf32>, vector<16xf32> -> vector<32xbf16>
        %parallel_loop3A_329 = vector.bitcast %parallel_loop3A_328 : vector<32xbf16> to vector<16xf32>
        %parallel_loop3A_330 = arith.index_cast %parallel_loop3A_256 : i32 to index
        %parallel_loop3A_331 = arith.constant 48 : index
        %parallel_loop3A_332 = tpu.vector_load %arg19[%parallel_loop3A_330, %parallel_loop3A_331] {strides = array<i32>} : memref<40x64xf32, #tpu.memory_space<vmem>>, vector<16xf32>,
        tpu.vector_store %arg19[%parallel_loop3A_330, %parallel_loop3A_331], %parallel_loop3A_329 {strides = array<i32>} : memref<40x64xf32, #tpu.memory_space<vmem>>, vector<16xf32>,
      } {sc.loop_unroll_factor = 4 : i64, sc.parallel_access}
      %mul3A_134 = arith.constant 40 : i32
      %mul3A_135 = arith.muli %add3A_115, %mul3A_134 : i32
      %add3A_136 = arith.addi %mul3A_2, %mul3A_135 : i32
      %dma_start3A_137 = arith.constant 0 : i32
      %dma_start3A_138 = tpu.memref_slice %arg5[%add3A_136, %dma_start3A_137] : memref<160000x64xf32, #tpu.memory_space<hbm>> -> memref<40x64xf32, #tpu.memory_space<hbm>>
      %dma_start3A_139 = arith.constant 0 : i32
      %dma_start3A_140 = tpu.memref_slice %arg5[%add3A_136, %dma_start3A_139] : memref<160000x64xf32, #tpu.memory_space<hbm>> -> memref<40x64xf32, #tpu.memory_space<hbm>>
      tpu.enqueue_dma source(%arg19 : memref<40x64xf32, #tpu.memory_space<vmem>>) target(%dma_start3A_140 : memref<40x64xf32, #tpu.memory_space<hbm>>) target_semaphore(%arg34 : memref<!tpu.dma_semaphore, #tpu.memory_space<semaphore_mem>>)
      %add3A_141 = arith.constant 5 : i32
      %add3A_142 = arith.addi %add3A_115, %add3A_141 : i32
      %lt3A_143 = arith.constant 125 : i32
      %lt3A_144 = arith.cmpi slt, %add3A_142, %lt3A_143 : i32
      %convert_element_type3A_145 = arith.extui %lt3A_144 : i1 to i32
      %cond3A_146 = arith.constant 0 : i32
      %cond3A_147 = arith.cmpi ne, %convert_element_type3A_145, %cond3A_146 : i32
      scf.if %cond3A_147 {
        %add3A_256 = arith.constant 5 : i32
        %add3A_257 = arith.addi %add3A_115, %add3A_256 : i32
        %mul3A_258 = arith.constant 40 : i32
        %mul3A_259 = arith.muli %add3A_257, %mul3A_258 : i32
        %dma_start3A_260 = tpu.memref_slice %arg6[%mul3A_259] : memref<5000xi32, #tpu.memory_space<vmem>> -> memref<40xi32, #tpu.memory_space<vmem>>
        %dma_start3A_261 = arith.constant 0 : i32
        %dma_start3A_262 = arith.constant 0 : i32
        %dma_start3A_263 = tpu.memref_slice %arg2[%dma_start3A_261, %dma_start3A_262] : memref<10000x128xf32, #tpu.memory_space<hbm>> -> memref<10000x128xf32, #tpu.memory_space<hbm>>
        tpu.enqueue_indirect_dma source(%dma_start3A_263 : memref<10000x128xf32, #tpu.memory_space<hbm>>) target(%arg9 : memref<40x128xf32, #tpu.memory_space<vmem>>) offsets(%dma_start3A_260 : memref<40xi32, #tpu.memory_space<vmem>>) semaphore(%arg24 : memref<!tpu.dma_semaphore, #tpu.memory_space<semaphore_mem>>)
        %mul3A_264 = arith.constant 40 : i32
        %mul3A_265 = arith.muli %add3A_257, %mul3A_264 : i32
        %dma_start3A_266 = tpu.memref_slice %arg7[%mul3A_265] : memref<5000xi32, #tpu.memory_space<vmem>> -> memref<40xi32, #tpu.memory_space<vmem>>
        %dma_start3A_267 = arith.constant 0 : i32
        %dma_start3A_268 = arith.constant 0 : i32
        %dma_start3A_269 = tpu.memref_slice %arg3[%dma_start3A_267, %dma_start3A_268] : memref<10000x128xf32, #tpu.memory_space<hbm>> -> memref<10000x128xf32, #tpu.memory_space<hbm>>
        tpu.enqueue_indirect_dma source(%dma_start3A_269 : memref<10000x128xf32, #tpu.memory_space<hbm>>) target(%arg14 : memref<40x128xf32, #tpu.memory_space<vmem>>) offsets(%dma_start3A_266 : memref<40xi32, #tpu.memory_space<vmem>>) semaphore(%arg29 : memref<!tpu.dma_semaphore, #tpu.memory_space<semaphore_mem>>)
      } else {
      }
      %mul3A_148 = arith.constant 5 : i32
      %mul3A_149 = arith.muli %mul3A_148, %scan3A_80 : i32
      %add3A_150 = arith.constant 2 : i32
      %add3A_151 = arith.addi %mul3A_149, %add3A_150 : i32
      %dma_wait3A_152 = arith.constant 0 : i32
      %dma_wait3A_153 = tpu.memref_slice %arg6[%dma_wait3A_152] : memref<5000xi32, #tpu.memory_space<vmem>> -> memref<40xi32, #tpu.memory_space<vmem>>
      %dma_wait3A_154 = arith.constant 0 : i32
      %dma_wait3A_155 = arith.constant 0 : i32
      %dma_wait3A_156 = tpu.memref_slice %arg2[%dma_wait3A_154, %dma_wait3A_155] : memref<10000x128xf32, #tpu.memory_space<hbm>> -> memref<10000x128xf32, #tpu.memory_space<hbm>>
      tpu.wait_indirect_dma semaphore(%arg25 : memref<!tpu.dma_semaphore, #tpu.memory_space<semaphore_mem>>) src(%dma_wait3A_156 : memref<10000x128xf32, #tpu.memory_space<hbm>>) dst(%arg10 : memref<40x128xf32, #tpu.memory_space<vmem>>)
      %dma_wait3A_157 = arith.constant 0 : i32
      %dma_wait3A_158 = tpu.memref_slice %arg7[%dma_wait3A_157] : memref<5000xi32, #tpu.memory_space<vmem>> -> memref<40xi32, #tpu.memory_space<vmem>>
      %dma_wait3A_159 = arith.constant 0 : i32
      %dma_wait3A_160 = arith.constant 0 : i32
      %dma_wait3A_161 = tpu.memref_slice %arg3[%dma_wait3A_159, %dma_wait3A_160] : memref<10000x128xf32, #tpu.memory_space<hbm>> -> memref<10000x128xf32, #tpu.memory_space<hbm>>
      tpu.wait_indirect_dma semaphore(%arg30 : memref<!tpu.dma_semaphore, #tpu.memory_space<semaphore_mem>>) src(%dma_wait3A_161 : memref<10000x128xf32, #tpu.memory_space<hbm>>) dst(%arg15 : memref<40x128xf32, #tpu.memory_space<vmem>>)
      %ge3A_162 = arith.constant 5 : i32
      %ge3A_163 = arith.cmpi sge, %add3A_151, %ge3A_162 : i32
      %convert_element_type3A_164 = arith.extui %ge3A_163 : i1 to i32
      %cond3A_165 = arith.constant 0 : i32
      %cond3A_166 = arith.cmpi ne, %convert_element_type3A_164, %cond3A_165 : i32
      scf.if %cond3A_166 {
        %dma_wait3A_256 = arith.constant 0 : i32
        %dma_wait3A_257 = tpu.memref_slice %arg5[%mul3A_2, %dma_wait3A_256] : memref<160000x64xf32, #tpu.memory_space<hbm>> -> memref<40x64xf32, #tpu.memory_space<hbm>>
        %dma_wait3A_258 = arith.constant 0 : i32
        %dma_wait3A_259 = tpu.memref_slice %arg5[%mul3A_2, %dma_wait3A_258] : memref<160000x64xf32, #tpu.memory_space<hbm>> -> memref<40x64xf32, #tpu.memory_space<hbm>>
        tpu.wait_dma2 semaphore(%arg35 : memref<!tpu.dma_semaphore, #tpu.memory_space<semaphore_mem>>) src(%arg20 : memref<40x64xf32, #tpu.memory_space<vmem>>) dst(%dma_wait3A_259 : memref<40x64xf32, #tpu.memory_space<hbm>>)
      } else {
      }
      %parallel_loop3A_167 = arith.constant 0 : i32
      %parallel_loop3A_168 = arith.constant 40 : i32
      %parallel_loop3A_169 = arith.constant 1 : i32
      scf.for %parallel_loop3A_256 = %parallel_loop3A_167 to %parallel_loop3A_168 step %parallel_loop3A_169  : i32 {
        %parallel_loop3A_257 = arith.index_cast %parallel_loop3A_256 : i32 to index
        %parallel_loop3A_258 = arith.constant 0 : index
        %parallel_loop3A_259 = tpu.vector_load %arg10[%parallel_loop3A_257, %parallel_loop3A_258] {strides = array<i32>} : memref<40x128xf32, #tpu.memory_space<vmem>>, vector<16xf32>,
        %parallel_loop3A_260 = arith.index_cast %parallel_loop3A_256 : i32 to index
        %parallel_loop3A_261 = arith.constant 16 : index
        %parallel_loop3A_262 = tpu.vector_load %arg10[%parallel_loop3A_260, %parallel_loop3A_261] {strides = array<i32>} : memref<40x128xf32, #tpu.memory_space<vmem>>, vector<16xf32>,
        %parallel_loop3A_263 = arith.index_cast %parallel_loop3A_256 : i32 to index
        %parallel_loop3A_264 = arith.constant 0 : index
        %parallel_loop3A_265 = tpu.vector_load %arg15[%parallel_loop3A_263, %parallel_loop3A_264] {strides = array<i32>} : memref<40x128xf32, #tpu.memory_space<vmem>>, vector<16xf32>,
        %parallel_loop3A_266 = arith.index_cast %parallel_loop3A_256 : i32 to index
        %parallel_loop3A_267 = arith.constant 16 : index
        %parallel_loop3A_268 = tpu.vector_load %arg15[%parallel_loop3A_266, %parallel_loop3A_267] {strides = array<i32>} : memref<40x128xf32, #tpu.memory_space<vmem>>, vector<16xf32>,
        %parallel_loop3A_269 = arith.mulf %parallel_loop3A_259, %parallel_loop3A_265 : vector<16xf32>
        %parallel_loop3A_270 = arith.mulf %parallel_loop3A_262, %parallel_loop3A_268 : vector<16xf32>
        %parallel_loop3A_271 = tpu.pack_subelements %parallel_loop3A_269, %parallel_loop3A_270 {pack_format = #tpu.pack_format<interleaved>, positions = array<i32: 0, 1>} : vector<16xf32>, vector<16xf32> -> vector<32xbf16>
        %parallel_loop3A_272 = vector.bitcast %parallel_loop3A_271 : vector<32xbf16> to vector<16xf32>
        %parallel_loop3A_273 = arith.index_cast %parallel_loop3A_256 : i32 to index
        %parallel_loop3A_274 = arith.constant 0 : index
        %parallel_loop3A_275 = tpu.vector_load %arg20[%parallel_loop3A_273, %parallel_loop3A_274] {strides = array<i32>} : memref<40x64xf32, #tpu.memory_space<vmem>>, vector<16xf32>,
        tpu.vector_store %arg20[%parallel_loop3A_273, %parallel_loop3A_274], %parallel_loop3A_272 {strides = array<i32>} : memref<40x64xf32, #tpu.memory_space<vmem>>, vector<16xf32>,
        %parallel_loop3A_276 = arith.index_cast %parallel_loop3A_256 : i32 to index
        %parallel_loop3A_277 = arith.constant 32 : index
        %parallel_loop3A_278 = tpu.vector_load %arg10[%parallel_loop3A_276, %parallel_loop3A_277] {strides = array<i32>} : memref<40x128xf32, #tpu.memory_space<vmem>>, vector<16xf32>,
        %parallel_loop3A_279 = arith.index_cast %parallel_loop3A_256 : i32 to index
        %parallel_loop3A_280 = arith.constant 48 : index
        %parallel_loop3A_281 = tpu.vector_load %arg10[%parallel_loop3A_279, %parallel_loop3A_280] {strides = array<i32>} : memref<40x128xf32, #tpu.memory_space<vmem>>, vector<16xf32>,
        %parallel_loop3A_282 = arith.index_cast %parallel_loop3A_256 : i32 to index
        %parallel_loop3A_283 = arith.constant 32 : index
        %parallel_loop3A_284 = tpu.vector_load %arg15[%parallel_loop3A_282, %parallel_loop3A_283] {strides = array<i32>} : memref<40x128xf32, #tpu.memory_space<vmem>>, vector<16xf32>,
        %parallel_loop3A_285 = arith.index_cast %parallel_loop3A_256 : i32 to index
        %parallel_loop3A_286 = arith.constant 48 : index
        %parallel_loop3A_287 = tpu.vector_load %arg15[%parallel_loop3A_285, %parallel_loop3A_286] {strides = array<i32>} : memref<40x128xf32, #tpu.memory_space<vmem>>, vector<16xf32>,
        %parallel_loop3A_288 = arith.mulf %parallel_loop3A_278, %parallel_loop3A_284 : vector<16xf32>
        %parallel_loop3A_289 = arith.mulf %parallel_loop3A_281, %parallel_loop3A_287 : vector<16xf32>
        %parallel_loop3A_290 = tpu.pack_subelements %parallel_loop3A_288, %parallel_loop3A_289 {pack_format = #tpu.pack_format<interleaved>, positions = array<i32: 0, 1>} : vector<16xf32>, vector<16xf32> -> vector<32xbf16>
        %parallel_loop3A_291 = vector.bitcast %parallel_loop3A_290 : vector<32xbf16> to vector<16xf32>
        %parallel_loop3A_292 = arith.index_cast %parallel_loop3A_256 : i32 to index
        %parallel_loop3A_293 = arith.constant 16 : index
        %parallel_loop3A_294 = tpu.vector_load %arg20[%parallel_loop3A_292, %parallel_loop3A_293] {strides = array<i32>} : memref<40x64xf32, #tpu.memory_space<vmem>>, vector<16xf32>,
        tpu.vector_store %arg20[%parallel_loop3A_292, %parallel_loop3A_293], %parallel_loop3A_291 {strides = array<i32>} : memref<40x64xf32, #tpu.memory_space<vmem>>, vector<16xf32>,
        %parallel_loop3A_295 = arith.index_cast %parallel_loop3A_256 : i32 to index
        %parallel_loop3A_296 = arith.constant 64 : index
        %parallel_loop3A_297 = tpu.vector_load %arg10[%parallel_loop3A_295, %parallel_loop3A_296] {strides = array<i32>} : memref<40x128xf32, #tpu.memory_space<vmem>>, vector<16xf32>,
        %parallel_loop3A_298 = arith.index_cast %parallel_loop3A_256 : i32 to index
        %parallel_loop3A_299 = arith.constant 80 : index
        %parallel_loop3A_300 = tpu.vector_load %arg10[%parallel_loop3A_298, %parallel_loop3A_299] {strides = array<i32>} : memref<40x128xf32, #tpu.memory_space<vmem>>, vector<16xf32>,
        %parallel_loop3A_301 = arith.index_cast %parallel_loop3A_256 : i32 to index
        %parallel_loop3A_302 = arith.constant 64 : index
        %parallel_loop3A_303 = tpu.vector_load %arg15[%parallel_loop3A_301, %parallel_loop3A_302] {strides = array<i32>} : memref<40x128xf32, #tpu.memory_space<vmem>>, vector<16xf32>,
        %parallel_loop3A_304 = arith.index_cast %parallel_loop3A_256 : i32 to index
        %parallel_loop3A_305 = arith.constant 80 : index
        %parallel_loop3A_306 = tpu.vector_load %arg15[%parallel_loop3A_304, %parallel_loop3A_305] {strides = array<i32>} : memref<40x128xf32, #tpu.memory_space<vmem>>, vector<16xf32>,
        %parallel_loop3A_307 = arith.mulf %parallel_loop3A_297, %parallel_loop3A_303 : vector<16xf32>
        %parallel_loop3A_308 = arith.mulf %parallel_loop3A_300, %parallel_loop3A_306 : vector<16xf32>
        %parallel_loop3A_309 = tpu.pack_subelements %parallel_loop3A_307, %parallel_loop3A_308 {pack_format = #tpu.pack_format<interleaved>, positions = array<i32: 0, 1>} : vector<16xf32>, vector<16xf32> -> vector<32xbf16>
        %parallel_loop3A_310 = vector.bitcast %parallel_loop3A_309 : vector<32xbf16> to vector<16xf32>
        %parallel_loop3A_311 = arith.index_cast %parallel_loop3A_256 : i32 to index
        %parallel_loop3A_312 = arith.constant 32 : index
        %parallel_loop3A_313 = tpu.vector_load %arg20[%parallel_loop3A_311, %parallel_loop3A_312] {strides = array<i32>} : memref<40x64xf32, #tpu.memory_space<vmem>>, vector<16xf32>,
        tpu.vector_store %arg20[%parallel_loop3A_311, %parallel_loop3A_312], %parallel_loop3A_310 {strides = array<i32>} : memref<40x64xf32, #tpu.memory_space<vmem>>, vector<16xf32>,
        %parallel_loop3A_314 = arith.index_cast %parallel_loop3A_256 : i32 to index
        %parallel_loop3A_315 = arith.constant 96 : index
        %parallel_loop3A_316 = tpu.vector_load %arg10[%parallel_loop3A_314, %parallel_loop3A_315] {strides = array<i32>} : memref<40x128xf32, #tpu.memory_space<vmem>>, vector<16xf32>,
        %parallel_loop3A_317 = arith.index_cast %parallel_loop3A_256 : i32 to index
        %parallel_loop3A_318 = arith.constant 112 : index
        %parallel_loop3A_319 = tpu.vector_load %arg10[%parallel_loop3A_317, %parallel_loop3A_318] {strides = array<i32>} : memref<40x128xf32, #tpu.memory_space<vmem>>, vector<16xf32>,
        %parallel_loop3A_320 = arith.index_cast %parallel_loop3A_256 : i32 to index
        %parallel_loop3A_321 = arith.constant 96 : index
        %parallel_loop3A_322 = tpu.vector_load %arg15[%parallel_loop3A_320, %parallel_loop3A_321] {strides = array<i32>} : memref<40x128xf32, #tpu.memory_space<vmem>>, vector<16xf32>,
        %parallel_loop3A_323 = arith.index_cast %parallel_loop3A_256 : i32 to index
        %parallel_loop3A_324 = arith.constant 112 : index
        %parallel_loop3A_325 = tpu.vector_load %arg15[%parallel_loop3A_323, %parallel_loop3A_324] {strides = array<i32>} : memref<40x128xf32, #tpu.memory_space<vmem>>, vector<16xf32>,
        %parallel_loop3A_326 = arith.mulf %parallel_loop3A_316, %parallel_loop3A_322 : vector<16xf32>
        %parallel_loop3A_327 = arith.mulf %parallel_loop3A_319, %parallel_loop3A_325 : vector<16xf32>
        %parallel_loop3A_328 = tpu.pack_subelements %parallel_loop3A_326, %parallel_loop3A_327 {pack_format = #tpu.pack_format<interleaved>, positions = array<i32: 0, 1>} : vector<16xf32>, vector<16xf32> -> vector<32xbf16>
        %parallel_loop3A_329 = vector.bitcast %parallel_loop3A_328 : vector<32xbf16> to vector<16xf32>
        %parallel_loop3A_330 = arith.index_cast %parallel_loop3A_256 : i32 to index
        %parallel_loop3A_331 = arith.constant 48 : index
        %parallel_loop3A_332 = tpu.vector_load %arg20[%parallel_loop3A_330, %parallel_loop3A_331] {strides = array<i32>} : memref<40x64xf32, #tpu.memory_space<vmem>>, vector<16xf32>,
        tpu.vector_store %arg20[%parallel_loop3A_330, %parallel_loop3A_331], %parallel_loop3A_329 {strides = array<i32>} : memref<40x64xf32, #tpu.memory_space<vmem>>, vector<16xf32>,
      } {sc.loop_unroll_factor = 4 : i64, sc.parallel_access}
      %mul3A_170 = arith.constant 40 : i32
      %mul3A_171 = arith.muli %add3A_151, %mul3A_170 : i32
      %add3A_172 = arith.addi %mul3A_2, %mul3A_171 : i32
      %dma_start3A_173 = arith.constant 0 : i32
      %dma_start3A_174 = tpu.memref_slice %arg5[%add3A_172, %dma_start3A_173] : memref<160000x64xf32, #tpu.memory_space<hbm>> -> memref<40x64xf32, #tpu.memory_space<hbm>>
      %dma_start3A_175 = arith.constant 0 : i32
      %dma_start3A_176 = tpu.memref_slice %arg5[%add3A_172, %dma_start3A_175] : memref<160000x64xf32, #tpu.memory_space<hbm>> -> memref<40x64xf32, #tpu.memory_space<hbm>>
      tpu.enqueue_dma source(%arg20 : memref<40x64xf32, #tpu.memory_space<vmem>>) target(%dma_start3A_176 : memref<40x64xf32, #tpu.memory_space<hbm>>) target_semaphore(%arg35 : memref<!tpu.dma_semaphore, #tpu.memory_space<semaphore_mem>>)
      %add3A_177 = arith.constant 5 : i32
      %add3A_178 = arith.addi %add3A_151, %add3A_177 : i32
      %lt3A_179 = arith.constant 125 : i32
      %lt3A_180 = arith.cmpi slt, %add3A_178, %lt3A_179 : i32
      %convert_element_type3A_181 = arith.extui %lt3A_180 : i1 to i32
      %cond3A_182 = arith.constant 0 : i32
      %cond3A_183 = arith.cmpi ne, %convert_element_type3A_181, %cond3A_182 : i32
      scf.if %cond3A_183 {
        %add3A_256 = arith.constant 5 : i32
        %add3A_257 = arith.addi %add3A_151, %add3A_256 : i32
        %mul3A_258 = arith.constant 40 : i32
        %mul3A_259 = arith.muli %add3A_257, %mul3A_258 : i32
        %dma_start3A_260 = tpu.memref_slice %arg6[%mul3A_259] : memref<5000xi32, #tpu.memory_space<vmem>> -> memref<40xi32, #tpu.memory_space<vmem>>
        %dma_start3A_261 = arith.constant 0 : i32
        %dma_start3A_262 = arith.constant 0 : i32
        %dma_start3A_263 = tpu.memref_slice %arg2[%dma_start3A_261, %dma_start3A_262] : memref<10000x128xf32, #tpu.memory_space<hbm>> -> memref<10000x128xf32, #tpu.memory_space<hbm>>
        tpu.enqueue_indirect_dma source(%dma_start3A_263 : memref<10000x128xf32, #tpu.memory_space<hbm>>) target(%arg10 : memref<40x128xf32, #tpu.memory_space<vmem>>) offsets(%dma_start3A_260 : memref<40xi32, #tpu.memory_space<vmem>>) semaphore(%arg25 : memref<!tpu.dma_semaphore, #tpu.memory_space<semaphore_mem>>)
        %mul3A_264 = arith.constant 40 : i32
        %mul3A_265 = arith.muli %add3A_257, %mul3A_264 : i32
        %dma_start3A_266 = tpu.memref_slice %arg7[%mul3A_265] : memref<5000xi32, #tpu.memory_space<vmem>> -> memref<40xi32, #tpu.memory_space<vmem>>
        %dma_start3A_267 = arith.constant 0 : i32
        %dma_start3A_268 = arith.constant 0 : i32
        %dma_start3A_269 = tpu.memref_slice %arg3[%dma_start3A_267, %dma_start3A_268] : memref<10000x128xf32, #tpu.memory_space<hbm>> -> memref<10000x128xf32, #tpu.memory_space<hbm>>
        tpu.enqueue_indirect_dma source(%dma_start3A_269 : memref<10000x128xf32, #tpu.memory_space<hbm>>) target(%arg15 : memref<40x128xf32, #tpu.memory_space<vmem>>) offsets(%dma_start3A_266 : memref<40xi32, #tpu.memory_space<vmem>>) semaphore(%arg30 : memref<!tpu.dma_semaphore, #tpu.memory_space<semaphore_mem>>)
      } else {
      }
      %mul3A_184 = arith.constant 5 : i32
      %mul3A_185 = arith.muli %mul3A_184, %scan3A_80 : i32
      %add3A_186 = arith.constant 3 : i32
      %add3A_187 = arith.addi %mul3A_185, %add3A_186 : i32
      %dma_wait3A_188 = arith.constant 0 : i32
      %dma_wait3A_189 = tpu.memref_slice %arg6[%dma_wait3A_188] : memref<5000xi32, #tpu.memory_space<vmem>> -> memref<40xi32, #tpu.memory_space<vmem>>
      %dma_wait3A_190 = arith.constant 0 : i32
      %dma_wait3A_191 = arith.constant 0 : i32
      %dma_wait3A_192 = tpu.memref_slice %arg2[%dma_wait3A_190, %dma_wait3A_191] : memref<10000x128xf32, #tpu.memory_space<hbm>> -> memref<10000x128xf32, #tpu.memory_space<hbm>>
      tpu.wait_indirect_dma semaphore(%arg26 : memref<!tpu.dma_semaphore, #tpu.memory_space<semaphore_mem>>) src(%dma_wait3A_192 : memref<10000x128xf32, #tpu.memory_space<hbm>>) dst(%arg11 : memref<40x128xf32, #tpu.memory_space<vmem>>)
      %dma_wait3A_193 = arith.constant 0 : i32
      %dma_wait3A_194 = tpu.memref_slice %arg7[%dma_wait3A_193] : memref<5000xi32, #tpu.memory_space<vmem>> -> memref<40xi32, #tpu.memory_space<vmem>>
      %dma_wait3A_195 = arith.constant 0 : i32
      %dma_wait3A_196 = arith.constant 0 : i32
      %dma_wait3A_197 = tpu.memref_slice %arg3[%dma_wait3A_195, %dma_wait3A_196] : memref<10000x128xf32, #tpu.memory_space<hbm>> -> memref<10000x128xf32, #tpu.memory_space<hbm>>
      tpu.wait_indirect_dma semaphore(%arg31 : memref<!tpu.dma_semaphore, #tpu.memory_space<semaphore_mem>>) src(%dma_wait3A_197 : memref<10000x128xf32, #tpu.memory_space<hbm>>) dst(%arg16 : memref<40x128xf32, #tpu.memory_space<vmem>>)
      %ge3A_198 = arith.constant 5 : i32
      %ge3A_199 = arith.cmpi sge, %add3A_187, %ge3A_198 : i32
      %convert_element_type3A_200 = arith.extui %ge3A_199 : i1 to i32
      %cond3A_201 = arith.constant 0 : i32
      %cond3A_202 = arith.cmpi ne, %convert_element_type3A_200, %cond3A_201 : i32
      scf.if %cond3A_202 {
        %dma_wait3A_256 = arith.constant 0 : i32
        %dma_wait3A_257 = tpu.memref_slice %arg5[%mul3A_2, %dma_wait3A_256] : memref<160000x64xf32, #tpu.memory_space<hbm>> -> memref<40x64xf32, #tpu.memory_space<hbm>>
        %dma_wait3A_258 = arith.constant 0 : i32
        %dma_wait3A_259 = tpu.memref_slice %arg5[%mul3A_2, %dma_wait3A_258] : memref<160000x64xf32, #tpu.memory_space<hbm>> -> memref<40x64xf32, #tpu.memory_space<hbm>>
        tpu.wait_dma2 semaphore(%arg36 : memref<!tpu.dma_semaphore, #tpu.memory_space<semaphore_mem>>) src(%arg21 : memref<40x64xf32, #tpu.memory_space<vmem>>) dst(%dma_wait3A_259 : memref<40x64xf32, #tpu.memory_space<hbm>>)
      } else {
      }
      %parallel_loop3A_203 = arith.constant 0 : i32
      %parallel_loop3A_204 = arith.constant 40 : i32
      %parallel_loop3A_205 = arith.constant 1 : i32
      scf.for %parallel_loop3A_256 = %parallel_loop3A_203 to %parallel_loop3A_204 step %parallel_loop3A_205  : i32 {
        %parallel_loop3A_257 = arith.index_cast %parallel_loop3A_256 : i32 to index
        %parallel_loop3A_258 = arith.constant 0 : index
        %parallel_loop3A_259 = tpu.vector_load %arg11[%parallel_loop3A_257, %parallel_loop3A_258] {strides = array<i32>} : memref<40x128xf32, #tpu.memory_space<vmem>>, vector<16xf32>,
        %parallel_loop3A_260 = arith.index_cast %parallel_loop3A_256 : i32 to index
        %parallel_loop3A_261 = arith.constant 16 : index
        %parallel_loop3A_262 = tpu.vector_load %arg11[%parallel_loop3A_260, %parallel_loop3A_261] {strides = array<i32>} : memref<40x128xf32, #tpu.memory_space<vmem>>, vector<16xf32>,
        %parallel_loop3A_263 = arith.index_cast %parallel_loop3A_256 : i32 to index
        %parallel_loop3A_264 = arith.constant 0 : index
        %parallel_loop3A_265 = tpu.vector_load %arg16[%parallel_loop3A_263, %parallel_loop3A_264] {strides = array<i32>} : memref<40x128xf32, #tpu.memory_space<vmem>>, vector<16xf32>,
        %parallel_loop3A_266 = arith.index_cast %parallel_loop3A_256 : i32 to index
        %parallel_loop3A_267 = arith.constant 16 : index
        %parallel_loop3A_268 = tpu.vector_load %arg16[%parallel_loop3A_266, %parallel_loop3A_267] {strides = array<i32>} : memref<40x128xf32, #tpu.memory_space<vmem>>, vector<16xf32>,
        %parallel_loop3A_269 = arith.mulf %parallel_loop3A_259, %parallel_loop3A_265 : vector<16xf32>
        %parallel_loop3A_270 = arith.mulf %parallel_loop3A_262, %parallel_loop3A_268 : vector<16xf32>
        %parallel_loop3A_271 = tpu.pack_subelements %parallel_loop3A_269, %parallel_loop3A_270 {pack_format = #tpu.pack_format<interleaved>, positions = array<i32: 0, 1>} : vector<16xf32>, vector<16xf32> -> vector<32xbf16>
        %parallel_loop3A_272 = vector.bitcast %parallel_loop3A_271 : vector<32xbf16> to vector<16xf32>
        %parallel_loop3A_273 = arith.index_cast %parallel_loop3A_256 : i32 to index
        %parallel_loop3A_274 = arith.constant 0 : index
        %parallel_loop3A_275 = tpu.vector_load %arg21[%parallel_loop3A_273, %parallel_loop3A_274] {strides = array<i32>} : memref<40x64xf32, #tpu.memory_space<vmem>>, vector<16xf32>,
        tpu.vector_store %arg21[%parallel_loop3A_273, %parallel_loop3A_274], %parallel_loop3A_272 {strides = array<i32>} : memref<40x64xf32, #tpu.memory_space<vmem>>, vector<16xf32>,
        %parallel_loop3A_276 = arith.index_cast %parallel_loop3A_256 : i32 to index
        %parallel_loop3A_277 = arith.constant 32 : index
        %parallel_loop3A_278 = tpu.vector_load %arg11[%parallel_loop3A_276, %parallel_loop3A_277] {strides = array<i32>} : memref<40x128xf32, #tpu.memory_space<vmem>>, vector<16xf32>,
        %parallel_loop3A_279 = arith.index_cast %parallel_loop3A_256 : i32 to index
        %parallel_loop3A_280 = arith.constant 48 : index
        %parallel_loop3A_281 = tpu.vector_load %arg11[%parallel_loop3A_279, %parallel_loop3A_280] {strides = array<i32>} : memref<40x128xf32, #tpu.memory_space<vmem>>, vector<16xf32>,
        %parallel_loop3A_282 = arith.index_cast %parallel_loop3A_256 : i32 to index
        %parallel_loop3A_283 = arith.constant 32 : index
        %parallel_loop3A_284 = tpu.vector_load %arg16[%parallel_loop3A_282, %parallel_loop3A_283] {strides = array<i32>} : memref<40x128xf32, #tpu.memory_space<vmem>>, vector<16xf32>,
        %parallel_loop3A_285 = arith.index_cast %parallel_loop3A_256 : i32 to index
        %parallel_loop3A_286 = arith.constant 48 : index
        %parallel_loop3A_287 = tpu.vector_load %arg16[%parallel_loop3A_285, %parallel_loop3A_286] {strides = array<i32>} : memref<40x128xf32, #tpu.memory_space<vmem>>, vector<16xf32>,
        %parallel_loop3A_288 = arith.mulf %parallel_loop3A_278, %parallel_loop3A_284 : vector<16xf32>
        %parallel_loop3A_289 = arith.mulf %parallel_loop3A_281, %parallel_loop3A_287 : vector<16xf32>
        %parallel_loop3A_290 = tpu.pack_subelements %parallel_loop3A_288, %parallel_loop3A_289 {pack_format = #tpu.pack_format<interleaved>, positions = array<i32: 0, 1>} : vector<16xf32>, vector<16xf32> -> vector<32xbf16>
        %parallel_loop3A_291 = vector.bitcast %parallel_loop3A_290 : vector<32xbf16> to vector<16xf32>
        %parallel_loop3A_292 = arith.index_cast %parallel_loop3A_256 : i32 to index
        %parallel_loop3A_293 = arith.constant 16 : index
        %parallel_loop3A_294 = tpu.vector_load %arg21[%parallel_loop3A_292, %parallel_loop3A_293] {strides = array<i32>} : memref<40x64xf32, #tpu.memory_space<vmem>>, vector<16xf32>,
        tpu.vector_store %arg21[%parallel_loop3A_292, %parallel_loop3A_293], %parallel_loop3A_291 {strides = array<i32>} : memref<40x64xf32, #tpu.memory_space<vmem>>, vector<16xf32>,
        %parallel_loop3A_295 = arith.index_cast %parallel_loop3A_256 : i32 to index
        %parallel_loop3A_296 = arith.constant 64 : index
        %parallel_loop3A_297 = tpu.vector_load %arg11[%parallel_loop3A_295, %parallel_loop3A_296] {strides = array<i32>} : memref<40x128xf32, #tpu.memory_space<vmem>>, vector<16xf32>,
        %parallel_loop3A_298 = arith.index_cast %parallel_loop3A_256 : i32 to index
        %parallel_loop3A_299 = arith.constant 80 : index
        %parallel_loop3A_300 = tpu.vector_load %arg11[%parallel_loop3A_298, %parallel_loop3A_299] {strides = array<i32>} : memref<40x128xf32, #tpu.memory_space<vmem>>, vector<16xf32>,
        %parallel_loop3A_301 = arith.index_cast %parallel_loop3A_256 : i32 to index
        %parallel_loop3A_302 = arith.constant 64 : index
        %parallel_loop3A_303 = tpu.vector_load %arg16[%parallel_loop3A_301, %parallel_loop3A_302] {strides = array<i32>} : memref<40x128xf32, #tpu.memory_space<vmem>>, vector<16xf32>,
        %parallel_loop3A_304 = arith.index_cast %parallel_loop3A_256 : i32 to index
        %parallel_loop3A_305 = arith.constant 80 : index
        %parallel_loop3A_306 = tpu.vector_load %arg16[%parallel_loop3A_304, %parallel_loop3A_305] {strides = array<i32>} : memref<40x128xf32, #tpu.memory_space<vmem>>, vector<16xf32>,
        %parallel_loop3A_307 = arith.mulf %parallel_loop3A_297, %parallel_loop3A_303 : vector<16xf32>
        %parallel_loop3A_308 = arith.mulf %parallel_loop3A_300, %parallel_loop3A_306 : vector<16xf32>
        %parallel_loop3A_309 = tpu.pack_subelements %parallel_loop3A_307, %parallel_loop3A_308 {pack_format = #tpu.pack_format<interleaved>, positions = array<i32: 0, 1>} : vector<16xf32>, vector<16xf32> -> vector<32xbf16>
        %parallel_loop3A_310 = vector.bitcast %parallel_loop3A_309 : vector<32xbf16> to vector<16xf32>
        %parallel_loop3A_311 = arith.index_cast %parallel_loop3A_256 : i32 to index
        %parallel_loop3A_312 = arith.constant 32 : index
        %parallel_loop3A_313 = tpu.vector_load %arg21[%parallel_loop3A_311, %parallel_loop3A_312] {strides = array<i32>} : memref<40x64xf32, #tpu.memory_space<vmem>>, vector<16xf32>,
        tpu.vector_store %arg21[%parallel_loop3A_311, %parallel_loop3A_312], %parallel_loop3A_310 {strides = array<i32>} : memref<40x64xf32, #tpu.memory_space<vmem>>, vector<16xf32>,
        %parallel_loop3A_314 = arith.index_cast %parallel_loop3A_256 : i32 to index
        %parallel_loop3A_315 = arith.constant 96 : index
        %parallel_loop3A_316 = tpu.vector_load %arg11[%parallel_loop3A_314, %parallel_loop3A_315] {strides = array<i32>} : memref<40x128xf32, #tpu.memory_space<vmem>>, vector<16xf32>,
        %parallel_loop3A_317 = arith.index_cast %parallel_loop3A_256 : i32 to index
        %parallel_loop3A_318 = arith.constant 112 : index
        %parallel_loop3A_319 = tpu.vector_load %arg11[%parallel_loop3A_317, %parallel_loop3A_318] {strides = array<i32>} : memref<40x128xf32, #tpu.memory_space<vmem>>, vector<16xf32>,
        %parallel_loop3A_320 = arith.index_cast %parallel_loop3A_256 : i32 to index
        %parallel_loop3A_321 = arith.constant 96 : index
        %parallel_loop3A_322 = tpu.vector_load %arg16[%parallel_loop3A_320, %parallel_loop3A_321] {strides = array<i32>} : memref<40x128xf32, #tpu.memory_space<vmem>>, vector<16xf32>,
        %parallel_loop3A_323 = arith.index_cast %parallel_loop3A_256 : i32 to index
        %parallel_loop3A_324 = arith.constant 112 : index
        %parallel_loop3A_325 = tpu.vector_load %arg16[%parallel_loop3A_323, %parallel_loop3A_324] {strides = array<i32>} : memref<40x128xf32, #tpu.memory_space<vmem>>, vector<16xf32>,
        %parallel_loop3A_326 = arith.mulf %parallel_loop3A_316, %parallel_loop3A_322 : vector<16xf32>
        %parallel_loop3A_327 = arith.mulf %parallel_loop3A_319, %parallel_loop3A_325 : vector<16xf32>
        %parallel_loop3A_328 = tpu.pack_subelements %parallel_loop3A_326, %parallel_loop3A_327 {pack_format = #tpu.pack_format<interleaved>, positions = array<i32: 0, 1>} : vector<16xf32>, vector<16xf32> -> vector<32xbf16>
        %parallel_loop3A_329 = vector.bitcast %parallel_loop3A_328 : vector<32xbf16> to vector<16xf32>
        %parallel_loop3A_330 = arith.index_cast %parallel_loop3A_256 : i32 to index
        %parallel_loop3A_331 = arith.constant 48 : index
        %parallel_loop3A_332 = tpu.vector_load %arg21[%parallel_loop3A_330, %parallel_loop3A_331] {strides = array<i32>} : memref<40x64xf32, #tpu.memory_space<vmem>>, vector<16xf32>,
        tpu.vector_store %arg21[%parallel_loop3A_330, %parallel_loop3A_331], %parallel_loop3A_329 {strides = array<i32>} : memref<40x64xf32, #tpu.memory_space<vmem>>, vector<16xf32>,
      } {sc.loop_unroll_factor = 4 : i64, sc.parallel_access}
      %mul3A_206 = arith.constant 40 : i32
      %mul3A_207 = arith.muli %add3A_187, %mul3A_206 : i32
      %add3A_208 = arith.addi %mul3A_2, %mul3A_207 : i32
      %dma_start3A_209 = arith.constant 0 : i32
      %dma_start3A_210 = tpu.memref_slice %arg5[%add3A_208, %dma_start3A_209] : memref<160000x64xf32, #tpu.memory_space<hbm>> -> memref<40x64xf32, #tpu.memory_space<hbm>>
      %dma_start3A_211 = arith.constant 0 : i32
      %dma_start3A_212 = tpu.memref_slice %arg5[%add3A_208, %dma_start3A_211] : memref<160000x64xf32, #tpu.memory_space<hbm>> -> memref<40x64xf32, #tpu.memory_space<hbm>>
      tpu.enqueue_dma source(%arg21 : memref<40x64xf32, #tpu.memory_space<vmem>>) target(%dma_start3A_212 : memref<40x64xf32, #tpu.memory_space<hbm>>) target_semaphore(%arg36 : memref<!tpu.dma_semaphore, #tpu.memory_space<semaphore_mem>>)
      %add3A_213 = arith.constant 5 : i32
      %add3A_214 = arith.addi %add3A_187, %add3A_213 : i32
      %lt3A_215 = arith.constant 125 : i32
      %lt3A_216 = arith.cmpi slt, %add3A_214, %lt3A_215 : i32
      %convert_element_type3A_217 = arith.extui %lt3A_216 : i1 to i32
      %cond3A_218 = arith.constant 0 : i32
      %cond3A_219 = arith.cmpi ne, %convert_element_type3A_217, %cond3A_218 : i32
      scf.if %cond3A_219 {
        %add3A_256 = arith.constant 5 : i32
        %add3A_257 = arith.addi %add3A_187, %add3A_256 : i32
        %mul3A_258 = arith.constant 40 : i32
        %mul3A_259 = arith.muli %add3A_257, %mul3A_258 : i32
        %dma_start3A_260 = tpu.memref_slice %arg6[%mul3A_259] : memref<5000xi32, #tpu.memory_space<vmem>> -> memref<40xi32, #tpu.memory_space<vmem>>
        %dma_start3A_261 = arith.constant 0 : i32
        %dma_start3A_262 = arith.constant 0 : i32
        %dma_start3A_263 = tpu.memref_slice %arg2[%dma_start3A_261, %dma_start3A_262] : memref<10000x128xf32, #tpu.memory_space<hbm>> -> memref<10000x128xf32, #tpu.memory_space<hbm>>
        tpu.enqueue_indirect_dma source(%dma_start3A_263 : memref<10000x128xf32, #tpu.memory_space<hbm>>) target(%arg11 : memref<40x128xf32, #tpu.memory_space<vmem>>) offsets(%dma_start3A_260 : memref<40xi32, #tpu.memory_space<vmem>>) semaphore(%arg26 : memref<!tpu.dma_semaphore, #tpu.memory_space<semaphore_mem>>)
        %mul3A_264 = arith.constant 40 : i32
        %mul3A_265 = arith.muli %add3A_257, %mul3A_264 : i32
        %dma_start3A_266 = tpu.memref_slice %arg7[%mul3A_265] : memref<5000xi32, #tpu.memory_space<vmem>> -> memref<40xi32, #tpu.memory_space<vmem>>
        %dma_start3A_267 = arith.constant 0 : i32
        %dma_start3A_268 = arith.constant 0 : i32
        %dma_start3A_269 = tpu.memref_slice %arg3[%dma_start3A_267, %dma_start3A_268] : memref<10000x128xf32, #tpu.memory_space<hbm>> -> memref<10000x128xf32, #tpu.memory_space<hbm>>
        tpu.enqueue_indirect_dma source(%dma_start3A_269 : memref<10000x128xf32, #tpu.memory_space<hbm>>) target(%arg16 : memref<40x128xf32, #tpu.memory_space<vmem>>) offsets(%dma_start3A_266 : memref<40xi32, #tpu.memory_space<vmem>>) semaphore(%arg31 : memref<!tpu.dma_semaphore, #tpu.memory_space<semaphore_mem>>)
      } else {
      }
      %mul3A_220 = arith.constant 5 : i32
      %mul3A_221 = arith.muli %mul3A_220, %scan3A_80 : i32
      %add3A_222 = arith.constant 4 : i32
      %add3A_223 = arith.addi %mul3A_221, %add3A_222 : i32
      %dma_wait3A_224 = arith.constant 0 : i32
      %dma_wait3A_225 = tpu.memref_slice %arg6[%dma_wait3A_224] : memref<5000xi32, #tpu.memory_space<vmem>> -> memref<40xi32, #tpu.memory_space<vmem>>
      %dma_wait3A_226 = arith.constant 0 : i32
      %dma_wait3A_227 = arith.constant 0 : i32
      %dma_wait3A_228 = tpu.memref_slice %arg2[%dma_wait3A_226, %dma_wait3A_227] : memref<10000x128xf32, #tpu.memory_space<hbm>> -> memref<10000x128xf32, #tpu.memory_space<hbm>>
      tpu.wait_indirect_dma semaphore(%arg27 : memref<!tpu.dma_semaphore, #tpu.memory_space<semaphore_mem>>) src(%dma_wait3A_228 : memref<10000x128xf32, #tpu.memory_space<hbm>>) dst(%arg12 : memref<40x128xf32, #tpu.memory_space<vmem>>)
      %dma_wait3A_229 = arith.constant 0 : i32
      %dma_wait3A_230 = tpu.memref_slice %arg7[%dma_wait3A_229] : memref<5000xi32, #tpu.memory_space<vmem>> -> memref<40xi32, #tpu.memory_space<vmem>>
      %dma_wait3A_231 = arith.constant 0 : i32
      %dma_wait3A_232 = arith.constant 0 : i32
      %dma_wait3A_233 = tpu.memref_slice %arg3[%dma_wait3A_231, %dma_wait3A_232] : memref<10000x128xf32, #tpu.memory_space<hbm>> -> memref<10000x128xf32, #tpu.memory_space<hbm>>
      tpu.wait_indirect_dma semaphore(%arg32 : memref<!tpu.dma_semaphore, #tpu.memory_space<semaphore_mem>>) src(%dma_wait3A_233 : memref<10000x128xf32, #tpu.memory_space<hbm>>) dst(%arg17 : memref<40x128xf32, #tpu.memory_space<vmem>>)
      %ge3A_234 = arith.constant 5 : i32
      %ge3A_235 = arith.cmpi sge, %add3A_223, %ge3A_234 : i32
      %convert_element_type3A_236 = arith.extui %ge3A_235 : i1 to i32
      %cond3A_237 = arith.constant 0 : i32
      %cond3A_238 = arith.cmpi ne, %convert_element_type3A_236, %cond3A_237 : i32
      scf.if %cond3A_238 {
        %dma_wait3A_256 = arith.constant 0 : i32
        %dma_wait3A_257 = tpu.memref_slice %arg5[%mul3A_2, %dma_wait3A_256] : memref<160000x64xf32, #tpu.memory_space<hbm>> -> memref<40x64xf32, #tpu.memory_space<hbm>>
        %dma_wait3A_258 = arith.constant 0 : i32
        %dma_wait3A_259 = tpu.memref_slice %arg5[%mul3A_2, %dma_wait3A_258] : memref<160000x64xf32, #tpu.memory_space<hbm>> -> memref<40x64xf32, #tpu.memory_space<hbm>>
        tpu.wait_dma2 semaphore(%arg37 : memref<!tpu.dma_semaphore, #tpu.memory_space<semaphore_mem>>) src(%arg22 : memref<40x64xf32, #tpu.memory_space<vmem>>) dst(%dma_wait3A_259 : memref<40x64xf32, #tpu.memory_space<hbm>>)
      } else {
      }
      %parallel_loop3A_239 = arith.constant 0 : i32
      %parallel_loop3A_240 = arith.constant 40 : i32
      %parallel_loop3A_241 = arith.constant 1 : i32
      scf.for %parallel_loop3A_256 = %parallel_loop3A_239 to %parallel_loop3A_240 step %parallel_loop3A_241  : i32 {
        %parallel_loop3A_257 = arith.index_cast %parallel_loop3A_256 : i32 to index
        %parallel_loop3A_258 = arith.constant 0 : index
        %parallel_loop3A_259 = tpu.vector_load %arg12[%parallel_loop3A_257, %parallel_loop3A_258] {strides = array<i32>} : memref<40x128xf32, #tpu.memory_space<vmem>>, vector<16xf32>,
        %parallel_loop3A_260 = arith.index_cast %parallel_loop3A_256 : i32 to index
        %parallel_loop3A_261 = arith.constant 16 : index
        %parallel_loop3A_262 = tpu.vector_load %arg12[%parallel_loop3A_260, %parallel_loop3A_261] {strides = array<i32>} : memref<40x128xf32, #tpu.memory_space<vmem>>, vector<16xf32>,
        %parallel_loop3A_263 = arith.index_cast %parallel_loop3A_256 : i32 to index
        %parallel_loop3A_264 = arith.constant 0 : index
        %parallel_loop3A_265 = tpu.vector_load %arg17[%parallel_loop3A_263, %parallel_loop3A_264] {strides = array<i32>} : memref<40x128xf32, #tpu.memory_space<vmem>>, vector<16xf32>,
        %parallel_loop3A_266 = arith.index_cast %parallel_loop3A_256 : i32 to index
        %parallel_loop3A_267 = arith.constant 16 : index
        %parallel_loop3A_268 = tpu.vector_load %arg17[%parallel_loop3A_266, %parallel_loop3A_267] {strides = array<i32>} : memref<40x128xf32, #tpu.memory_space<vmem>>, vector<16xf32>,
        %parallel_loop3A_269 = arith.mulf %parallel_loop3A_259, %parallel_loop3A_265 : vector<16xf32>
        %parallel_loop3A_270 = arith.mulf %parallel_loop3A_262, %parallel_loop3A_268 : vector<16xf32>
        %parallel_loop3A_271 = tpu.pack_subelements %parallel_loop3A_269, %parallel_loop3A_270 {pack_format = #tpu.pack_format<interleaved>, positions = array<i32: 0, 1>} : vector<16xf32>, vector<16xf32> -> vector<32xbf16>
        %parallel_loop3A_272 = vector.bitcast %parallel_loop3A_271 : vector<32xbf16> to vector<16xf32>
        %parallel_loop3A_273 = arith.index_cast %parallel_loop3A_256 : i32 to index
        %parallel_loop3A_274 = arith.constant 0 : index
        %parallel_loop3A_275 = tpu.vector_load %arg22[%parallel_loop3A_273, %parallel_loop3A_274] {strides = array<i32>} : memref<40x64xf32, #tpu.memory_space<vmem>>, vector<16xf32>,
        tpu.vector_store %arg22[%parallel_loop3A_273, %parallel_loop3A_274], %parallel_loop3A_272 {strides = array<i32>} : memref<40x64xf32, #tpu.memory_space<vmem>>, vector<16xf32>,
        %parallel_loop3A_276 = arith.index_cast %parallel_loop3A_256 : i32 to index
        %parallel_loop3A_277 = arith.constant 32 : index
        %parallel_loop3A_278 = tpu.vector_load %arg12[%parallel_loop3A_276, %parallel_loop3A_277] {strides = array<i32>} : memref<40x128xf32, #tpu.memory_space<vmem>>, vector<16xf32>,
        %parallel_loop3A_279 = arith.index_cast %parallel_loop3A_256 : i32 to index
        %parallel_loop3A_280 = arith.constant 48 : index
        %parallel_loop3A_281 = tpu.vector_load %arg12[%parallel_loop3A_279, %parallel_loop3A_280] {strides = array<i32>} : memref<40x128xf32, #tpu.memory_space<vmem>>, vector<16xf32>,
        %parallel_loop3A_282 = arith.index_cast %parallel_loop3A_256 : i32 to index
        %parallel_loop3A_283 = arith.constant 32 : index
        %parallel_loop3A_284 = tpu.vector_load %arg17[%parallel_loop3A_282, %parallel_loop3A_283] {strides = array<i32>} : memref<40x128xf32, #tpu.memory_space<vmem>>, vector<16xf32>,
        %parallel_loop3A_285 = arith.index_cast %parallel_loop3A_256 : i32 to index
        %parallel_loop3A_286 = arith.constant 48 : index
        %parallel_loop3A_287 = tpu.vector_load %arg17[%parallel_loop3A_285, %parallel_loop3A_286] {strides = array<i32>} : memref<40x128xf32, #tpu.memory_space<vmem>>, vector<16xf32>,
        %parallel_loop3A_288 = arith.mulf %parallel_loop3A_278, %parallel_loop3A_284 : vector<16xf32>
        %parallel_loop3A_289 = arith.mulf %parallel_loop3A_281, %parallel_loop3A_287 : vector<16xf32>
        %parallel_loop3A_290 = tpu.pack_subelements %parallel_loop3A_288, %parallel_loop3A_289 {pack_format = #tpu.pack_format<interleaved>, positions = array<i32: 0, 1>} : vector<16xf32>, vector<16xf32> -> vector<32xbf16>
        %parallel_loop3A_291 = vector.bitcast %parallel_loop3A_290 : vector<32xbf16> to vector<16xf32>
        %parallel_loop3A_292 = arith.index_cast %parallel_loop3A_256 : i32 to index
        %parallel_loop3A_293 = arith.constant 16 : index
        %parallel_loop3A_294 = tpu.vector_load %arg22[%parallel_loop3A_292, %parallel_loop3A_293] {strides = array<i32>} : memref<40x64xf32, #tpu.memory_space<vmem>>, vector<16xf32>,
        tpu.vector_store %arg22[%parallel_loop3A_292, %parallel_loop3A_293], %parallel_loop3A_291 {strides = array<i32>} : memref<40x64xf32, #tpu.memory_space<vmem>>, vector<16xf32>,
        %parallel_loop3A_295 = arith.index_cast %parallel_loop3A_256 : i32 to index
        %parallel_loop3A_296 = arith.constant 64 : index
        %parallel_loop3A_297 = tpu.vector_load %arg12[%parallel_loop3A_295, %parallel_loop3A_296] {strides = array<i32>} : memref<40x128xf32, #tpu.memory_space<vmem>>, vector<16xf32>,
        %parallel_loop3A_298 = arith.index_cast %parallel_loop3A_256 : i32 to index
        %parallel_loop3A_299 = arith.constant 80 : index
        %parallel_loop3A_300 = tpu.vector_load %arg12[%parallel_loop3A_298, %parallel_loop3A_299] {strides = array<i32>} : memref<40x128xf32, #tpu.memory_space<vmem>>, vector<16xf32>,
        %parallel_loop3A_301 = arith.index_cast %parallel_loop3A_256 : i32 to index
        %parallel_loop3A_302 = arith.constant 64 : index
        %parallel_loop3A_303 = tpu.vector_load %arg17[%parallel_loop3A_301, %parallel_loop3A_302] {strides = array<i32>} : memref<40x128xf32, #tpu.memory_space<vmem>>, vector<16xf32>,
        %parallel_loop3A_304 = arith.index_cast %parallel_loop3A_256 : i32 to index
        %parallel_loop3A_305 = arith.constant 80 : index
        %parallel_loop3A_306 = tpu.vector_load %arg17[%parallel_loop3A_304, %parallel_loop3A_305] {strides = array<i32>} : memref<40x128xf32, #tpu.memory_space<vmem>>, vector<16xf32>,
        %parallel_loop3A_307 = arith.mulf %parallel_loop3A_297, %parallel_loop3A_303 : vector<16xf32>
        %parallel_loop3A_308 = arith.mulf %parallel_loop3A_300, %parallel_loop3A_306 : vector<16xf32>
        %parallel_loop3A_309 = tpu.pack_subelements %parallel_loop3A_307, %parallel_loop3A_308 {pack_format = #tpu.pack_format<interleaved>, positions = array<i32: 0, 1>} : vector<16xf32>, vector<16xf32> -> vector<32xbf16>
        %parallel_loop3A_310 = vector.bitcast %parallel_loop3A_309 : vector<32xbf16> to vector<16xf32>
        %parallel_loop3A_311 = arith.index_cast %parallel_loop3A_256 : i32 to index
        %parallel_loop3A_312 = arith.constant 32 : index
        %parallel_loop3A_313 = tpu.vector_load %arg22[%parallel_loop3A_311, %parallel_loop3A_312] {strides = array<i32>} : memref<40x64xf32, #tpu.memory_space<vmem>>, vector<16xf32>,
        tpu.vector_store %arg22[%parallel_loop3A_311, %parallel_loop3A_312], %parallel_loop3A_310 {strides = array<i32>} : memref<40x64xf32, #tpu.memory_space<vmem>>, vector<16xf32>,
        %parallel_loop3A_314 = arith.index_cast %parallel_loop3A_256 : i32 to index
        %parallel_loop3A_315 = arith.constant 96 : index
        %parallel_loop3A_316 = tpu.vector_load %arg12[%parallel_loop3A_314, %parallel_loop3A_315] {strides = array<i32>} : memref<40x128xf32, #tpu.memory_space<vmem>>, vector<16xf32>,
        %parallel_loop3A_317 = arith.index_cast %parallel_loop3A_256 : i32 to index
        %parallel_loop3A_318 = arith.constant 112 : index
        %parallel_loop3A_319 = tpu.vector_load %arg12[%parallel_loop3A_317, %parallel_loop3A_318] {strides = array<i32>} : memref<40x128xf32, #tpu.memory_space<vmem>>, vector<16xf32>,
        %parallel_loop3A_320 = arith.index_cast %parallel_loop3A_256 : i32 to index
        %parallel_loop3A_321 = arith.constant 96 : index
        %parallel_loop3A_322 = tpu.vector_load %arg17[%parallel_loop3A_320, %parallel_loop3A_321] {strides = array<i32>} : memref<40x128xf32, #tpu.memory_space<vmem>>, vector<16xf32>,
        %parallel_loop3A_323 = arith.index_cast %parallel_loop3A_256 : i32 to index
        %parallel_loop3A_324 = arith.constant 112 : index
        %parallel_loop3A_325 = tpu.vector_load %arg17[%parallel_loop3A_323, %parallel_loop3A_324] {strides = array<i32>} : memref<40x128xf32, #tpu.memory_space<vmem>>, vector<16xf32>,
        %parallel_loop3A_326 = arith.mulf %parallel_loop3A_316, %parallel_loop3A_322 : vector<16xf32>
        %parallel_loop3A_327 = arith.mulf %parallel_loop3A_319, %parallel_loop3A_325 : vector<16xf32>
        %parallel_loop3A_328 = tpu.pack_subelements %parallel_loop3A_326, %parallel_loop3A_327 {pack_format = #tpu.pack_format<interleaved>, positions = array<i32: 0, 1>} : vector<16xf32>, vector<16xf32> -> vector<32xbf16>
        %parallel_loop3A_329 = vector.bitcast %parallel_loop3A_328 : vector<32xbf16> to vector<16xf32>
        %parallel_loop3A_330 = arith.index_cast %parallel_loop3A_256 : i32 to index
        %parallel_loop3A_331 = arith.constant 48 : index
        %parallel_loop3A_332 = tpu.vector_load %arg22[%parallel_loop3A_330, %parallel_loop3A_331] {strides = array<i32>} : memref<40x64xf32, #tpu.memory_space<vmem>>, vector<16xf32>,
        tpu.vector_store %arg22[%parallel_loop3A_330, %parallel_loop3A_331], %parallel_loop3A_329 {strides = array<i32>} : memref<40x64xf32, #tpu.memory_space<vmem>>, vector<16xf32>,
      } {sc.loop_unroll_factor = 4 : i64, sc.parallel_access}
      %mul3A_242 = arith.constant 40 : i32
      %mul3A_243 = arith.muli %add3A_223, %mul3A_242 : i32
      %add3A_244 = arith.addi %mul3A_2, %mul3A_243 : i32
      %dma_start3A_245 = arith.constant 0 : i32
      %dma_start3A_246 = tpu.memref_slice %arg5[%add3A_244, %dma_start3A_245] : memref<160000x64xf32, #tpu.memory_space<hbm>> -> memref<40x64xf32, #tpu.memory_space<hbm>>
      %dma_start3A_247 = arith.constant 0 : i32
      %dma_start3A_248 = tpu.memref_slice %arg5[%add3A_244, %dma_start3A_247] : memref<160000x64xf32, #tpu.memory_space<hbm>> -> memref<40x64xf32, #tpu.memory_space<hbm>>
      tpu.enqueue_dma source(%arg22 : memref<40x64xf32, #tpu.memory_space<vmem>>) target(%dma_start3A_248 : memref<40x64xf32, #tpu.memory_space<hbm>>) target_semaphore(%arg37 : memref<!tpu.dma_semaphore, #tpu.memory_space<semaphore_mem>>)
      %add3A_249 = arith.constant 5 : i32
      %add3A_250 = arith.addi %add3A_223, %add3A_249 : i32
      %lt3A_251 = arith.constant 125 : i32
      %lt3A_252 = arith.cmpi slt, %add3A_250, %lt3A_251 : i32
      %convert_element_type3A_253 = arith.extui %lt3A_252 : i1 to i32
      %cond3A_254 = arith.constant 0 : i32
      %cond3A_255 = arith.cmpi ne, %convert_element_type3A_253, %cond3A_254 : i32
      scf.if %cond3A_255 {
        %add3A_256 = arith.constant 5 : i32
        %add3A_257 = arith.addi %add3A_223, %add3A_256 : i32
        %mul3A_258 = arith.constant 40 : i32
        %mul3A_259 = arith.muli %add3A_257, %mul3A_258 : i32
        %dma_start3A_260 = tpu.memref_slice %arg6[%mul3A_259] : memref<5000xi32, #tpu.memory_space<vmem>> -> memref<40xi32, #tpu.memory_space<vmem>>
        %dma_start3A_261 = arith.constant 0 : i32
        %dma_start3A_262 = arith.constant 0 : i32
        %dma_start3A_263 = tpu.memref_slice %arg2[%dma_start3A_261, %dma_start3A_262] : memref<10000x128xf32, #tpu.memory_space<hbm>> -> memref<10000x128xf32, #tpu.memory_space<hbm>>
        tpu.enqueue_indirect_dma source(%dma_start3A_263 : memref<10000x128xf32, #tpu.memory_space<hbm>>) target(%arg12 : memref<40x128xf32, #tpu.memory_space<vmem>>) offsets(%dma_start3A_260 : memref<40xi32, #tpu.memory_space<vmem>>) semaphore(%arg27 : memref<!tpu.dma_semaphore, #tpu.memory_space<semaphore_mem>>)
        %mul3A_264 = arith.constant 40 : i32
        %mul3A_265 = arith.muli %add3A_257, %mul3A_264 : i32
        %dma_start3A_266 = tpu.memref_slice %arg7[%mul3A_265] : memref<5000xi32, #tpu.memory_space<vmem>> -> memref<40xi32, #tpu.memory_space<vmem>>
        %dma_start3A_267 = arith.constant 0 : i32
        %dma_start3A_268 = arith.constant 0 : i32
        %dma_start3A_269 = tpu.memref_slice %arg3[%dma_start3A_267, %dma_start3A_268] : memref<10000x128xf32, #tpu.memory_space<hbm>> -> memref<10000x128xf32, #tpu.memory_space<hbm>>
        tpu.enqueue_indirect_dma source(%dma_start3A_269 : memref<10000x128xf32, #tpu.memory_space<hbm>>) target(%arg17 : memref<40x128xf32, #tpu.memory_space<vmem>>) offsets(%dma_start3A_266 : memref<40xi32, #tpu.memory_space<vmem>>) semaphore(%arg32 : memref<!tpu.dma_semaphore, #tpu.memory_space<semaphore_mem>>)
      } else {
      }
    }
    %scan3A_60 = arith.constant 25 : i32
    %dma_wait3A = arith.constant 0 : i32
    %dma_wait3A_61 = tpu.memref_slice %arg5[%mul3A_2, %dma_wait3A] : memref<160000x64xf32, #tpu.memory_space<hbm>> -> memref<40x64xf32, #tpu.memory_space<hbm>>
    %dma_wait3A_62 = arith.constant 0 : i32
    %dma_wait3A_63 = tpu.memref_slice %arg5[%mul3A_2, %dma_wait3A_62] : memref<160000x64xf32, #tpu.memory_space<hbm>> -> memref<40x64xf32, #tpu.memory_space<hbm>>
    tpu.wait_dma2 semaphore(%arg33 : memref<!tpu.dma_semaphore, #tpu.memory_space<semaphore_mem>>) src(%arg18 : memref<40x64xf32, #tpu.memory_space<vmem>>) dst(%dma_wait3A_63 : memref<40x64xf32, #tpu.memory_space<hbm>>)
    %dma_wait3A_64 = arith.constant 0 : i32
    %dma_wait3A_65 = tpu.memref_slice %arg5[%mul3A_2, %dma_wait3A_64] : memref<160000x64xf32, #tpu.memory_space<hbm>> -> memref<40x64xf32, #tpu.memory_space<hbm>>
    %dma_wait3A_66 = arith.constant 0 : i32
    %dma_wait3A_67 = tpu.memref_slice %arg5[%mul3A_2, %dma_wait3A_66] : memref<160000x64xf32, #tpu.memory_space<hbm>> -> memref<40x64xf32, #tpu.memory_space<hbm>>
    tpu.wait_dma2 semaphore(%arg34 : memref<!tpu.dma_semaphore, #tpu.memory_space<semaphore_mem>>) src(%arg19 : memref<40x64xf32, #tpu.memory_space<vmem>>) dst(%dma_wait3A_67 : memref<40x64xf32, #tpu.memory_space<hbm>>)
    %dma_wait3A_68 = arith.constant 0 : i32
    %dma_wait3A_69 = tpu.memref_slice %arg5[%mul3A_2, %dma_wait3A_68] : memref<160000x64xf32, #tpu.memory_space<hbm>> -> memref<40x64xf32, #tpu.memory_space<hbm>>
    %dma_wait3A_70 = arith.constant 0 : i32
    %dma_wait3A_71 = tpu.memref_slice %arg5[%mul3A_2, %dma_wait3A_70] : memref<160000x64xf32, #tpu.memory_space<hbm>> -> memref<40x64xf32, #tpu.memory_space<hbm>>
    tpu.wait_dma2 semaphore(%arg35 : memref<!tpu.dma_semaphore, #tpu.memory_space<semaphore_mem>>) src(%arg20 : memref<40x64xf32, #tpu.memory_space<vmem>>) dst(%dma_wait3A_71 : memref<40x64xf32, #tpu.memory_space<hbm>>)
    %dma_wait3A_72 = arith.constant 0 : i32
    %dma_wait3A_73 = tpu.memref_slice %arg5[%mul3A_2, %dma_wait3A_72] : memref<160000x64xf32, #tpu.memory_space<hbm>> -> memref<40x64xf32, #tpu.memory_space<hbm>>
    %dma_wait3A_74 = arith.constant 0 : i32
    %dma_wait3A_75 = tpu.memref_slice %arg5[%mul3A_2, %dma_wait3A_74] : memref<160000x64xf32, #tpu.memory_space<hbm>> -> memref<40x64xf32, #tpu.memory_space<hbm>>
    tpu.wait_dma2 semaphore(%arg36 : memref<!tpu.dma_semaphore, #tpu.memory_space<semaphore_mem>>) src(%arg21 : memref<40x64xf32, #tpu.memory_space<vmem>>) dst(%dma_wait3A_75 : memref<40x64xf32, #tpu.memory_space<hbm>>)
    %dma_wait3A_76 = arith.constant 0 : i32
    %dma_wait3A_77 = tpu.memref_slice %arg5[%mul3A_2, %dma_wait3A_76] : memref<160000x64xf32, #tpu.memory_space<hbm>> -> memref<40x64xf32, #tpu.memory_space<hbm>>
    %dma_wait3A_78 = arith.constant 0 : i32
    %dma_wait3A_79 = tpu.memref_slice %arg5[%mul3A_2, %dma_wait3A_78] : memref<160000x64xf32, #tpu.memory_space<hbm>> -> memref<40x64xf32, #tpu.memory_space<hbm>>
    tpu.wait_dma2 semaphore(%arg37 : memref<!tpu.dma_semaphore, #tpu.memory_space<semaphore_mem>>) src(%arg22 : memref<40x64xf32, #tpu.memory_space<vmem>>) dst(%dma_wait3A_79 : memref<40x64xf32, #tpu.memory_space<hbm>>)
    return
  }
}

#map = affine_map<(d0, d1) -> (0, 0)>
#map1 = affine_map<(d0, d1) -> (0)>
module attributes {stable_mosaic.version = 14 : i64} {
  func.func @gather_mul(%arg0: i32, %arg1: i32, %arg2: memref<10000x128xf32, #tpu.memory_space<hbm>>, %arg3: memref<10000x128xf32, #tpu.memory_space<hbm>>, %arg4: memref<640000xi32, #tpu.memory_space<hbm>>, %arg5: memref<160000x64xf32, #tpu.memory_space<hbm>>, %arg6: memref<5000xi32, #tpu.memory_space<vmem>>, %arg7: memref<5000xi32, #tpu.memory_space<vmem>>, %arg8: memref<40x128xf32, #tpu.memory_space<vmem>>, %arg9: memref<40x128xf32, #tpu.memory_space<vmem>>, %arg10: memref<40x128xf32, #tpu.memory_space<vmem>>, %arg11: memref<40x128xf32, #tpu.memory_space<vmem>>, %arg12: memref<40x128xf32, #tpu.memory_space<vmem>>, %arg13: memref<40x128xf32, #tpu.memory_space<vmem>>, %arg14: memref<40x128xf32, #tpu.memory_space<vmem>>, %arg15: memref<40x128xf32, #tpu.memory_space<vmem>>, %arg16: memref<40x128xf32, #tpu.memory_space<vmem>>, %arg17: memref<40x128xf32, #tpu.memory_space<vmem>>, %arg18: memref<40x64xf32, #tpu.memory_space<vmem>>, %arg19: memref<40x64xf32, #tpu.memory_space<vmem>>, %arg20: memref<40x64xf32, #tpu.memory_space<vmem>>, %arg21: memref<40x64xf32, #tpu.memory_space<vmem>>, %arg22: memref<40x64xf32, #tpu.memory_space<vmem>>, %arg23: memref<!tpu.dma_semaphore, #tpu.memory_space<semaphore_mem>>, %arg24: memref<!tpu.dma_semaphore, #tpu.memory_space<semaphore_mem>>, %arg25: memref<!tpu.dma_semaphore, #tpu.memory_space<semaphore_mem>>, %arg26: memref<!tpu.dma_semaphore, #tpu.memory_space<semaphore_mem>>, %arg27: memref<!tpu.dma_semaphore, #tpu.memory_space<semaphore_mem>>, %arg28: memref<!tpu.dma_semaphore, #tpu.memory_space<semaphore_mem>>, %arg29: memref<!tpu.dma_semaphore, #tpu.memory_space<semaphore_mem>>, %arg30: memref<!tpu.dma_semaphore, #tpu.memory_space<semaphore_mem>>, %arg31: memref<!tpu.dma_semaphore, #tpu.memory_space<semaphore_mem>>, %arg32: memref<!tpu.dma_semaphore, #tpu.memory_space<semaphore_mem>>, %arg33: memref<!tpu.dma_semaphore, #tpu.memory_space<semaphore_mem>>, %arg34: memref<!tpu.dma_semaphore, #tpu.memory_space<semaphore_mem>>, %arg35: memref<!tpu.dma_semaphore, #tpu.memory_space<semaphore_mem>>, %arg36: memref<!tpu.dma_semaphore, #tpu.memory_space<semaphore_mem>>, %arg37: memref<!tpu.dma_semaphore, #tpu.memory_space<semaphore_mem>>) attributes {dimension_semantics = [#tpu.dimension_semantics<core_parallel>, #tpu.dimension_semantics<subcore_parallel>], iteration_bounds = array<i64: 2, 16>, scalar_prefetch = 0 : i64, scratch_operands = 32 : i64, tpu.core_type = #tpu.core_type<sc_vector_subcore>, window_params = [{transform_indices = #map}, {transform_indices = #map}, {transform_indices = #map1}, {transform_indices = #map}]} {
    %mul3A = arith.constant 2 : i32
    %mul3A_0 = arith.muli %arg1, %mul3A : i32
    %add3A = arith.addi %mul3A_0, %arg0 : i32
    %mul3A_1 = arith.constant 5000 : i32
    %mul3A_2 = arith.muli %add3A, %mul3A_1 : i32
    %add3A_3 = arith.constant 0 : i32
    %add3A_4 = arith.addi %add3A_3, %mul3A_2 : i32
    "tpu.region"() ({
      %run_scoped3A = tpu.sem_alloc : memref<!tpu.dma_semaphore, #tpu.memory_space<semaphore_mem>>
      %dma_start3A_80 = tpu.memref_slice %arg4[%add3A_4] : memref<640000xi32, #tpu.memory_space<hbm>> -> memref<5000xi32, #tpu.memory_space<hbm>>
      %dma_start3A_81 = tpu.memref_slice %arg4[%add3A_4] : memref<640000xi32, #tpu.memory_space<hbm>> -> memref<5000xi32, #tpu.memory_space<hbm>>
      tpu.enqueue_dma source(%dma_start3A_81 : memref<5000xi32, #tpu.memory_space<hbm>>) target(%arg6 : memref<5000xi32, #tpu.memory_space<vmem>>) target_semaphore(%run_scoped3A : memref<!tpu.dma_semaphore, #tpu.memory_space<semaphore_mem>>)
      %dma_wait3A_82 = tpu.memref_slice %arg4[%add3A_4] : memref<640000xi32, #tpu.memory_space<hbm>> -> memref<5000xi32, #tpu.memory_space<hbm>>
      %dma_wait3A_83 = tpu.memref_slice %arg4[%add3A_4] : memref<640000xi32, #tpu.memory_space<hbm>> -> memref<5000xi32, #tpu.memory_space<hbm>>
      tpu.wait_dma2 semaphore(%run_scoped3A : memref<!tpu.dma_semaphore, #tpu.memory_space<semaphore_mem>>) src(%dma_wait3A_83 : memref<5000xi32, #tpu.memory_space<hbm>>) dst(%arg6 : memref<5000xi32, #tpu.memory_space<vmem>>)
      tpu.yield
    }) : () -> ()
    %add3A_5 = arith.constant 320000 : i32
    %add3A_6 = arith.addi %add3A_5, %mul3A_2 : i32
    "tpu.region"() ({
      %run_scoped3A = tpu.sem_alloc : memref<!tpu.dma_semaphore, #tpu.memory_space<semaphore_mem>>
      %dma_start3A_80 = tpu.memref_slice %arg4[%add3A_6] : memref<640000xi32, #tpu.memory_space<hbm>> -> memref<5000xi32, #tpu.memory_space<hbm>>
      %dma_start3A_81 = tpu.memref_slice %arg4[%add3A_6] : memref<640000xi32, #tpu.memory_space<hbm>> -> memref<5000xi32, #tpu.memory_space<hbm>>
      tpu.enqueue_dma source(%dma_start3A_81 : memref<5000xi32, #tpu.memory_space<hbm>>) target(%arg7 : memref<5000xi32, #tpu.memory_space<vmem>>) target_semaphore(%run_scoped3A : memref<!tpu.dma_semaphore, #tpu.memory_space<semaphore_mem>>)
      %dma_wait3A_82 = tpu.memref_slice %arg4[%add3A_6] : memref<640000xi32, #tpu.memory_space<hbm>> -> memref<5000xi32, #tpu.memory_space<hbm>>
      %dma_wait3A_83 = tpu.memref_slice %arg4[%add3A_6] : memref<640000xi32, #tpu.memory_space<hbm>> -> memref<5000xi32, #tpu.memory_space<hbm>>
      tpu.wait_dma2 semaphore(%run_scoped3A : memref<!tpu.dma_semaphore, #tpu.memory_space<semaphore_mem>>) src(%dma_wait3A_83 : memref<5000xi32, #tpu.memory_space<hbm>>) dst(%arg7 : memref<5000xi32, #tpu.memory_space<vmem>>)
      tpu.yield
    }) : () -> ()
    %dma_start3A = arith.constant 0 : i32
    %dma_start3A_7 = tpu.memref_slice %arg6[%dma_start3A] : memref<5000xi32, #tpu.memory_space<vmem>> -> memref<40xi32, #tpu.memory_space<vmem>>
    %dma_start3A_8 = arith.constant 0 : i32
    %dma_start3A_9 = arith.constant 0 : i32
    %dma_start3A_10 = tpu.memref_slice %arg2[%dma_start3A_8, %dma_start3A_9] : memref<10000x128xf32, #tpu.memory_space<hbm>> -> memref<10000x128xf32, #tpu.memory_space<hbm>>
    tpu.enqueue_indirect_dma source(%dma_start3A_10 : memref<10000x128xf32, #tpu.memory_space<hbm>>) target(%arg8 : memref<40x128xf32, #tpu.memory_space<vmem>>) offsets(%dma_start3A_7 : memref<40xi32, #tpu.memory_space<vmem>>) semaphore(%arg23 : memref<!tpu.dma_semaphore, #tpu.memory_space<semaphore_mem>>)
    %dma_start3A_11 = arith.constant 0 : i32
    %dma_start3A_12 = tpu.memref_slice %arg7[%dma_start3A_11] : memref<5000xi32, #tpu.memory_space<vmem>> -> memref<40xi32, #tpu.memory_space<vmem>>
    %dma_start3A_13 = arith.constant 0 : i32
    %dma_start3A_14 = arith.constant 0 : i32
    %dma_start3A_15 = tpu.memref_slice %arg3[%dma_start3A_13, %dma_start3A_14] : memref<10000x128xf32, #tpu.memory_space<hbm>> -> memref<10000x128xf32, #tpu.memory_space<hbm>>
    tpu.enqueue_indirect_dma source(%dma_start3A_15 : memref<10000x128xf32, #tpu.memory_space<hbm>>) target(%arg13 : memref<40x128xf32, #tpu.memory_space<vmem>>) offsets(%dma_start3A_12 : memref<40xi32, #tpu.memory_space<vmem>>) semaphore(%arg28 : memref<!tpu.dma_semaphore, #tpu.memory_space<semaphore_mem>>)
    %dma_start3A_16 = arith.constant 40 : i32
    %dma_start3A_17 = tpu.memref_slice %arg6[%dma_start3A_16] : memref<5000xi32, #tpu.memory_space<vmem>> -> memref<40xi32, #tpu.memory_space<vmem>>
    %dma_start3A_18 = arith.constant 0 : i32
    %dma_start3A_19 = arith.constant 0 : i32
    %dma_start3A_20 = tpu.memref_slice %arg2[%dma_start3A_18, %dma_start3A_19] : memref<10000x128xf32, #tpu.memory_space<hbm>> -> memref<10000x128xf32, #tpu.memory_space<hbm>>
    tpu.enqueue_indirect_dma source(%dma_start3A_20 : memref<10000x128xf32, #tpu.memory_space<hbm>>) target(%arg9 : memref<40x128xf32, #tpu.memory_space<vmem>>) offsets(%dma_start3A_17 : memref<40xi32, #tpu.memory_space<vmem>>) semaphore(%arg24 : memref<!tpu.dma_semaphore, #tpu.memory_space<semaphore_mem>>)
    %dma_start3A_21 = arith.constant 40 : i32
    %dma_start3A_22 = tpu.memref_slice %arg7[%dma_start3A_21] : memref<5000xi32, #tpu.memory_space<vmem>> -> memref<40xi32, #tpu.memory_space<vmem>>
    %dma_start3A_23 = arith.constant 0 : i32
    %dma_start3A_24 = arith.constant 0 : i32
    %dma_start3A_25 = tpu.memref_slice %arg3[%dma_start3A_23, %dma_start3A_24] : memref<10000x128xf32, #tpu.memory_space<hbm>> -> memref<10000x128xf32, #tpu.memory_space<hbm>>
    tpu.enqueue_indirect_dma source(%dma_start3A_25 : memref<10000x128xf32, #tpu.memory_space<hbm>>) target(%arg14 : memref<40x128xf32, #tpu.memory_space<vmem>>) offsets(%dma_start3A_22 : memref<40xi32, #tpu.memory_space<vmem>>) semaphore(%arg29 : memref<!tpu.dma_semaphore, #tpu.memory_space<semaphore_mem>>)
    %dma_start3A_26 = arith.constant 80 : i32
    %dma_start3A_27 = tpu.memref_slice %arg6[%dma_start3A_26] : memref<5000xi32, #tpu.memory_space<vmem>> -> memref<40xi32, #tpu.memory_space<vmem>>
    %dma_start3A_28 = arith.constant 0 : i32
    %dma_start3A_29 = arith.constant 0 : i32
    %dma_start3A_30 = tpu.memref_slice %arg2[%dma_start3A_28, %dma_start3A_29] : memref<10000x128xf32, #tpu.memory_space<hbm>> -> memref<10000x128xf32, #tpu.memory_space<hbm>>
    tpu.enqueue_indirect_dma source(%dma_start3A_30 : memref<10000x128xf32, #tpu.memory_space<hbm>>) target(%arg10 : memref<40x128xf32, #tpu.memory_space<vmem>>) offsets(%dma_start3A_27 : memref<40xi32, #tpu.memory_space<vmem>>) semaphore(%arg25 : memref<!tpu.dma_semaphore, #tpu.memory_space<semaphore_mem>>)
    %dma_start3A_31 = arith.constant 80 : i32
    %dma_start3A_32 = tpu.memref_slice %arg7[%dma_start3A_31] : memref<5000xi32, #tpu.memory_space<vmem>> -> memref<40xi32, #tpu.memory_space<vmem>>
    %dma_start3A_33 = arith.constant 0 : i32
    %dma_start3A_34 = arith.constant 0 : i32
    %dma_start3A_35 = tpu.memref_slice %arg3[%dma_start3A_33, %dma_start3A_34] : memref<10000x128xf32, #tpu.memory_space<hbm>> -> memref<10000x128xf32, #tpu.memory_space<hbm>>
    tpu.enqueue_indirect_dma source(%dma_start3A_35 : memref<10000x128xf32, #tpu.memory_space<hbm>>) target(%arg15 : memref<40x128xf32, #tpu.memory_space<vmem>>) offsets(%dma_start3A_32 : memref<40xi32, #tpu.memory_space<vmem>>) semaphore(%arg30 : memref<!tpu.dma_semaphore, #tpu.memory_space<semaphore_mem>>)
    %dma_start3A_36 = arith.constant 120 : i32
    %dma_start3A_37 = tpu.memref_slice %arg6[%dma_start3A_36] : memref<5000xi32, #tpu.memory_space<vmem>> -> memref<40xi32, #tpu.memory_space<vmem>>
    %dma_start3A_38 = arith.constant 0 : i32
    %dma_start3A_39 = arith.constant 0 : i32
    %dma_start3A_40 = tpu.memref_slice %arg2[%dma_start3A_38, %dma_start3A_39] : memref<10000x128xf32, #tpu.memory_space<hbm>> -> memref<10000x128xf32, #tpu.memory_space<hbm>>
    tpu.enqueue_indirect_dma source(%dma_start3A_40 : memref<10000x128xf32, #tpu.memory_space<hbm>>) target(%arg11 : memref<40x128xf32, #tpu.memory_space<vmem>>) offsets(%dma_start3A_37 : memref<40xi32, #tpu.memory_space<vmem>>) semaphore(%arg26 : memref<!tpu.dma_semaphore, #tpu.memory_space<semaphore_mem>>)
    %dma_start3A_41 = arith.constant 120 : i32
    %dma_start3A_42 = tpu.memref_slice %arg7[%dma_start3A_41] : memref<5000xi32, #tpu.memory_space<vmem>> -> memref<40xi32, #tpu.memory_space<vmem>>
    %dma_start3A_43 = arith.constant 0 : i32
    %dma_start3A_44 = arith.constant 0 : i32
    %dma_start3A_45 = tpu.memref_slice %arg3[%dma_start3A_43, %dma_start3A_44] : memref<10000x128xf32, #tpu.memory_space<hbm>> -> memref<10000x128xf32, #tpu.memory_space<hbm>>
    tpu.enqueue_indirect_dma source(%dma_start3A_45 : memref<10000x128xf32, #tpu.memory_space<hbm>>) target(%arg16 : memref<40x128xf32, #tpu.memory_space<vmem>>) offsets(%dma_start3A_42 : memref<40xi32, #tpu.memory_space<vmem>>) semaphore(%arg31 : memref<!tpu.dma_semaphore, #tpu.memory_space<semaphore_mem>>)
    %dma_start3A_46 = arith.constant 160 : i32
    %dma_start3A_47 = tpu.memref_slice %arg6[%dma_start3A_46] : memref<5000xi32, #tpu.memory_space<vmem>> -> memref<40xi32, #tpu.memory_space<vmem>>
    %dma_start3A_48 = arith.constant 0 : i32
    %dma_start3A_49 = arith.constant 0 : i32
    %dma_start3A_50 = tpu.memref_slice %arg2[%dma_start3A_48, %dma_start3A_49] : memref<10000x128xf32, #tpu.memory_space<hbm>> -> memref<10000x128xf32, #tpu.memory_space<hbm>>
    tpu.enqueue_indirect_dma source(%dma_start3A_50 : memref<10000x128xf32, #tpu.memory_space<hbm>>) target(%arg12 : memref<40x128xf32, #tpu.memory_space<vmem>>) offsets(%dma_start3A_47 : memref<40xi32, #tpu.memory_space<vmem>>) semaphore(%arg27 : memref<!tpu.dma_semaphore, #tpu.memory_space<semaphore_mem>>)
    %dma_start3A_51 = arith.constant 160 : i32
    %dma_start3A_52 = tpu.memref_slice %arg7[%dma_start3A_51] : memref<5000xi32, #tpu.memory_space<vmem>> -> memref<40xi32, #tpu.memory_space<vmem>>
    %dma_start3A_53 = arith.constant 0 : i32
    %dma_start3A_54 = arith.constant 0 : i32
    %dma_start3A_55 = tpu.memref_slice %arg3[%dma_start3A_53, %dma_start3A_54] : memref<10000x128xf32, #tpu.memory_space<hbm>> -> memref<10000x128xf32, #tpu.memory_space<hbm>>
    tpu.enqueue_indirect_dma source(%dma_start3A_55 : memref<10000x128xf32, #tpu.memory_space<hbm>>) target(%arg17 : memref<40x128xf32, #tpu.memory_space<vmem>>) offsets(%dma_start3A_52 : memref<40xi32, #tpu.memory_space<vmem>>) semaphore(%arg32 : memref<!tpu.dma_semaphore, #tpu.memory_space<semaphore_mem>>)
    %scan3A = arith.constant 0 : i32
    %scan3A_56 = arith.constant 0 : i32
    %scan3A_57 = arith.constant 25 : i32
    %scan3A_58 = arith.addi %scan3A_56, %scan3A_57 : i32
    %scan3A_59 = arith.constant 1 : i32
    scf.for %scan3A_80 = %scan3A_56 to %scan3A_58 step %scan3A_59  : i32 {
      %mul3A_81 = arith.constant 5 : i32
      %mul3A_82 = arith.muli %mul3A_81, %scan3A_80 : i32
      %add3A_83 = arith.constant 0 : i32
      %add3A_84 = arith.addi %mul3A_82, %add3A_83 : i32
      %dma_wait3A_85 = arith.constant 0 : i32
      %dma_wait3A_86 = tpu.memref_slice %arg6[%dma_wait3A_85] : memref<5000xi32, #tpu.memory_space<vmem>> -> memref<40xi32, #tpu.memory_space<vmem>>
      %dma_wait3A_87 = arith.constant 0 : i32
      %dma_wait3A_88 = arith.constant 0 : i32
      %dma_wait3A_89 = tpu.memref_slice %arg2[%dma_wait3A_87, %dma_wait3A_88] : memref<10000x128xf32, #tpu.memory_space<hbm>> -> memref<10000x128xf32, #tpu.memory_space<hbm>>
      tpu.wait_indirect_dma semaphore(%arg23 : memref<!tpu.dma_semaphore, #tpu.memory_space<semaphore_mem>>) src(%dma_wait3A_89 : memref<10000x128xf32, #tpu.memory_space<hbm>>) dst(%arg8 : memref<40x128xf32, #tpu.memory_space<vmem>>)
      %dma_wait3A_90 = arith.constant 0 : i32
      %dma_wait3A_91 = tpu.memref_slice %arg7[%dma_wait3A_90] : memref<5000xi32, #tpu.memory_space<vmem>> -> memref<40xi32, #tpu.memory_space<vmem>>
      %dma_wait3A_92 = arith.constant 0 : i32
      %dma_wait3A_93 = arith.constant 0 : i32
      %dma_wait3A_94 = tpu.memref_slice %arg3[%dma_wait3A_92, %dma_wait3A_93] : memref<10000x128xf32, #tpu.memory_space<hbm>> -> memref<10000x128xf32, #tpu.memory_space<hbm>>
      tpu.wait_indirect_dma semaphore(%arg28 : memref<!tpu.dma_semaphore, #tpu.memory_space<semaphore_mem>>) src(%dma_wait3A_94 : memref<10000x128xf32, #tpu.memory_space<hbm>>) dst(%arg13 : memref<40x128xf32, #tpu.memory_space<vmem>>)
      %ge3A = arith.constant 5 : i32
      %ge3A_95 = arith.cmpi sge, %add3A_84, %ge3A : i32
      %convert_element_type3A = arith.extui %ge3A_95 : i1 to i32
      %cond3A = arith.constant 0 : i32
      %cond3A_96 = arith.cmpi ne, %convert_element_type3A, %cond3A : i32
      scf.if %cond3A_96 {
        %dma_wait3A_256 = arith.constant 0 : i32
        %dma_wait3A_257 = tpu.memref_slice %arg5[%mul3A_2, %dma_wait3A_256] : memref<160000x64xf32, #tpu.memory_space<hbm>> -> memref<40x64xf32, #tpu.memory_space<hbm>>
        %dma_wait3A_258 = arith.constant 0 : i32
        %dma_wait3A_259 = tpu.memref_slice %arg5[%mul3A_2, %dma_wait3A_258] : memref<160000x64xf32, #tpu.memory_space<hbm>> -> memref<40x64xf32, #tpu.memory_space<hbm>>
        tpu.wait_dma2 semaphore(%arg33 : memref<!tpu.dma_semaphore, #tpu.memory_space<semaphore_mem>>) src(%arg18 : memref<40x64xf32, #tpu.memory_space<vmem>>) dst(%dma_wait3A_259 : memref<40x64xf32, #tpu.memory_space<hbm>>)
      } else {
      }
      %parallel_loop3A = arith.constant 0 : i32
      %parallel_loop3A_97 = arith.constant 40 : i32
      %parallel_loop3A_98 = arith.constant 1 : i32
      scf.for %parallel_loop3A_256 = %parallel_loop3A to %parallel_loop3A_97 step %parallel_loop3A_98  : i32 {
        %parallel_loop3A_257 = arith.index_cast %parallel_loop3A_256 : i32 to index
        %parallel_loop3A_258 = arith.constant 0 : index
        %parallel_loop3A_259 = tpu.vector_load %arg8[%parallel_loop3A_257, %parallel_loop3A_258] {strides = array<i32>} : memref<40x128xf32, #tpu.memory_space<vmem>>, vector<16xf32>,
        %parallel_loop3A_260 = arith.index_cast %parallel_loop3A_256 : i32 to index
        %parallel_loop3A_261 = arith.constant 16 : index
        %parallel_loop3A_262 = tpu.vector_load %arg8[%parallel_loop3A_260, %parallel_loop3A_261] {strides = array<i32>} : memref<40x128xf32, #tpu.memory_space<vmem>>, vector<16xf32>,
        %parallel_loop3A_263 = arith.index_cast %parallel_loop3A_256 : i32 to index
        %parallel_loop3A_264 = arith.constant 0 : index
        %parallel_loop3A_265 = tpu.vector_load %arg13[%parallel_loop3A_263, %parallel_loop3A_264] {strides = array<i32>} : memref<40x128xf32, #tpu.memory_space<vmem>>, vector<16xf32>,
        %parallel_loop3A_266 = arith.index_cast %parallel_loop3A_256 : i32 to index
        %parallel_loop3A_267 = arith.constant 16 : index
        %parallel_loop3A_268 = tpu.vector_load %arg13[%parallel_loop3A_266, %parallel_loop3A_267] {strides = array<i32>} : memref<40x128xf32, #tpu.memory_space<vmem>>, vector<16xf32>,
        %parallel_loop3A_269 = arith.mulf %parallel_loop3A_259, %parallel_loop3A_265 : vector<16xf32>
        %parallel_loop3A_270 = arith.mulf %parallel_loop3A_262, %parallel_loop3A_268 : vector<16xf32>
        %parallel_loop3A_271 = tpu.pack_subelements %parallel_loop3A_269, %parallel_loop3A_270 {pack_format = #tpu.pack_format<interleaved>, positions = array<i32: 0, 1>} : vector<16xf32>, vector<16xf32> -> vector<32xbf16>
        %parallel_loop3A_272 = vector.bitcast %parallel_loop3A_271 : vector<32xbf16> to vector<16xf32>
        %parallel_loop3A_273 = arith.index_cast %parallel_loop3A_256 : i32 to index
        %parallel_loop3A_274 = arith.constant 0 : index
        %parallel_loop3A_275 = tpu.vector_load %arg18[%parallel_loop3A_273, %parallel_loop3A_274] {strides = array<i32>} : memref<40x64xf32, #tpu.memory_space<vmem>>, vector<16xf32>,
        tpu.vector_store %arg18[%parallel_loop3A_273, %parallel_loop3A_274], %parallel_loop3A_272 {strides = array<i32>} : memref<40x64xf32, #tpu.memory_space<vmem>>, vector<16xf32>,
        %parallel_loop3A_276 = arith.index_cast %parallel_loop3A_256 : i32 to index
        %parallel_loop3A_277 = arith.constant 32 : index
        %parallel_loop3A_278 = tpu.vector_load %arg8[%parallel_loop3A_276, %parallel_loop3A_277] {strides = array<i32>} : memref<40x128xf32, #tpu.memory_space<vmem>>, vector<16xf32>,
        %parallel_loop3A_279 = arith.index_cast %parallel_loop3A_256 : i32 to index
        %parallel_loop3A_280 = arith.constant 48 : index
        %parallel_loop3A_281 = tpu.vector_load %arg8[%parallel_loop3A_279, %parallel_loop3A_280] {strides = array<i32>} : memref<40x128xf32, #tpu.memory_space<vmem>>, vector<16xf32>,
        %parallel_loop3A_282 = arith.index_cast %parallel_loop3A_256 : i32 to index
        %parallel_loop3A_283 = arith.constant 32 : index
        %parallel_loop3A_284 = tpu.vector_load %arg13[%parallel_loop3A_282, %parallel_loop3A_283] {strides = array<i32>} : memref<40x128xf32, #tpu.memory_space<vmem>>, vector<16xf32>,
        %parallel_loop3A_285 = arith.index_cast %parallel_loop3A_256 : i32 to index
        %parallel_loop3A_286 = arith.constant 48 : index
        %parallel_loop3A_287 = tpu.vector_load %arg13[%parallel_loop3A_285, %parallel_loop3A_286] {strides = array<i32>} : memref<40x128xf32, #tpu.memory_space<vmem>>, vector<16xf32>,
        %parallel_loop3A_288 = arith.mulf %parallel_loop3A_278, %parallel_loop3A_284 : vector<16xf32>
        %parallel_loop3A_289 = arith.mulf %parallel_loop3A_281, %parallel_loop3A_287 : vector<16xf32>
        %parallel_loop3A_290 = tpu.pack_subelements %parallel_loop3A_288, %parallel_loop3A_289 {pack_format = #tpu.pack_format<interleaved>, positions = array<i32: 0, 1>} : vector<16xf32>, vector<16xf32> -> vector<32xbf16>
        %parallel_loop3A_291 = vector.bitcast %parallel_loop3A_290 : vector<32xbf16> to vector<16xf32>
        %parallel_loop3A_292 = arith.index_cast %parallel_loop3A_256 : i32 to index
        %parallel_loop3A_293 = arith.constant 16 : index
        %parallel_loop3A_294 = tpu.vector_load %arg18[%parallel_loop3A_292, %parallel_loop3A_293] {strides = array<i32>} : memref<40x64xf32, #tpu.memory_space<vmem>>, vector<16xf32>,
        tpu.vector_store %arg18[%parallel_loop3A_292, %parallel_loop3A_293], %parallel_loop3A_291 {strides = array<i32>} : memref<40x64xf32, #tpu.memory_space<vmem>>, vector<16xf32>,
        %parallel_loop3A_295 = arith.index_cast %parallel_loop3A_256 : i32 to index
        %parallel_loop3A_296 = arith.constant 64 : index
        %parallel_loop3A_297 = tpu.vector_load %arg8[%parallel_loop3A_295, %parallel_loop3A_296] {strides = array<i32>} : memref<40x128xf32, #tpu.memory_space<vmem>>, vector<16xf32>,
        %parallel_loop3A_298 = arith.index_cast %parallel_loop3A_256 : i32 to index
        %parallel_loop3A_299 = arith.constant 80 : index
        %parallel_loop3A_300 = tpu.vector_load %arg8[%parallel_loop3A_298, %parallel_loop3A_299] {strides = array<i32>} : memref<40x128xf32, #tpu.memory_space<vmem>>, vector<16xf32>,
        %parallel_loop3A_301 = arith.index_cast %parallel_loop3A_256 : i32 to index
        %parallel_loop3A_302 = arith.constant 64 : index
        %parallel_loop3A_303 = tpu.vector_load %arg13[%parallel_loop3A_301, %parallel_loop3A_302] {strides = array<i32>} : memref<40x128xf32, #tpu.memory_space<vmem>>, vector<16xf32>,
        %parallel_loop3A_304 = arith.index_cast %parallel_loop3A_256 : i32 to index
        %parallel_loop3A_305 = arith.constant 80 : index
        %parallel_loop3A_306 = tpu.vector_load %arg13[%parallel_loop3A_304, %parallel_loop3A_305] {strides = array<i32>} : memref<40x128xf32, #tpu.memory_space<vmem>>, vector<16xf32>,
        %parallel_loop3A_307 = arith.mulf %parallel_loop3A_297, %parallel_loop3A_303 : vector<16xf32>
        %parallel_loop3A_308 = arith.mulf %parallel_loop3A_300, %parallel_loop3A_306 : vector<16xf32>
        %parallel_loop3A_309 = tpu.pack_subelements %parallel_loop3A_307, %parallel_loop3A_308 {pack_format = #tpu.pack_format<interleaved>, positions = array<i32: 0, 1>} : vector<16xf32>, vector<16xf32> -> vector<32xbf16>
        %parallel_loop3A_310 = vector.bitcast %parallel_loop3A_309 : vector<32xbf16> to vector<16xf32>
        %parallel_loop3A_311 = arith.index_cast %parallel_loop3A_256 : i32 to index
        %parallel_loop3A_312 = arith.constant 32 : index
        %parallel_loop3A_313 = tpu.vector_load %arg18[%parallel_loop3A_311, %parallel_loop3A_312] {strides = array<i32>} : memref<40x64xf32, #tpu.memory_space<vmem>>, vector<16xf32>,
        tpu.vector_store %arg18[%parallel_loop3A_311, %parallel_loop3A_312], %parallel_loop3A_310 {strides = array<i32>} : memref<40x64xf32, #tpu.memory_space<vmem>>, vector<16xf32>,
        %parallel_loop3A_314 = arith.index_cast %parallel_loop3A_256 : i32 to index
        %parallel_loop3A_315 = arith.constant 96 : index
        %parallel_loop3A_316 = tpu.vector_load %arg8[%parallel_loop3A_314, %parallel_loop3A_315] {strides = array<i32>} : memref<40x128xf32, #tpu.memory_space<vmem>>, vector<16xf32>,
        %parallel_loop3A_317 = arith.index_cast %parallel_loop3A_256 : i32 to index
        %parallel_loop3A_318 = arith.constant 112 : index
        %parallel_loop3A_319 = tpu.vector_load %arg8[%parallel_loop3A_317, %parallel_loop3A_318] {strides = array<i32>} : memref<40x128xf32, #tpu.memory_space<vmem>>, vector<16xf32>,
        %parallel_loop3A_320 = arith.index_cast %parallel_loop3A_256 : i32 to index
        %parallel_loop3A_321 = arith.constant 96 : index
        %parallel_loop3A_322 = tpu.vector_load %arg13[%parallel_loop3A_320, %parallel_loop3A_321] {strides = array<i32>} : memref<40x128xf32, #tpu.memory_space<vmem>>, vector<16xf32>,
        %parallel_loop3A_323 = arith.index_cast %parallel_loop3A_256 : i32 to index
        %parallel_loop3A_324 = arith.constant 112 : index
        %parallel_loop3A_325 = tpu.vector_load %arg13[%parallel_loop3A_323, %parallel_loop3A_324] {strides = array<i32>} : memref<40x128xf32, #tpu.memory_space<vmem>>, vector<16xf32>,
        %parallel_loop3A_326 = arith.mulf %parallel_loop3A_316, %parallel_loop3A_322 : vector<16xf32>
        %parallel_loop3A_327 = arith.mulf %parallel_loop3A_319, %parallel_loop3A_325 : vector<16xf32>
        %parallel_loop3A_328 = tpu.pack_subelements %parallel_loop3A_326, %parallel_loop3A_327 {pack_format = #tpu.pack_format<interleaved>, positions = array<i32: 0, 1>} : vector<16xf32>, vector<16xf32> -> vector<32xbf16>
        %parallel_loop3A_329 = vector.bitcast %parallel_loop3A_328 : vector<32xbf16> to vector<16xf32>
        %parallel_loop3A_330 = arith.index_cast %parallel_loop3A_256 : i32 to index
        %parallel_loop3A_331 = arith.constant 48 : index
        %parallel_loop3A_332 = tpu.vector_load %arg18[%parallel_loop3A_330, %parallel_loop3A_331] {strides = array<i32>} : memref<40x64xf32, #tpu.memory_space<vmem>>, vector<16xf32>,
        tpu.vector_store %arg18[%parallel_loop3A_330, %parallel_loop3A_331], %parallel_loop3A_329 {strides = array<i32>} : memref<40x64xf32, #tpu.memory_space<vmem>>, vector<16xf32>,
      } {sc.loop_unroll_factor = 4 : i64, sc.parallel_access}
      %mul3A_99 = arith.constant 40 : i32
      %mul3A_100 = arith.muli %add3A_84, %mul3A_99 : i32
      %add3A_101 = arith.addi %mul3A_2, %mul3A_100 : i32
      %dma_start3A_102 = arith.constant 0 : i32
      %dma_start3A_103 = tpu.memref_slice %arg5[%add3A_101, %dma_start3A_102] : memref<160000x64xf32, #tpu.memory_space<hbm>> -> memref<40x64xf32, #tpu.memory_space<hbm>>
      %dma_start3A_104 = arith.constant 0 : i32
      %dma_start3A_105 = tpu.memref_slice %arg5[%add3A_101, %dma_start3A_104] : memref<160000x64xf32, #tpu.memory_space<hbm>> -> memref<40x64xf32, #tpu.memory_space<hbm>>
      tpu.enqueue_dma source(%arg18 : memref<40x64xf32, #tpu.memory_space<vmem>>) target(%dma_start3A_105 : memref<40x64xf32, #tpu.memory_space<hbm>>) target_semaphore(%arg33 : memref<!tpu.dma_semaphore, #tpu.memory_space<semaphore_mem>>)
      %add3A_106 = arith.constant 5 : i32
      %add3A_107 = arith.addi %add3A_84, %add3A_106 : i32
      %lt3A = arith.constant 125 : i32
      %lt3A_108 = arith.cmpi slt, %add3A_107, %lt3A : i32
      %convert_element_type3A_109 = arith.extui %lt3A_108 : i1 to i32
      %cond3A_110 = arith.constant 0 : i32
      %cond3A_111 = arith.cmpi ne, %convert_element_type3A_109, %cond3A_110 : i32
      scf.if %cond3A_111 {
        %add3A_256 = arith.constant 5 : i32
        %add3A_257 = arith.addi %add3A_84, %add3A_256 : i32
        %mul3A_258 = arith.constant 40 : i32
        %mul3A_259 = arith.muli %add3A_257, %mul3A_258 : i32
        %dma_start3A_260 = tpu.memref_slice %arg6[%mul3A_259] : memref<5000xi32, #tpu.memory_space<vmem>> -> memref<40xi32, #tpu.memory_space<vmem>>
        %dma_start3A_261 = arith.constant 0 : i32
        %dma_start3A_262 = arith.constant 0 : i32
        %dma_start3A_263 = tpu.memref_slice %arg2[%dma_start3A_261, %dma_start3A_262] : memref<10000x128xf32, #tpu.memory_space<hbm>> -> memref<10000x128xf32, #tpu.memory_space<hbm>>
        tpu.enqueue_indirect_dma source(%dma_start3A_263 : memref<10000x128xf32, #tpu.memory_space<hbm>>) target(%arg8 : memref<40x128xf32, #tpu.memory_space<vmem>>) offsets(%dma_start3A_260 : memref<40xi32, #tpu.memory_space<vmem>>) semaphore(%arg23 : memref<!tpu.dma_semaphore, #tpu.memory_space<semaphore_mem>>)
        %mul3A_264 = arith.constant 40 : i32
        %mul3A_265 = arith.muli %add3A_257, %mul3A_264 : i32
        %dma_start3A_266 = tpu.memref_slice %arg7[%mul3A_265] : memref<5000xi32, #tpu.memory_space<vmem>> -> memref<40xi32, #tpu.memory_space<vmem>>
        %dma_start3A_267 = arith.constant 0 : i32
        %dma_start3A_268 = arith.constant 0 : i32
        %dma_start3A_269 = tpu.memref_slice %arg3[%dma_start3A_267, %dma_start3A_268] : memref<10000x128xf32, #tpu.memory_space<hbm>> -> memref<10000x128xf32, #tpu.memory_space<hbm>>
        tpu.enqueue_indirect_dma source(%dma_start3A_269 : memref<10000x128xf32, #tpu.memory_space<hbm>>) target(%arg13 : memref<40x128xf32, #tpu.memory_space<vmem>>) offsets(%dma_start3A_266 : memref<40xi32, #tpu.memory_space<vmem>>) semaphore(%arg28 : memref<!tpu.dma_semaphore, #tpu.memory_space<semaphore_mem>>)
      } else {
      }
      %mul3A_112 = arith.constant 5 : i32
      %mul3A_113 = arith.muli %mul3A_112, %scan3A_80 : i32
      %add3A_114 = arith.constant 1 : i32
      %add3A_115 = arith.addi %mul3A_113, %add3A_114 : i32
      %dma_wait3A_116 = arith.constant 0 : i32
      %dma_wait3A_117 = tpu.memref_slice %arg6[%dma_wait3A_116] : memref<5000xi32, #tpu.memory_space<vmem>> -> memref<40xi32, #tpu.memory_space<vmem>>
      %dma_wait3A_118 = arith.constant 0 : i32
      %dma_wait3A_119 = arith.constant 0 : i32
      %dma_wait3A_120 = tpu.memref_slice %arg2[%dma_wait3A_118, %dma_wait3A_119] : memref<10000x128xf32, #tpu.memory_space<hbm>> -> memref<10000x128xf32, #tpu.memory_space<hbm>>
      tpu.wait_indirect_dma semaphore(%arg24 : memref<!tpu.dma_semaphore, #tpu.memory_space<semaphore_mem>>) src(%dma_wait3A_120 : memref<10000x128xf32, #tpu.memory_space<hbm>>) dst(%arg9 : memref<40x128xf32, #tpu.memory_space<vmem>>)
      %dma_wait3A_121 = arith.constant 0 : i32
      %dma_wait3A_122 = tpu.memref_slice %arg7[%dma_wait3A_121] : memref<5000xi32, #tpu.memory_space<vmem>> -> memref<40xi32, #tpu.memory_space<vmem>>
      %dma_wait3A_123 = arith.constant 0 : i32
      %dma_wait3A_124 = arith.constant 0 : i32
      %dma_wait3A_125 = tpu.memref_slice %arg3[%dma_wait3A_123, %dma_wait3A_124] : memref<10000x128xf32, #tpu.memory_space<hbm>> -> memref<10000x128xf32, #tpu.memory_space<hbm>>
      tpu.wait_indirect_dma semaphore(%arg29 : memref<!tpu.dma_semaphore, #tpu.memory_space<semaphore_mem>>) src(%dma_wait3A_125 : memref<10000x128xf32, #tpu.memory_space<hbm>>) dst(%arg14 : memref<40x128xf32, #tpu.memory_space<vmem>>)
      %ge3A_126 = arith.constant 5 : i32
      %ge3A_127 = arith.cmpi sge, %add3A_115, %ge3A_126 : i32
      %convert_element_type3A_128 = arith.extui %ge3A_127 : i1 to i32
      %cond3A_129 = arith.constant 0 : i32
      %cond3A_130 = arith.cmpi ne, %convert_element_type3A_128, %cond3A_129 : i32
      scf.if %cond3A_130 {
        %dma_wait3A_256 = arith.constant 0 : i32
        %dma_wait3A_257 = tpu.memref_slice %arg5[%mul3A_2, %dma_wait3A_256] : memref<160000x64xf32, #tpu.memory_space<hbm>> -> memref<40x64xf32, #tpu.memory_space<hbm>>
        %dma_wait3A_258 = arith.constant 0 : i32
        %dma_wait3A_259 = tpu.memref_slice %arg5[%mul3A_2, %dma_wait3A_258] : memref<160000x64xf32, #tpu.memory_space<hbm>> -> memref<40x64xf32, #tpu.memory_space<hbm>>
        tpu.wait_dma2 semaphore(%arg34 : memref<!tpu.dma_semaphore, #tpu.memory_space<semaphore_mem>>) src(%arg19 : memref<40x64xf32, #tpu.memory_space<vmem>>) dst(%dma_wait3A_259 : memref<40x64xf32, #tpu.memory_space<hbm>>)
      } else {
      }
      %parallel_loop3A_131 = arith.constant 0 : i32
      %parallel_loop3A_132 = arith.constant 40 : i32
      %parallel_loop3A_133 = arith.constant 1 : i32
      scf.for %parallel_loop3A_256 = %parallel_loop3A_131 to %parallel_loop3A_132 step %parallel_loop3A_133  : i32 {
        %parallel_loop3A_257 = arith.index_cast %parallel_loop3A_256 : i32 to index
        %parallel_loop3A_258 = arith.constant 0 : index
        %parallel_loop3A_259 = tpu.vector_load %arg9[%parallel_loop3A_257, %parallel_loop3A_258] {strides = array<i32>} : memref<40x128xf32, #tpu.memory_space<vmem>>, vector<16xf32>,
        %parallel_loop3A_260 = arith.index_cast %parallel_loop3A_256 : i32 to index
        %parallel_loop3A_261 = arith.constant 16 : index
        %parallel_loop3A_262 = tpu.vector_load %arg9[%parallel_loop3A_260, %parallel_loop3A_261] {strides = array<i32>} : memref<40x128xf32, #tpu.memory_space<vmem>>, vector<16xf32>,
        %parallel_loop3A_263 = arith.index_cast %parallel_loop3A_256 : i32 to index
        %parallel_loop3A_264 = arith.constant 0 : index
        %parallel_loop3A_265 = tpu.vector_load %arg14[%parallel_loop3A_263, %parallel_loop3A_264] {strides = array<i32>} : memref<40x128xf32, #tpu.memory_space<vmem>>, vector<16xf32>,
        %parallel_loop3A_266 = arith.index_cast %parallel_loop3A_256 : i32 to index
        %parallel_loop3A_267 = arith.constant 16 : index
        %parallel_loop3A_268 = tpu.vector_load %arg14[%parallel_loop3A_266, %parallel_loop3A_267] {strides = array<i32>} : memref<40x128xf32, #tpu.memory_space<vmem>>, vector<16xf32>,
        %parallel_loop3A_269 = arith.mulf %parallel_loop3A_259, %parallel_loop3A_265 : vector<16xf32>
        %parallel_loop3A_270 = arith.mulf %parallel_loop3A_262, %parallel_loop3A_268 : vector<16xf32>
        %parallel_loop3A_271 = tpu.pack_subelements %parallel_loop3A_269, %parallel_loop3A_270 {pack_format = #tpu.pack_format<interleaved>, positions = array<i32: 0, 1>} : vector<16xf32>, vector<16xf32> -> vector<32xbf16>
        %parallel_loop3A_272 = vector.bitcast %parallel_loop3A_271 : vector<32xbf16> to vector<16xf32>
        %parallel_loop3A_273 = arith.index_cast %parallel_loop3A_256 : i32 to index
        %parallel_loop3A_274 = arith.constant 0 : index
        %parallel_loop3A_275 = tpu.vector_load %arg19[%parallel_loop3A_273, %parallel_loop3A_274] {strides = array<i32>} : memref<40x64xf32, #tpu.memory_space<vmem>>, vector<16xf32>,
        tpu.vector_store %arg19[%parallel_loop3A_273, %parallel_loop3A_274], %parallel_loop3A_272 {strides = array<i32>} : memref<40x64xf32, #tpu.memory_space<vmem>>, vector<16xf32>,
        %parallel_loop3A_276 = arith.index_cast %parallel_loop3A_256 : i32 to index
        %parallel_loop3A_277 = arith.constant 32 : index
        %parallel_loop3A_278 = tpu.vector_load %arg9[%parallel_loop3A_276, %parallel_loop3A_277] {strides = array<i32>} : memref<40x128xf32, #tpu.memory_space<vmem>>, vector<16xf32>,
        %parallel_loop3A_279 = arith.index_cast %parallel_loop3A_256 : i32 to index
        %parallel_loop3A_280 = arith.constant 48 : index
        %parallel_loop3A_281 = tpu.vector_load %arg9[%parallel_loop3A_279, %parallel_loop3A_280] {strides = array<i32>} : memref<40x128xf32, #tpu.memory_space<vmem>>, vector<16xf32>,
        %parallel_loop3A_282 = arith.index_cast %parallel_loop3A_256 : i32 to index
        %parallel_loop3A_283 = arith.constant 32 : index
        %parallel_loop3A_284 = tpu.vector_load %arg14[%parallel_loop3A_282, %parallel_loop3A_283] {strides = array<i32>} : memref<40x128xf32, #tpu.memory_space<vmem>>, vector<16xf32>,
        %parallel_loop3A_285 = arith.index_cast %parallel_loop3A_256 : i32 to index
        %parallel_loop3A_286 = arith.constant 48 : index
        %parallel_loop3A_287 = tpu.vector_load %arg14[%parallel_loop3A_285, %parallel_loop3A_286] {strides = array<i32>} : memref<40x128xf32, #tpu.memory_space<vmem>>, vector<16xf32>,
        %parallel_loop3A_288 = arith.mulf %parallel_loop3A_278, %parallel_loop3A_284 : vector<16xf32>
        %parallel_loop3A_289 = arith.mulf %parallel_loop3A_281, %parallel_loop3A_287 : vector<16xf32>
        %parallel_loop3A_290 = tpu.pack_subelements %parallel_loop3A_288, %parallel_loop3A_289 {pack_format = #tpu.pack_format<interleaved>, positions = array<i32: 0, 1>} : vector<16xf32>, vector<16xf32> -> vector<32xbf16>
        %parallel_loop3A_291 = vector.bitcast %parallel_loop3A_290 : vector<32xbf16> to vector<16xf32>
        %parallel_loop3A_292 = arith.index_cast %parallel_loop3A_256 : i32 to index
        %parallel_loop3A_293 = arith.constant 16 : index
        %parallel_loop3A_294 = tpu.vector_load %arg19[%parallel_loop3A_292, %parallel_loop3A_293] {strides = array<i32>} : memref<40x64xf32, #tpu.memory_space<vmem>>, vector<16xf32>,
        tpu.vector_store %arg19[%parallel_loop3A_292, %parallel_loop3A_293], %parallel_loop3A_291 {strides = array<i32>} : memref<40x64xf32, #tpu.memory_space<vmem>>, vector<16xf32>,
        %parallel_loop3A_295 = arith.index_cast %parallel_loop3A_256 : i32 to index
        %parallel_loop3A_296 = arith.constant 64 : index
        %parallel_loop3A_297 = tpu.vector_load %arg9[%parallel_loop3A_295, %parallel_loop3A_296] {strides = array<i32>} : memref<40x128xf32, #tpu.memory_space<vmem>>, vector<16xf32>,
        %parallel_loop3A_298 = arith.index_cast %parallel_loop3A_256 : i32 to index
        %parallel_loop3A_299 = arith.constant 80 : index
        %parallel_loop3A_300 = tpu.vector_load %arg9[%parallel_loop3A_298, %parallel_loop3A_299] {strides = array<i32>} : memref<40x128xf32, #tpu.memory_space<vmem>>, vector<16xf32>,
        %parallel_loop3A_301 = arith.index_cast %parallel_loop3A_256 : i32 to index
        %parallel_loop3A_302 = arith.constant 64 : index
        %parallel_loop3A_303 = tpu.vector_load %arg14[%parallel_loop3A_301, %parallel_loop3A_302] {strides = array<i32>} : memref<40x128xf32, #tpu.memory_space<vmem>>, vector<16xf32>,
        %parallel_loop3A_304 = arith.index_cast %parallel_loop3A_256 : i32 to index
        %parallel_loop3A_305 = arith.constant 80 : index
        %parallel_loop3A_306 = tpu.vector_load %arg14[%parallel_loop3A_304, %parallel_loop3A_305] {strides = array<i32>} : memref<40x128xf32, #tpu.memory_space<vmem>>, vector<16xf32>,
        %parallel_loop3A_307 = arith.mulf %parallel_loop3A_297, %parallel_loop3A_303 : vector<16xf32>
        %parallel_loop3A_308 = arith.mulf %parallel_loop3A_300, %parallel_loop3A_306 : vector<16xf32>
        %parallel_loop3A_309 = tpu.pack_subelements %parallel_loop3A_307, %parallel_loop3A_308 {pack_format = #tpu.pack_format<interleaved>, positions = array<i32: 0, 1>} : vector<16xf32>, vector<16xf32> -> vector<32xbf16>
        %parallel_loop3A_310 = vector.bitcast %parallel_loop3A_309 : vector<32xbf16> to vector<16xf32>
        %parallel_loop3A_311 = arith.index_cast %parallel_loop3A_256 : i32 to index
        %parallel_loop3A_312 = arith.constant 32 : index
        %parallel_loop3A_313 = tpu.vector_load %arg19[%parallel_loop3A_311, %parallel_loop3A_312] {strides = array<i32>} : memref<40x64xf32, #tpu.memory_space<vmem>>, vector<16xf32>,
        tpu.vector_store %arg19[%parallel_loop3A_311, %parallel_loop3A_312], %parallel_loop3A_310 {strides = array<i32>} : memref<40x64xf32, #tpu.memory_space<vmem>>, vector<16xf32>,
        %parallel_loop3A_314 = arith.index_cast %parallel_loop3A_256 : i32 to index
        %parallel_loop3A_315 = arith.constant 96 : index
        %parallel_loop3A_316 = tpu.vector_load %arg9[%parallel_loop3A_314, %parallel_loop3A_315] {strides = array<i32>} : memref<40x128xf32, #tpu.memory_space<vmem>>, vector<16xf32>,
        %parallel_loop3A_317 = arith.index_cast %parallel_loop3A_256 : i32 to index
        %parallel_loop3A_318 = arith.constant 112 : index
        %parallel_loop3A_319 = tpu.vector_load %arg9[%parallel_loop3A_317, %parallel_loop3A_318] {strides = array<i32>} : memref<40x128xf32, #tpu.memory_space<vmem>>, vector<16xf32>,
        %parallel_loop3A_320 = arith.index_cast %parallel_loop3A_256 : i32 to index
        %parallel_loop3A_321 = arith.constant 96 : index
        %parallel_loop3A_322 = tpu.vector_load %arg14[%parallel_loop3A_320, %parallel_loop3A_321] {strides = array<i32>} : memref<40x128xf32, #tpu.memory_space<vmem>>, vector<16xf32>,
        %parallel_loop3A_323 = arith.index_cast %parallel_loop3A_256 : i32 to index
        %parallel_loop3A_324 = arith.constant 112 : index
        %parallel_loop3A_325 = tpu.vector_load %arg14[%parallel_loop3A_323, %parallel_loop3A_324] {strides = array<i32>} : memref<40x128xf32, #tpu.memory_space<vmem>>, vector<16xf32>,
        %parallel_loop3A_326 = arith.mulf %parallel_loop3A_316, %parallel_loop3A_322 : vector<16xf32>
        %parallel_loop3A_327 = arith.mulf %parallel_loop3A_319, %parallel_loop3A_325 : vector<16xf32>
        %parallel_loop3A_328 = tpu.pack_subelements %parallel_loop3A_326, %parallel_loop3A_327 {pack_format = #tpu.pack_format<interleaved>, positions = array<i32: 0, 1>} : vector<16xf32>, vector<16xf32> -> vector<32xbf16>
        %parallel_loop3A_329 = vector.bitcast %parallel_loop3A_328 : vector<32xbf16> to vector<16xf32>
        %parallel_loop3A_330 = arith.index_cast %parallel_loop3A_256 : i32 to index
        %parallel_loop3A_331 = arith.constant 48 : index
        %parallel_loop3A_332 = tpu.vector_load %arg19[%parallel_loop3A_330, %parallel_loop3A_331] {strides = array<i32>} : memref<40x64xf32, #tpu.memory_space<vmem>>, vector<16xf32>,
        tpu.vector_store %arg19[%parallel_loop3A_330, %parallel_loop3A_331], %parallel_loop3A_329 {strides = array<i32>} : memref<40x64xf32, #tpu.memory_space<vmem>>, vector<16xf32>,
      } {sc.loop_unroll_factor = 4 : i64, sc.parallel_access}
      %mul3A_134 = arith.constant 40 : i32
      %mul3A_135 = arith.muli %add3A_115, %mul3A_134 : i32
      %add3A_136 = arith.addi %mul3A_2, %mul3A_135 : i32
      %dma_start3A_137 = arith.constant 0 : i32
      %dma_start3A_138 = tpu.memref_slice %arg5[%add3A_136, %dma_start3A_137] : memref<160000x64xf32, #tpu.memory_space<hbm>> -> memref<40x64xf32, #tpu.memory_space<hbm>>
      %dma_start3A_139 = arith.constant 0 : i32
      %dma_start3A_140 = tpu.memref_slice %arg5[%add3A_136, %dma_start3A_139] : memref<160000x64xf32, #tpu.memory_space<hbm>> -> memref<40x64xf32, #tpu.memory_space<hbm>>
      tpu.enqueue_dma source(%arg19 : memref<40x64xf32, #tpu.memory_space<vmem>>) target(%dma_start3A_140 : memref<40x64xf32, #tpu.memory_space<hbm>>) target_semaphore(%arg34 : memref<!tpu.dma_semaphore, #tpu.memory_space<semaphore_mem>>)
      %add3A_141 = arith.constant 5 : i32
      %add3A_142 = arith.addi %add3A_115, %add3A_141 : i32
      %lt3A_143 = arith.constant 125 : i32
      %lt3A_144 = arith.cmpi slt, %add3A_142, %lt3A_143 : i32
      %convert_element_type3A_145 = arith.extui %lt3A_144 : i1 to i32
      %cond3A_146 = arith.constant 0 : i32
      %cond3A_147 = arith.cmpi ne, %convert_element_type3A_145, %cond3A_146 : i32
      scf.if %cond3A_147 {
        %add3A_256 = arith.constant 5 : i32
        %add3A_257 = arith.addi %add3A_115, %add3A_256 : i32
        %mul3A_258 = arith.constant 40 : i32
        %mul3A_259 = arith.muli %add3A_257, %mul3A_258 : i32
        %dma_start3A_260 = tpu.memref_slice %arg6[%mul3A_259] : memref<5000xi32, #tpu.memory_space<vmem>> -> memref<40xi32, #tpu.memory_space<vmem>>
        %dma_start3A_261 = arith.constant 0 : i32
        %dma_start3A_262 = arith.constant 0 : i32
        %dma_start3A_263 = tpu.memref_slice %arg2[%dma_start3A_261, %dma_start3A_262] : memref<10000x128xf32, #tpu.memory_space<hbm>> -> memref<10000x128xf32, #tpu.memory_space<hbm>>
        tpu.enqueue_indirect_dma source(%dma_start3A_263 : memref<10000x128xf32, #tpu.memory_space<hbm>>) target(%arg9 : memref<40x128xf32, #tpu.memory_space<vmem>>) offsets(%dma_start3A_260 : memref<40xi32, #tpu.memory_space<vmem>>) semaphore(%arg24 : memref<!tpu.dma_semaphore, #tpu.memory_space<semaphore_mem>>)
        %mul3A_264 = arith.constant 40 : i32
        %mul3A_265 = arith.muli %add3A_257, %mul3A_264 : i32
        %dma_start3A_266 = tpu.memref_slice %arg7[%mul3A_265] : memref<5000xi32, #tpu.memory_space<vmem>> -> memref<40xi32, #tpu.memory_space<vmem>>
        %dma_start3A_267 = arith.constant 0 : i32
        %dma_start3A_268 = arith.constant 0 : i32
        %dma_start3A_269 = tpu.memref_slice %arg3[%dma_start3A_267, %dma_start3A_268] : memref<10000x128xf32, #tpu.memory_space<hbm>> -> memref<10000x128xf32, #tpu.memory_space<hbm>>
        tpu.enqueue_indirect_dma source(%dma_start3A_269 : memref<10000x128xf32, #tpu.memory_space<hbm>>) target(%arg14 : memref<40x128xf32, #tpu.memory_space<vmem>>) offsets(%dma_start3A_266 : memref<40xi32, #tpu.memory_space<vmem>>) semaphore(%arg29 : memref<!tpu.dma_semaphore, #tpu.memory_space<semaphore_mem>>)
      } else {
      }
      %mul3A_148 = arith.constant 5 : i32
      %mul3A_149 = arith.muli %mul3A_148, %scan3A_80 : i32
      %add3A_150 = arith.constant 2 : i32
      %add3A_151 = arith.addi %mul3A_149, %add3A_150 : i32
      %dma_wait3A_152 = arith.constant 0 : i32
      %dma_wait3A_153 = tpu.memref_slice %arg6[%dma_wait3A_152] : memref<5000xi32, #tpu.memory_space<vmem>> -> memref<40xi32, #tpu.memory_space<vmem>>
      %dma_wait3A_154 = arith.constant 0 : i32
      %dma_wait3A_155 = arith.constant 0 : i32
      %dma_wait3A_156 = tpu.memref_slice %arg2[%dma_wait3A_154, %dma_wait3A_155] : memref<10000x128xf32, #tpu.memory_space<hbm>> -> memref<10000x128xf32, #tpu.memory_space<hbm>>
      tpu.wait_indirect_dma semaphore(%arg25 : memref<!tpu.dma_semaphore, #tpu.memory_space<semaphore_mem>>) src(%dma_wait3A_156 : memref<10000x128xf32, #tpu.memory_space<hbm>>) dst(%arg10 : memref<40x128xf32, #tpu.memory_space<vmem>>)
      %dma_wait3A_157 = arith.constant 0 : i32
      %dma_wait3A_158 = tpu.memref_slice %arg7[%dma_wait3A_157] : memref<5000xi32, #tpu.memory_space<vmem>> -> memref<40xi32, #tpu.memory_space<vmem>>
      %dma_wait3A_159 = arith.constant 0 : i32
      %dma_wait3A_160 = arith.constant 0 : i32
      %dma_wait3A_161 = tpu.memref_slice %arg3[%dma_wait3A_159, %dma_wait3A_160] : memref<10000x128xf32, #tpu.memory_space<hbm>> -> memref<10000x128xf32, #tpu.memory_space<hbm>>
      tpu.wait_indirect_dma semaphore(%arg30 : memref<!tpu.dma_semaphore, #tpu.memory_space<semaphore_mem>>) src(%dma_wait3A_161 : memref<10000x128xf32, #tpu.memory_space<hbm>>) dst(%arg15 : memref<40x128xf32, #tpu.memory_space<vmem>>)
      %ge3A_162 = arith.constant 5 : i32
      %ge3A_163 = arith.cmpi sge, %add3A_151, %ge3A_162 : i32
      %convert_element_type3A_164 = arith.extui %ge3A_163 : i1 to i32
      %cond3A_165 = arith.constant 0 : i32
      %cond3A_166 = arith.cmpi ne, %convert_element_type3A_164, %cond3A_165 : i32
      scf.if %cond3A_166 {
        %dma_wait3A_256 = arith.constant 0 : i32
        %dma_wait3A_257 = tpu.memref_slice %arg5[%mul3A_2, %dma_wait3A_256] : memref<160000x64xf32, #tpu.memory_space<hbm>> -> memref<40x64xf32, #tpu.memory_space<hbm>>
        %dma_wait3A_258 = arith.constant 0 : i32
        %dma_wait3A_259 = tpu.memref_slice %arg5[%mul3A_2, %dma_wait3A_258] : memref<160000x64xf32, #tpu.memory_space<hbm>> -> memref<40x64xf32, #tpu.memory_space<hbm>>
        tpu.wait_dma2 semaphore(%arg35 : memref<!tpu.dma_semaphore, #tpu.memory_space<semaphore_mem>>) src(%arg20 : memref<40x64xf32, #tpu.memory_space<vmem>>) dst(%dma_wait3A_259 : memref<40x64xf32, #tpu.memory_space<hbm>>)
      } else {
      }
      %parallel_loop3A_167 = arith.constant 0 : i32
      %parallel_loop3A_168 = arith.constant 40 : i32
      %parallel_loop3A_169 = arith.constant 1 : i32
      scf.for %parallel_loop3A_256 = %parallel_loop3A_167 to %parallel_loop3A_168 step %parallel_loop3A_169  : i32 {
        %parallel_loop3A_257 = arith.index_cast %parallel_loop3A_256 : i32 to index
        %parallel_loop3A_258 = arith.constant 0 : index
        %parallel_loop3A_259 = tpu.vector_load %arg10[%parallel_loop3A_257, %parallel_loop3A_258] {strides = array<i32>} : memref<40x128xf32, #tpu.memory_space<vmem>>, vector<16xf32>,
        %parallel_loop3A_260 = arith.index_cast %parallel_loop3A_256 : i32 to index
        %parallel_loop3A_261 = arith.constant 16 : index
        %parallel_loop3A_262 = tpu.vector_load %arg10[%parallel_loop3A_260, %parallel_loop3A_261] {strides = array<i32>} : memref<40x128xf32, #tpu.memory_space<vmem>>, vector<16xf32>,
        %parallel_loop3A_263 = arith.index_cast %parallel_loop3A_256 : i32 to index
        %parallel_loop3A_264 = arith.constant 0 : index
        %parallel_loop3A_265 = tpu.vector_load %arg15[%parallel_loop3A_263, %parallel_loop3A_264] {strides = array<i32>} : memref<40x128xf32, #tpu.memory_space<vmem>>, vector<16xf32>,
        %parallel_loop3A_266 = arith.index_cast %parallel_loop3A_256 : i32 to index
        %parallel_loop3A_267 = arith.constant 16 : index
        %parallel_loop3A_268 = tpu.vector_load %arg15[%parallel_loop3A_266, %parallel_loop3A_267] {strides = array<i32>} : memref<40x128xf32, #tpu.memory_space<vmem>>, vector<16xf32>,
        %parallel_loop3A_269 = arith.mulf %parallel_loop3A_259, %parallel_loop3A_265 : vector<16xf32>
        %parallel_loop3A_270 = arith.mulf %parallel_loop3A_262, %parallel_loop3A_268 : vector<16xf32>
        %parallel_loop3A_271 = tpu.pack_subelements %parallel_loop3A_269, %parallel_loop3A_270 {pack_format = #tpu.pack_format<interleaved>, positions = array<i32: 0, 1>} : vector<16xf32>, vector<16xf32> -> vector<32xbf16>
        %parallel_loop3A_272 = vector.bitcast %parallel_loop3A_271 : vector<32xbf16> to vector<16xf32>
        %parallel_loop3A_273 = arith.index_cast %parallel_loop3A_256 : i32 to index
        %parallel_loop3A_274 = arith.constant 0 : index
        %parallel_loop3A_275 = tpu.vector_load %arg20[%parallel_loop3A_273, %parallel_loop3A_274] {strides = array<i32>} : memref<40x64xf32, #tpu.memory_space<vmem>>, vector<16xf32>,
        tpu.vector_store %arg20[%parallel_loop3A_273, %parallel_loop3A_274], %parallel_loop3A_272 {strides = array<i32>} : memref<40x64xf32, #tpu.memory_space<vmem>>, vector<16xf32>,
        %parallel_loop3A_276 = arith.index_cast %parallel_loop3A_256 : i32 to index
        %parallel_loop3A_277 = arith.constant 32 : index
        %parallel_loop3A_278 = tpu.vector_load %arg10[%parallel_loop3A_276, %parallel_loop3A_277] {strides = array<i32>} : memref<40x128xf32, #tpu.memory_space<vmem>>, vector<16xf32>,
        %parallel_loop3A_279 = arith.index_cast %parallel_loop3A_256 : i32 to index
        %parallel_loop3A_280 = arith.constant 48 : index
        %parallel_loop3A_281 = tpu.vector_load %arg10[%parallel_loop3A_279, %parallel_loop3A_280] {strides = array<i32>} : memref<40x128xf32, #tpu.memory_space<vmem>>, vector<16xf32>,
        %parallel_loop3A_282 = arith.index_cast %parallel_loop3A_256 : i32 to index
        %parallel_loop3A_283 = arith.constant 32 : index
        %parallel_loop3A_284 = tpu.vector_load %arg15[%parallel_loop3A_282, %parallel_loop3A_283] {strides = array<i32>} : memref<40x128xf32, #tpu.memory_space<vmem>>, vector<16xf32>,
        %parallel_loop3A_285 = arith.index_cast %parallel_loop3A_256 : i32 to index
        %parallel_loop3A_286 = arith.constant 48 : index
        %parallel_loop3A_287 = tpu.vector_load %arg15[%parallel_loop3A_285, %parallel_loop3A_286] {strides = array<i32>} : memref<40x128xf32, #tpu.memory_space<vmem>>, vector<16xf32>,
        %parallel_loop3A_288 = arith.mulf %parallel_loop3A_278, %parallel_loop3A_284 : vector<16xf32>
        %parallel_loop3A_289 = arith.mulf %parallel_loop3A_281, %parallel_loop3A_287 : vector<16xf32>
        %parallel_loop3A_290 = tpu.pack_subelements %parallel_loop3A_288, %parallel_loop3A_289 {pack_format = #tpu.pack_format<interleaved>, positions = array<i32: 0, 1>} : vector<16xf32>, vector<16xf32> -> vector<32xbf16>
        %parallel_loop3A_291 = vector.bitcast %parallel_loop3A_290 : vector<32xbf16> to vector<16xf32>
        %parallel_loop3A_292 = arith.index_cast %parallel_loop3A_256 : i32 to index
        %parallel_loop3A_293 = arith.constant 16 : index
        %parallel_loop3A_294 = tpu.vector_load %arg20[%parallel_loop3A_292, %parallel_loop3A_293] {strides = array<i32>} : memref<40x64xf32, #tpu.memory_space<vmem>>, vector<16xf32>,
        tpu.vector_store %arg20[%parallel_loop3A_292, %parallel_loop3A_293], %parallel_loop3A_291 {strides = array<i32>} : memref<40x64xf32, #tpu.memory_space<vmem>>, vector<16xf32>,
        %parallel_loop3A_295 = arith.index_cast %parallel_loop3A_256 : i32 to index
        %parallel_loop3A_296 = arith.constant 64 : index
        %parallel_loop3A_297 = tpu.vector_load %arg10[%parallel_loop3A_295, %parallel_loop3A_296] {strides = array<i32>} : memref<40x128xf32, #tpu.memory_space<vmem>>, vector<16xf32>,
        %parallel_loop3A_298 = arith.index_cast %parallel_loop3A_256 : i32 to index
        %parallel_loop3A_299 = arith.constant 80 : index
        %parallel_loop3A_300 = tpu.vector_load %arg10[%parallel_loop3A_298, %parallel_loop3A_299] {strides = array<i32>} : memref<40x128xf32, #tpu.memory_space<vmem>>, vector<16xf32>,
        %parallel_loop3A_301 = arith.index_cast %parallel_loop3A_256 : i32 to index
        %parallel_loop3A_302 = arith.constant 64 : index
        %parallel_loop3A_303 = tpu.vector_load %arg15[%parallel_loop3A_301, %parallel_loop3A_302] {strides = array<i32>} : memref<40x128xf32, #tpu.memory_space<vmem>>, vector<16xf32>,
        %parallel_loop3A_304 = arith.index_cast %parallel_loop3A_256 : i32 to index
        %parallel_loop3A_305 = arith.constant 80 : index
        %parallel_loop3A_306 = tpu.vector_load %arg15[%parallel_loop3A_304, %parallel_loop3A_305] {strides = array<i32>} : memref<40x128xf32, #tpu.memory_space<vmem>>, vector<16xf32>,
        %parallel_loop3A_307 = arith.mulf %parallel_loop3A_297, %parallel_loop3A_303 : vector<16xf32>
        %parallel_loop3A_308 = arith.mulf %parallel_loop3A_300, %parallel_loop3A_306 : vector<16xf32>
        %parallel_loop3A_309 = tpu.pack_subelements %parallel_loop3A_307, %parallel_loop3A_308 {pack_format = #tpu.pack_format<interleaved>, positions = array<i32: 0, 1>} : vector<16xf32>, vector<16xf32> -> vector<32xbf16>
        %parallel_loop3A_310 = vector.bitcast %parallel_loop3A_309 : vector<32xbf16> to vector<16xf32>
        %parallel_loop3A_311 = arith.index_cast %parallel_loop3A_256 : i32 to index
        %parallel_loop3A_312 = arith.constant 32 : index
        %parallel_loop3A_313 = tpu.vector_load %arg20[%parallel_loop3A_311, %parallel_loop3A_312] {strides = array<i32>} : memref<40x64xf32, #tpu.memory_space<vmem>>, vector<16xf32>,
        tpu.vector_store %arg20[%parallel_loop3A_311, %parallel_loop3A_312], %parallel_loop3A_310 {strides = array<i32>} : memref<40x64xf32, #tpu.memory_space<vmem>>, vector<16xf32>,
        %parallel_loop3A_314 = arith.index_cast %parallel_loop3A_256 : i32 to index
        %parallel_loop3A_315 = arith.constant 96 : index
        %parallel_loop3A_316 = tpu.vector_load %arg10[%parallel_loop3A_314, %parallel_loop3A_315] {strides = array<i32>} : memref<40x128xf32, #tpu.memory_space<vmem>>, vector<16xf32>,
        %parallel_loop3A_317 = arith.index_cast %parallel_loop3A_256 : i32 to index
        %parallel_loop3A_318 = arith.constant 112 : index
        %parallel_loop3A_319 = tpu.vector_load %arg10[%parallel_loop3A_317, %parallel_loop3A_318] {strides = array<i32>} : memref<40x128xf32, #tpu.memory_space<vmem>>, vector<16xf32>,
        %parallel_loop3A_320 = arith.index_cast %parallel_loop3A_256 : i32 to index
        %parallel_loop3A_321 = arith.constant 96 : index
        %parallel_loop3A_322 = tpu.vector_load %arg15[%parallel_loop3A_320, %parallel_loop3A_321] {strides = array<i32>} : memref<40x128xf32, #tpu.memory_space<vmem>>, vector<16xf32>,
        %parallel_loop3A_323 = arith.index_cast %parallel_loop3A_256 : i32 to index
        %parallel_loop3A_324 = arith.constant 112 : index
        %parallel_loop3A_325 = tpu.vector_load %arg15[%parallel_loop3A_323, %parallel_loop3A_324] {strides = array<i32>} : memref<40x128xf32, #tpu.memory_space<vmem>>, vector<16xf32>,
        %parallel_loop3A_326 = arith.mulf %parallel_loop3A_316, %parallel_loop3A_322 : vector<16xf32>
        %parallel_loop3A_327 = arith.mulf %parallel_loop3A_319, %parallel_loop3A_325 : vector<16xf32>
        %parallel_loop3A_328 = tpu.pack_subelements %parallel_loop3A_326, %parallel_loop3A_327 {pack_format = #tpu.pack_format<interleaved>, positions = array<i32: 0, 1>} : vector<16xf32>, vector<16xf32> -> vector<32xbf16>
        %parallel_loop3A_329 = vector.bitcast %parallel_loop3A_328 : vector<32xbf16> to vector<16xf32>
        %parallel_loop3A_330 = arith.index_cast %parallel_loop3A_256 : i32 to index
        %parallel_loop3A_331 = arith.constant 48 : index
        %parallel_loop3A_332 = tpu.vector_load %arg20[%parallel_loop3A_330, %parallel_loop3A_331] {strides = array<i32>} : memref<40x64xf32, #tpu.memory_space<vmem>>, vector<16xf32>,
        tpu.vector_store %arg20[%parallel_loop3A_330, %parallel_loop3A_331], %parallel_loop3A_329 {strides = array<i32>} : memref<40x64xf32, #tpu.memory_space<vmem>>, vector<16xf32>,
      } {sc.loop_unroll_factor = 4 : i64, sc.parallel_access}
      %mul3A_170 = arith.constant 40 : i32
      %mul3A_171 = arith.muli %add3A_151, %mul3A_170 : i32
      %add3A_172 = arith.addi %mul3A_2, %mul3A_171 : i32
      %dma_start3A_173 = arith.constant 0 : i32
      %dma_start3A_174 = tpu.memref_slice %arg5[%add3A_172, %dma_start3A_173] : memref<160000x64xf32, #tpu.memory_space<hbm>> -> memref<40x64xf32, #tpu.memory_space<hbm>>
      %dma_start3A_175 = arith.constant 0 : i32
      %dma_start3A_176 = tpu.memref_slice %arg5[%add3A_172, %dma_start3A_175] : memref<160000x64xf32, #tpu.memory_space<hbm>> -> memref<40x64xf32, #tpu.memory_space<hbm>>
      tpu.enqueue_dma source(%arg20 : memref<40x64xf32, #tpu.memory_space<vmem>>) target(%dma_start3A_176 : memref<40x64xf32, #tpu.memory_space<hbm>>) target_semaphore(%arg35 : memref<!tpu.dma_semaphore, #tpu.memory_space<semaphore_mem>>)
      %add3A_177 = arith.constant 5 : i32
      %add3A_178 = arith.addi %add3A_151, %add3A_177 : i32
      %lt3A_179 = arith.constant 125 : i32
      %lt3A_180 = arith.cmpi slt, %add3A_178, %lt3A_179 : i32
      %convert_element_type3A_181 = arith.extui %lt3A_180 : i1 to i32
      %cond3A_182 = arith.constant 0 : i32
      %cond3A_183 = arith.cmpi ne, %convert_element_type3A_181, %cond3A_182 : i32
      scf.if %cond3A_183 {
        %add3A_256 = arith.constant 5 : i32
        %add3A_257 = arith.addi %add3A_151, %add3A_256 : i32
        %mul3A_258 = arith.constant 40 : i32
        %mul3A_259 = arith.muli %add3A_257, %mul3A_258 : i32
        %dma_start3A_260 = tpu.memref_slice %arg6[%mul3A_259] : memref<5000xi32, #tpu.memory_space<vmem>> -> memref<40xi32, #tpu.memory_space<vmem>>
        %dma_start3A_261 = arith.constant 0 : i32
        %dma_start3A_262 = arith.constant 0 : i32
        %dma_start3A_263 = tpu.memref_slice %arg2[%dma_start3A_261, %dma_start3A_262] : memref<10000x128xf32, #tpu.memory_space<hbm>> -> memref<10000x128xf32, #tpu.memory_space<hbm>>
        tpu.enqueue_indirect_dma source(%dma_start3A_263 : memref<10000x128xf32, #tpu.memory_space<hbm>>) target(%arg10 : memref<40x128xf32, #tpu.memory_space<vmem>>) offsets(%dma_start3A_260 : memref<40xi32, #tpu.memory_space<vmem>>) semaphore(%arg25 : memref<!tpu.dma_semaphore, #tpu.memory_space<semaphore_mem>>)
        %mul3A_264 = arith.constant 40 : i32
        %mul3A_265 = arith.muli %add3A_257, %mul3A_264 : i32
        %dma_start3A_266 = tpu.memref_slice %arg7[%mul3A_265] : memref<5000xi32, #tpu.memory_space<vmem>> -> memref<40xi32, #tpu.memory_space<vmem>>
        %dma_start3A_267 = arith.constant 0 : i32
        %dma_start3A_268 = arith.constant 0 : i32
        %dma_start3A_269 = tpu.memref_slice %arg3[%dma_start3A_267, %dma_start3A_268] : memref<10000x128xf32, #tpu.memory_space<hbm>> -> memref<10000x128xf32, #tpu.memory_space<hbm>>
        tpu.enqueue_indirect_dma source(%dma_start3A_269 : memref<10000x128xf32, #tpu.memory_space<hbm>>) target(%arg15 : memref<40x128xf32, #tpu.memory_space<vmem>>) offsets(%dma_start3A_266 : memref<40xi32, #tpu.memory_space<vmem>>) semaphore(%arg30 : memref<!tpu.dma_semaphore, #tpu.memory_space<semaphore_mem>>)
      } else {
      }
      %mul3A_184 = arith.constant 5 : i32
      %mul3A_185 = arith.muli %mul3A_184, %scan3A_80 : i32
      %add3A_186 = arith.constant 3 : i32
      %add3A_187 = arith.addi %mul3A_185, %add3A_186 : i32
      %dma_wait3A_188 = arith.constant 0 : i32
      %dma_wait3A_189 = tpu.memref_slice %arg6[%dma_wait3A_188] : memref<5000xi32, #tpu.memory_space<vmem>> -> memref<40xi32, #tpu.memory_space<vmem>>
      %dma_wait3A_190 = arith.constant 0 : i32
      %dma_wait3A_191 = arith.constant 0 : i32
      %dma_wait3A_192 = tpu.memref_slice %arg2[%dma_wait3A_190, %dma_wait3A_191] : memref<10000x128xf32, #tpu.memory_space<hbm>> -> memref<10000x128xf32, #tpu.memory_space<hbm>>
      tpu.wait_indirect_dma semaphore(%arg26 : memref<!tpu.dma_semaphore, #tpu.memory_space<semaphore_mem>>) src(%dma_wait3A_192 : memref<10000x128xf32, #tpu.memory_space<hbm>>) dst(%arg11 : memref<40x128xf32, #tpu.memory_space<vmem>>)
      %dma_wait3A_193 = arith.constant 0 : i32
      %dma_wait3A_194 = tpu.memref_slice %arg7[%dma_wait3A_193] : memref<5000xi32, #tpu.memory_space<vmem>> -> memref<40xi32, #tpu.memory_space<vmem>>
      %dma_wait3A_195 = arith.constant 0 : i32
      %dma_wait3A_196 = arith.constant 0 : i32
      %dma_wait3A_197 = tpu.memref_slice %arg3[%dma_wait3A_195, %dma_wait3A_196] : memref<10000x128xf32, #tpu.memory_space<hbm>> -> memref<10000x128xf32, #tpu.memory_space<hbm>>
      tpu.wait_indirect_dma semaphore(%arg31 : memref<!tpu.dma_semaphore, #tpu.memory_space<semaphore_mem>>) src(%dma_wait3A_197 : memref<10000x128xf32, #tpu.memory_space<hbm>>) dst(%arg16 : memref<40x128xf32, #tpu.memory_space<vmem>>)
      %ge3A_198 = arith.constant 5 : i32
      %ge3A_199 = arith.cmpi sge, %add3A_187, %ge3A_198 : i32
      %convert_element_type3A_200 = arith.extui %ge3A_199 : i1 to i32
      %cond3A_201 = arith.constant 0 : i32
      %cond3A_202 = arith.cmpi ne, %convert_element_type3A_200, %cond3A_201 : i32
      scf.if %cond3A_202 {
        %dma_wait3A_256 = arith.constant 0 : i32
        %dma_wait3A_257 = tpu.memref_slice %arg5[%mul3A_2, %dma_wait3A_256] : memref<160000x64xf32, #tpu.memory_space<hbm>> -> memref<40x64xf32, #tpu.memory_space<hbm>>
        %dma_wait3A_258 = arith.constant 0 : i32
        %dma_wait3A_259 = tpu.memref_slice %arg5[%mul3A_2, %dma_wait3A_258] : memref<160000x64xf32, #tpu.memory_space<hbm>> -> memref<40x64xf32, #tpu.memory_space<hbm>>
        tpu.wait_dma2 semaphore(%arg36 : memref<!tpu.dma_semaphore, #tpu.memory_space<semaphore_mem>>) src(%arg21 : memref<40x64xf32, #tpu.memory_space<vmem>>) dst(%dma_wait3A_259 : memref<40x64xf32, #tpu.memory_space<hbm>>)
      } else {
      }
      %parallel_loop3A_203 = arith.constant 0 : i32
      %parallel_loop3A_204 = arith.constant 40 : i32
      %parallel_loop3A_205 = arith.constant 1 : i32
      scf.for %parallel_loop3A_256 = %parallel_loop3A_203 to %parallel_loop3A_204 step %parallel_loop3A_205  : i32 {
        %parallel_loop3A_257 = arith.index_cast %parallel_loop3A_256 : i32 to index
        %parallel_loop3A_258 = arith.constant 0 : index
        %parallel_loop3A_259 = tpu.vector_load %arg11[%parallel_loop3A_257, %parallel_loop3A_258] {strides = array<i32>} : memref<40x128xf32, #tpu.memory_space<vmem>>, vector<16xf32>,
        %parallel_loop3A_260 = arith.index_cast %parallel_loop3A_256 : i32 to index
        %parallel_loop3A_261 = arith.constant 16 : index
        %parallel_loop3A_262 = tpu.vector_load %arg11[%parallel_loop3A_260, %parallel_loop3A_261] {strides = array<i32>} : memref<40x128xf32, #tpu.memory_space<vmem>>, vector<16xf32>,
        %parallel_loop3A_263 = arith.index_cast %parallel_loop3A_256 : i32 to index
        %parallel_loop3A_264 = arith.constant 0 : index
        %parallel_loop3A_265 = tpu.vector_load %arg16[%parallel_loop3A_263, %parallel_loop3A_264] {strides = array<i32>} : memref<40x128xf32, #tpu.memory_space<vmem>>, vector<16xf32>,
        %parallel_loop3A_266 = arith.index_cast %parallel_loop3A_256 : i32 to index
        %parallel_loop3A_267 = arith.constant 16 : index
        %parallel_loop3A_268 = tpu.vector_load %arg16[%parallel_loop3A_266, %parallel_loop3A_267] {strides = array<i32>} : memref<40x128xf32, #tpu.memory_space<vmem>>, vector<16xf32>,
        %parallel_loop3A_269 = arith.mulf %parallel_loop3A_259, %parallel_loop3A_265 : vector<16xf32>
        %parallel_loop3A_270 = arith.mulf %parallel_loop3A_262, %parallel_loop3A_268 : vector<16xf32>
        %parallel_loop3A_271 = tpu.pack_subelements %parallel_loop3A_269, %parallel_loop3A_270 {pack_format = #tpu.pack_format<interleaved>, positions = array<i32: 0, 1>} : vector<16xf32>, vector<16xf32> -> vector<32xbf16>
        %parallel_loop3A_272 = vector.bitcast %parallel_loop3A_271 : vector<32xbf16> to vector<16xf32>
        %parallel_loop3A_273 = arith.index_cast %parallel_loop3A_256 : i32 to index
        %parallel_loop3A_274 = arith.constant 0 : index
        %parallel_loop3A_275 = tpu.vector_load %arg21[%parallel_loop3A_273, %parallel_loop3A_274] {strides = array<i32>} : memref<40x64xf32, #tpu.memory_space<vmem>>, vector<16xf32>,
        tpu.vector_store %arg21[%parallel_loop3A_273, %parallel_loop3A_274], %parallel_loop3A_272 {strides = array<i32>} : memref<40x64xf32, #tpu.memory_space<vmem>>, vector<16xf32>,
        %parallel_loop3A_276 = arith.index_cast %parallel_loop3A_256 : i32 to index
        %parallel_loop3A_277 = arith.constant 32 : index
        %parallel_loop3A_278 = tpu.vector_load %arg11[%parallel_loop3A_276, %parallel_loop3A_277] {strides = array<i32>} : memref<40x128xf32, #tpu.memory_space<vmem>>, vector<16xf32>,
        %parallel_loop3A_279 = arith.index_cast %parallel_loop3A_256 : i32 to index
        %parallel_loop3A_280 = arith.constant 48 : index
        %parallel_loop3A_281 = tpu.vector_load %arg11[%parallel_loop3A_279, %parallel_loop3A_280] {strides = array<i32>} : memref<40x128xf32, #tpu.memory_space<vmem>>, vector<16xf32>,
        %parallel_loop3A_282 = arith.index_cast %parallel_loop3A_256 : i32 to index
        %parallel_loop3A_283 = arith.constant 32 : index
        %parallel_loop3A_284 = tpu.vector_load %arg16[%parallel_loop3A_282, %parallel_loop3A_283] {strides = array<i32>} : memref<40x128xf32, #tpu.memory_space<vmem>>, vector<16xf32>,
        %parallel_loop3A_285 = arith.index_cast %parallel_loop3A_256 : i32 to index
        %parallel_loop3A_286 = arith.constant 48 : index
        %parallel_loop3A_287 = tpu.vector_load %arg16[%parallel_loop3A_285, %parallel_loop3A_286] {strides = array<i32>} : memref<40x128xf32, #tpu.memory_space<vmem>>, vector<16xf32>,
        %parallel_loop3A_288 = arith.mulf %parallel_loop3A_278, %parallel_loop3A_284 : vector<16xf32>
        %parallel_loop3A_289 = arith.mulf %parallel_loop3A_281, %parallel_loop3A_287 : vector<16xf32>
        %parallel_loop3A_290 = tpu.pack_subelements %parallel_loop3A_288, %parallel_loop3A_289 {pack_format = #tpu.pack_format<interleaved>, positions = array<i32: 0, 1>} : vector<16xf32>, vector<16xf32> -> vector<32xbf16>
        %parallel_loop3A_291 = vector.bitcast %parallel_loop3A_290 : vector<32xbf16> to vector<16xf32>
        %parallel_loop3A_292 = arith.index_cast %parallel_loop3A_256 : i32 to index
        %parallel_loop3A_293 = arith.constant 16 : index
        %parallel_loop3A_294 = tpu.vector_load %arg21[%parallel_loop3A_292, %parallel_loop3A_293] {strides = array<i32>} : memref<40x64xf32, #tpu.memory_space<vmem>>, vector<16xf32>,
        tpu.vector_store %arg21[%parallel_loop3A_292, %parallel_loop3A_293], %parallel_loop3A_291 {strides = array<i32>} : memref<40x64xf32, #tpu.memory_space<vmem>>, vector<16xf32>,
        %parallel_loop3A_295 = arith.index_cast %parallel_loop3A_256 : i32 to index
        %parallel_loop3A_296 = arith.constant 64 : index
        %parallel_loop3A_297 = tpu.vector_load %arg11[%parallel_loop3A_295, %parallel_loop3A_296] {strides = array<i32>} : memref<40x128xf32, #tpu.memory_space<vmem>>, vector<16xf32>,
        %parallel_loop3A_298 = arith.index_cast %parallel_loop3A_256 : i32 to index
        %parallel_loop3A_299 = arith.constant 80 : index
        %parallel_loop3A_300 = tpu.vector_load %arg11[%parallel_loop3A_298, %parallel_loop3A_299] {strides = array<i32>} : memref<40x128xf32, #tpu.memory_space<vmem>>, vector<16xf32>,
        %parallel_loop3A_301 = arith.index_cast %parallel_loop3A_256 : i32 to index
        %parallel_loop3A_302 = arith.constant 64 : index
        %parallel_loop3A_303 = tpu.vector_load %arg16[%parallel_loop3A_301, %parallel_loop3A_302] {strides = array<i32>} : memref<40x128xf32, #tpu.memory_space<vmem>>, vector<16xf32>,
        %parallel_loop3A_304 = arith.index_cast %parallel_loop3A_256 : i32 to index
        %parallel_loop3A_305 = arith.constant 80 : index
        %parallel_loop3A_306 = tpu.vector_load %arg16[%parallel_loop3A_304, %parallel_loop3A_305] {strides = array<i32>} : memref<40x128xf32, #tpu.memory_space<vmem>>, vector<16xf32>,
        %parallel_loop3A_307 = arith.mulf %parallel_loop3A_297, %parallel_loop3A_303 : vector<16xf32>
        %parallel_loop3A_308 = arith.mulf %parallel_loop3A_300, %parallel_loop3A_306 : vector<16xf32>
        %parallel_loop3A_309 = tpu.pack_subelements %parallel_loop3A_307, %parallel_loop3A_308 {pack_format = #tpu.pack_format<interleaved>, positions = array<i32: 0, 1>} : vector<16xf32>, vector<16xf32> -> vector<32xbf16>
        %parallel_loop3A_310 = vector.bitcast %parallel_loop3A_309 : vector<32xbf16> to vector<16xf32>
        %parallel_loop3A_311 = arith.index_cast %parallel_loop3A_256 : i32 to index
        %parallel_loop3A_312 = arith.constant 32 : index
        %parallel_loop3A_313 = tpu.vector_load %arg21[%parallel_loop3A_311, %parallel_loop3A_312] {strides = array<i32>} : memref<40x64xf32, #tpu.memory_space<vmem>>, vector<16xf32>,
        tpu.vector_store %arg21[%parallel_loop3A_311, %parallel_loop3A_312], %parallel_loop3A_310 {strides = array<i32>} : memref<40x64xf32, #tpu.memory_space<vmem>>, vector<16xf32>,
        %parallel_loop3A_314 = arith.index_cast %parallel_loop3A_256 : i32 to index
        %parallel_loop3A_315 = arith.constant 96 : index
        %parallel_loop3A_316 = tpu.vector_load %arg11[%parallel_loop3A_314, %parallel_loop3A_315] {strides = array<i32>} : memref<40x128xf32, #tpu.memory_space<vmem>>, vector<16xf32>,
        %parallel_loop3A_317 = arith.index_cast %parallel_loop3A_256 : i32 to index
        %parallel_loop3A_318 = arith.constant 112 : index
        %parallel_loop3A_319 = tpu.vector_load %arg11[%parallel_loop3A_317, %parallel_loop3A_318] {strides = array<i32>} : memref<40x128xf32, #tpu.memory_space<vmem>>, vector<16xf32>,
        %parallel_loop3A_320 = arith.index_cast %parallel_loop3A_256 : i32 to index
        %parallel_loop3A_321 = arith.constant 96 : index
        %parallel_loop3A_322 = tpu.vector_load %arg16[%parallel_loop3A_320, %parallel_loop3A_321] {strides = array<i32>} : memref<40x128xf32, #tpu.memory_space<vmem>>, vector<16xf32>,
        %parallel_loop3A_323 = arith.index_cast %parallel_loop3A_256 : i32 to index
        %parallel_loop3A_324 = arith.constant 112 : index
        %parallel_loop3A_325 = tpu.vector_load %arg16[%parallel_loop3A_323, %parallel_loop3A_324] {strides = array<i32>} : memref<40x128xf32, #tpu.memory_space<vmem>>, vector<16xf32>,
        %parallel_loop3A_326 = arith.mulf %parallel_loop3A_316, %parallel_loop3A_322 : vector<16xf32>
        %parallel_loop3A_327 = arith.mulf %parallel_loop3A_319, %parallel_loop3A_325 : vector<16xf32>
        %parallel_loop3A_328 = tpu.pack_subelements %parallel_loop3A_326, %parallel_loop3A_327 {pack_format = #tpu.pack_format<interleaved>, positions = array<i32: 0, 1>} : vector<16xf32>, vector<16xf32> -> vector<32xbf16>
        %parallel_loop3A_329 = vector.bitcast %parallel_loop3A_328 : vector<32xbf16> to vector<16xf32>
        %parallel_loop3A_330 = arith.index_cast %parallel_loop3A_256 : i32 to index
        %parallel_loop3A_331 = arith.constant 48 : index
        %parallel_loop3A_332 = tpu.vector_load %arg21[%parallel_loop3A_330, %parallel_loop3A_331] {strides = array<i32>} : memref<40x64xf32, #tpu.memory_space<vmem>>, vector<16xf32>,
        tpu.vector_store %arg21[%parallel_loop3A_330, %parallel_loop3A_331], %parallel_loop3A_329 {strides = array<i32>} : memref<40x64xf32, #tpu.memory_space<vmem>>, vector<16xf32>,
      } {sc.loop_unroll_factor = 4 : i64, sc.parallel_access}
      %mul3A_206 = arith.constant 40 : i32
      %mul3A_207 = arith.muli %add3A_187, %mul3A_206 : i32
      %add3A_208 = arith.addi %mul3A_2, %mul3A_207 : i32
      %dma_start3A_209 = arith.constant 0 : i32
      %dma_start3A_210 = tpu.memref_slice %arg5[%add3A_208, %dma_start3A_209] : memref<160000x64xf32, #tpu.memory_space<hbm>> -> memref<40x64xf32, #tpu.memory_space<hbm>>
      %dma_start3A_211 = arith.constant 0 : i32
      %dma_start3A_212 = tpu.memref_slice %arg5[%add3A_208, %dma_start3A_211] : memref<160000x64xf32, #tpu.memory_space<hbm>> -> memref<40x64xf32, #tpu.memory_space<hbm>>
      tpu.enqueue_dma source(%arg21 : memref<40x64xf32, #tpu.memory_space<vmem>>) target(%dma_start3A_212 : memref<40x64xf32, #tpu.memory_space<hbm>>) target_semaphore(%arg36 : memref<!tpu.dma_semaphore, #tpu.memory_space<semaphore_mem>>)
      %add3A_213 = arith.constant 5 : i32
      %add3A_214 = arith.addi %add3A_187, %add3A_213 : i32
      %lt3A_215 = arith.constant 125 : i32
      %lt3A_216 = arith.cmpi slt, %add3A_214, %lt3A_215 : i32
      %convert_element_type3A_217 = arith.extui %lt3A_216 : i1 to i32
      %cond3A_218 = arith.constant 0 : i32
      %cond3A_219 = arith.cmpi ne, %convert_element_type3A_217, %cond3A_218 : i32
      scf.if %cond3A_219 {
        %add3A_256 = arith.constant 5 : i32
        %add3A_257 = arith.addi %add3A_187, %add3A_256 : i32
        %mul3A_258 = arith.constant 40 : i32
        %mul3A_259 = arith.muli %add3A_257, %mul3A_258 : i32
        %dma_start3A_260 = tpu.memref_slice %arg6[%mul3A_259] : memref<5000xi32, #tpu.memory_space<vmem>> -> memref<40xi32, #tpu.memory_space<vmem>>
        %dma_start3A_261 = arith.constant 0 : i32
        %dma_start3A_262 = arith.constant 0 : i32
        %dma_start3A_263 = tpu.memref_slice %arg2[%dma_start3A_261, %dma_start3A_262] : memref<10000x128xf32, #tpu.memory_space<hbm>> -> memref<10000x128xf32, #tpu.memory_space<hbm>>
        tpu.enqueue_indirect_dma source(%dma_start3A_263 : memref<10000x128xf32, #tpu.memory_space<hbm>>) target(%arg11 : memref<40x128xf32, #tpu.memory_space<vmem>>) offsets(%dma_start3A_260 : memref<40xi32, #tpu.memory_space<vmem>>) semaphore(%arg26 : memref<!tpu.dma_semaphore, #tpu.memory_space<semaphore_mem>>)
        %mul3A_264 = arith.constant 40 : i32
        %mul3A_265 = arith.muli %add3A_257, %mul3A_264 : i32
        %dma_start3A_266 = tpu.memref_slice %arg7[%mul3A_265] : memref<5000xi32, #tpu.memory_space<vmem>> -> memref<40xi32, #tpu.memory_space<vmem>>
        %dma_start3A_267 = arith.constant 0 : i32
        %dma_start3A_268 = arith.constant 0 : i32
        %dma_start3A_269 = tpu.memref_slice %arg3[%dma_start3A_267, %dma_start3A_268] : memref<10000x128xf32, #tpu.memory_space<hbm>> -> memref<10000x128xf32, #tpu.memory_space<hbm>>
        tpu.enqueue_indirect_dma source(%dma_start3A_269 : memref<10000x128xf32, #tpu.memory_space<hbm>>) target(%arg16 : memref<40x128xf32, #tpu.memory_space<vmem>>) offsets(%dma_start3A_266 : memref<40xi32, #tpu.memory_space<vmem>>) semaphore(%arg31 : memref<!tpu.dma_semaphore, #tpu.memory_space<semaphore_mem>>)
      } else {
      }
      %mul3A_220 = arith.constant 5 : i32
      %mul3A_221 = arith.muli %mul3A_220, %scan3A_80 : i32
      %add3A_222 = arith.constant 4 : i32
      %add3A_223 = arith.addi %mul3A_221, %add3A_222 : i32
      %dma_wait3A_224 = arith.constant 0 : i32
      %dma_wait3A_225 = tpu.memref_slice %arg6[%dma_wait3A_224] : memref<5000xi32, #tpu.memory_space<vmem>> -> memref<40xi32, #tpu.memory_space<vmem>>
      %dma_wait3A_226 = arith.constant 0 : i32
      %dma_wait3A_227 = arith.constant 0 : i32
      %dma_wait3A_228 = tpu.memref_slice %arg2[%dma_wait3A_226, %dma_wait3A_227] : memref<10000x128xf32, #tpu.memory_space<hbm>> -> memref<10000x128xf32, #tpu.memory_space<hbm>>
      tpu.wait_indirect_dma semaphore(%arg27 : memref<!tpu.dma_semaphore, #tpu.memory_space<semaphore_mem>>) src(%dma_wait3A_228 : memref<10000x128xf32, #tpu.memory_space<hbm>>) dst(%arg12 : memref<40x128xf32, #tpu.memory_space<vmem>>)
      %dma_wait3A_229 = arith.constant 0 : i32
      %dma_wait3A_230 = tpu.memref_slice %arg7[%dma_wait3A_229] : memref<5000xi32, #tpu.memory_space<vmem>> -> memref<40xi32, #tpu.memory_space<vmem>>
      %dma_wait3A_231 = arith.constant 0 : i32
      %dma_wait3A_232 = arith.constant 0 : i32
      %dma_wait3A_233 = tpu.memref_slice %arg3[%dma_wait3A_231, %dma_wait3A_232] : memref<10000x128xf32, #tpu.memory_space<hbm>> -> memref<10000x128xf32, #tpu.memory_space<hbm>>
      tpu.wait_indirect_dma semaphore(%arg32 : memref<!tpu.dma_semaphore, #tpu.memory_space<semaphore_mem>>) src(%dma_wait3A_233 : memref<10000x128xf32, #tpu.memory_space<hbm>>) dst(%arg17 : memref<40x128xf32, #tpu.memory_space<vmem>>)
      %ge3A_234 = arith.constant 5 : i32
      %ge3A_235 = arith.cmpi sge, %add3A_223, %ge3A_234 : i32
      %convert_element_type3A_236 = arith.extui %ge3A_235 : i1 to i32
      %cond3A_237 = arith.constant 0 : i32
      %cond3A_238 = arith.cmpi ne, %convert_element_type3A_236, %cond3A_237 : i32
      scf.if %cond3A_238 {
        %dma_wait3A_256 = arith.constant 0 : i32
        %dma_wait3A_257 = tpu.memref_slice %arg5[%mul3A_2, %dma_wait3A_256] : memref<160000x64xf32, #tpu.memory_space<hbm>> -> memref<40x64xf32, #tpu.memory_space<hbm>>
        %dma_wait3A_258 = arith.constant 0 : i32
        %dma_wait3A_259 = tpu.memref_slice %arg5[%mul3A_2, %dma_wait3A_258] : memref<160000x64xf32, #tpu.memory_space<hbm>> -> memref<40x64xf32, #tpu.memory_space<hbm>>
        tpu.wait_dma2 semaphore(%arg37 : memref<!tpu.dma_semaphore, #tpu.memory_space<semaphore_mem>>) src(%arg22 : memref<40x64xf32, #tpu.memory_space<vmem>>) dst(%dma_wait3A_259 : memref<40x64xf32, #tpu.memory_space<hbm>>)
      } else {
      }
      %parallel_loop3A_239 = arith.constant 0 : i32
      %parallel_loop3A_240 = arith.constant 40 : i32
      %parallel_loop3A_241 = arith.constant 1 : i32
      scf.for %parallel_loop3A_256 = %parallel_loop3A_239 to %parallel_loop3A_240 step %parallel_loop3A_241  : i32 {
        %parallel_loop3A_257 = arith.index_cast %parallel_loop3A_256 : i32 to index
        %parallel_loop3A_258 = arith.constant 0 : index
        %parallel_loop3A_259 = tpu.vector_load %arg12[%parallel_loop3A_257, %parallel_loop3A_258] {strides = array<i32>} : memref<40x128xf32, #tpu.memory_space<vmem>>, vector<16xf32>,
        %parallel_loop3A_260 = arith.index_cast %parallel_loop3A_256 : i32 to index
        %parallel_loop3A_261 = arith.constant 16 : index
        %parallel_loop3A_262 = tpu.vector_load %arg12[%parallel_loop3A_260, %parallel_loop3A_261] {strides = array<i32>} : memref<40x128xf32, #tpu.memory_space<vmem>>, vector<16xf32>,
        %parallel_loop3A_263 = arith.index_cast %parallel_loop3A_256 : i32 to index
        %parallel_loop3A_264 = arith.constant 0 : index
        %parallel_loop3A_265 = tpu.vector_load %arg17[%parallel_loop3A_263, %parallel_loop3A_264] {strides = array<i32>} : memref<40x128xf32, #tpu.memory_space<vmem>>, vector<16xf32>,
        %parallel_loop3A_266 = arith.index_cast %parallel_loop3A_256 : i32 to index
        %parallel_loop3A_267 = arith.constant 16 : index
        %parallel_loop3A_268 = tpu.vector_load %arg17[%parallel_loop3A_266, %parallel_loop3A_267] {strides = array<i32>} : memref<40x128xf32, #tpu.memory_space<vmem>>, vector<16xf32>,
        %parallel_loop3A_269 = arith.mulf %parallel_loop3A_259, %parallel_loop3A_265 : vector<16xf32>
        %parallel_loop3A_270 = arith.mulf %parallel_loop3A_262, %parallel_loop3A_268 : vector<16xf32>
        %parallel_loop3A_271 = tpu.pack_subelements %parallel_loop3A_269, %parallel_loop3A_270 {pack_format = #tpu.pack_format<interleaved>, positions = array<i32: 0, 1>} : vector<16xf32>, vector<16xf32> -> vector<32xbf16>
        %parallel_loop3A_272 = vector.bitcast %parallel_loop3A_271 : vector<32xbf16> to vector<16xf32>
        %parallel_loop3A_273 = arith.index_cast %parallel_loop3A_256 : i32 to index
        %parallel_loop3A_274 = arith.constant 0 : index
        %parallel_loop3A_275 = tpu.vector_load %arg22[%parallel_loop3A_273, %parallel_loop3A_274] {strides = array<i32>} : memref<40x64xf32, #tpu.memory_space<vmem>>, vector<16xf32>,
        tpu.vector_store %arg22[%parallel_loop3A_273, %parallel_loop3A_274], %parallel_loop3A_272 {strides = array<i32>} : memref<40x64xf32, #tpu.memory_space<vmem>>, vector<16xf32>,
        %parallel_loop3A_276 = arith.index_cast %parallel_loop3A_256 : i32 to index
        %parallel_loop3A_277 = arith.constant 32 : index
        %parallel_loop3A_278 = tpu.vector_load %arg12[%parallel_loop3A_276, %parallel_loop3A_277] {strides = array<i32>} : memref<40x128xf32, #tpu.memory_space<vmem>>, vector<16xf32>,
        %parallel_loop3A_279 = arith.index_cast %parallel_loop3A_256 : i32 to index
        %parallel_loop3A_280 = arith.constant 48 : index
        %parallel_loop3A_281 = tpu.vector_load %arg12[%parallel_loop3A_279, %parallel_loop3A_280] {strides = array<i32>} : memref<40x128xf32, #tpu.memory_space<vmem>>, vector<16xf32>,
        %parallel_loop3A_282 = arith.index_cast %parallel_loop3A_256 : i32 to index
        %parallel_loop3A_283 = arith.constant 32 : index
        %parallel_loop3A_284 = tpu.vector_load %arg17[%parallel_loop3A_282, %parallel_loop3A_283] {strides = array<i32>} : memref<40x128xf32, #tpu.memory_space<vmem>>, vector<16xf32>,
        %parallel_loop3A_285 = arith.index_cast %parallel_loop3A_256 : i32 to index
        %parallel_loop3A_286 = arith.constant 48 : index
        %parallel_loop3A_287 = tpu.vector_load %arg17[%parallel_loop3A_285, %parallel_loop3A_286] {strides = array<i32>} : memref<40x128xf32, #tpu.memory_space<vmem>>, vector<16xf32>,
        %parallel_loop3A_288 = arith.mulf %parallel_loop3A_278, %parallel_loop3A_284 : vector<16xf32>
        %parallel_loop3A_289 = arith.mulf %parallel_loop3A_281, %parallel_loop3A_287 : vector<16xf32>
        %parallel_loop3A_290 = tpu.pack_subelements %parallel_loop3A_288, %parallel_loop3A_289 {pack_format = #tpu.pack_format<interleaved>, positions = array<i32: 0, 1>} : vector<16xf32>, vector<16xf32> -> vector<32xbf16>
        %parallel_loop3A_291 = vector.bitcast %parallel_loop3A_290 : vector<32xbf16> to vector<16xf32>
        %parallel_loop3A_292 = arith.index_cast %parallel_loop3A_256 : i32 to index
        %parallel_loop3A_293 = arith.constant 16 : index
        %parallel_loop3A_294 = tpu.vector_load %arg22[%parallel_loop3A_292, %parallel_loop3A_293] {strides = array<i32>} : memref<40x64xf32, #tpu.memory_space<vmem>>, vector<16xf32>,
        tpu.vector_store %arg22[%parallel_loop3A_292, %parallel_loop3A_293], %parallel_loop3A_291 {strides = array<i32>} : memref<40x64xf32, #tpu.memory_space<vmem>>, vector<16xf32>,
        %parallel_loop3A_295 = arith.index_cast %parallel_loop3A_256 : i32 to index
        %parallel_loop3A_296 = arith.constant 64 : index
        %parallel_loop3A_297 = tpu.vector_load %arg12[%parallel_loop3A_295, %parallel_loop3A_296] {strides = array<i32>} : memref<40x128xf32, #tpu.memory_space<vmem>>, vector<16xf32>,
        %parallel_loop3A_298 = arith.index_cast %parallel_loop3A_256 : i32 to index
        %parallel_loop3A_299 = arith.constant 80 : index
        %parallel_loop3A_300 = tpu.vector_load %arg12[%parallel_loop3A_298, %parallel_loop3A_299] {strides = array<i32>} : memref<40x128xf32, #tpu.memory_space<vmem>>, vector<16xf32>,
        %parallel_loop3A_301 = arith.index_cast %parallel_loop3A_256 : i32 to index
        %parallel_loop3A_302 = arith.constant 64 : index
        %parallel_loop3A_303 = tpu.vector_load %arg17[%parallel_loop3A_301, %parallel_loop3A_302] {strides = array<i32>} : memref<40x128xf32, #tpu.memory_space<vmem>>, vector<16xf32>,
        %parallel_loop3A_304 = arith.index_cast %parallel_loop3A_256 : i32 to index
        %parallel_loop3A_305 = arith.constant 80 : index
        %parallel_loop3A_306 = tpu.vector_load %arg17[%parallel_loop3A_304, %parallel_loop3A_305] {strides = array<i32>} : memref<40x128xf32, #tpu.memory_space<vmem>>, vector<16xf32>,
        %parallel_loop3A_307 = arith.mulf %parallel_loop3A_297, %parallel_loop3A_303 : vector<16xf32>
        %parallel_loop3A_308 = arith.mulf %parallel_loop3A_300, %parallel_loop3A_306 : vector<16xf32>
        %parallel_loop3A_309 = tpu.pack_subelements %parallel_loop3A_307, %parallel_loop3A_308 {pack_format = #tpu.pack_format<interleaved>, positions = array<i32: 0, 1>} : vector<16xf32>, vector<16xf32> -> vector<32xbf16>
        %parallel_loop3A_310 = vector.bitcast %parallel_loop3A_309 : vector<32xbf16> to vector<16xf32>
        %parallel_loop3A_311 = arith.index_cast %parallel_loop3A_256 : i32 to index
        %parallel_loop3A_312 = arith.constant 32 : index
        %parallel_loop3A_313 = tpu.vector_load %arg22[%parallel_loop3A_311, %parallel_loop3A_312] {strides = array<i32>} : memref<40x64xf32, #tpu.memory_space<vmem>>, vector<16xf32>,
        tpu.vector_store %arg22[%parallel_loop3A_311, %parallel_loop3A_312], %parallel_loop3A_310 {strides = array<i32>} : memref<40x64xf32, #tpu.memory_space<vmem>>, vector<16xf32>,
        %parallel_loop3A_314 = arith.index_cast %parallel_loop3A_256 : i32 to index
        %parallel_loop3A_315 = arith.constant 96 : index
        %parallel_loop3A_316 = tpu.vector_load %arg12[%parallel_loop3A_314, %parallel_loop3A_315] {strides = array<i32>} : memref<40x128xf32, #tpu.memory_space<vmem>>, vector<16xf32>,
        %parallel_loop3A_317 = arith.index_cast %parallel_loop3A_256 : i32 to index
        %parallel_loop3A_318 = arith.constant 112 : index
        %parallel_loop3A_319 = tpu.vector_load %arg12[%parallel_loop3A_317, %parallel_loop3A_318] {strides = array<i32>} : memref<40x128xf32, #tpu.memory_space<vmem>>, vector<16xf32>,
        %parallel_loop3A_320 = arith.index_cast %parallel_loop3A_256 : i32 to index
        %parallel_loop3A_321 = arith.constant 96 : index
        %parallel_loop3A_322 = tpu.vector_load %arg17[%parallel_loop3A_320, %parallel_loop3A_321] {strides = array<i32>} : memref<40x128xf32, #tpu.memory_space<vmem>>, vector<16xf32>,
        %parallel_loop3A_323 = arith.index_cast %parallel_loop3A_256 : i32 to index
        %parallel_loop3A_324 = arith.constant 112 : index
        %parallel_loop3A_325 = tpu.vector_load %arg17[%parallel_loop3A_323, %parallel_loop3A_324] {strides = array<i32>} : memref<40x128xf32, #tpu.memory_space<vmem>>, vector<16xf32>,
        %parallel_loop3A_326 = arith.mulf %parallel_loop3A_316, %parallel_loop3A_322 : vector<16xf32>
        %parallel_loop3A_327 = arith.mulf %parallel_loop3A_319, %parallel_loop3A_325 : vector<16xf32>
        %parallel_loop3A_328 = tpu.pack_subelements %parallel_loop3A_326, %parallel_loop3A_327 {pack_format = #tpu.pack_format<interleaved>, positions = array<i32: 0, 1>} : vector<16xf32>, vector<16xf32> -> vector<32xbf16>
        %parallel_loop3A_329 = vector.bitcast %parallel_loop3A_328 : vector<32xbf16> to vector<16xf32>
        %parallel_loop3A_330 = arith.index_cast %parallel_loop3A_256 : i32 to index
        %parallel_loop3A_331 = arith.constant 48 : index
        %parallel_loop3A_332 = tpu.vector_load %arg22[%parallel_loop3A_330, %parallel_loop3A_331] {strides = array<i32>} : memref<40x64xf32, #tpu.memory_space<vmem>>, vector<16xf32>,
        tpu.vector_store %arg22[%parallel_loop3A_330, %parallel_loop3A_331], %parallel_loop3A_329 {strides = array<i32>} : memref<40x64xf32, #tpu.memory_space<vmem>>, vector<16xf32>,
      } {sc.loop_unroll_factor = 4 : i64, sc.parallel_access}
      %mul3A_242 = arith.constant 40 : i32
      %mul3A_243 = arith.muli %add3A_223, %mul3A_242 : i32
      %add3A_244 = arith.addi %mul3A_2, %mul3A_243 : i32
      %dma_start3A_245 = arith.constant 0 : i32
      %dma_start3A_246 = tpu.memref_slice %arg5[%add3A_244, %dma_start3A_245] : memref<160000x64xf32, #tpu.memory_space<hbm>> -> memref<40x64xf32, #tpu.memory_space<hbm>>
      %dma_start3A_247 = arith.constant 0 : i32
      %dma_start3A_248 = tpu.memref_slice %arg5[%add3A_244, %dma_start3A_247] : memref<160000x64xf32, #tpu.memory_space<hbm>> -> memref<40x64xf32, #tpu.memory_space<hbm>>
      tpu.enqueue_dma source(%arg22 : memref<40x64xf32, #tpu.memory_space<vmem>>) target(%dma_start3A_248 : memref<40x64xf32, #tpu.memory_space<hbm>>) target_semaphore(%arg37 : memref<!tpu.dma_semaphore, #tpu.memory_space<semaphore_mem>>)
      %add3A_249 = arith.constant 5 : i32
      %add3A_250 = arith.addi %add3A_223, %add3A_249 : i32
      %lt3A_251 = arith.constant 125 : i32
      %lt3A_252 = arith.cmpi slt, %add3A_250, %lt3A_251 : i32
      %convert_element_type3A_253 = arith.extui %lt3A_252 : i1 to i32
      %cond3A_254 = arith.constant 0 : i32
      %cond3A_255 = arith.cmpi ne, %convert_element_type3A_253, %cond3A_254 : i32
      scf.if %cond3A_255 {
        %add3A_256 = arith.constant 5 : i32
        %add3A_257 = arith.addi %add3A_223, %add3A_256 : i32
        %mul3A_258 = arith.constant 40 : i32
        %mul3A_259 = arith.muli %add3A_257, %mul3A_258 : i32
        %dma_start3A_260 = tpu.memref_slice %arg6[%mul3A_259] : memref<5000xi32, #tpu.memory_space<vmem>> -> memref<40xi32, #tpu.memory_space<vmem>>
        %dma_start3A_261 = arith.constant 0 : i32
        %dma_start3A_262 = arith.constant 0 : i32
        %dma_start3A_263 = tpu.memref_slice %arg2[%dma_start3A_261, %dma_start3A_262] : memref<10000x128xf32, #tpu.memory_space<hbm>> -> memref<10000x128xf32, #tpu.memory_space<hbm>>
        tpu.enqueue_indirect_dma source(%dma_start3A_263 : memref<10000x128xf32, #tpu.memory_space<hbm>>) target(%arg12 : memref<40x128xf32, #tpu.memory_space<vmem>>) offsets(%dma_start3A_260 : memref<40xi32, #tpu.memory_space<vmem>>) semaphore(%arg27 : memref<!tpu.dma_semaphore, #tpu.memory_space<semaphore_mem>>)
        %mul3A_264 = arith.constant 40 : i32
        %mul3A_265 = arith.muli %add3A_257, %mul3A_264 : i32
        %dma_start3A_266 = tpu.memref_slice %arg7[%mul3A_265] : memref<5000xi32, #tpu.memory_space<vmem>> -> memref<40xi32, #tpu.memory_space<vmem>>
        %dma_start3A_267 = arith.constant 0 : i32
        %dma_start3A_268 = arith.constant 0 : i32
        %dma_start3A_269 = tpu.memref_slice %arg3[%dma_start3A_267, %dma_start3A_268] : memref<10000x128xf32, #tpu.memory_space<hbm>> -> memref<10000x128xf32, #tpu.memory_space<hbm>>
        tpu.enqueue_indirect_dma source(%dma_start3A_269 : memref<10000x128xf32, #tpu.memory_space<hbm>>) target(%arg17 : memref<40x128xf32, #tpu.memory_space<vmem>>) offsets(%dma_start3A_266 : memref<40xi32, #tpu.memory_space<vmem>>) semaphore(%arg32 : memref<!tpu.dma_semaphore, #tpu.memory_space<semaphore_mem>>)
      } else {
      }
    }
    %scan3A_60 = arith.constant 25 : i32
    %dma_wait3A = arith.constant 0 : i32
    %dma_wait3A_61 = tpu.memref_slice %arg5[%mul3A_2, %dma_wait3A] : memref<160000x64xf32, #tpu.memory_space<hbm>> -> memref<40x64xf32, #tpu.memory_space<hbm>>
    %dma_wait3A_62 = arith.constant 0 : i32
    %dma_wait3A_63 = tpu.memref_slice %arg5[%mul3A_2, %dma_wait3A_62] : memref<160000x64xf32, #tpu.memory_space<hbm>> -> memref<40x64xf32, #tpu.memory_space<hbm>>
    tpu.wait_dma2 semaphore(%arg33 : memref<!tpu.dma_semaphore, #tpu.memory_space<semaphore_mem>>) src(%arg18 : memref<40x64xf32, #tpu.memory_space<vmem>>) dst(%dma_wait3A_63 : memref<40x64xf32, #tpu.memory_space<hbm>>)
    %dma_wait3A_64 = arith.constant 0 : i32
    %dma_wait3A_65 = tpu.memref_slice %arg5[%mul3A_2, %dma_wait3A_64] : memref<160000x64xf32, #tpu.memory_space<hbm>> -> memref<40x64xf32, #tpu.memory_space<hbm>>
    %dma_wait3A_66 = arith.constant 0 : i32
    %dma_wait3A_67 = tpu.memref_slice %arg5[%mul3A_2, %dma_wait3A_66] : memref<160000x64xf32, #tpu.memory_space<hbm>> -> memref<40x64xf32, #tpu.memory_space<hbm>>
    tpu.wait_dma2 semaphore(%arg34 : memref<!tpu.dma_semaphore, #tpu.memory_space<semaphore_mem>>) src(%arg19 : memref<40x64xf32, #tpu.memory_space<vmem>>) dst(%dma_wait3A_67 : memref<40x64xf32, #tpu.memory_space<hbm>>)
    %dma_wait3A_68 = arith.constant 0 : i32
    %dma_wait3A_69 = tpu.memref_slice %arg5[%mul3A_2, %dma_wait3A_68] : memref<160000x64xf32, #tpu.memory_space<hbm>> -> memref<40x64xf32, #tpu.memory_space<hbm>>
    %dma_wait3A_70 = arith.constant 0 : i32
    %dma_wait3A_71 = tpu.memref_slice %arg5[%mul3A_2, %dma_wait3A_70] : memref<160000x64xf32, #tpu.memory_space<hbm>> -> memref<40x64xf32, #tpu.memory_space<hbm>>
    tpu.wait_dma2 semaphore(%arg35 : memref<!tpu.dma_semaphore, #tpu.memory_space<semaphore_mem>>) src(%arg20 : memref<40x64xf32, #tpu.memory_space<vmem>>) dst(%dma_wait3A_71 : memref<40x64xf32, #tpu.memory_space<hbm>>)
    %dma_wait3A_72 = arith.constant 0 : i32
    %dma_wait3A_73 = tpu.memref_slice %arg5[%mul3A_2, %dma_wait3A_72] : memref<160000x64xf32, #tpu.memory_space<hbm>> -> memref<40x64xf32, #tpu.memory_space<hbm>>
    %dma_wait3A_74 = arith.constant 0 : i32
    %dma_wait3A_75 = tpu.memref_slice %arg5[%mul3A_2, %dma_wait3A_74] : memref<160000x64xf32, #tpu.memory_space<hbm>> -> memref<40x64xf32, #tpu.memory_space<hbm>>
    tpu.wait_dma2 semaphore(%arg36 : memref<!tpu.dma_semaphore, #tpu.memory_space<semaphore_mem>>) src(%arg21 : memref<40x64xf32, #tpu.memory_space<vmem>>) dst(%dma_wait3A_75 : memref<40x64xf32, #tpu.memory_space<hbm>>)
    %dma_wait3A_76 = arith.constant 0 : i32
    %dma_wait3A_77 = tpu.memref_slice %arg5[%mul3A_2, %dma_wait3A_76] : memref<160000x64xf32, #tpu.memory_space<hbm>> -> memref<40x64xf32, #tpu.memory_space<hbm>>
    %dma_wait3A_78 = arith.constant 0 : i32
    %dma_wait3A_79 = tpu.memref_slice %arg5[%mul3A_2, %dma_wait3A_78] : memref<160000x64xf32, #tpu.memory_space<hbm>> -> memref<40x64xf32, #tpu.memory_space<hbm>>
    tpu.wait_dma2 semaphore(%arg37 : memref<!tpu.dma_semaphore, #tpu.memory_space<semaphore_mem>>) src(%arg22 : memref<40x64xf32, #tpu.memory_space<vmem>>) dst(%dma_wait3A_79 : memref<40x64xf32, #tpu.memory_space<hbm>>)
    return
  }
}

module attributes {stable_mosaic.version = 14 : i64} {
  func.func @_mlp_body(%arg0: i32, %arg1: memref<4000x128xf32, #tpu.memory_space<vmem>>, %arg2: memref<128x64xf32, #tpu.memory_space<vmem>>, %arg3: memref<1x64xf32, #tpu.memory_space<vmem>>, %arg4: memref<1x64xf32, #tpu.memory_space<vmem>>, %arg5: memref<1x1xf32, #tpu.memory_space<vmem>>, %arg6: memref<20x4000xf32, #tpu.memory_space<vmem>>, %arg7: memref<20x4000xf32, #tpu.memory_space<vmem>>) attributes {dimension_semantics = [#tpu.dimension_semantics<arbitrary>], iteration_bounds = array<i64: 20>, scalar_prefetch = 0 : i64, scratch_operands = 0 : i64, tpu.core_type = #tpu.core_type<tc>, window_params = [{transform_indices = @transform_0, window_bounds = array<i64: 4000, 128>}, {pipeline_mode = #tpu.pipeline_mode<synchronous>, transform_indices = @transform_1, window_bounds = array<i64: 128, 64>}, {pipeline_mode = #tpu.pipeline_mode<synchronous>, transform_indices = @transform_2, window_bounds = array<i64: 1, 64>}, {pipeline_mode = #tpu.pipeline_mode<synchronous>, transform_indices = @transform_3, window_bounds = array<i64: 1, 64>}, {pipeline_mode = #tpu.pipeline_mode<synchronous>, transform_indices = @transform_4, window_bounds = array<i64: 1, 1>}, {pipeline_mode = #tpu.pipeline_mode<synchronous>, transform_indices = @transform_5, window_bounds = array<i64: 20, 4000>}, {pipeline_mode = #tpu.pipeline_mode<synchronous>, transform_indices = @transform_6, window_bounds = array<i64: 20, 4000>}]} {
    %get3A = arith.constant 0 : index
    %get3A_0 = arith.constant 0 : index
    %get3A_1 = vector.load %arg1[%get3A, %get3A_0] : memref<4000x128xf32, #tpu.memory_space<vmem>>, vector<4000x128xf32>
    %bitcast_convert_type3A = tpu.bitcast %get3A_1 : vector<4000x128xf32> -> vector<4000x128xi32>
    %shift_left3A = arith.constant 16 : i32
    %shift_left3A_2 = vector.broadcast %shift_left3A : i32 to vector<4000x128xi32>
    %shift_left3A_3 = arith.shli %bitcast_convert_type3A, %shift_left3A_2 : vector<4000x128xi32>
    %bitcast_convert_type3A_4 = tpu.bitcast %shift_left3A_3 : vector<4000x128xi32> -> vector<4000x128xf32>
    %get3A_5 = arith.constant 0 : index
    %get3A_6 = arith.constant 0 : index
    %get3A_7 = vector.load %arg1[%get3A_5, %get3A_6] : memref<4000x128xf32, #tpu.memory_space<vmem>>, vector<4000x128xf32>
    %slice3A = vector.extract_strided_slice %bitcast_convert_type3A_4 {offsets = [0, 0], sizes = [4000, 64], strides = [1, 1]} : vector<4000x128xf32> to vector<4000x64xf32>
    %slice3A_8 = vector.extract_strided_slice %get3A_7 {offsets = [0, 0], sizes = [4000, 64], strides = [1, 1]} : vector<4000x128xf32> to vector<4000x64xf32>
    %concatenate3A = tpu.concatenate %slice3A, %slice3A_8 in 1 : vector<4000x64xf32>, vector<4000x64xf32> -> vector<4000x128xf32>
    %get3A_9 = arith.constant 0 : index
    %get3A_10 = arith.constant 0 : index
    %get3A_11 = vector.load %arg2[%get3A_9, %get3A_10] : memref<128x64xf32, #tpu.memory_space<vmem>>, vector<128x64xf32>
    %dot_general3A = arith.constant dense<0.000000e+00> : vector<4000x64xf32>
    %dot_general3A_12 = tpu.matmul %concatenate3A, %get3A_11, %dot_general3A {dimension_numbers = #tpu.dot_dimension_numbers<[1], [0], [0], [1], [0, 0, 1, 1], [], []>, transpose_lhs_hint = false} : vector<4000x128xf32>, vector<128x64xf32>, vector<4000x64xf32> -> vector<4000x64xf32>
    %get3A_13 = arith.constant 0 : index
    %get3A_14 = arith.constant 0 : index
    %get3A_15 = vector.load %arg3[%get3A_13, %get3A_14] : memref<1x64xf32, #tpu.memory_space<vmem>>, vector<1x64xf32>
    %add3A = vector.broadcast %get3A_15 : vector<1x64xf32> to vector<4000x64xf32>
    %add3A_16 = arith.addf %dot_general3A_12, %add3A : vector<4000x64xf32>
    %max3A = arith.constant 0.000000e+00 : f32
    %max3A_17 = vector.broadcast %max3A : f32 to vector<4000x64xf32>
    %max3A_18 = arith.maximumf %add3A_16, %max3A_17 : vector<4000x64xf32>
    %get3A_19 = arith.constant 0 : index
    %get3A_20 = arith.constant 0 : index
    %get3A_21 = vector.load %arg4[%get3A_19, %get3A_20] : memref<1x64xf32, #tpu.memory_space<vmem>>, vector<1x64xf32>
    %dot_general3A_22 = arith.constant dense<0.000000e+00> : vector<1x4000xf32>
    %dot_general3A_23 = tpu.matmul %get3A_21, %max3A_18, %dot_general3A_22 {dimension_numbers = #tpu.dot_dimension_numbers<[1], [1], [0], [0], [0, 0, 1, 0], [], []>, transpose_lhs_hint = false} : vector<1x64xf32>, vector<4000x64xf32>, vector<1x4000xf32> -> vector<1x4000xf32>
    %get3A_24 = arith.constant 0 : index
    %get3A_25 = arith.constant 0 : index
    %get3A_26 = vector.load %arg5[%get3A_24, %get3A_25] : memref<1x1xf32, #tpu.memory_space<vmem>>, vector<1x1xf32>
    %add3A_27 = vector.broadcast %get3A_26 : vector<1x1xf32> to vector<1x4000xf32>
    %add3A_28 = arith.addf %dot_general3A_23, %add3A_27 : vector<1x4000xf32>
    %logistic3A = arith.negf %add3A_28 : vector<1x4000xf32>
    %logistic3A_29 = math.exp %logistic3A : vector<1x4000xf32>
    %logistic3A_30 = arith.constant 1.000000e+00 : f32
    %logistic3A_31 = vector.broadcast %logistic3A_30 : f32 to vector<1x4000xf32>
    %logistic3A_32 = arith.addf %logistic3A_31, %logistic3A_29 : vector<1x4000xf32>
    %logistic3A_33 = arith.divf %logistic3A_31, %logistic3A_32 : vector<1x4000xf32>
    %swap3A = arith.index_cast %arg0 : i32 to index
    %swap3A_34 = arith.constant 0 : index
    %swap3A_35 = vector.load %arg6[%swap3A, %swap3A_34] : memref<20x4000xf32, #tpu.memory_space<vmem>>, vector<1x4000xf32>
    tpu.vector_store %arg6[%swap3A, %swap3A_34], %logistic3A_33 {strides = array<i32>} : memref<20x4000xf32, #tpu.memory_space<vmem>>, vector<1x4000xf32>,
    %slice3A_36 = vector.extract_strided_slice %bitcast_convert_type3A_4 {offsets = [0, 64], sizes = [4000, 64], strides = [1, 1]} : vector<4000x128xf32> to vector<4000x64xf32>
    %slice3A_37 = vector.extract_strided_slice %get3A_7 {offsets = [0, 64], sizes = [4000, 64], strides = [1, 1]} : vector<4000x128xf32> to vector<4000x64xf32>
    %concatenate3A_38 = tpu.concatenate %slice3A_36, %slice3A_37 in 1 : vector<4000x64xf32>, vector<4000x64xf32> -> vector<4000x128xf32>
    %get3A_39 = arith.constant 0 : index
    %get3A_40 = arith.constant 0 : index
    %get3A_41 = vector.load %arg2[%get3A_39, %get3A_40] : memref<128x64xf32, #tpu.memory_space<vmem>>, vector<128x64xf32>
    %dot_general3A_42 = arith.constant dense<0.000000e+00> : vector<4000x64xf32>
    %dot_general3A_43 = tpu.matmul %concatenate3A_38, %get3A_41, %dot_general3A_42 {dimension_numbers = #tpu.dot_dimension_numbers<[1], [0], [0], [1], [0, 0, 1, 1], [], []>, transpose_lhs_hint = false} : vector<4000x128xf32>, vector<128x64xf32>, vector<4000x64xf32> -> vector<4000x64xf32>
    %get3A_44 = arith.constant 0 : index
    %get3A_45 = arith.constant 0 : index
    %get3A_46 = vector.load %arg3[%get3A_44, %get3A_45] : memref<1x64xf32, #tpu.memory_space<vmem>>, vector<1x64xf32>
    %add3A_47 = vector.broadcast %get3A_46 : vector<1x64xf32> to vector<4000x64xf32>
    %add3A_48 = arith.addf %dot_general3A_43, %add3A_47 : vector<4000x64xf32>
    %max3A_49 = arith.constant 0.000000e+00 : f32
    %max3A_50 = vector.broadcast %max3A_49 : f32 to vector<4000x64xf32>
    %max3A_51 = arith.maximumf %add3A_48, %max3A_50 : vector<4000x64xf32>
    %get3A_52 = arith.constant 0 : index
    %get3A_53 = arith.constant 0 : index
    %get3A_54 = vector.load %arg4[%get3A_52, %get3A_53] : memref<1x64xf32, #tpu.memory_space<vmem>>, vector<1x64xf32>
    %dot_general3A_55 = arith.constant dense<0.000000e+00> : vector<1x4000xf32>
    %dot_general3A_56 = tpu.matmul %get3A_54, %max3A_51, %dot_general3A_55 {dimension_numbers = #tpu.dot_dimension_numbers<[1], [1], [0], [0], [0, 0, 1, 0], [], []>, transpose_lhs_hint = false} : vector<1x64xf32>, vector<4000x64xf32>, vector<1x4000xf32> -> vector<1x4000xf32>
    %get3A_57 = arith.constant 0 : index
    %get3A_58 = arith.constant 0 : index
    %get3A_59 = vector.load %arg5[%get3A_57, %get3A_58] : memref<1x1xf32, #tpu.memory_space<vmem>>, vector<1x1xf32>
    %add3A_60 = vector.broadcast %get3A_59 : vector<1x1xf32> to vector<1x4000xf32>
    %add3A_61 = arith.addf %dot_general3A_56, %add3A_60 : vector<1x4000xf32>
    %logistic3A_62 = arith.negf %add3A_61 : vector<1x4000xf32>
    %logistic3A_63 = math.exp %logistic3A_62 : vector<1x4000xf32>
    %logistic3A_64 = arith.constant 1.000000e+00 : f32
    %logistic3A_65 = vector.broadcast %logistic3A_64 : f32 to vector<1x4000xf32>
    %logistic3A_66 = arith.addf %logistic3A_65, %logistic3A_63 : vector<1x4000xf32>
    %logistic3A_67 = arith.divf %logistic3A_65, %logistic3A_66 : vector<1x4000xf32>
    %swap3A_68 = arith.index_cast %arg0 : i32 to index
    %swap3A_69 = arith.constant 0 : index
    %swap3A_70 = vector.load %arg7[%swap3A_68, %swap3A_69] : memref<20x4000xf32, #tpu.memory_space<vmem>>, vector<1x4000xf32>
    tpu.vector_store %arg7[%swap3A_68, %swap3A_69], %logistic3A_67 {strides = array<i32>} : memref<20x4000xf32, #tpu.memory_space<vmem>>, vector<1x4000xf32>,
    return
  }
  func.func @transform_0(%arg0: i32) -> (i32, i32) {
    %c0_i32 = arith.constant 0 : i32
    %c0_i32_0 = arith.constant 0 : i32
    return %arg0, %c0_i32 : i32, i32
  }
  func.func @transform_1(%arg0: i32) -> (i32, i32) {
    %c0_i32 = arith.constant 0 : i32
    %c0_i32_0 = arith.constant 0 : i32
    %c0_i32_1 = arith.constant 0 : i32
    return %c0_i32, %c0_i32_0 : i32, i32
  }
  func.func @transform_2(%arg0: i32) -> (i32, i32) {
    %c0_i32 = arith.constant 0 : i32
    %c0_i32_0 = arith.constant 0 : i32
    %c0_i32_1 = arith.constant 0 : i32
    return %c0_i32, %c0_i32_0 : i32, i32
  }
  func.func @transform_3(%arg0: i32) -> (i32, i32) {
    %c0_i32 = arith.constant 0 : i32
    %c0_i32_0 = arith.constant 0 : i32
    %c0_i32_1 = arith.constant 0 : i32
    return %c0_i32, %c0_i32_0 : i32, i32
  }
  func.func @transform_4(%arg0: i32) -> (i32, i32) {
    %c0_i32 = arith.constant 0 : i32
    %c0_i32_0 = arith.constant 0 : i32
    %c0_i32_1 = arith.constant 0 : i32
    return %c0_i32, %c0_i32_0 : i32, i32
  }
  func.func @transform_5(%arg0: i32) -> (i32, i32) {
    %c0_i32 = arith.constant 0 : i32
    %c0_i32_0 = arith.constant 0 : i32
    %c0_i32_1 = arith.constant 0 : i32
    return %c0_i32, %c0_i32_0 : i32, i32
  }
  func.func @transform_6(%arg0: i32) -> (i32, i32) {
    %c0_i32 = arith.constant 0 : i32
    %c0_i32_0 = arith.constant 0 : i32
    %c0_i32_1 = arith.constant 0 : i32
    return %c0_i32, %c0_i32_0 : i32, i32
  }
}

</mosaic_0001>

<sc_bundles>
// kernel: kernel.6.cloned.1.call-start
scs
__scs_entry_jumppad:
0x0: {  	(pc) =	sbr.rel $0x88, $3  }
0x1: {  	(tag) =	ssettag $0x0;
	lr =	simm.s32 $0x1  }
0x2: {  	[smem:$0x3F9A] =	sst lr;
	_ =	strace $0xD0000000  }
0x3: {  	_ = 	snop  }
0x4: {  	_ = 	snop  }
0x5: {  	_ = 	snop  }
0x6: {  	_ = 	snop  }
0x7: {  	_ = 	snop  }
__scs_overlays_trampoline_lowered:
0x8: {  	[smem:$0x3FA9] =	sst s0  }
0x9: {  	[smem:$0x3FAA] =	sst s1  }
0xa: {  	[smem:$0x3FAB] =	sst s2  }
0xb: {  	[smem:$0x3FAC] =	sst s3  }
0xc: {  	[smem:$0x3FAD] =	sst s4  }
0xd: {  	[smem:$0x3FAE] =	sst s5  }
0xe: {  	[smem:$0x3FAF] =	sst s6  }
0xf: {  	[smem:$0x3FB0] =	sst s7  }
0x10: {  	[smem:$0x3FB1] =	sst s8  }
0x11: {  	[smem:$0x3FB2] =	sst s9;
	s0 =	simm.s32 @!p0 $0x0  }
0x12: {  	s1 =	sld [smem:$0x3F98];
	s0 =	simm.s32 @p0 $0x1  }
0x13: {  	[smem:$0x3FB3] =	sst s0;
	s0 =	simm.s32 @!p1 $0x0  }
0x14: {  	s2 =	sld [smem:$0x3F97];
	s0 =	simm.s32 @p1 $0x1  }
0x15: {  	[smem:$0x3FB4] =	sst s0;
	s0 =	simm.s32 @!p2 $0x0  }
0x16: {  	s3 =	sld [smem:$0x3FDB];
	s0 =	simm.s32 @p2 $0x1  }
0x17: {  	s4 =	simm.s32 $0x1BF5;
	[smem:$0x3FB6] =	sst s0  }
0x18: {  	s0 =	sld [smem:$0x3F99];
	_ =	swait.ge [sflag:s4], $0x0  }
0x19: {  	s7 =	sld [smem:$0x3F9A]  }
0x1a: {  	s8 =	sadd.s32 $0xFFFFE003, lr  }
0x1b: {  	s9 =	sadd.s32 $0xFFFFFEF7, lr;
	s5 =	simm.s32 $0xFFFFFFFF;
	p2 =	slt.u32 s8, $0xFFFFF086  }
0x1c: {  	p1 =	slt.u32 s9, $0xF7A;
	s5 =	simm.s32 @!p2 $0x0  }
0x1d: {  	s5 =	simm.s32 @p1 $0x1;
	p0 =	seq.s32 s7, s2  }
0x1e: {  	s7 =	smul.u32 @!p0 $0xF7A, s2;
	p2 =	seq.s32 @!p0 s5, $0x0  }
0x1f: {  	s9 =	smul.u32 $0xF7A, s1;
	s8 =	simm.s32 @!p0 $0x1BF5;
	p2 =	por !p2, p0  }
0x20: {  	[sflag:s8] =	ssyncset.s32 @!p0 $0xFFFFF086;
	s6 =	sadd.s32 @!p0 s3, s7;
	s7 =	simm.s32 @!p0 $0x108  }
0x21: {  	s3 =	sadd.s32 s3, s9;
	s6 =	sadd.s32 @!p0 $0x88, s6;
	s7 =	simm.s32 @p2 $0x1082  }
0x22: {  	[simem:s7], [sflag:s8] =	dma.local @!p0 [hbm:s6], $0xF7A  }
0x23: {  	s9 =	sor.u32 $0xD0000000, s2;
	s6 =	simm.s32 $0x108;
	_ =	swait.ge @!p0 [sflag:s8], $0x0  }
0x24: {  	s3 =	sadd.s32 $0x88, s3;
	s6 =	simm.s32 @!p1 $0x1082;
	[sflag:s4] =	ssyncset.s32 $0xFFFFF086  }
0x25: {  	[simem:s6], [sflag:s4] =	dma.local [hbm:s3], $0xF7A  }
0x26: {  	[smem:$0x3F9A] =	sst s1;
	(tag) =	ssettag s2;
	_ =	strace s9  }
0x27: {  	s1 =	sld [smem:$0x3FAA]  }
0x28: {  	s2 =	sld [smem:$0x3FAB]  }
0x29: {  	s4 =	sld [smem:$0x3FAD]  }
0x2a: {  	p0 =	seq.s32 s5, $0x0;
	s5 =	sld [smem:$0x3FAE]  }
0x2b: {  	s6 =	sld [smem:$0x3FAF]  }
0x2c: {  	s7 =	sld [smem:$0x3FB0]  }
0x2d: {  	s3 =	simm.s32 $0x108;
	s8 =	sld [smem:$0x3FB1]  }
0x2e: {  	s3 =	simm.s32 @!p0 $0x1082;
	s9 =	sld [smem:$0x3FB2]  }
0x2f: {  	lr =	sadd.s32 s0, s3;
	s0 =	sld [smem:$0x3FA9]  }
0x30: {  	s3 =	sld [smem:$0x3FAC]  }
0x31: {  	[smem:$0x3FB5] =	sst s10  }
0x32: {  	s10 =	sld [smem:$0x3FB3];
	_ =	sdelay $0x3  }
0x33: {  	p0 =	seq.s32 s10, $0x1;
	s10 =	sld [smem:$0x3FB5];
	_ =	sdelay $0x3  }
0x34: {  	[smem:$0x3FB5] =	sst s10  }
0x35: {  	s10 =	sld [smem:$0x3FB4];
	_ =	sdelay $0x3  }
0x36: {  	p1 =	seq.s32 s10, $0x1;
	s10 =	sld [smem:$0x3FB5];
	_ =	sdelay $0x3  }
0x37: {  	[smem:$0x3FB5] =	sst s10  }
0x38: {  	s10 =	sld [smem:$0x3FB6]  }
0x39: {  	_ = 	snop;
	(pc) =	sbr.ind lr, $3  }
0x3a: {  	_ = 	snop  }
0x3b: {  	_ = 	snop  }
0x3c: {  	p2 =	seq.s32 s10, $0x1;
	s10 =	sld [smem:$0x3FB5]  }
0x3d: {  	_ =	shalt  }
0x3e: {  	_ =	shalt  }
0x3f: {  	_ =	shalt  }
0x40: {  	_ =	shalt  }
0x41: {  	_ =	shalt  }
0x42: {  	_ =	shalt  }
0x43: {  	_ =	shalt  }
0x44: {  	_ =	shalt  }
0x45: {  	_ =	shalt  }
0x46: {  	_ =	shalt  }
0x47: {  	_ =	shalt  }
0x48: {  	_ =	shalt  }
0x49: {  	_ =	shalt  }
0x4a: {  	_ =	shalt  }
0x4b: {  	_ =	shalt  }
0x4c: {  	_ =	shalt  }
0x4d: {  	_ =	shalt  }
0x4e: {  	_ =	shalt  }
0x4f: {  	_ =	shalt  }
0x50: {  	_ =	shalt  }
0x51: {  	_ =	shalt  }
0x52: {  	_ =	shalt  }
0x53: {  	_ =	shalt  }
0x54: {  	_ =	shalt  }
0x55: {  	_ =	shalt  }
0x56: {  	_ =	shalt  }
0x57: {  	_ =	shalt  }
0x58: {  	_ =	shalt  }
0x59: {  	_ =	shalt  }
0x5a: {  	_ =	shalt  }
0x5b: {  	_ =	shalt  }
0x5c: {  	_ =	shalt  }
0x5d: {  	_ =	shalt  }
0x5e: {  	_ =	shalt  }
0x5f: {  	_ =	shalt  }
0x60: {  	_ =	shalt  }
0x61: {  	_ =	shalt  }
0x62: {  	_ =	shalt  }
0x63: {  	_ =	shalt  }
0x64: {  	_ =	shalt  }
0x65: {  	_ =	shalt  }
0x66: {  	_ =	shalt  }
0x67: {  	_ =	shalt  }
0x68: {  	_ =	shalt  }
0x69: {  	_ =	shalt  }
0x6a: {  	_ =	shalt  }
0x6b: {  	_ =	shalt  }
0x6c: {  	_ =	shalt  }
0x6d: {  	_ =	shalt  }
0x6e: {  	_ =	shalt  }
0x6f: {  	_ =	shalt  }
0x70: {  	_ =	shalt  }
0x71: {  	_ =	shalt  }
0x72: {  	_ =	shalt  }
0x73: {  	_ =	shalt  }
0x74: {  	_ =	shalt  }
0x75: {  	_ =	shalt  }
0x76: {  	_ =	shalt  }
0x77: {  	_ =	shalt  }
0x78: {  	_ =	shalt  }
0x79: {  	_ =	shalt  }
0x7a: {  	_ =	shalt  }
0x7b: {  	_ =	shalt  }
0x7c: {  	_ =	shalt  }
0x7d: {  	_ =	shalt  }
0x7e: {  	_ =	shalt  }
0x7f: {  	_ =	shalt  }
0x80: {  	_ =	shalt  }
0x81: {  	_ =	shalt  }
0x82: {  	_ =	shalt  }
0x83: {  	_ =	shalt  }
0x84: {  	_ =	shalt  }
0x85: {  	_ =	shalt  }
0x86: {  	_ =	shalt  }
0x87: {  	_ =	shalt  }
.Lfunc_end0:
.L_simem_size_0:
called_computation_lowered:
.L_overlay_start_0:
0x88: {  	s2 =	sld [smem:$0x3FD9]  }
0x89: {  	s3 =	sld [smem:$0x3FFE];
	_ =	sdelay $0x1  }
0x8a: {  	s1 =	srdreg.scid  }
0x8b: {  	s0 =	sand.u32 $0x1, s1  }
0x8c: {  	s17 =	sshll.u32 s0, $0xA;
	s2 =	sadd.s32 s3, s2  }
0x8d: {  	s2 =	sadd.s32 s2, s17  }
0x8e: {  	[smem:$0x3FC1] =	sst s2  }
0x8f: {  	_ = 	snop  }
0x90: {  	s18 =	sld [smem:$0x3FC9]  }
0x91: {  	s4 =	sld [smem:$0x3FC8];
	(tm) =	ssettm $0x1  }
0x92: {  	s19 =	sld [smem:$0x3FFB];
	_ =	sdelay $0x3  }
0x93: {  	_ =	strace s19  }
0x94: {  	s2 =	sld [smem:$0x3FFC];
	_ =	sdelay $0x3  }
0x95: {  	_ =	strace s2  }
0x96: {  	s2 =	sld [smem:$0x3FFD];
	_ =	sdelay $0x3  }
0x97: {  	_ =	strace s2  }
0x98: {  	_ =	strace $0x8FFFFFFF  }
0x99: {  	s20 =	sld [smem:$0x3FDB];
	_ =	sdelay $0x1  }
0x9a: {  	s5 =	simm.s32 $_scs_section_size  }
0x9b: {  	s6 =	simm.s32 $_size__tile_overlayer_lowered;
	s7 =	simm.s32 $_tile_overlayer_lowered  }
0x9c: {  	s8 =	simm.s32 $0x1BFF;
	s21 =	sshll.u32 s7, $0x1;
	s5 =	sadd.s32 s5, s20  }
0x9d: {  	s22 =	simm.s32 $0x0;
	s6 =	sshll.u32 s6, $0x1;
	s7 =	sadd.s32 s21, s5  }
0x9e: {  	[timem:s22], [sflag:s8] =	dma.local [hbm:s7], s6  }
0x9f: {  	_ =	swait.ge [sflag:s8], s6  }
0xa0: {  	s6 =	ssub.s32 $0x0, s6;
	[sflag:s8] =	ssyncset.done $0x0  }
0xa1: {  	[sflag:s8] =	ssyncadd.s32 s6;
	_ =	sdelay $0x1  }
0xa2: {  	s23 =	simm.s32 $0x1B8B  }
0xa3: {  	_ =	swait.ge [sflag:s23], $0x1  }
0xa4: {  	[sflag:s23] =	ssyncset.done $0x0  }
0xa5: {  	[sflag:s23] =	ssyncadd.s32 $0xFFFFFFFF  }
0xa6: {  	s6 =	sld [smem:$0x0]  }
0xa7: {  	s7 =	sand.u32 $0xFFFFFFFE, s1  }
0xa8: {  	p0 =	sne.s32 s1, s7  }
0xa9: {  	s7 =	sshll.u32 @p0 s7, $0xE  }
0xaa: {  	s7 =	sadd.s32 @p0 $0x11B8D, s7;
	s8 =	sshll.u32 @p0 s6, $0x11  }
0xab: {  	s7 =	sor.u32 @p0 s8, s7  }
0xac: {  	[sflag:s7] =	ssyncadd.remote.s32 @p0 $0x1;
	_ =	sdelay $0x1  }
0xad: {  	s7 =	simm.s32 @p0 $0x1B8D  }
0xae: {  	_ =	swait.eq @p0 [sflag:s7], $0x1  }
0xaf: {  	[sflag:s7] =	ssyncadd.s32 @p0 $0xFFFFFFFF  }
0xb0: {  	s8 =	sshll.u32 @!p0 s1, $0xE  }
0xb1: {  	s8 =	sor.u32 @!p0 $0x4000, s8;
	s7 =	simm.s32 @!p0 $0x1B8D  }
0xb2: {  	s6 =	sshll.u32 @!p0 s6, $0x11;
	s8 =	sadd.s32 @!p0 $0x11B8D, s8;
	_ =	swait.eq @!p0 [sflag:s7], $0x1  }
0xb3: {  	s6 =	sor.u32 @!p0 s6, s8;
	[sflag:s7] =	ssyncadd.s32 @!p0 $0xFFFFFFFF  }
0xb4: {  	s25 =	simm.s32 $0x1B8E;
	s24 =	sld [smem:$0x3FFE];
	[sflag:s6] =	ssyncadd.remote.s32 @!p0 $0x1  }
0xb5: {  	s26 =	simm.s32 $execute0_lowered;
	[smem:$0x3FD2] =	sst s25  }
0xb6: {  	s7 =	sshll.u32 s26, $0x1;
	_ =	strace $0x80000049;
	[dreg:$0x1] =	wrdreg $0xFFFFFFFF  }
0xb7: {  	s28 =	simm.s32 $_size_execute0_lowered;
	s5 =	sadd.s32 s5, s7;
	[dreg:$0x0] =	wrdreg $0x0  }
0xb8: {  	s7 =	sshll.u32 s28, $0x1;
	[dreg:$0x2] =	wrdreg s5  }
0xb9: {  	[dreg:$0x3] =	wrdreg s7  }
0xba: {  	[dreg:$0x4] =	wrdreg $0xC0  }
0xbb: {  	_ =	task [dreg:s22], $0x5FFFF  }
0xbc: {  	[dreg:$0x1] =	wrdreg $0xFFFFFFFF  }
0xbd: {  	[dreg:$0x0] =	wrdreg $0x60  }
0xbe: {  	[dreg:$0x2] =	wrdreg s4  }
0xbf: {  	[dreg:$0x3] =	wrdreg s18  }
0xc0: {  	[dreg:$0x4] =	wrdreg s24  }
0xc1: {  	[dreg:$0x5] =	wrdreg $0x9  }
0xc2: {  	_ =	task.clear_ibuf [dreg:s22], $0x6FFFF;
	_ =	strace $0x90000049  }
0xc3: {  	s29 =	simm.s32 $0x9;
	_ =	strace $0x8000004B  }
0xc4: {  	_ =	swait.ge [sflag:s29], $0x1  }
0xc5: {  	[sflag:s29] =	ssyncadd.s32 $0xFFFFFFFF  }
0xc6: {  	_ =	strace $0x9000004B  }
0xc7: {  	_ =	sfence  }
0xc8: {  	s30 =	sld [smem:$0x0];
	_ =	sdelay $0x2  }
0xc9: {  	s31 =	sshll.u32 s1, $0xD;
	s1 =	sshrl.u32 s1, $0x2  }
0xca: {  	s4 =	sand.u32 $0x4000, s31;
	s1 =	sadd.s32 s1, s30  }
0xcb: {  	s0 =	sor.u32 s4, s0;
	s1 =	sshll.u32 s1, $0x11  }
0xcc: {  	s0 =	sor.u32 s1, s0  }
0xcd: {  	s0 =	sadd.s32 $0x8F2B, s0  }
0xce: {  	[sflag:s0] =	ssyncadd.remote.s32 $0x1  }
0xcf: {  	_ =	sfence.sel $0xFFFF  }
0xd0: {  	[dreg:$0x0] =	wrdreg $0xFFFFFFFF;
	(pc) =	sbr.abs _section_cstart, $3  }
0xd1: {  	[dreg:$0x1] =	wrdreg $0xFFFFFFFF  }
0xd2: {  	_ =	task.clear_ibuf [dreg:s22], $0x2FFFF;
	_ =	strace $0x9FFFFFFF  }
0xd3: {  	(tm) =	ssettm $0x7FFFFFFF  }
tec
execute0_lowered:
.L_overlay_start_1:
0x0: {  	(tag) =	ssettag $0x1  }
0x1: {  	s1 =	rddreg [dreg:$0x0];
	s0 =	srdreg.scid  }
0x2: {  	s2 =	stileid.u32;
	s3 =	rddreg [dreg:$0x1]  }
0x3: {  	s6 =	rddreg [dreg:$0x2];
	s4 =	simm.s32 $0x0;
	s16 =	simm.s32 $0x28  }
0x4: {  	s18 =	simm.s32 $0x1;
	s19 =	simm.s32 $0x6;
	s20 =	simm.s32 $0xF000  }
0x5: {  	s21 =	simm.s32 $0x2;
	s22 =	simm.s32 $0x7;
	s23 =	simm.s32 $0x10400  }
0x6: {  	s24 =	simm.s32 $0x3;
	s25 =	simm.s32 $0x8;
	s28 =	simm.s32 $0x4  }
0x7: {  	s29 =	simm.s32 $0x9;
	s0 =	sand.u32 $0x1, s0;
	s2 =	sshll.u32 s2, $0x1  }
0x8: {  	s30 =	simm.s32 $0x12C00;
	s31 =	simm.s32 $0x5;
	s2 =	sor.u32 s0, s2  }
0x9: {  	s15 =	simm.s32 $0x14000;
	s0 =	ssub.s32 $0x2, s0;
	s5 =	smul.u32 $0x1388, s2  }
0xa: {  	s8 =	simm.s32 $0x0;
	[smem:$0x7FF] =	sst s4;
	s7 =	sshrl.u32 s0, $0x1  }
0xb: {  	_ =	strace $0x8000004A;
	s0 =	ssub.s32 s0, s7;
	s2 =	sshrl.u32 s5, $0x3  }
.Ltmp0:
0xc: {  	s9 =	sadd.s32 $0x28, s5;
	s10 =	sadd.s32 $0x50, s5;
	(pc) =	sbr.rel .LBB2_1-.Ltmp0, $4  }
0xd: {  	s11 =	sadd.s32 $0x78, s5;
	s0 =	smax.u32 s0, $0x1;
	s2 =	sadd.s32 s2, s6  }
0xe: {  	s12 =	sadd.s32 $0xA0, s5;
	[dreg:$0x6] =	wrdreg s0;
	s26 =	sadd.s32 $0x1800, s2  }
0xf: {  	s6 =	sadd.s32 $0x286200, s6;
	s2 =	sadd.s32 $0xB440, s2;
	[dreg:$0x4] =	wrdreg s26  }
0x10: {  	s0 =	simm.s32 $0xA;
	[dreg:$0x5] =	wrdreg s2;
	s26 =	simm.s32 $0x11800  }
.LBB2_14:
0x11: {  	s2 =	simm.s32 $0xB  }
0x12: {  	_ =	swait.ge [sflag:s2], $0x1400  }
0x13: {  	[sflag:s2] =	ssyncset.done $0x0  }
0x14: {  	s8 =	simm.s32 $0xC;
	[sflag:s2] =	ssyncadd.s32 $0xFFFFEC00  }
0x15: {  	_ =	swait.ge [sflag:s8], $0x1400  }
0x16: {  	[sflag:s8] =	ssyncset.done $0x0  }
0x17: {  	s13 =	simm.s32 $0xD;
	[sflag:s8] =	ssyncadd.s32 $0xFFFFEC00  }
0x18: {  	_ =	swait.ge [sflag:s13], $0x1400  }
0x19: {  	[sflag:s13] =	ssyncset.done $0x0  }
0x1a: {  	s14 =	simm.s32 $0xE;
	[sflag:s13] =	ssyncadd.s32 $0xFFFFEC00  }
0x1b: {  	_ =	swait.ge [sflag:s14], $0x1400  }
0x1c: {  	[sflag:s14] =	ssyncset.done $0x0  }
0x1d: {  	s7 =	simm.s32 $0xF;
	[sflag:s14] =	ssyncadd.s32 $0xFFFFEC00  }
0x1e: {  	_ =	swait.ge [sflag:s7], $0x1400  }
0x1f: {  	s8 =	rddreg [dreg:$0x7]  }
0x20: {  	s17 =	rddreg [dreg:$0x6];
	s8 =	sadd.s32 $0x1, s8  }
0x21: {  	p0 =	sne.s32 s8, s17  }
.Ltmp1:
0x22: {  	_ = 	snop;
	(pc) =	sbr.rel @!p0 .LBB2_15-.Ltmp1, $3  }
0x23: {  	_ =	sdelay $0x1  }
0x24: {  	[sflag:s7] =	ssyncset.done $0x0  }
0x25: {  	[sflag:s7] =	ssyncadd.s32 $0xFFFFEC00  }
.LBB2_1:
0x26: {  	[dreg:$0x7] =	wrdreg s8  }
0x27: {  	s2 =	rddreg [dreg:$0x4];
	s7 =	simm.s32 $0x10  }
0x28: {  	[tilespmem:s4], [sflag:$0x10] =	stream.linear.gather [hbm4b:s2+s4], $0x1388, $0x38;
	[tilespmem:$0x15400] =	vst v63  }
0x29: {  	_ =	swait.ge [sflag:s7], $0x1388  }
0x2a: {  	[sflag:s7] =	ssyncset.done $0x0  }
0x2b: {  	s14 =	simm.s32 $0x1400;
	s13 =	rddreg [dreg:$0x5];
	[sflag:s7] =	ssyncadd.s32 $0xFFFFEC78  }
0x2c: {  	[tilespmem:s14], [sflag:$0x10] =	stream.linear.gather [hbm4b:s13+s4], $0x1388, $0x38;
	[tilespmem:$0x15400] =	vst v63  }
0x2d: {  	_ =	swait.ge [sflag:s7], $0x1388  }
0x2e: {  	[sflag:s7] =	ssyncset.done $0x0  }
0x2f: {  	s17 =	simm.s32 $0x2800;
	[sflag:s7] =	ssyncadd.s32 $0xFFFFEC78  }
0x30: {  	[tilespmem:s17], [sflag:$0x1] =	stream.indirect.gather [hbm4b:s1+s16], $0x80, s4, s16, $0xb8;
	[tilespmem:$0x15400] =	vst v63  }
0x31: {  	s7 =	simm.s32 $0x8C00  }
0x32: {  	[tilespmem:s7], [sflag:$0x6] =	stream.indirect.gather [hbm4b:s3+s16], $0x80, s14, s16, $0xb8;
	[tilespmem:$0x15400] =	vst v63  }
0x33: {  	s13 =	simm.s32 $0x3C00  }
0x34: {  	[tilespmem:s13], [sflag:$0x2] =	stream.indirect.gather [hbm4b:s1+s16], $0x80, s16, s16, $0xb8;
	[tilespmem:$0x15400] =	vst v63  }
0x35: {  	s17 =	simm.s32 $0xA000;
	s14 =	simm.s32 $0x1428  }
0x36: {  	[tilespmem:s17], [sflag:$0x7] =	stream.indirect.gather [hbm4b:s3+s16], $0x80, s14, s16, $0xb8;
	[tilespmem:$0x15400] =	vst v63  }
0x37: {  	s8 =	simm.s32 $0x50;
	s13 =	simm.s32 $0x5000  }
0x38: {  	[tilespmem:s13], [sflag:$0x3] =	stream.indirect.gather [hbm4b:s1+s16], $0x80, s8, s16, $0xb8;
	[tilespmem:$0x15400] =	vst v63  }
0x39: {  	s14 =	simm.s32 $0x1450;
	s17 =	simm.s32 $0xB400  }
0x3a: {  	[tilespmem:s17], [sflag:$0x8] =	stream.indirect.gather [hbm4b:s3+s16], $0x80, s14, s16, $0xb8;
	[tilespmem:$0x15400] =	vst v63  }
0x3b: {  	s8 =	simm.s32 $0x78;
	s13 =	simm.s32 $0x6400  }
0x3c: {  	[tilespmem:s13], [sflag:$0x4] =	stream.indirect.gather [hbm4b:s1+s16], $0x80, s8, s16, $0xb8;
	[tilespmem:$0x15400] =	vst v63  }
0x3d: {  	s14 =	simm.s32 $0x1478;
	s17 =	simm.s32 $0xC800  }
0x3e: {  	[tilespmem:s17], [sflag:$0x9] =	stream.indirect.gather [hbm4b:s3+s16], $0x80, s14, s16, $0xb8;
	[tilespmem:$0x15400] =	vst v63  }
0x3f: {  	s8 =	simm.s32 $0xA0;
	s13 =	simm.s32 $0x7800  }
0x40: {  	[tilespmem:s13], [sflag:$0x5] =	stream.indirect.gather [hbm4b:s1+s16], $0x80, s8, s16, $0xb8;
	[tilespmem:$0x15400] =	vst v63  }
0x41: {  	s7 =	simm.s32 $0x0;
	s14 =	simm.s32 $0x14A0;
	s17 =	simm.s32 $0xDC00  }
0x42: {  	[tilespmem:s17], [sflag:$0xA] =	stream.indirect.gather [hbm4b:s3+s16], $0x80, s14, s16, $0xb8;
	[tilespmem:$0x15400] =	vst v63  }
.LBB2_2:
0x43: {  	_ =	swait.ge [sflag:s18], $0x1400  }
0x44: {  	[sflag:s18] =	ssyncset.done $0x0  }
0x45: {  	[sflag:s18] =	ssyncadd.s32 $0xFFFFEC00  }
0x46: {  	_ =	swait.ge [sflag:s19], $0x1400  }
0x47: {  	p0 =	seq.s32 s7, $0x0;
	[sflag:s19] =	ssyncset.done $0x0  }
0x48: {  	s2 =	simm.s32 @!p0 $0xB;
	[sflag:s19] =	ssyncadd.s32 $0xFFFFEC00  }
0x49: {  	_ =	swait.ge @!p0 [sflag:s2], $0x1400  }
0x4a: {  	[sflag:s2] =	ssyncset.done @!p0 $0x0  }
0x4b: {  	s17 =	simm.s32 $0x2900;
	[sflag:s2] =	ssyncadd.s32 @!p0 $0xFFFFEC00  }
0x4c: {  	v0 =	vld [tilespmem:s17+$0x80]  }
0x4d: {  	s8 =	simm.s32 $0x8D00;
	v1 =	vld [tilespmem:s17+$0x90]  }
0x4e: {  	v2 =	vld [tilespmem:s8+$0x80]  }
0x4f: {  	v3 =	vld [tilespmem:s8+$0x90]  }
0x50: {  	v4 =	vld [tilespmem:s17+$0xFFFFFF10]  }
0x51: {  	v5 =	vld [tilespmem:s8+$0xFFFFFF00]  }
0x52: {  	v6 =	vld [tilespmem:s8+$0xFFFFFF10]  }
0x53: {  	v7 =	vld [tilespmem:s17+$0xFFFFFF80]  }
0x54: {  	v8 =	vld [tilespmem:s17+$0xFFFFFF90];
	v0 =	vmul.f32 v2, v0;
	v1 =	vmul.f32 v3, v1  }
0x55: {  	v2 =	vld [tilespmem:s8+$0xFFFFFF80]  }
0x56: {  	s14 =	simm.s32 $0xF100;
	v3 =	vld [tilespmem:s8+$0xFFFFFF90];
	v0 =	vpack.i.f32.bf16 v1, v0  }
0x57: {  	v1 =	vld [tilespmem:s17+$0x0];
	[tilespmem:s14+$0x80] =	vst v0  }
0x58: {  	v0 =	vld [tilespmem:s17+$0xA0]  }
0x59: {  	v9 =	vld [tilespmem:s17+$0xB0]  }
0x5a: {  	v10 =	vld [tilespmem:s8+$0xA0]  }
0x5b: {  	v11 =	vld [tilespmem:s8+$0xB0]  }
0x5c: {  	v2 =	vmul.f32 v2, v7;
	v3 =	vmul.f32 v3, v8;
	v7 =	vld [tilespmem:s17+$0x10]  }
0x5d: {  	v8 =	vld [tilespmem:s8+$0x0]  }
0x5e: {  	v2 =	vpack.i.f32.bf16 v3, v2;
	v3 =	vld [tilespmem:s8+$0x10]  }
0x5f: {  	[tilespmem:s14+$0xFFFFFF80] =	vst v2;
	v2 =	vld [tilespmem:s17+$0xFFFFFF00]  }
0x60: {  	v0 =	vmul.f32 v10, v0;
	v53 =	vld [tilespmem:s17+$0xFFFFFFA0];
	v9 =	vmul.f32 v11, v9  }
0x61: {  	v54 =	vld [tilespmem:s17+$0xFFFFFFB0]  }
0x62: {  	v55 =	vld [tilespmem:s8+$0xFFFFFFA0];
	v0 =	vpack.i.f32.bf16 v9, v0  }
0x63: {  	[tilespmem:s14+$0x90] =	vst v0;
	v0 =	vld [tilespmem:s8+$0xFFFFFFB0]  }
0x64: {  	v4 =	vmul.f32 v6, v4;
	v2 =	vmul.f32 v5, v2;
	v5 =	vld [tilespmem:s17+$0xC0]  }
0x65: {  	v6 =	vld [tilespmem:s17+$0xD0]  }
0x66: {  	v2 =	vpack.i.f32.bf16 v4, v2;
	v4 =	vld [tilespmem:s8+$0xC0]  }
0x67: {  	[tilespmem:s14+$0xFFFFFF00] =	vst v2;
	v2 =	vld [tilespmem:s8+$0xD0]  }
0x68: {  	v1 =	vmul.f32 v8, v1;
	v3 =	vmul.f32 v3, v7;
	v7 =	vld [tilespmem:s17+$0xFFFFFF20]  }
0x69: {  	v8 =	vld [tilespmem:s17+$0xFFFFFF30]  }
0x6a: {  	v1 =	vpack.i.f32.bf16 v3, v1;
	v3 =	vld [tilespmem:s8+$0xFFFFFF20]  }
0x6b: {  	[tilespmem:s14+$0x0] =	vst v1;
	v1 =	vld [tilespmem:s8+$0xFFFFFF30]  }
0x6c: {  	v4 =	vmul.f32 v4, v5;
	v5 =	vld [tilespmem:s17+$0x20];
	v2 =	vmul.f32 v2, v6  }
0x6d: {  	v6 =	vld [tilespmem:s17+$0x30]  }
0x6e: {  	v2 =	vpack.i.f32.bf16 v2, v4;
	v4 =	vld [tilespmem:s8+$0x20]  }
0x6f: {  	[tilespmem:s14+$0xA0] =	vst v2;
	v2 =	vld [tilespmem:s8+$0x30]  }
0x70: {  	v3 =	vmul.f32 v3, v7;
	v1 =	vmul.f32 v1, v8;
	v7 =	vld [tilespmem:s17+$0xE0]  }
0x71: {  	v8 =	vld [tilespmem:s17+$0xF0]  }
0x72: {  	v1 =	vpack.i.f32.bf16 v1, v3;
	v3 =	vld [tilespmem:s8+$0xE0]  }
0x73: {  	[tilespmem:s14+$0xFFFFFF10] =	vst v1;
	v1 =	vld [tilespmem:s8+$0xF0]  }
0x74: {  	v9 =	vmul.f32 v55, v53;
	v0 =	vmul.f32 v0, v54;
	v56 =	vld [tilespmem:s17+$0xFFFFFF40]  }
0x75: {  	v57 =	vld [tilespmem:s17+$0xFFFFFF50]  }
0x76: {  	v0 =	vpack.i.f32.bf16 v0, v9;
	v58 =	vld [tilespmem:s8+$0xFFFFFF40]  }
0x77: {  	[tilespmem:s14+$0xFFFFFF90] =	vst v0;
	v0 =	vld [tilespmem:s8+$0xFFFFFF50]  }
0x78: {  	v4 =	vmul.f32 v4, v5;
	v5 =	vld [tilespmem:s17+$0xFFFFFFC0];
	v2 =	vmul.f32 v2, v6  }
0x79: {  	v6 =	vld [tilespmem:s17+$0xFFFFFFD0]  }
0x7a: {  	v2 =	vpack.i.f32.bf16 v2, v4;
	v4 =	vld [tilespmem:s8+$0xFFFFFFC0]  }
0x7b: {  	[tilespmem:s14+$0x10] =	vst v2;
	v2 =	vld [tilespmem:s8+$0xFFFFFFD0]  }
0x7c: {  	v9 =	vmul.f32 v58, v56;
	v0 =	vmul.f32 v0, v57;
	v59 =	vld [tilespmem:s17+$0x40]  }
0x7d: {  	v60 =	vld [tilespmem:s17+$0x50]  }
0x7e: {  	v0 =	vpack.i.f32.bf16 v0, v9;
	v61 =	vld [tilespmem:s8+$0x40]  }
0x7f: {  	[tilespmem:s14+$0xFFFFFF20] =	vst v0;
	v0 =	vld [tilespmem:s8+$0x50]  }
0x80: {  	v4 =	vmul.f32 v4, v5;
	v5 =	vld [tilespmem:s17+$0xFFFFFF60];
	v2 =	vmul.f32 v2, v6  }
0x81: {  	v6 =	vld [tilespmem:s17+$0xFFFFFF70]  }
0x82: {  	v2 =	vpack.i.f32.bf16 v2, v4;
	v4 =	vld [tilespmem:s8+$0xFFFFFF60]  }
0x83: {  	[tilespmem:s14+$0xFFFFFFA0] =	vst v2;
	v2 =	vld [tilespmem:s8+$0xFFFFFF70]  }
0x84: {  	v9 =	vmul.f32 v61, v59;
	v11 =	vmul.f32 v0, v60;
	v62 =	vld [tilespmem:s17+$0xFFFFFFE0]  }
0x85: {  	v0 =	vld [tilespmem:s17+$0xFFFFFFF0]  }
0x86: {  	v9 =	vpack.i.f32.bf16 v11, v9;
	v63 =	vld [tilespmem:s8+$0xFFFFFFE0]  }
0x87: {  	v7 =	vmul.f32 v3, v7;
	v8 =	vmul.f32 v1, v8;
	v3 =	vld [tilespmem:s8+$0xFFFFFFF0];
	[tilespmem:s14+$0x20] =	vst v9  }
0x88: {  	v1 =	vld [tilespmem:s17+$0x60];
	v4 =	vmul.f32 v4, v5;
	v5 =	vmul.f32 v2, v6  }
0x89: {  	v6 =	vpack.i.f32.bf16 v8, v7;
	v2 =	vld [tilespmem:s17+$0x70]  }
0x8a: {  	[tilespmem:s14+$0xB0] =	vst v6;
	v5 =	vpack.i.f32.bf16 v5, v4;
	v4 =	vld [tilespmem:s8+$0x60]  }
0x8b: {  	s13 =	simm.s32 $0x0;
	s2 =	simm.s32 $0x2B00;
	v6 =	vmul.f32 v63, v62;
	[tilespmem:s14+$0xFFFFFF30] =	vst v5;
	v5 =	vld [tilespmem:s8+$0x70]  }
.LBB2_3:
0x8c: {  	v7 =	vld [tilespmem:s2+$0x80];
	v0 =	vmul.f32 v3, v0  }
0x8d: {  	s8 =	sadd.s32 $0x200, s8;
	v3 =	vld [tilespmem:s2+$0x90]  }
0x8e: {  	v8 =	vld [tilespmem:s8+$0x80];
	v0 =	vpack.i.f32.bf16 v0, v6  }
0x8f: {  	v6 =	vld [tilespmem:s8+$0x90];
	[tilespmem:s14+$0xFFFFFFB0] =	vst v0;
	v0 =	vmul.f32 v4, v1  }
0x90: {  	v1 =	vld [tilespmem:s2+$0xFFFFFF10];
	v2 =	vmul.f32 v5, v2  }
0x91: {  	v4 =	vld [tilespmem:s8+$0xFFFFFF00]  }
0x92: {  	v5 =	vld [tilespmem:s8+$0xFFFFFF10];
	v0 =	vpack.i.f32.bf16 v2, v0  }
0x93: {  	v2 =	vld [tilespmem:s2+$0xFFFFFF80];
	[tilespmem:s14+$0x30] =	vst v0  }
0x94: {  	v7 =	vmul.f32 v8, v7;
	v0 =	vld [tilespmem:s2+$0xFFFFFF90];
	v3 =	vmul.f32 v6, v3  }
0x95: {  	v6 =	vld [tilespmem:s8+$0xFFFFFF80]  }
0x96: {  	s14 =	sadd.s32 $0x200, s14;
	v8 =	vld [tilespmem:s8+$0xFFFFFF90];
	v3 =	vpack.i.f32.bf16 v3, v7  }
0x97: {  	v1 =	vmul.f32 v5, v1;
	v5 =	vld [tilespmem:s2+$0x0];
	[tilespmem:s14+$0x80] =	vst v3  }
0x98: {  	s13 =	sadd.s32 $0x4, s13;
	v3 =	vld [tilespmem:s2+$0xA0]  }
0x99: {  	p1 =	slt.u32 s13, $0x24;
	v7 =	vld [tilespmem:s2+$0xB0]  }
0x9a: {  	v2 =	vmul.f32 v6, v2;
	v6 =	vld [tilespmem:s8+$0xA0]  }
0x9b: {  	v0 =	vmul.f32 v8, v0;
	v8 =	vld [tilespmem:s8+$0xB0]  }
0x9c: {  	v9 =	vld [tilespmem:s2+$0x10]  }
0x9d: {  	v0 =	vpack.i.f32.bf16 v0, v2;
	v2 =	vld [tilespmem:s8+$0x0]  }
0x9e: {  	[tilespmem:s14+$0xFFFFFF80] =	vst v0;
	v0 =	vld [tilespmem:s8+$0x10]  }
0x9f: {  	v10 =	vld [tilespmem:s2+$0xFFFFFF00]  }
0xa0: {  	v3 =	vmul.f32 v6, v3;
	v11 =	vld [tilespmem:s2+$0xFFFFFFA0];
	v6 =	vmul.f32 v8, v7  }
0xa1: {  	v7 =	vld [tilespmem:s2+$0xFFFFFFB0]  }
0xa2: {  	v8 =	vld [tilespmem:s8+$0xFFFFFFA0];
	v2 =	vmul.f32 v2, v5;
	v3 =	vpack.i.f32.bf16 v6, v3  }
0xa3: {  	v5 =	vld [tilespmem:s8+$0xFFFFFFB0];
	v0 =	vmul.f32 v0, v9;
	[tilespmem:s14+$0x90] =	vst v3  }
0xa4: {  	v3 =	vmul.f32 v4, v10;
	v4 =	vld [tilespmem:s2+$0xC0]  }
0xa5: {  	v0 =	vpack.i.f32.bf16 v0, v2;
	v2 =	vld [tilespmem:s2+$0xD0]  }
0xa6: {  	v1 =	vpack.i.f32.bf16 v1, v3;
	[tilespmem:s14+$0x0] =	vst v0;
	v0 =	vld [tilespmem:s8+$0xC0]  }
0xa7: {  	[tilespmem:s14+$0xFFFFFF00] =	vst v1;
	v1 =	vmul.f32 v8, v11;
	v3 =	vld [tilespmem:s8+$0xD0]  }
0xa8: {  	v6 =	vld [tilespmem:s2+$0xFFFFFF20];
	v5 =	vmul.f32 v5, v7  }
0xa9: {  	v7 =	vld [tilespmem:s2+$0xFFFFFF30]  }
0xaa: {  	v8 =	vld [tilespmem:s8+$0xFFFFFF20];
	v1 =	vpack.i.f32.bf16 v5, v1  }
0xab: {  	v5 =	vld [tilespmem:s8+$0xFFFFFF30];
	[tilespmem:s14+$0xFFFFFF90] =	vst v1  }
0xac: {  	v0 =	vmul.f32 v0, v4;
	v1 =	vld [tilespmem:s2+$0x20];
	v2 =	vmul.f32 v3, v2  }
0xad: {  	v3 =	vld [tilespmem:s2+$0x30]  }
0xae: {  	v4 =	vld [tilespmem:s8+$0x20];
	v0 =	vpack.i.f32.bf16 v2, v0  }
0xaf: {  	v2 =	vmul.f32 v8, v6;
	v6 =	vld [tilespmem:s8+$0x30];
	[tilespmem:s14+$0xA0] =	vst v0  }
0xb0: {  	v0 =	vmul.f32 v5, v7;
	v5 =	vld [tilespmem:s2+$0xE0]  }
0xb1: {  	v7 =	vld [tilespmem:s2+$0xF0]  }
0xb2: {  	v0 =	vpack.i.f32.bf16 v0, v2;
	v2 =	vld [tilespmem:s8+$0xE0]  }
0xb3: {  	[tilespmem:s14+$0xFFFFFF10] =	vst v0;
	v0 =	vmul.f32 v4, v1;
	v1 =	vld [tilespmem:s8+$0xF0]  }
0xb4: {  	v4 =	vld [tilespmem:s2+$0xFFFFFF40];
	v3 =	vmul.f32 v6, v3  }
0xb5: {  	v6 =	vld [tilespmem:s2+$0xFFFFFF50]  }
0xb6: {  	v8 =	vld [tilespmem:s8+$0xFFFFFF40];
	v0 =	vpack.i.f32.bf16 v3, v0  }
0xb7: {  	v3 =	vld [tilespmem:s8+$0xFFFFFF50];
	[tilespmem:s14+$0x10] =	vst v0  }
0xb8: {  	v2 =	vmul.f32 v2, v5;
	v0 =	vld [tilespmem:s2+$0xFFFFFFC0];
	v1 =	vmul.f32 v1, v7  }
0xb9: {  	v5 =	vld [tilespmem:s2+$0xFFFFFFD0]  }
0xba: {  	v7 =	vld [tilespmem:s8+$0xFFFFFFC0];
	v1 =	vpack.i.f32.bf16 v1, v2  }
0xbb: {  	v2 =	vmul.f32 v8, v4;
	v4 =	vld [tilespmem:s8+$0xFFFFFFD0];
	[tilespmem:s14+$0xB0] =	vst v1  }
0xbc: {  	v1 =	vmul.f32 v3, v6;
	v3 =	vld [tilespmem:s2+$0x40]  }
0xbd: {  	v6 =	vld [tilespmem:s2+$0x50]  }
0xbe: {  	v1 =	vpack.i.f32.bf16 v1, v2;
	v2 =	vld [tilespmem:s8+$0x40]  }
0xbf: {  	[tilespmem:s14+$0xFFFFFF20] =	vst v1;
	v0 =	vmul.f32 v7, v0;
	v1 =	vld [tilespmem:s8+$0x50]  }
0xc0: {  	v7 =	vld [tilespmem:s2+$0xFFFFFF60];
	v4 =	vmul.f32 v4, v5  }
0xc1: {  	v5 =	vld [tilespmem:s2+$0xFFFFFF70]  }
0xc2: {  	v8 =	vld [tilespmem:s8+$0xFFFFFF60];
	v0 =	vpack.i.f32.bf16 v4, v0  }
0xc3: {  	v4 =	vld [tilespmem:s8+$0xFFFFFF70];
	[tilespmem:s14+$0xFFFFFFA0] =	vst v0;
	v2 =	vmul.f32 v2, v3  }
0xc4: {  	v9 =	vld [tilespmem:s2+$0xFFFFFFE0];
	v1 =	vmul.f32 v1, v6  }
0xc5: {  	v0 =	vld [tilespmem:s2+$0xFFFFFFF0]  }
0xc6: {  	v6 =	vld [tilespmem:s8+$0xFFFFFFE0];
	v1 =	vpack.i.f32.bf16 v1, v2  }
.Ltmp2:
0xc7: {  	v7 =	vmul.f32 v8, v7;
	v3 =	vld [tilespmem:s8+$0xFFFFFFF0];
	[tilespmem:s14+$0x20] =	vst v1;
	(pc) =	sbr.rel @p1 .LBB2_3-.Ltmp2, $4  }
0xc8: {  	v4 =	vmul.f32 v4, v5;
	v1 =	vld [tilespmem:s2+$0x60]  }
0xc9: {  	v2 =	vld [tilespmem:s2+$0x70]  }
0xca: {  	v5 =	vpack.i.f32.bf16 v4, v7;
	v4 =	vld [tilespmem:s8+$0x60]  }
0xcb: {  	s2 =	sadd.s32 $0x200, s2;
	[tilespmem:s14+$0xFFFFFF30] =	vst v5;
	v6 =	vmul.f32 v6, v9;
	v5 =	vld [tilespmem:s8+$0x70]  }
0xcc: {  	_ =	sdelay $0x2  }
0xcd: {  	v0 =	vmul.f32 v3, v0;
	s8 =	smul.u32 $0xC8, s7  }
0xce: {  	v1 =	vmul.f32 v4, v1;
	v2 =	vmul.f32 v5, v2  }
0xcf: {  	v0 =	vpack.i.f32.bf16 v0, v6;
	s2 =	sadd.s32 s5, s8  }
0xd0: {  	[tilespmem:s14+$0xFFFFFFB0] =	vst v0;
	s2 =	sshll.u32 s2, $0x4;
	v0 =	vpack.i.f32.bf16 v2, v1  }
0xd1: {  	p1 =	seq.s32 s7, $0x18;
	s2 =	sadd.s32 s6, s2;
	[tilespmem:s14+$0x30] =	vst v0  }
0xd2: {  	[hbm4b:s2+s4] =	stream.linear.scatter [tilespmem:s20], [sflag:$0xB], $0x1400, $0x38;
	[tilespmem:$0x15400] =	vst v63  }
0xd3: {  	s13 =	simm.s32 @!p1 $0x28;
	s14 =	simm.s32 @!p1 $0x2800;
	s2 =	sadd.s32 @!p1 $0xC8, s8  }
0xd4: {  	[tilespmem:s14], [sflag:$0x1] =	stream.indirect.gather @!p1 [hbm4b:s1+s13], $0x80, s2, s13, $0xb8;
	[tilespmem:$0x15400] =	vst v63  }
0xd5: {  	s2 =	sadd.s32 @!p1 $0x14C8, s8;
	s14 =	simm.s32 @!p1 $0x8C00  }
0xd6: {  	[tilespmem:s14], [sflag:$0x6] =	stream.indirect.gather @!p1 [hbm4b:s3+s13], $0x80, s2, s13, $0xb8;
	[tilespmem:$0x15400] =	vst v63  }
0xd7: {  	_ =	swait.ge [sflag:s21], $0x1400  }
0xd8: {  	[sflag:s21] =	ssyncset.done $0x0  }
0xd9: {  	[sflag:s21] =	ssyncadd.s32 $0xFFFFEC00  }
0xda: {  	_ =	swait.ge [sflag:s22], $0x1400  }
0xdb: {  	[sflag:s22] =	ssyncset.done $0x0  }
0xdc: {  	s2 =	simm.s32 @!p0 $0xC;
	[sflag:s22] =	ssyncadd.s32 $0xFFFFEC00  }
0xdd: {  	_ =	swait.ge @!p0 [sflag:s2], $0x1400  }
0xde: {  	[sflag:s2] =	ssyncset.done @!p0 $0x0  }
0xdf: {  	s17 =	simm.s32 $0x3D00;
	[sflag:s2] =	ssyncadd.s32 @!p0 $0xFFFFEC00  }
0xe0: {  	v0 =	vld [tilespmem:s17+$0x80]  }
0xe1: {  	s14 =	simm.s32 $0xA100;
	v1 =	vld [tilespmem:s17+$0x90]  }
0xe2: {  	v2 =	vld [tilespmem:s14+$0x80]  }
0xe3: {  	v3 =	vld [tilespmem:s14+$0x90]  }
0xe4: {  	v4 =	vld [tilespmem:s17+$0xFFFFFF10]  }
0xe5: {  	v5 =	vld [tilespmem:s14+$0xFFFFFF00]  }
0xe6: {  	v6 =	vld [tilespmem:s14+$0xFFFFFF10]  }
0xe7: {  	v7 =	vld [tilespmem:s17+$0xFFFFFF80]  }
0xe8: {  	v8 =	vld [tilespmem:s17+$0xFFFFFF90];
	v0 =	vmul.f32 v2, v0;
	v1 =	vmul.f32 v3, v1  }
0xe9: {  	v2 =	vld [tilespmem:s14+$0xFFFFFF80]  }
0xea: {  	s13 =	simm.s32 $0x10500;
	v3 =	vld [tilespmem:s14+$0xFFFFFF90];
	v0 =	vpack.i.f32.bf16 v1, v0  }
0xeb: {  	v1 =	vld [tilespmem:s17+$0x0];
	[tilespmem:s13+$0x80] =	vst v0  }
0xec: {  	v0 =	vld [tilespmem:s17+$0xA0]  }
0xed: {  	v9 =	vld [tilespmem:s17+$0xB0]  }
0xee: {  	v10 =	vld [tilespmem:s14+$0xA0]  }
0xef: {  	v11 =	vld [tilespmem:s14+$0xB0]  }
0xf0: {  	v2 =	vmul.f32 v2, v7;
	v3 =	vmul.f32 v3, v8;
	v7 =	vld [tilespmem:s17+$0x10]  }
0xf1: {  	v8 =	vld [tilespmem:s14+$0x0]  }
0xf2: {  	v2 =	vpack.i.f32.bf16 v3, v2;
	v3 =	vld [tilespmem:s14+$0x10]  }
0xf3: {  	[tilespmem:s13+$0xFFFFFF80] =	vst v2;
	v2 =	vld [tilespmem:s17+$0xFFFFFF00]  }
0xf4: {  	v0 =	vmul.f32 v10, v0;
	v53 =	vld [tilespmem:s17+$0xFFFFFFA0];
	v9 =	vmul.f32 v11, v9  }
0xf5: {  	v54 =	vld [tilespmem:s17+$0xFFFFFFB0]  }
0xf6: {  	v55 =	vld [tilespmem:s14+$0xFFFFFFA0];
	v0 =	vpack.i.f32.bf16 v9, v0  }
0xf7: {  	[tilespmem:s13+$0x90] =	vst v0;
	v0 =	vld [tilespmem:s14+$0xFFFFFFB0]  }
0xf8: {  	v4 =	vmul.f32 v6, v4;
	v2 =	vmul.f32 v5, v2;
	v5 =	vld [tilespmem:s17+$0xC0]  }
0xf9: {  	v6 =	vld [tilespmem:s17+$0xD0]  }
0xfa: {  	v2 =	vpack.i.f32.bf16 v4, v2;
	v4 =	vld [tilespmem:s14+$0xC0]  }
0xfb: {  	[tilespmem:s13+$0xFFFFFF00] =	vst v2;
	v2 =	vld [tilespmem:s14+$0xD0]  }
0xfc: {  	v1 =	vmul.f32 v8, v1;
	v3 =	vmul.f32 v3, v7;
	v7 =	vld [tilespmem:s17+$0xFFFFFF20]  }
0xfd: {  	v8 =	vld [tilespmem:s17+$0xFFFFFF30]  }
0xfe: {  	v1 =	vpack.i.f32.bf16 v3, v1;
	v3 =	vld [tilespmem:s14+$0xFFFFFF20]  }
0xff: {  	[tilespmem:s13+$0x0] =	vst v1;
	v1 =	vld [tilespmem:s14+$0xFFFFFF30]  }
0x100: {  	v4 =	vmul.f32 v4, v5;
	v5 =	vld [tilespmem:s17+$0x20];
	v2 =	vmul.f32 v2, v6  }
0x101: {  	v6 =	vld [tilespmem:s17+$0x30]  }
0x102: {  	v2 =	vpack.i.f32.bf16 v2, v4;
	v4 =	vld [tilespmem:s14+$0x20]  }
0x103: {  	[tilespmem:s13+$0xA0] =	vst v2;
	v2 =	vld [tilespmem:s14+$0x30]  }
0x104: {  	v3 =	vmul.f32 v3, v7;
	v1 =	vmul.f32 v1, v8;
	v7 =	vld [tilespmem:s17+$0xE0]  }
0x105: {  	v8 =	vld [tilespmem:s17+$0xF0]  }
0x106: {  	v1 =	vpack.i.f32.bf16 v1, v3;
	v3 =	vld [tilespmem:s14+$0xE0]  }
0x107: {  	[tilespmem:s13+$0xFFFFFF10] =	vst v1;
	v1 =	vld [tilespmem:s14+$0xF0]  }
0x108: {  	v9 =	vmul.f32 v55, v53;
	v0 =	vmul.f32 v0, v54;
	v56 =	vld [tilespmem:s17+$0xFFFFFF40]  }
0x109: {  	v57 =	vld [tilespmem:s17+$0xFFFFFF50]  }
0x10a: {  	v0 =	vpack.i.f32.bf16 v0, v9;
	v58 =	vld [tilespmem:s14+$0xFFFFFF40]  }
0x10b: {  	[tilespmem:s13+$0xFFFFFF90] =	vst v0;
	v0 =	vld [tilespmem:s14+$0xFFFFFF50]  }
0x10c: {  	v4 =	vmul.f32 v4, v5;
	v5 =	vld [tilespmem:s17+$0xFFFFFFC0];
	v2 =	vmul.f32 v2, v6  }
0x10d: {  	v6 =	vld [tilespmem:s17+$0xFFFFFFD0]  }
0x10e: {  	v2 =	vpack.i.f32.bf16 v2, v4;
	v4 =	vld [tilespmem:s14+$0xFFFFFFC0]  }
0x10f: {  	[tilespmem:s13+$0x10] =	vst v2;
	v2 =	vld [tilespmem:s14+$0xFFFFFFD0]  }
0x110: {  	v9 =	vmul.f32 v58, v56;
	v0 =	vmul.f32 v0, v57;
	v59 =	vld [tilespmem:s17+$0x40]  }
0x111: {  	v60 =	vld [tilespmem:s17+$0x50]  }
0x112: {  	v0 =	vpack.i.f32.bf16 v0, v9;
	v61 =	vld [tilespmem:s14+$0x40]  }
0x113: {  	[tilespmem:s13+$0xFFFFFF20] =	vst v0;
	v0 =	vld [tilespmem:s14+$0x50]  }
0x114: {  	v4 =	vmul.f32 v4, v5;
	v5 =	vld [tilespmem:s17+$0xFFFFFF60];
	v2 =	vmul.f32 v2, v6  }
0x115: {  	v6 =	vld [tilespmem:s17+$0xFFFFFF70]  }
0x116: {  	v2 =	vpack.i.f32.bf16 v2, v4;
	v4 =	vld [tilespmem:s14+$0xFFFFFF60]  }
0x117: {  	[tilespmem:s13+$0xFFFFFFA0] =	vst v2;
	v2 =	vld [tilespmem:s14+$0xFFFFFF70]  }
0x118: {  	v9 =	vmul.f32 v61, v59;
	v11 =	vmul.f32 v0, v60;
	v62 =	vld [tilespmem:s17+$0xFFFFFFE0]  }
0x119: {  	v0 =	vld [tilespmem:s17+$0xFFFFFFF0]  }
0x11a: {  	v9 =	vpack.i.f32.bf16 v11, v9;
	v63 =	vld [tilespmem:s14+$0xFFFFFFE0]  }
0x11b: {  	v7 =	vmul.f32 v3, v7;
	v8 =	vmul.f32 v1, v8;
	v3 =	vld [tilespmem:s14+$0xFFFFFFF0];
	[tilespmem:s13+$0x20] =	vst v9  }
0x11c: {  	v1 =	vld [tilespmem:s17+$0x60];
	v4 =	vmul.f32 v4, v5;
	v5 =	vmul.f32 v2, v6  }
0x11d: {  	v6 =	vpack.i.f32.bf16 v8, v7;
	v2 =	vld [tilespmem:s17+$0x70]  }
0x11e: {  	[tilespmem:s13+$0xB0] =	vst v6;
	v5 =	vpack.i.f32.bf16 v5, v4;
	v4 =	vld [tilespmem:s14+$0x60]  }
0x11f: {  	s2 =	simm.s32 $0x0;
	s17 =	simm.s32 $0x3F00;
	v6 =	vmul.f32 v63, v62;
	[tilespmem:s13+$0xFFFFFF30] =	vst v5;
	v5 =	vld [tilespmem:s14+$0x70]  }
.LBB2_5:
0x120: {  	v7 =	vld [tilespmem:s17+$0x80];
	v0 =	vmul.f32 v3, v0  }
0x121: {  	s14 =	sadd.s32 $0x200, s14;
	v3 =	vld [tilespmem:s17+$0x90]  }
0x122: {  	v8 =	vld [tilespmem:s14+$0x80];
	v0 =	vpack.i.f32.bf16 v0, v6  }
0x123: {  	v6 =	vld [tilespmem:s14+$0x90];
	[tilespmem:s13+$0xFFFFFFB0] =	vst v0;
	v0 =	vmul.f32 v4, v1  }
0x124: {  	v1 =	vld [tilespmem:s17+$0xFFFFFF10];
	v2 =	vmul.f32 v5, v2  }
0x125: {  	v4 =	vld [tilespmem:s14+$0xFFFFFF00]  }
0x126: {  	v5 =	vld [tilespmem:s14+$0xFFFFFF10];
	v0 =	vpack.i.f32.bf16 v2, v0  }
0x127: {  	v2 =	vld [tilespmem:s17+$0xFFFFFF80];
	[tilespmem:s13+$0x30] =	vst v0  }
0x128: {  	v7 =	vmul.f32 v8, v7;
	v0 =	vld [tilespmem:s17+$0xFFFFFF90];
	v3 =	vmul.f32 v6, v3  }
0x129: {  	v6 =	vld [tilespmem:s14+$0xFFFFFF80]  }
0x12a: {  	s13 =	sadd.s32 $0x200, s13;
	v8 =	vld [tilespmem:s14+$0xFFFFFF90];
	v3 =	vpack.i.f32.bf16 v3, v7  }
0x12b: {  	v1 =	vmul.f32 v5, v1;
	v5 =	vld [tilespmem:s17+$0x0];
	[tilespmem:s13+$0x80] =	vst v3  }
0x12c: {  	s2 =	sadd.s32 $0x4, s2;
	v3 =	vld [tilespmem:s17+$0xA0]  }
0x12d: {  	p2 =	slt.u32 s2, $0x24;
	v7 =	vld [tilespmem:s17+$0xB0]  }
0x12e: {  	v2 =	vmul.f32 v6, v2;
	v6 =	vld [tilespmem:s14+$0xA0]  }
0x12f: {  	v0 =	vmul.f32 v8, v0;
	v8 =	vld [tilespmem:s14+$0xB0]  }
0x130: {  	v9 =	vld [tilespmem:s17+$0x10]  }
0x131: {  	v0 =	vpack.i.f32.bf16 v0, v2;
	v2 =	vld [tilespmem:s14+$0x0]  }
0x132: {  	[tilespmem:s13+$0xFFFFFF80] =	vst v0;
	v0 =	vld [tilespmem:s14+$0x10]  }
0x133: {  	v10 =	vld [tilespmem:s17+$0xFFFFFF00]  }
0x134: {  	v3 =	vmul.f32 v6, v3;
	v11 =	vld [tilespmem:s17+$0xFFFFFFA0];
	v6 =	vmul.f32 v8, v7  }
0x135: {  	v7 =	vld [tilespmem:s17+$0xFFFFFFB0]  }
0x136: {  	v8 =	vld [tilespmem:s14+$0xFFFFFFA0];
	v2 =	vmul.f32 v2, v5;
	v3 =	vpack.i.f32.bf16 v6, v3  }
0x137: {  	v5 =	vld [tilespmem:s14+$0xFFFFFFB0];
	v0 =	vmul.f32 v0, v9;
	[tilespmem:s13+$0x90] =	vst v3  }
0x138: {  	v3 =	vmul.f32 v4, v10;
	v4 =	vld [tilespmem:s17+$0xC0]  }
0x139: {  	v0 =	vpack.i.f32.bf16 v0, v2;
	v2 =	vld [tilespmem:s17+$0xD0]  }
0x13a: {  	v1 =	vpack.i.f32.bf16 v1, v3;
	[tilespmem:s13+$0x0] =	vst v0;
	v0 =	vld [tilespmem:s14+$0xC0]  }
0x13b: {  	[tilespmem:s13+$0xFFFFFF00] =	vst v1;
	v1 =	vmul.f32 v8, v11;
	v3 =	vld [tilespmem:s14+$0xD0]  }
0x13c: {  	v6 =	vld [tilespmem:s17+$0xFFFFFF20];
	v5 =	vmul.f32 v5, v7  }
0x13d: {  	v7 =	vld [tilespmem:s17+$0xFFFFFF30]  }
0x13e: {  	v8 =	vld [tilespmem:s14+$0xFFFFFF20];
	v1 =	vpack.i.f32.bf16 v5, v1  }
0x13f: {  	v5 =	vld [tilespmem:s14+$0xFFFFFF30];
	[tilespmem:s13+$0xFFFFFF90] =	vst v1  }
0x140: {  	v0 =	vmul.f32 v0, v4;
	v1 =	vld [tilespmem:s17+$0x20];
	v2 =	vmul.f32 v3, v2  }
0x141: {  	v3 =	vld [tilespmem:s17+$0x30]  }
0x142: {  	v4 =	vld [tilespmem:s14+$0x20];
	v0 =	vpack.i.f32.bf16 v2, v0  }
0x143: {  	v2 =	vmul.f32 v8, v6;
	v6 =	vld [tilespmem:s14+$0x30];
	[tilespmem:s13+$0xA0] =	vst v0  }
0x144: {  	v0 =	vmul.f32 v5, v7;
	v5 =	vld [tilespmem:s17+$0xE0]  }
0x145: {  	v7 =	vld [tilespmem:s17+$0xF0]  }
0x146: {  	v0 =	vpack.i.f32.bf16 v0, v2;
	v2 =	vld [tilespmem:s14+$0xE0]  }
0x147: {  	[tilespmem:s13+$0xFFFFFF10] =	vst v0;
	v0 =	vmul.f32 v4, v1;
	v1 =	vld [tilespmem:s14+$0xF0]  }
0x148: {  	v4 =	vld [tilespmem:s17+$0xFFFFFF40];
	v3 =	vmul.f32 v6, v3  }
0x149: {  	v6 =	vld [tilespmem:s17+$0xFFFFFF50]  }
0x14a: {  	v8 =	vld [tilespmem:s14+$0xFFFFFF40];
	v0 =	vpack.i.f32.bf16 v3, v0  }
0x14b: {  	v3 =	vld [tilespmem:s14+$0xFFFFFF50];
	[tilespmem:s13+$0x10] =	vst v0  }
0x14c: {  	v2 =	vmul.f32 v2, v5;
	v0 =	vld [tilespmem:s17+$0xFFFFFFC0];
	v1 =	vmul.f32 v1, v7  }
0x14d: {  	v5 =	vld [tilespmem:s17+$0xFFFFFFD0]  }
0x14e: {  	v7 =	vld [tilespmem:s14+$0xFFFFFFC0];
	v1 =	vpack.i.f32.bf16 v1, v2  }
0x14f: {  	v2 =	vmul.f32 v8, v4;
	v4 =	vld [tilespmem:s14+$0xFFFFFFD0];
	[tilespmem:s13+$0xB0] =	vst v1  }
0x150: {  	v1 =	vmul.f32 v3, v6;
	v3 =	vld [tilespmem:s17+$0x40]  }
0x151: {  	v6 =	vld [tilespmem:s17+$0x50]  }
0x152: {  	v1 =	vpack.i.f32.bf16 v1, v2;
	v2 =	vld [tilespmem:s14+$0x40]  }
0x153: {  	[tilespmem:s13+$0xFFFFFF20] =	vst v1;
	v0 =	vmul.f32 v7, v0;
	v1 =	vld [tilespmem:s14+$0x50]  }
0x154: {  	v7 =	vld [tilespmem:s17+$0xFFFFFF60];
	v4 =	vmul.f32 v4, v5  }
0x155: {  	v5 =	vld [tilespmem:s17+$0xFFFFFF70]  }
0x156: {  	v8 =	vld [tilespmem:s14+$0xFFFFFF60];
	v0 =	vpack.i.f32.bf16 v4, v0  }
0x157: {  	v4 =	vld [tilespmem:s14+$0xFFFFFF70];
	[tilespmem:s13+$0xFFFFFFA0] =	vst v0;
	v2 =	vmul.f32 v2, v3  }
0x158: {  	v9 =	vld [tilespmem:s17+$0xFFFFFFE0];
	v1 =	vmul.f32 v1, v6  }
0x159: {  	v0 =	vld [tilespmem:s17+$0xFFFFFFF0]  }
0x15a: {  	v6 =	vld [tilespmem:s14+$0xFFFFFFE0];
	v1 =	vpack.i.f32.bf16 v1, v2  }
.Ltmp3:
0x15b: {  	v7 =	vmul.f32 v8, v7;
	v3 =	vld [tilespmem:s14+$0xFFFFFFF0];
	[tilespmem:s13+$0x20] =	vst v1;
	(pc) =	sbr.rel @p2 .LBB2_5-.Ltmp3, $4  }
0x15c: {  	v4 =	vmul.f32 v4, v5;
	v1 =	vld [tilespmem:s17+$0x60]  }
0x15d: {  	v2 =	vld [tilespmem:s17+$0x70]  }
0x15e: {  	v5 =	vpack.i.f32.bf16 v4, v7;
	v4 =	vld [tilespmem:s14+$0x60]  }
0x15f: {  	s17 =	sadd.s32 $0x200, s17;
	[tilespmem:s13+$0xFFFFFF30] =	vst v5;
	v6 =	vmul.f32 v6, v9;
	v5 =	vld [tilespmem:s14+$0x70]  }
0x160: {  	_ =	sdelay $0x2  }
0x161: {  	v0 =	vmul.f32 v3, v0  }
0x162: {  	v1 =	vmul.f32 v4, v1;
	v2 =	vmul.f32 v5, v2  }
0x163: {  	s2 =	sadd.s32 s8, s9;
	v0 =	vpack.i.f32.bf16 v0, v6  }
0x164: {  	s2 =	sshll.u32 s2, $0x4;
	[tilespmem:s13+$0xFFFFFFB0] =	vst v0;
	v0 =	vpack.i.f32.bf16 v2, v1  }
0x165: {  	s2 =	sadd.s32 s6, s2;
	[tilespmem:s13+$0x30] =	vst v0  }
0x166: {  	[hbm4b:s2+s4] =	stream.linear.scatter [tilespmem:s23], [sflag:$0xC], $0x1400, $0x38;
	[tilespmem:$0x15400] =	vst v63  }
0x167: {  	s14 =	simm.s32 @!p1 $0x3C00;
	s13 =	simm.s32 @!p1 $0x28;
	s2 =	sadd.s32 @!p1 $0xF0, s8  }
0x168: {  	[tilespmem:s14], [sflag:$0x2] =	stream.indirect.gather @!p1 [hbm4b:s1+s13], $0x80, s2, s13, $0xb8;
	[tilespmem:$0x15400] =	vst v63  }
0x169: {  	s2 =	sadd.s32 @!p1 $0x14F0, s8;
	s14 =	simm.s32 @!p1 $0xA000  }
0x16a: {  	[tilespmem:s14], [sflag:$0x7] =	stream.indirect.gather @!p1 [hbm4b:s3+s13], $0x80, s2, s13, $0xb8;
	[tilespmem:$0x15400] =	vst v63  }
0x16b: {  	_ =	swait.ge [sflag:s24], $0x1400  }
0x16c: {  	[sflag:s24] =	ssyncset.done $0x0  }
0x16d: {  	[sflag:s24] =	ssyncadd.s32 $0xFFFFEC00  }
0x16e: {  	_ =	swait.ge [sflag:s25], $0x1400  }
0x16f: {  	[sflag:s25] =	ssyncset.done $0x0  }
0x170: {  	s2 =	simm.s32 @!p0 $0xD;
	[sflag:s25] =	ssyncadd.s32 $0xFFFFEC00  }
0x171: {  	_ =	swait.ge @!p0 [sflag:s2], $0x1400  }
0x172: {  	[sflag:s2] =	ssyncset.done @!p0 $0x0  }
0x173: {  	s17 =	simm.s32 $0x5100;
	[sflag:s2] =	ssyncadd.s32 @!p0 $0xFFFFEC00  }
0x174: {  	v0 =	vld [tilespmem:s17+$0x80]  }
0x175: {  	s14 =	simm.s32 $0xB500;
	v1 =	vld [tilespmem:s17+$0x90]  }
0x176: {  	v2 =	vld [tilespmem:s14+$0x80]  }
0x177: {  	v3 =	vld [tilespmem:s14+$0x90]  }
0x178: {  	v4 =	vld [tilespmem:s17+$0xFFFFFF10]  }
0x179: {  	v5 =	vld [tilespmem:s14+$0xFFFFFF00]  }
0x17a: {  	v6 =	vld [tilespmem:s14+$0xFFFFFF10]  }
0x17b: {  	v7 =	vld [tilespmem:s17+$0xFFFFFF80]  }
0x17c: {  	v8 =	vld [tilespmem:s17+$0xFFFFFF90];
	v0 =	vmul.f32 v2, v0;
	v1 =	vmul.f32 v3, v1  }
0x17d: {  	v2 =	vld [tilespmem:s14+$0xFFFFFF80]  }
0x17e: {  	s13 =	simm.s32 $0x11900;
	v3 =	vld [tilespmem:s14+$0xFFFFFF90];
	v0 =	vpack.i.f32.bf16 v1, v0  }
0x17f: {  	v1 =	vld [tilespmem:s17+$0x0];
	[tilespmem:s13+$0x80] =	vst v0  }
0x180: {  	v0 =	vld [tilespmem:s17+$0xA0]  }
0x181: {  	v9 =	vld [tilespmem:s17+$0xB0]  }
0x182: {  	v10 =	vld [tilespmem:s14+$0xA0]  }
0x183: {  	v11 =	vld [tilespmem:s14+$0xB0]  }
0x184: {  	v2 =	vmul.f32 v2, v7;
	v3 =	vmul.f32 v3, v8;
	v7 =	vld [tilespmem:s17+$0x10]  }
0x185: {  	v8 =	vld [tilespmem:s14+$0x0]  }
0x186: {  	v2 =	vpack.i.f32.bf16 v3, v2;
	v3 =	vld [tilespmem:s14+$0x10]  }
0x187: {  	[tilespmem:s13+$0xFFFFFF80] =	vst v2;
	v2 =	vld [tilespmem:s17+$0xFFFFFF00]  }
0x188: {  	v0 =	vmul.f32 v10, v0;
	v53 =	vld [tilespmem:s17+$0xFFFFFFA0];
	v9 =	vmul.f32 v11, v9  }
0x189: {  	v54 =	vld [tilespmem:s17+$0xFFFFFFB0]  }
0x18a: {  	v55 =	vld [tilespmem:s14+$0xFFFFFFA0];
	v0 =	vpack.i.f32.bf16 v9, v0  }
0x18b: {  	[tilespmem:s13+$0x90] =	vst v0;
	v0 =	vld [tilespmem:s14+$0xFFFFFFB0]  }
0x18c: {  	v4 =	vmul.f32 v6, v4;
	v2 =	vmul.f32 v5, v2;
	v5 =	vld [tilespmem:s17+$0xC0]  }
0x18d: {  	v6 =	vld [tilespmem:s17+$0xD0]  }
0x18e: {  	v2 =	vpack.i.f32.bf16 v4, v2;
	v4 =	vld [tilespmem:s14+$0xC0]  }
0x18f: {  	[tilespmem:s13+$0xFFFFFF00] =	vst v2;
	v2 =	vld [tilespmem:s14+$0xD0]  }
0x190: {  	v1 =	vmul.f32 v8, v1;
	v3 =	vmul.f32 v3, v7;
	v7 =	vld [tilespmem:s17+$0xFFFFFF20]  }
0x191: {  	v8 =	vld [tilespmem:s17+$0xFFFFFF30]  }
0x192: {  	v1 =	vpack.i.f32.bf16 v3, v1;
	v3 =	vld [tilespmem:s14+$0xFFFFFF20]  }
0x193: {  	[tilespmem:s13+$0x0] =	vst v1;
	v1 =	vld [tilespmem:s14+$0xFFFFFF30]  }
0x194: {  	v4 =	vmul.f32 v4, v5;
	v5 =	vld [tilespmem:s17+$0x20];
	v2 =	vmul.f32 v2, v6  }
0x195: {  	v6 =	vld [tilespmem:s17+$0x30]  }
0x196: {  	v2 =	vpack.i.f32.bf16 v2, v4;
	v4 =	vld [tilespmem:s14+$0x20]  }
0x197: {  	[tilespmem:s13+$0xA0] =	vst v2;
	v2 =	vld [tilespmem:s14+$0x30]  }
0x198: {  	v3 =	vmul.f32 v3, v7;
	v1 =	vmul.f32 v1, v8;
	v7 =	vld [tilespmem:s17+$0xE0]  }
0x199: {  	v8 =	vld [tilespmem:s17+$0xF0]  }
0x19a: {  	v1 =	vpack.i.f32.bf16 v1, v3;
	v3 =	vld [tilespmem:s14+$0xE0]  }
0x19b: {  	[tilespmem:s13+$0xFFFFFF10] =	vst v1;
	v1 =	vld [tilespmem:s14+$0xF0]  }
0x19c: {  	v9 =	vmul.f32 v55, v53;
	v0 =	vmul.f32 v0, v54;
	v56 =	vld [tilespmem:s17+$0xFFFFFF40]  }
0x19d: {  	v57 =	vld [tilespmem:s17+$0xFFFFFF50]  }
0x19e: {  	v0 =	vpack.i.f32.bf16 v0, v9;
	v58 =	vld [tilespmem:s14+$0xFFFFFF40]  }
0x19f: {  	[tilespmem:s13+$0xFFFFFF90] =	vst v0;
	v0 =	vld [tilespmem:s14+$0xFFFFFF50]  }
0x1a0: {  	v4 =	vmul.f32 v4, v5;
	v5 =	vld [tilespmem:s17+$0xFFFFFFC0];
	v2 =	vmul.f32 v2, v6  }
0x1a1: {  	v6 =	vld [tilespmem:s17+$0xFFFFFFD0]  }
0x1a2: {  	v2 =	vpack.i.f32.bf16 v2, v4;
	v4 =	vld [tilespmem:s14+$0xFFFFFFC0]  }
0x1a3: {  	[tilespmem:s13+$0x10] =	vst v2;
	v2 =	vld [tilespmem:s14+$0xFFFFFFD0]  }
0x1a4: {  	v9 =	vmul.f32 v58, v56;
	v0 =	vmul.f32 v0, v57;
	v59 =	vld [tilespmem:s17+$0x40]  }
0x1a5: {  	v60 =	vld [tilespmem:s17+$0x50]  }
0x1a6: {  	v0 =	vpack.i.f32.bf16 v0, v9;
	v61 =	vld [tilespmem:s14+$0x40]  }
0x1a7: {  	[tilespmem:s13+$0xFFFFFF20] =	vst v0;
	v0 =	vld [tilespmem:s14+$0x50]  }
0x1a8: {  	v4 =	vmul.f32 v4, v5;
	v5 =	vld [tilespmem:s17+$0xFFFFFF60];
	v2 =	vmul.f32 v2, v6  }
0x1a9: {  	v6 =	vld [tilespmem:s17+$0xFFFFFF70]  }
0x1aa: {  	v2 =	vpack.i.f32.bf16 v2, v4;
	v4 =	vld [tilespmem:s14+$0xFFFFFF60]  }
0x1ab: {  	[tilespmem:s13+$0xFFFFFFA0] =	vst v2;
	v2 =	vld [tilespmem:s14+$0xFFFFFF70]  }
0x1ac: {  	v9 =	vmul.f32 v61, v59;
	v11 =	vmul.f32 v0, v60;
	v62 =	vld [tilespmem:s17+$0xFFFFFFE0]  }
0x1ad: {  	v0 =	vld [tilespmem:s17+$0xFFFFFFF0]  }
0x1ae: {  	v9 =	vpack.i.f32.bf16 v11, v9;
	v63 =	vld [tilespmem:s14+$0xFFFFFFE0]  }
0x1af: {  	v7 =	vmul.f32 v3, v7;
	v8 =	vmul.f32 v1, v8;
	v3 =	vld [tilespmem:s14+$0xFFFFFFF0];
	[tilespmem:s13+$0x20] =	vst v9  }
0x1b0: {  	v1 =	vld [tilespmem:s17+$0x60];
	v4 =	vmul.f32 v4, v5;
	v5 =	vmul.f32 v2, v6  }
0x1b1: {  	v6 =	vpack.i.f32.bf16 v8, v7;
	v2 =	vld [tilespmem:s17+$0x70]  }
0x1b2: {  	[tilespmem:s13+$0xB0] =	vst v6;
	v5 =	vpack.i.f32.bf16 v5, v4;
	v4 =	vld [tilespmem:s14+$0x60]  }
0x1b3: {  	s2 =	simm.s32 $0x0;
	s17 =	simm.s32 $0x5300;
	v6 =	vmul.f32 v63, v62;
	[tilespmem:s13+$0xFFFFFF30] =	vst v5;
	v5 =	vld [tilespmem:s14+$0x70]  }
.LBB2_7:
0x1b4: {  	v7 =	vld [tilespmem:s17+$0x80];
	v0 =	vmul.f32 v3, v0  }
0x1b5: {  	s14 =	sadd.s32 $0x200, s14;
	v3 =	vld [tilespmem:s17+$0x90]  }
0x1b6: {  	v8 =	vld [tilespmem:s14+$0x80];
	v0 =	vpack.i.f32.bf16 v0, v6  }
0x1b7: {  	v6 =	vld [tilespmem:s14+$0x90];
	[tilespmem:s13+$0xFFFFFFB0] =	vst v0;
	v0 =	vmul.f32 v4, v1  }
0x1b8: {  	v1 =	vld [tilespmem:s17+$0xFFFFFF10];
	v2 =	vmul.f32 v5, v2  }
0x1b9: {  	v4 =	vld [tilespmem:s14+$0xFFFFFF00]  }
0x1ba: {  	v5 =	vld [tilespmem:s14+$0xFFFFFF10];
	v0 =	vpack.i.f32.bf16 v2, v0  }
0x1bb: {  	v2 =	vld [tilespmem:s17+$0xFFFFFF80];
	[tilespmem:s13+$0x30] =	vst v0  }
0x1bc: {  	v7 =	vmul.f32 v8, v7;
	v0 =	vld [tilespmem:s17+$0xFFFFFF90];
	v3 =	vmul.f32 v6, v3  }
0x1bd: {  	v6 =	vld [tilespmem:s14+$0xFFFFFF80]  }
0x1be: {  	s13 =	sadd.s32 $0x200, s13;
	v8 =	vld [tilespmem:s14+$0xFFFFFF90];
	v3 =	vpack.i.f32.bf16 v3, v7  }
0x1bf: {  	v1 =	vmul.f32 v5, v1;
	v5 =	vld [tilespmem:s17+$0x0];
	[tilespmem:s13+$0x80] =	vst v3  }
0x1c0: {  	s2 =	sadd.s32 $0x4, s2;
	v3 =	vld [tilespmem:s17+$0xA0]  }
0x1c1: {  	p2 =	slt.u32 s2, $0x24;
	v7 =	vld [tilespmem:s17+$0xB0]  }
0x1c2: {  	v2 =	vmul.f32 v6, v2;
	v6 =	vld [tilespmem:s14+$0xA0]  }
0x1c3: {  	v0 =	vmul.f32 v8, v0;
	v8 =	vld [tilespmem:s14+$0xB0]  }
0x1c4: {  	v9 =	vld [tilespmem:s17+$0x10]  }
0x1c5: {  	v0 =	vpack.i.f32.bf16 v0, v2;
	v2 =	vld [tilespmem:s14+$0x0]  }
0x1c6: {  	[tilespmem:s13+$0xFFFFFF80] =	vst v0;
	v0 =	vld [tilespmem:s14+$0x10]  }
0x1c7: {  	v10 =	vld [tilespmem:s17+$0xFFFFFF00]  }
0x1c8: {  	v3 =	vmul.f32 v6, v3;
	v11 =	vld [tilespmem:s17+$0xFFFFFFA0];
	v6 =	vmul.f32 v8, v7  }
0x1c9: {  	v7 =	vld [tilespmem:s17+$0xFFFFFFB0]  }
0x1ca: {  	v8 =	vld [tilespmem:s14+$0xFFFFFFA0];
	v2 =	vmul.f32 v2, v5;
	v3 =	vpack.i.f32.bf16 v6, v3  }
0x1cb: {  	v5 =	vld [tilespmem:s14+$0xFFFFFFB0];
	v0 =	vmul.f32 v0, v9;
	[tilespmem:s13+$0x90] =	vst v3  }
0x1cc: {  	v3 =	vmul.f32 v4, v10;
	v4 =	vld [tilespmem:s17+$0xC0]  }
0x1cd: {  	v0 =	vpack.i.f32.bf16 v0, v2;
	v2 =	vld [tilespmem:s17+$0xD0]  }
0x1ce: {  	v1 =	vpack.i.f32.bf16 v1, v3;
	[tilespmem:s13+$0x0] =	vst v0;
	v0 =	vld [tilespmem:s14+$0xC0]  }
0x1cf: {  	[tilespmem:s13+$0xFFFFFF00] =	vst v1;
	v1 =	vmul.f32 v8, v11;
	v3 =	vld [tilespmem:s14+$0xD0]  }
0x1d0: {  	v6 =	vld [tilespmem:s17+$0xFFFFFF20];
	v5 =	vmul.f32 v5, v7  }
0x1d1: {  	v7 =	vld [tilespmem:s17+$0xFFFFFF30]  }
0x1d2: {  	v8 =	vld [tilespmem:s14+$0xFFFFFF20];
	v1 =	vpack.i.f32.bf16 v5, v1  }
0x1d3: {  	v5 =	vld [tilespmem:s14+$0xFFFFFF30];
	[tilespmem:s13+$0xFFFFFF90] =	vst v1  }
0x1d4: {  	v0 =	vmul.f32 v0, v4;
	v1 =	vld [tilespmem:s17+$0x20];
	v2 =	vmul.f32 v3, v2  }
0x1d5: {  	v3 =	vld [tilespmem:s17+$0x30]  }
0x1d6: {  	v4 =	vld [tilespmem:s14+$0x20];
	v0 =	vpack.i.f32.bf16 v2, v0  }
0x1d7: {  	v2 =	vmul.f32 v8, v6;
	v6 =	vld [tilespmem:s14+$0x30];
	[tilespmem:s13+$0xA0] =	vst v0  }
0x1d8: {  	v0 =	vmul.f32 v5, v7;
	v5 =	vld [tilespmem:s17+$0xE0]  }
0x1d9: {  	v7 =	vld [tilespmem:s17+$0xF0]  }
0x1da: {  	v0 =	vpack.i.f32.bf16 v0, v2;
	v2 =	vld [tilespmem:s14+$0xE0]  }
0x1db: {  	[tilespmem:s13+$0xFFFFFF10] =	vst v0;
	v0 =	vmul.f32 v4, v1;
	v1 =	vld [tilespmem:s14+$0xF0]  }
0x1dc: {  	v4 =	vld [tilespmem:s17+$0xFFFFFF40];
	v3 =	vmul.f32 v6, v3  }
0x1dd: {  	v6 =	vld [tilespmem:s17+$0xFFFFFF50]  }
0x1de: {  	v8 =	vld [tilespmem:s14+$0xFFFFFF40];
	v0 =	vpack.i.f32.bf16 v3, v0  }
0x1df: {  	v3 =	vld [tilespmem:s14+$0xFFFFFF50];
	[tilespmem:s13+$0x10] =	vst v0  }
0x1e0: {  	v2 =	vmul.f32 v2, v5;
	v0 =	vld [tilespmem:s17+$0xFFFFFFC0];
	v1 =	vmul.f32 v1, v7  }
0x1e1: {  	v5 =	vld [tilespmem:s17+$0xFFFFFFD0]  }
0x1e2: {  	v7 =	vld [tilespmem:s14+$0xFFFFFFC0];
	v1 =	vpack.i.f32.bf16 v1, v2  }
0x1e3: {  	v2 =	vmul.f32 v8, v4;
	v4 =	vld [tilespmem:s14+$0xFFFFFFD0];
	[tilespmem:s13+$0xB0] =	vst v1  }
0x1e4: {  	v1 =	vmul.f32 v3, v6;
	v3 =	vld [tilespmem:s17+$0x40]  }
0x1e5: {  	v6 =	vld [tilespmem:s17+$0x50]  }
0x1e6: {  	v1 =	vpack.i.f32.bf16 v1, v2;
	v2 =	vld [tilespmem:s14+$0x40]  }
0x1e7: {  	[tilespmem:s13+$0xFFFFFF20] =	vst v1;
	v0 =	vmul.f32 v7, v0;
	v1 =	vld [tilespmem:s14+$0x50]  }
0x1e8: {  	v7 =	vld [tilespmem:s17+$0xFFFFFF60];
	v4 =	vmul.f32 v4, v5  }
0x1e9: {  	v5 =	vld [tilespmem:s17+$0xFFFFFF70]  }
0x1ea: {  	v8 =	vld [tilespmem:s14+$0xFFFFFF60];
	v0 =	vpack.i.f32.bf16 v4, v0  }
0x1eb: {  	v4 =	vld [tilespmem:s14+$0xFFFFFF70];
	[tilespmem:s13+$0xFFFFFFA0] =	vst v0;
	v2 =	vmul.f32 v2, v3  }
0x1ec: {  	v9 =	vld [tilespmem:s17+$0xFFFFFFE0];
	v1 =	vmul.f32 v1, v6  }
0x1ed: {  	v0 =	vld [tilespmem:s17+$0xFFFFFFF0]  }
0x1ee: {  	v6 =	vld [tilespmem:s14+$0xFFFFFFE0];
	v1 =	vpack.i.f32.bf16 v1, v2  }
.Ltmp4:
0x1ef: {  	v7 =	vmul.f32 v8, v7;
	v3 =	vld [tilespmem:s14+$0xFFFFFFF0];
	[tilespmem:s13+$0x20] =	vst v1;
	(pc) =	sbr.rel @p2 .LBB2_7-.Ltmp4, $4  }
0x1f0: {  	v4 =	vmul.f32 v4, v5;
	v1 =	vld [tilespmem:s17+$0x60]  }
0x1f1: {  	v2 =	vld [tilespmem:s17+$0x70]  }
0x1f2: {  	v5 =	vpack.i.f32.bf16 v4, v7;
	v4 =	vld [tilespmem:s14+$0x60]  }
0x1f3: {  	s17 =	sadd.s32 $0x200, s17;
	[tilespmem:s13+$0xFFFFFF30] =	vst v5;
	v6 =	vmul.f32 v6, v9;
	v5 =	vld [tilespmem:s14+$0x70]  }
0x1f4: {  	_ =	sdelay $0x2  }
0x1f5: {  	v0 =	vmul.f32 v3, v0  }
0x1f6: {  	v1 =	vmul.f32 v4, v1;
	v2 =	vmul.f32 v5, v2  }
0x1f7: {  	s2 =	sadd.s32 s8, s10;
	v0 =	vpack.i.f32.bf16 v0, v6  }
0x1f8: {  	s2 =	sshll.u32 s2, $0x4;
	[tilespmem:s13+$0xFFFFFFB0] =	vst v0;
	v0 =	vpack.i.f32.bf16 v2, v1  }
0x1f9: {  	s2 =	sadd.s32 s6, s2;
	[tilespmem:s13+$0x30] =	vst v0  }
0x1fa: {  	[hbm4b:s2+s4] =	stream.linear.scatter [tilespmem:s26], [sflag:$0xD], $0x1400, $0x38;
	[tilespmem:$0x15400] =	vst v63  }
0x1fb: {  	s14 =	simm.s32 @!p1 $0x5000;
	s13 =	simm.s32 @!p1 $0x28;
	s2 =	sadd.s32 @!p1 $0x118, s8  }
0x1fc: {  	[tilespmem:s14], [sflag:$0x3] =	stream.indirect.gather @!p1 [hbm4b:s1+s13], $0x80, s2, s13, $0xb8;
	[tilespmem:$0x15400] =	vst v63  }
0x1fd: {  	s2 =	sadd.s32 @!p1 $0x1518, s8;
	s14 =	simm.s32 @!p1 $0xB400  }
0x1fe: {  	[tilespmem:s14], [sflag:$0x8] =	stream.indirect.gather @!p1 [hbm4b:s3+s13], $0x80, s2, s13, $0xb8;
	[tilespmem:$0x15400] =	vst v63  }
0x1ff: {  	_ =	swait.ge [sflag:s28], $0x1400  }
0x200: {  	[sflag:s28] =	ssyncset.done $0x0  }
0x201: {  	[sflag:s28] =	ssyncadd.s32 $0xFFFFEC00  }
0x202: {  	_ =	swait.ge [sflag:s29], $0x1400  }
0x203: {  	[sflag:s29] =	ssyncset.done $0x0  }
0x204: {  	s2 =	simm.s32 @!p0 $0xE;
	[sflag:s29] =	ssyncadd.s32 $0xFFFFEC00  }
0x205: {  	_ =	swait.ge @!p0 [sflag:s2], $0x1400  }
0x206: {  	[sflag:s2] =	ssyncset.done @!p0 $0x0  }
0x207: {  	s17 =	simm.s32 $0x6500;
	[sflag:s2] =	ssyncadd.s32 @!p0 $0xFFFFEC00  }
0x208: {  	v0 =	vld [tilespmem:s17+$0x80]  }
0x209: {  	s14 =	simm.s32 $0xC900;
	v1 =	vld [tilespmem:s17+$0x90]  }
0x20a: {  	v2 =	vld [tilespmem:s14+$0x80]  }
0x20b: {  	v3 =	vld [tilespmem:s14+$0x90]  }
0x20c: {  	v4 =	vld [tilespmem:s17+$0xFFFFFF10]  }
0x20d: {  	v5 =	vld [tilespmem:s14+$0xFFFFFF00]  }
0x20e: {  	v6 =	vld [tilespmem:s14+$0xFFFFFF10]  }
0x20f: {  	v7 =	vld [tilespmem:s17+$0xFFFFFF80]  }
0x210: {  	v8 =	vld [tilespmem:s17+$0xFFFFFF90];
	v0 =	vmul.f32 v2, v0;
	v1 =	vmul.f32 v3, v1  }
0x211: {  	v2 =	vld [tilespmem:s14+$0xFFFFFF80]  }
0x212: {  	s13 =	simm.s32 $0x12D00;
	v3 =	vld [tilespmem:s14+$0xFFFFFF90];
	v0 =	vpack.i.f32.bf16 v1, v0  }
0x213: {  	v1 =	vld [tilespmem:s17+$0x0];
	[tilespmem:s13+$0x80] =	vst v0  }
0x214: {  	v0 =	vld [tilespmem:s17+$0xA0]  }
0x215: {  	v9 =	vld [tilespmem:s17+$0xB0]  }
0x216: {  	v10 =	vld [tilespmem:s14+$0xA0]  }
0x217: {  	v11 =	vld [tilespmem:s14+$0xB0]  }
0x218: {  	v2 =	vmul.f32 v2, v7;
	v3 =	vmul.f32 v3, v8;
	v7 =	vld [tilespmem:s17+$0x10]  }
0x219: {  	v8 =	vld [tilespmem:s14+$0x0]  }
0x21a: {  	v2 =	vpack.i.f32.bf16 v3, v2;
	v3 =	vld [tilespmem:s14+$0x10]  }
0x21b: {  	[tilespmem:s13+$0xFFFFFF80] =	vst v2;
	v2 =	vld [tilespmem:s17+$0xFFFFFF00]  }
0x21c: {  	v0 =	vmul.f32 v10, v0;
	v53 =	vld [tilespmem:s17+$0xFFFFFFA0];
	v9 =	vmul.f32 v11, v9  }
0x21d: {  	v54 =	vld [tilespmem:s17+$0xFFFFFFB0]  }
0x21e: {  	v55 =	vld [tilespmem:s14+$0xFFFFFFA0];
	v0 =	vpack.i.f32.bf16 v9, v0  }
0x21f: {  	[tilespmem:s13+$0x90] =	vst v0;
	v0 =	vld [tilespmem:s14+$0xFFFFFFB0]  }
0x220: {  	v4 =	vmul.f32 v6, v4;
	v2 =	vmul.f32 v5, v2;
	v5 =	vld [tilespmem:s17+$0xC0]  }
0x221: {  	v6 =	vld [tilespmem:s17+$0xD0]  }
0x222: {  	v2 =	vpack.i.f32.bf16 v4, v2;
	v4 =	vld [tilespmem:s14+$0xC0]  }
0x223: {  	[tilespmem:s13+$0xFFFFFF00] =	vst v2;
	v2 =	vld [tilespmem:s14+$0xD0]  }
0x224: {  	v1 =	vmul.f32 v8, v1;
	v3 =	vmul.f32 v3, v7;
	v7 =	vld [tilespmem:s17+$0xFFFFFF20]  }
0x225: {  	v8 =	vld [tilespmem:s17+$0xFFFFFF30]  }
0x226: {  	v1 =	vpack.i.f32.bf16 v3, v1;
	v3 =	vld [tilespmem:s14+$0xFFFFFF20]  }
0x227: {  	[tilespmem:s13+$0x0] =	vst v1;
	v1 =	vld [tilespmem:s14+$0xFFFFFF30]  }
0x228: {  	v4 =	vmul.f32 v4, v5;
	v5 =	vld [tilespmem:s17+$0x20];
	v2 =	vmul.f32 v2, v6  }
0x229: {  	v6 =	vld [tilespmem:s17+$0x30]  }
0x22a: {  	v2 =	vpack.i.f32.bf16 v2, v4;
	v4 =	vld [tilespmem:s14+$0x20]  }
0x22b: {  	[tilespmem:s13+$0xA0] =	vst v2;
	v2 =	vld [tilespmem:s14+$0x30]  }
0x22c: {  	v3 =	vmul.f32 v3, v7;
	v1 =	vmul.f32 v1, v8;
	v7 =	vld [tilespmem:s17+$0xE0]  }
0x22d: {  	v8 =	vld [tilespmem:s17+$0xF0]  }
0x22e: {  	v1 =	vpack.i.f32.bf16 v1, v3;
	v3 =	vld [tilespmem:s14+$0xE0]  }
0x22f: {  	[tilespmem:s13+$0xFFFFFF10] =	vst v1;
	v1 =	vld [tilespmem:s14+$0xF0]  }
0x230: {  	v9 =	vmul.f32 v55, v53;
	v0 =	vmul.f32 v0, v54;
	v56 =	vld [tilespmem:s17+$0xFFFFFF40]  }
0x231: {  	v57 =	vld [tilespmem:s17+$0xFFFFFF50]  }
0x232: {  	v0 =	vpack.i.f32.bf16 v0, v9;
	v58 =	vld [tilespmem:s14+$0xFFFFFF40]  }
0x233: {  	[tilespmem:s13+$0xFFFFFF90] =	vst v0;
	v0 =	vld [tilespmem:s14+$0xFFFFFF50]  }
0x234: {  	v4 =	vmul.f32 v4, v5;
	v5 =	vld [tilespmem:s17+$0xFFFFFFC0];
	v2 =	vmul.f32 v2, v6  }
0x235: {  	v6 =	vld [tilespmem:s17+$0xFFFFFFD0]  }
0x236: {  	v2 =	vpack.i.f32.bf16 v2, v4;
	v4 =	vld [tilespmem:s14+$0xFFFFFFC0]  }
0x237: {  	[tilespmem:s13+$0x10] =	vst v2;
	v2 =	vld [tilespmem:s14+$0xFFFFFFD0]  }
0x238: {  	v9 =	vmul.f32 v58, v56;
	v0 =	vmul.f32 v0, v57;
	v59 =	vld [tilespmem:s17+$0x40]  }
0x239: {  	v60 =	vld [tilespmem:s17+$0x50]  }
0x23a: {  	v0 =	vpack.i.f32.bf16 v0, v9;
	v61 =	vld [tilespmem:s14+$0x40]  }
0x23b: {  	[tilespmem:s13+$0xFFFFFF20] =	vst v0;
	v0 =	vld [tilespmem:s14+$0x50]  }
0x23c: {  	v4 =	vmul.f32 v4, v5;
	v5 =	vld [tilespmem:s17+$0xFFFFFF60];
	v2 =	vmul.f32 v2, v6  }
0x23d: {  	v6 =	vld [tilespmem:s17+$0xFFFFFF70]  }
0x23e: {  	v2 =	vpack.i.f32.bf16 v2, v4;
	v4 =	vld [tilespmem:s14+$0xFFFFFF60]  }
0x23f: {  	[tilespmem:s13+$0xFFFFFFA0] =	vst v2;
	v2 =	vld [tilespmem:s14+$0xFFFFFF70]  }
0x240: {  	v9 =	vmul.f32 v61, v59;
	v11 =	vmul.f32 v0, v60;
	v62 =	vld [tilespmem:s17+$0xFFFFFFE0]  }
0x241: {  	v0 =	vld [tilespmem:s17+$0xFFFFFFF0]  }
0x242: {  	v9 =	vpack.i.f32.bf16 v11, v9;
	v63 =	vld [tilespmem:s14+$0xFFFFFFE0]  }
0x243: {  	v7 =	vmul.f32 v3, v7;
	v8 =	vmul.f32 v1, v8;
	v3 =	vld [tilespmem:s14+$0xFFFFFFF0];
	[tilespmem:s13+$0x20] =	vst v9  }
0x244: {  	v1 =	vld [tilespmem:s17+$0x60];
	v4 =	vmul.f32 v4, v5;
	v5 =	vmul.f32 v2, v6  }
0x245: {  	v6 =	vpack.i.f32.bf16 v8, v7;
	v2 =	vld [tilespmem:s17+$0x70]  }
0x246: {  	[tilespmem:s13+$0xB0] =	vst v6;
	v5 =	vpack.i.f32.bf16 v5, v4;
	v4 =	vld [tilespmem:s14+$0x60]  }
0x247: {  	s2 =	simm.s32 $0x0;
	s17 =	simm.s32 $0x6700;
	v6 =	vmul.f32 v63, v62;
	[tilespmem:s13+$0xFFFFFF30] =	vst v5;
	v5 =	vld [tilespmem:s14+$0x70]  }
.LBB2_9:
0x248: {  	v7 =	vld [tilespmem:s17+$0x80];
	v0 =	vmul.f32 v3, v0  }
0x249: {  	s14 =	sadd.s32 $0x200, s14;
	v3 =	vld [tilespmem:s17+$0x90]  }
0x24a: {  	v8 =	vld [tilespmem:s14+$0x80];
	v0 =	vpack.i.f32.bf16 v0, v6  }
0x24b: {  	v6 =	vld [tilespmem:s14+$0x90];
	[tilespmem:s13+$0xFFFFFFB0] =	vst v0;
	v0 =	vmul.f32 v4, v1  }
0x24c: {  	v1 =	vld [tilespmem:s17+$0xFFFFFF10];
	v2 =	vmul.f32 v5, v2  }
0x24d: {  	v4 =	vld [tilespmem:s14+$0xFFFFFF00]  }
0x24e: {  	v5 =	vld [tilespmem:s14+$0xFFFFFF10];
	v0 =	vpack.i.f32.bf16 v2, v0  }
0x24f: {  	v2 =	vld [tilespmem:s17+$0xFFFFFF80];
	[tilespmem:s13+$0x30] =	vst v0  }
0x250: {  	v7 =	vmul.f32 v8, v7;
	v0 =	vld [tilespmem:s17+$0xFFFFFF90];
	v3 =	vmul.f32 v6, v3  }
0x251: {  	v6 =	vld [tilespmem:s14+$0xFFFFFF80]  }
0x252: {  	s13 =	sadd.s32 $0x200, s13;
	v8 =	vld [tilespmem:s14+$0xFFFFFF90];
	v3 =	vpack.i.f32.bf16 v3, v7  }
0x253: {  	v1 =	vmul.f32 v5, v1;
	v5 =	vld [tilespmem:s17+$0x0];
	[tilespmem:s13+$0x80] =	vst v3  }
0x254: {  	s2 =	sadd.s32 $0x4, s2;
	v3 =	vld [tilespmem:s17+$0xA0]  }
0x255: {  	p2 =	slt.u32 s2, $0x24;
	v7 =	vld [tilespmem:s17+$0xB0]  }
0x256: {  	v2 =	vmul.f32 v6, v2;
	v6 =	vld [tilespmem:s14+$0xA0]  }
0x257: {  	v0 =	vmul.f32 v8, v0;
	v8 =	vld [tilespmem:s14+$0xB0]  }
0x258: {  	v9 =	vld [tilespmem:s17+$0x10]  }
0x259: {  	v0 =	vpack.i.f32.bf16 v0, v2;
	v2 =	vld [tilespmem:s14+$0x0]  }
0x25a: {  	[tilespmem:s13+$0xFFFFFF80] =	vst v0;
	v0 =	vld [tilespmem:s14+$0x10]  }
0x25b: {  	v10 =	vld [tilespmem:s17+$0xFFFFFF00]  }
0x25c: {  	v3 =	vmul.f32 v6, v3;
	v11 =	vld [tilespmem:s17+$0xFFFFFFA0];
	v6 =	vmul.f32 v8, v7  }
0x25d: {  	v7 =	vld [tilespmem:s17+$0xFFFFFFB0]  }
0x25e: {  	v8 =	vld [tilespmem:s14+$0xFFFFFFA0];
	v2 =	vmul.f32 v2, v5;
	v3 =	vpack.i.f32.bf16 v6, v3  }
0x25f: {  	v5 =	vld [tilespmem:s14+$0xFFFFFFB0];
	v0 =	vmul.f32 v0, v9;
	[tilespmem:s13+$0x90] =	vst v3  }
0x260: {  	v3 =	vmul.f32 v4, v10;
	v4 =	vld [tilespmem:s17+$0xC0]  }
0x261: {  	v0 =	vpack.i.f32.bf16 v0, v2;
	v2 =	vld [tilespmem:s17+$0xD0]  }
0x262: {  	v1 =	vpack.i.f32.bf16 v1, v3;
	[tilespmem:s13+$0x0] =	vst v0;
	v0 =	vld [tilespmem:s14+$0xC0]  }
0x263: {  	[tilespmem:s13+$0xFFFFFF00] =	vst v1;
	v1 =	vmul.f32 v8, v11;
	v3 =	vld [tilespmem:s14+$0xD0]  }
0x264: {  	v6 =	vld [tilespmem:s17+$0xFFFFFF20];
	v5 =	vmul.f32 v5, v7  }
0x265: {  	v7 =	vld [tilespmem:s17+$0xFFFFFF30]  }
0x266: {  	v8 =	vld [tilespmem:s14+$0xFFFFFF20];
	v1 =	vpack.i.f32.bf16 v5, v1  }
0x267: {  	v5 =	vld [tilespmem:s14+$0xFFFFFF30];
	[tilespmem:s13+$0xFFFFFF90] =	vst v1  }
0x268: {  	v0 =	vmul.f32 v0, v4;
	v1 =	vld [tilespmem:s17+$0x20];
	v2 =	vmul.f32 v3, v2  }
0x269: {  	v3 =	vld [tilespmem:s17+$0x30]  }
0x26a: {  	v4 =	vld [tilespmem:s14+$0x20];
	v0 =	vpack.i.f32.bf16 v2, v0  }
0x26b: {  	v2 =	vmul.f32 v8, v6;
	v6 =	vld [tilespmem:s14+$0x30];
	[tilespmem:s13+$0xA0] =	vst v0  }
0x26c: {  	v0 =	vmul.f32 v5, v7;
	v5 =	vld [tilespmem:s17+$0xE0]  }
0x26d: {  	v7 =	vld [tilespmem:s17+$0xF0]  }
0x26e: {  	v0 =	vpack.i.f32.bf16 v0, v2;
	v2 =	vld [tilespmem:s14+$0xE0]  }
0x26f: {  	[tilespmem:s13+$0xFFFFFF10] =	vst v0;
	v0 =	vmul.f32 v4, v1;
	v1 =	vld [tilespmem:s14+$0xF0]  }
0x270: {  	v4 =	vld [tilespmem:s17+$0xFFFFFF40];
	v3 =	vmul.f32 v6, v3  }
0x271: {  	v6 =	vld [tilespmem:s17+$0xFFFFFF50]  }
0x272: {  	v8 =	vld [tilespmem:s14+$0xFFFFFF40];
	v0 =	vpack.i.f32.bf16 v3, v0  }
0x273: {  	v3 =	vld [tilespmem:s14+$0xFFFFFF50];
	[tilespmem:s13+$0x10] =	vst v0  }
0x274: {  	v2 =	vmul.f32 v2, v5;
	v0 =	vld [tilespmem:s17+$0xFFFFFFC0];
	v1 =	vmul.f32 v1, v7  }
0x275: {  	v5 =	vld [tilespmem:s17+$0xFFFFFFD0]  }
0x276: {  	v7 =	vld [tilespmem:s14+$0xFFFFFFC0];
	v1 =	vpack.i.f32.bf16 v1, v2  }
0x277: {  	v2 =	vmul.f32 v8, v4;
	v4 =	vld [tilespmem:s14+$0xFFFFFFD0];
	[tilespmem:s13+$0xB0] =	vst v1  }
0x278: {  	v1 =	vmul.f32 v3, v6;
	v3 =	vld [tilespmem:s17+$0x40]  }
0x279: {  	v6 =	vld [tilespmem:s17+$0x50]  }
0x27a: {  	v1 =	vpack.i.f32.bf16 v1, v2;
	v2 =	vld [tilespmem:s14+$0x40]  }
0x27b: {  	[tilespmem:s13+$0xFFFFFF20] =	vst v1;
	v0 =	vmul.f32 v7, v0;
	v1 =	vld [tilespmem:s14+$0x50]  }
0x27c: {  	v7 =	vld [tilespmem:s17+$0xFFFFFF60];
	v4 =	vmul.f32 v4, v5  }
0x27d: {  	v5 =	vld [tilespmem:s17+$0xFFFFFF70]  }
0x27e: {  	v8 =	vld [tilespmem:s14+$0xFFFFFF60];
	v0 =	vpack.i.f32.bf16 v4, v0  }
0x27f: {  	v4 =	vld [tilespmem:s14+$0xFFFFFF70];
	[tilespmem:s13+$0xFFFFFFA0] =	vst v0;
	v2 =	vmul.f32 v2, v3  }
0x280: {  	v9 =	vld [tilespmem:s17+$0xFFFFFFE0];
	v1 =	vmul.f32 v1, v6  }
0x281: {  	v0 =	vld [tilespmem:s17+$0xFFFFFFF0]  }
0x282: {  	v6 =	vld [tilespmem:s14+$0xFFFFFFE0];
	v1 =	vpack.i.f32.bf16 v1, v2  }
.Ltmp5:
0x283: {  	v7 =	vmul.f32 v8, v7;
	v3 =	vld [tilespmem:s14+$0xFFFFFFF0];
	[tilespmem:s13+$0x20] =	vst v1;
	(pc) =	sbr.rel @p2 .LBB2_9-.Ltmp5, $4  }
0x284: {  	v4 =	vmul.f32 v4, v5;
	v1 =	vld [tilespmem:s17+$0x60]  }
0x285: {  	v2 =	vld [tilespmem:s17+$0x70]  }
0x286: {  	v5 =	vpack.i.f32.bf16 v4, v7;
	v4 =	vld [tilespmem:s14+$0x60]  }
0x287: {  	s17 =	sadd.s32 $0x200, s17;
	[tilespmem:s13+$0xFFFFFF30] =	vst v5;
	v6 =	vmul.f32 v6, v9;
	v5 =	vld [tilespmem:s14+$0x70]  }
0x288: {  	_ =	sdelay $0x2  }
0x289: {  	v0 =	vmul.f32 v3, v0  }
0x28a: {  	v1 =	vmul.f32 v4, v1;
	v2 =	vmul.f32 v5, v2  }
0x28b: {  	s2 =	sadd.s32 s8, s11;
	v0 =	vpack.i.f32.bf16 v0, v6  }
0x28c: {  	s2 =	sshll.u32 s2, $0x4;
	[tilespmem:s13+$0xFFFFFFB0] =	vst v0;
	v0 =	vpack.i.f32.bf16 v2, v1  }
0x28d: {  	s2 =	sadd.s32 s6, s2;
	[tilespmem:s13+$0x30] =	vst v0  }
0x28e: {  	[hbm4b:s2+s4] =	stream.linear.scatter [tilespmem:s30], [sflag:$0xE], $0x1400, $0x38;
	[tilespmem:$0x15400] =	vst v63  }
0x28f: {  	s14 =	simm.s32 @!p1 $0x6400;
	s13 =	simm.s32 @!p1 $0x28;
	s2 =	sadd.s32 @!p1 $0x140, s8  }
0x290: {  	[tilespmem:s14], [sflag:$0x4] =	stream.indirect.gather @!p1 [hbm4b:s1+s13], $0x80, s2, s13, $0xb8;
	[tilespmem:$0x15400] =	vst v63  }
0x291: {  	s2 =	sadd.s32 @!p1 $0x1540, s8;
	s14 =	simm.s32 @!p1 $0xC800  }
0x292: {  	[tilespmem:s14], [sflag:$0x9] =	stream.indirect.gather @!p1 [hbm4b:s3+s13], $0x80, s2, s13, $0xb8;
	[tilespmem:$0x15400] =	vst v63  }
0x293: {  	_ =	swait.ge [sflag:s31], $0x1400  }
0x294: {  	[sflag:s31] =	ssyncset.done $0x0  }
0x295: {  	[sflag:s31] =	ssyncadd.s32 $0xFFFFEC00  }
0x296: {  	_ =	swait.ge [sflag:s0], $0x1400  }
0x297: {  	[sflag:s0] =	ssyncset.done $0x0  }
0x298: {  	s2 =	simm.s32 @!p0 $0xF;
	[sflag:s0] =	ssyncadd.s32 $0xFFFFEC00  }
0x299: {  	_ =	swait.ge @!p0 [sflag:s2], $0x1400  }
0x29a: {  	[sflag:s2] =	ssyncset.done @!p0 $0x0  }
0x29b: {  	s17 =	simm.s32 $0x7900;
	[sflag:s2] =	ssyncadd.s32 @!p0 $0xFFFFEC00  }
0x29c: {  	v0 =	vld [tilespmem:s17+$0x80]  }
0x29d: {  	s14 =	simm.s32 $0xDD00;
	v1 =	vld [tilespmem:s17+$0x90]  }
0x29e: {  	v2 =	vld [tilespmem:s14+$0x80]  }
0x29f: {  	v3 =	vld [tilespmem:s14+$0x90]  }
0x2a0: {  	v4 =	vld [tilespmem:s17+$0xFFFFFF10]  }
0x2a1: {  	v5 =	vld [tilespmem:s14+$0xFFFFFF00]  }
0x2a2: {  	v6 =	vld [tilespmem:s14+$0xFFFFFF10]  }
0x2a3: {  	v7 =	vld [tilespmem:s17+$0xFFFFFF80]  }
0x2a4: {  	v8 =	vld [tilespmem:s17+$0xFFFFFF90];
	v0 =	vmul.f32 v2, v0;
	v1 =	vmul.f32 v3, v1  }
0x2a5: {  	v2 =	vld [tilespmem:s14+$0xFFFFFF80]  }
0x2a6: {  	s13 =	simm.s32 $0x14100;
	v3 =	vld [tilespmem:s14+$0xFFFFFF90];
	v0 =	vpack.i.f32.bf16 v1, v0  }
0x2a7: {  	v1 =	vld [tilespmem:s17+$0x0];
	[tilespmem:s13+$0x80] =	vst v0  }
0x2a8: {  	v0 =	vld [tilespmem:s17+$0xA0]  }
0x2a9: {  	v9 =	vld [tilespmem:s17+$0xB0]  }
0x2aa: {  	v10 =	vld [tilespmem:s14+$0xA0]  }
0x2ab: {  	v11 =	vld [tilespmem:s14+$0xB0]  }
0x2ac: {  	v2 =	vmul.f32 v2, v7;
	v3 =	vmul.f32 v3, v8;
	v7 =	vld [tilespmem:s17+$0x10]  }
0x2ad: {  	v8 =	vld [tilespmem:s14+$0x0]  }
0x2ae: {  	v2 =	vpack.i.f32.bf16 v3, v2;
	v3 =	vld [tilespmem:s14+$0x10]  }
0x2af: {  	[tilespmem:s13+$0xFFFFFF80] =	vst v2;
	v2 =	vld [tilespmem:s17+$0xFFFFFF00]  }
0x2b0: {  	v0 =	vmul.f32 v10, v0;
	v53 =	vld [tilespmem:s17+$0xFFFFFFA0];
	v9 =	vmul.f32 v11, v9  }
0x2b1: {  	v54 =	vld [tilespmem:s17+$0xFFFFFFB0]  }
0x2b2: {  	v55 =	vld [tilespmem:s14+$0xFFFFFFA0];
	v0 =	vpack.i.f32.bf16 v9, v0  }
0x2b3: {  	[tilespmem:s13+$0x90] =	vst v0;
	v0 =	vld [tilespmem:s14+$0xFFFFFFB0]  }
0x2b4: {  	v4 =	vmul.f32 v6, v4;
	v2 =	vmul.f32 v5, v2;
	v5 =	vld [tilespmem:s17+$0xC0]  }
0x2b5: {  	v6 =	vld [tilespmem:s17+$0xD0]  }
0x2b6: {  	v2 =	vpack.i.f32.bf16 v4, v2;
	v4 =	vld [tilespmem:s14+$0xC0]  }
0x2b7: {  	[tilespmem:s13+$0xFFFFFF00] =	vst v2;
	v2 =	vld [tilespmem:s14+$0xD0]  }
0x2b8: {  	v1 =	vmul.f32 v8, v1;
	v3 =	vmul.f32 v3, v7;
	v7 =	vld [tilespmem:s17+$0xFFFFFF20]  }
0x2b9: {  	v8 =	vld [tilespmem:s17+$0xFFFFFF30]  }
0x2ba: {  	v1 =	vpack.i.f32.bf16 v3, v1;
	v3 =	vld [tilespmem:s14+$0xFFFFFF20]  }
0x2bb: {  	[tilespmem:s13+$0x0] =	vst v1;
	v1 =	vld [tilespmem:s14+$0xFFFFFF30]  }
0x2bc: {  	v4 =	vmul.f32 v4, v5;
	v5 =	vld [tilespmem:s17+$0x20];
	v2 =	vmul.f32 v2, v6  }
0x2bd: {  	v6 =	vld [tilespmem:s17+$0x30]  }
0x2be: {  	v2 =	vpack.i.f32.bf16 v2, v4;
	v4 =	vld [tilespmem:s14+$0x20]  }
0x2bf: {  	[tilespmem:s13+$0xA0] =	vst v2;
	v2 =	vld [tilespmem:s14+$0x30]  }
0x2c0: {  	v3 =	vmul.f32 v3, v7;
	v1 =	vmul.f32 v1, v8;
	v7 =	vld [tilespmem:s17+$0xE0]  }
0x2c1: {  	v8 =	vld [tilespmem:s17+$0xF0]  }
0x2c2: {  	v1 =	vpack.i.f32.bf16 v1, v3;
	v3 =	vld [tilespmem:s14+$0xE0]  }
0x2c3: {  	[tilespmem:s13+$0xFFFFFF10] =	vst v1;
	v1 =	vld [tilespmem:s14+$0xF0]  }
0x2c4: {  	v9 =	vmul.f32 v55, v53;
	v0 =	vmul.f32 v0, v54;
	v56 =	vld [tilespmem:s17+$0xFFFFFF40]  }
0x2c5: {  	v57 =	vld [tilespmem:s17+$0xFFFFFF50]  }
0x2c6: {  	v0 =	vpack.i.f32.bf16 v0, v9;
	v58 =	vld [tilespmem:s14+$0xFFFFFF40]  }
0x2c7: {  	[tilespmem:s13+$0xFFFFFF90] =	vst v0;
	v0 =	vld [tilespmem:s14+$0xFFFFFF50]  }
0x2c8: {  	v4 =	vmul.f32 v4, v5;
	v5 =	vld [tilespmem:s17+$0xFFFFFFC0];
	v2 =	vmul.f32 v2, v6  }
0x2c9: {  	v6 =	vld [tilespmem:s17+$0xFFFFFFD0]  }
0x2ca: {  	v2 =	vpack.i.f32.bf16 v2, v4;
	v4 =	vld [tilespmem:s14+$0xFFFFFFC0]  }
0x2cb: {  	[tilespmem:s13+$0x10] =	vst v2;
	v2 =	vld [tilespmem:s14+$0xFFFFFFD0]  }
0x2cc: {  	v9 =	vmul.f32 v58, v56;
	v0 =	vmul.f32 v0, v57;
	v59 =	vld [tilespmem:s17+$0x40]  }
0x2cd: {  	v60 =	vld [tilespmem:s17+$0x50]  }
0x2ce: {  	v0 =	vpack.i.f32.bf16 v0, v9;
	v61 =	vld [tilespmem:s14+$0x40]  }
0x2cf: {  	[tilespmem:s13+$0xFFFFFF20] =	vst v0;
	v0 =	vld [tilespmem:s14+$0x50]  }
0x2d0: {  	v4 =	vmul.f32 v4, v5;
	v5 =	vld [tilespmem:s17+$0xFFFFFF60];
	v2 =	vmul.f32 v2, v6  }
0x2d1: {  	v6 =	vld [tilespmem:s17+$0xFFFFFF70]  }
0x2d2: {  	v2 =	vpack.i.f32.bf16 v2, v4;
	v4 =	vld [tilespmem:s14+$0xFFFFFF60]  }
0x2d3: {  	[tilespmem:s13+$0xFFFFFFA0] =	vst v2;
	v2 =	vld [tilespmem:s14+$0xFFFFFF70]  }
0x2d4: {  	v9 =	vmul.f32 v61, v59;
	v11 =	vmul.f32 v0, v60;
	v62 =	vld [tilespmem:s17+$0xFFFFFFE0]  }
0x2d5: {  	v0 =	vld [tilespmem:s17+$0xFFFFFFF0]  }
0x2d6: {  	v9 =	vpack.i.f32.bf16 v11, v9;
	v63 =	vld [tilespmem:s14+$0xFFFFFFE0]  }
0x2d7: {  	v7 =	vmul.f32 v3, v7;
	v8 =	vmul.f32 v1, v8;
	v3 =	vld [tilespmem:s14+$0xFFFFFFF0];
	[tilespmem:s13+$0x20] =	vst v9  }
0x2d8: {  	v1 =	vld [tilespmem:s17+$0x60];
	v4 =	vmul.f32 v4, v5;
	v5 =	vmul.f32 v2, v6  }
0x2d9: {  	v6 =	vpack.i.f32.bf16 v8, v7;
	v2 =	vld [tilespmem:s17+$0x70]  }
0x2da: {  	[tilespmem:s13+$0xB0] =	vst v6;
	v5 =	vpack.i.f32.bf16 v5, v4;
	v4 =	vld [tilespmem:s14+$0x60]  }
0x2db: {  	s2 =	simm.s32 $0x0;
	s17 =	simm.s32 $0x7B00;
	v6 =	vmul.f32 v63, v62;
	[tilespmem:s13+$0xFFFFFF30] =	vst v5;
	v5 =	vld [tilespmem:s14+$0x70]  }
.LBB2_11:
0x2dc: {  	v7 =	vld [tilespmem:s17+$0x80];
	v0 =	vmul.f32 v3, v0  }
0x2dd: {  	s14 =	sadd.s32 $0x200, s14;
	v3 =	vld [tilespmem:s17+$0x90]  }
0x2de: {  	v8 =	vld [tilespmem:s14+$0x80];
	v0 =	vpack.i.f32.bf16 v0, v6  }
0x2df: {  	v6 =	vld [tilespmem:s14+$0x90];
	[tilespmem:s13+$0xFFFFFFB0] =	vst v0;
	v0 =	vmul.f32 v4, v1  }
0x2e0: {  	v1 =	vld [tilespmem:s17+$0xFFFFFF10];
	v2 =	vmul.f32 v5, v2  }
0x2e1: {  	v4 =	vld [tilespmem:s14+$0xFFFFFF00]  }
0x2e2: {  	v5 =	vld [tilespmem:s14+$0xFFFFFF10];
	v0 =	vpack.i.f32.bf16 v2, v0  }
0x2e3: {  	v2 =	vld [tilespmem:s17+$0xFFFFFF80];
	[tilespmem:s13+$0x30] =	vst v0  }
0x2e4: {  	v7 =	vmul.f32 v8, v7;
	v0 =	vld [tilespmem:s17+$0xFFFFFF90];
	v3 =	vmul.f32 v6, v3  }
0x2e5: {  	v6 =	vld [tilespmem:s14+$0xFFFFFF80]  }
0x2e6: {  	s13 =	sadd.s32 $0x200, s13;
	v8 =	vld [tilespmem:s14+$0xFFFFFF90];
	v3 =	vpack.i.f32.bf16 v3, v7  }
0x2e7: {  	v1 =	vmul.f32 v5, v1;
	v5 =	vld [tilespmem:s17+$0x0];
	[tilespmem:s13+$0x80] =	vst v3  }
0x2e8: {  	s2 =	sadd.s32 $0x4, s2;
	v3 =	vld [tilespmem:s17+$0xA0]  }
0x2e9: {  	p0 =	slt.u32 s2, $0x24;
	v7 =	vld [tilespmem:s17+$0xB0]  }
0x2ea: {  	v2 =	vmul.f32 v6, v2;
	v6 =	vld [tilespmem:s14+$0xA0]  }
0x2eb: {  	v0 =	vmul.f32 v8, v0;
	v8 =	vld [tilespmem:s14+$0xB0]  }
0x2ec: {  	v9 =	vld [tilespmem:s17+$0x10]  }
0x2ed: {  	v0 =	vpack.i.f32.bf16 v0, v2;
	v2 =	vld [tilespmem:s14+$0x0]  }
0x2ee: {  	[tilespmem:s13+$0xFFFFFF80] =	vst v0;
	v0 =	vld [tilespmem:s14+$0x10]  }
0x2ef: {  	v10 =	vld [tilespmem:s17+$0xFFFFFF00]  }
0x2f0: {  	v3 =	vmul.f32 v6, v3;
	v11 =	vld [tilespmem:s17+$0xFFFFFFA0];
	v6 =	vmul.f32 v8, v7  }
0x2f1: {  	v7 =	vld [tilespmem:s17+$0xFFFFFFB0]  }
0x2f2: {  	v8 =	vld [tilespmem:s14+$0xFFFFFFA0];
	v2 =	vmul.f32 v2, v5;
	v3 =	vpack.i.f32.bf16 v6, v3  }
0x2f3: {  	v5 =	vld [tilespmem:s14+$0xFFFFFFB0];
	v0 =	vmul.f32 v0, v9;
	[tilespmem:s13+$0x90] =	vst v3  }
0x2f4: {  	v3 =	vmul.f32 v4, v10;
	v4 =	vld [tilespmem:s17+$0xC0]  }
0x2f5: {  	v0 =	vpack.i.f32.bf16 v0, v2;
	v2 =	vld [tilespmem:s17+$0xD0]  }
0x2f6: {  	v1 =	vpack.i.f32.bf16 v1, v3;
	[tilespmem:s13+$0x0] =	vst v0;
	v0 =	vld [tilespmem:s14+$0xC0]  }
0x2f7: {  	[tilespmem:s13+$0xFFFFFF00] =	vst v1;
	v1 =	vmul.f32 v8, v11;
	v3 =	vld [tilespmem:s14+$0xD0]  }
0x2f8: {  	v6 =	vld [tilespmem:s17+$0xFFFFFF20];
	v5 =	vmul.f32 v5, v7  }
0x2f9: {  	v7 =	vld [tilespmem:s17+$0xFFFFFF30]  }
0x2fa: {  	v8 =	vld [tilespmem:s14+$0xFFFFFF20];
	v1 =	vpack.i.f32.bf16 v5, v1  }
0x2fb: {  	v5 =	vld [tilespmem:s14+$0xFFFFFF30];
	[tilespmem:s13+$0xFFFFFF90] =	vst v1  }
0x2fc: {  	v0 =	vmul.f32 v0, v4;
	v1 =	vld [tilespmem:s17+$0x20];
	v2 =	vmul.f32 v3, v2  }
0x2fd: {  	v3 =	vld [tilespmem:s17+$0x30]  }
0x2fe: {  	v4 =	vld [tilespmem:s14+$0x20];
	v0 =	vpack.i.f32.bf16 v2, v0  }
0x2ff: {  	v2 =	vmul.f32 v8, v6;
	v6 =	vld [tilespmem:s14+$0x30];
	[tilespmem:s13+$0xA0] =	vst v0  }
0x300: {  	v0 =	vmul.f32 v5, v7;
	v5 =	vld [tilespmem:s17+$0xE0]  }
0x301: {  	v7 =	vld [tilespmem:s17+$0xF0]  }
0x302: {  	v0 =	vpack.i.f32.bf16 v0, v2;
	v2 =	vld [tilespmem:s14+$0xE0]  }
0x303: {  	[tilespmem:s13+$0xFFFFFF10] =	vst v0;
	v0 =	vmul.f32 v4, v1;
	v1 =	vld [tilespmem:s14+$0xF0]  }
0x304: {  	v4 =	vld [tilespmem:s17+$0xFFFFFF40];
	v3 =	vmul.f32 v6, v3  }
0x305: {  	v6 =	vld [tilespmem:s17+$0xFFFFFF50]  }
0x306: {  	v8 =	vld [tilespmem:s14+$0xFFFFFF40];
	v0 =	vpack.i.f32.bf16 v3, v0  }
0x307: {  	v3 =	vld [tilespmem:s14+$0xFFFFFF50];
	[tilespmem:s13+$0x10] =	vst v0  }
0x308: {  	v2 =	vmul.f32 v2, v5;
	v0 =	vld [tilespmem:s17+$0xFFFFFFC0];
	v1 =	vmul.f32 v1, v7  }
0x309: {  	v5 =	vld [tilespmem:s17+$0xFFFFFFD0]  }
0x30a: {  	v7 =	vld [tilespmem:s14+$0xFFFFFFC0];
	v1 =	vpack.i.f32.bf16 v1, v2  }
0x30b: {  	v2 =	vmul.f32 v8, v4;
	v4 =	vld [tilespmem:s14+$0xFFFFFFD0];
	[tilespmem:s13+$0xB0] =	vst v1  }
0x30c: {  	v1 =	vmul.f32 v3, v6;
	v3 =	vld [tilespmem:s17+$0x40]  }
0x30d: {  	v6 =	vld [tilespmem:s17+$0x50]  }
0x30e: {  	v1 =	vpack.i.f32.bf16 v1, v2;
	v2 =	vld [tilespmem:s14+$0x40]  }
0x30f: {  	[tilespmem:s13+$0xFFFFFF20] =	vst v1;
	v0 =	vmul.f32 v7, v0;
	v1 =	vld [tilespmem:s14+$0x50]  }
0x310: {  	v7 =	vld [tilespmem:s17+$0xFFFFFF60];
	v4 =	vmul.f32 v4, v5  }
0x311: {  	v5 =	vld [tilespmem:s17+$0xFFFFFF70]  }
0x312: {  	v8 =	vld [tilespmem:s14+$0xFFFFFF60];
	v0 =	vpack.i.f32.bf16 v4, v0  }
0x313: {  	v4 =	vld [tilespmem:s14+$0xFFFFFF70];
	[tilespmem:s13+$0xFFFFFFA0] =	vst v0;
	v2 =	vmul.f32 v2, v3  }
0x314: {  	v9 =	vld [tilespmem:s17+$0xFFFFFFE0];
	v1 =	vmul.f32 v1, v6  }
0x315: {  	v0 =	vld [tilespmem:s17+$0xFFFFFFF0]  }
0x316: {  	v6 =	vld [tilespmem:s14+$0xFFFFFFE0];
	v1 =	vpack.i.f32.bf16 v1, v2  }
.Ltmp6:
0x317: {  	v7 =	vmul.f32 v8, v7;
	v3 =	vld [tilespmem:s14+$0xFFFFFFF0];
	[tilespmem:s13+$0x20] =	vst v1;
	(pc) =	sbr.rel @p0 .LBB2_11-.Ltmp6, $4  }
0x318: {  	v4 =	vmul.f32 v4, v5;
	v1 =	vld [tilespmem:s17+$0x60]  }
0x319: {  	v2 =	vld [tilespmem:s17+$0x70]  }
0x31a: {  	v5 =	vpack.i.f32.bf16 v4, v7;
	v4 =	vld [tilespmem:s14+$0x60]  }
0x31b: {  	s17 =	sadd.s32 $0x200, s17;
	[tilespmem:s13+$0xFFFFFF30] =	vst v5;
	v6 =	vmul.f32 v6, v9;
	v5 =	vld [tilespmem:s14+$0x70]  }
0x31c: {  	_ =	sdelay $0x2  }
0x31d: {  	v0 =	vmul.f32 v3, v0  }
.Ltmp7:
0x31e: {  	v1 =	vmul.f32 v4, v1;
	v2 =	vmul.f32 v5, v2;
	(pc) =	sbr.rel @p1 .LBB2_14-.Ltmp7, $4  }
0x31f: {  	s2 =	sadd.s32 s8, s12;
	v0 =	vpack.i.f32.bf16 v0, v6  }
0x320: {  	s2 =	sshll.u32 s2, $0x4;
	[tilespmem:s13+$0xFFFFFFB0] =	vst v0;
	v63 =	vpack.i.f32.bf16 v2, v1  }
0x321: {  	s2 =	sadd.s32 s6, s2;
	[tilespmem:s13+$0x30] =	vst v63  }
0x322: {  	[hbm4b:s2+s4] =	stream.linear.scatter [tilespmem:s15], [sflag:$0xF], $0x1400, $0x38;
	[tilespmem:$0x15400] =	vst v63  }
.Ltmp8:
0x323: {  	(pc) =	sbr.rel .LBB2_2-.Ltmp8, $4  }
0x324: {  	s2 =	sadd.s32 $0x168, s8;
	s13 =	simm.s32 $0x7800  }
0x325: {  	[tilespmem:s13], [sflag:$0x5] =	stream.indirect.gather [hbm4b:s1+s16], $0x80, s2, s16, $0xb8;
	[tilespmem:$0x15400] =	vst v63  }
0x326: {  	s14 =	sadd.s32 $0x1568, s8;
	s17 =	simm.s32 $0xDC00;
	s7 =	sadd.s32 $0x1, s7  }
0x327: {  	[tilespmem:s17], [sflag:$0xA] =	stream.indirect.gather [hbm4b:s3+s16], $0x80, s14, s16, $0xb8;
	[tilespmem:$0x15400] =	vst v63  }
.LBB2_15:
0x328: {  	_ =	sfence.sel $0x180000  }
0x329: {  	[bflag:$0x0] =	sbarrier.arrive $0xFFFF  }
0x32a: {  	_ =	strace $0x9000004A  }
0x32b: {  	s0 =	stileid.u32;
	[bflag:$0x2] =	sbarrier.arrive $0xFFFF  }
0x32c: {  	p0 =	sne.s32 s0, $0x0;
	s0 =	rddreg [dreg:$0x3]  }
0x32d: {  	s0 =	sadd.s32 @!p0 $0x100000, s0  }
0x32e: {  	[sflag:s0] =	ssyncadd.tile.s32 @!p0 $0x1;
	_ =	shalt  }
.Lfunc_end2:
_tile_overlayer_lowered:
.L_overlay_start_2:
0x32f: {  	(tag) =	ssettag $0x2  }
0x330: {  	s0 =	rddreg [dreg:$0x0];
	s2 =	stileid.u32  }
0x331: {  	s1 =	rddreg [dreg:$0x1];
	p0 =	sne.s32 s2, $0x0  }
0x332: {  	s3 =	rddreg [dreg:$0x2];
	[bflag:$0x3] =	sbarrier.arrive $0xFFFF;
	s2 =	simm.s32 @!p0 $0x1C10  }
0x333: {  	[timem:s3], [sflag:s2] =	dma.local @!p0 [hbm:s0], s1  }
0x334: {  	s0 =	simm.s32 @!p0 $0x10  }
0x335: {  	_ =	swait.ge @!p0 [sflag:s0], s1  }
0x336: {  	s1 =	ssub.s32 @!p0 $0x0, s1;
	[sflag:s0] =	ssyncset.done @!p0 $0x0  }
0x337: {  	[sflag:s0] =	ssyncadd.s32 @!p0 s1  }
0x338: {  	[bflag:$0x3] =	sbarrier.arrive $0xFFFF  }
0x339: {  	_ =	shalt  }

// kernel: kernel.9.cloned.1.call-start
scs
__scs_entry_jumppad:
0x0: {  	(pc) =	sbr.rel $0x88, $3  }
0x1: {  	(tag) =	ssettag $0x0;
	lr =	simm.s32 $0x1  }
0x2: {  	[smem:$0x3F9A] =	sst lr;
	_ =	strace $0xD0000000  }
0x3: {  	_ = 	snop  }
0x4: {  	_ = 	snop  }
0x5: {  	_ = 	snop  }
0x6: {  	_ = 	snop  }
0x7: {  	_ = 	snop  }
__scs_overlays_trampoline_lowered:
0x8: {  	[smem:$0x3FA9] =	sst s0  }
0x9: {  	[smem:$0x3FAA] =	sst s1  }
0xa: {  	[smem:$0x3FAB] =	sst s2  }
0xb: {  	[smem:$0x3FAC] =	sst s3  }
0xc: {  	[smem:$0x3FAD] =	sst s4  }
0xd: {  	[smem:$0x3FAE] =	sst s5  }
0xe: {  	[smem:$0x3FAF] =	sst s6  }
0xf: {  	[smem:$0x3FB0] =	sst s7  }
0x10: {  	[smem:$0x3FB1] =	sst s8  }
0x11: {  	[smem:$0x3FB2] =	sst s9;
	s0 =	simm.s32 @!p0 $0x0  }
0x12: {  	s1 =	sld [smem:$0x3F98];
	s0 =	simm.s32 @p0 $0x1  }
0x13: {  	[smem:$0x3FB3] =	sst s0;
	s0 =	simm.s32 @!p1 $0x0  }
0x14: {  	s2 =	sld [smem:$0x3F97];
	s0 =	simm.s32 @p1 $0x1  }
0x15: {  	[smem:$0x3FB4] =	sst s0;
	s0 =	simm.s32 @!p2 $0x0  }
0x16: {  	s3 =	sld [smem:$0x3FDB];
	s0 =	simm.s32 @p2 $0x1  }
0x17: {  	s4 =	simm.s32 $0x1BF5;
	[smem:$0x3FB6] =	sst s0  }
0x18: {  	s0 =	sld [smem:$0x3F99];
	_ =	swait.ge [sflag:s4], $0x0  }
0x19: {  	s7 =	sld [smem:$0x3F9A]  }
0x1a: {  	s8 =	sadd.s32 $0xFFFFE003, lr  }
0x1b: {  	s9 =	sadd.s32 $0xFFFFFEF7, lr;
	s5 =	simm.s32 $0xFFFFFFFF;
	p2 =	slt.u32 s8, $0xFFFFF086  }
0x1c: {  	p1 =	slt.u32 s9, $0xF7A;
	s5 =	simm.s32 @!p2 $0x0  }
0x1d: {  	s5 =	simm.s32 @p1 $0x1;
	p0 =	seq.s32 s7, s2  }
0x1e: {  	s7 =	smul.u32 @!p0 $0xF7A, s2;
	p2 =	seq.s32 @!p0 s5, $0x0  }
0x1f: {  	s9 =	smul.u32 $0xF7A, s1;
	s8 =	simm.s32 @!p0 $0x1BF5;
	p2 =	por !p2, p0  }
0x20: {  	[sflag:s8] =	ssyncset.s32 @!p0 $0xFFFFF086;
	s6 =	sadd.s32 @!p0 s3, s7;
	s7 =	simm.s32 @!p0 $0x108  }
0x21: {  	s3 =	sadd.s32 s3, s9;
	s6 =	sadd.s32 @!p0 $0x88, s6;
	s7 =	simm.s32 @p2 $0x1082  }
0x22: {  	[simem:s7], [sflag:s8] =	dma.local @!p0 [hbm:s6], $0xF7A  }
0x23: {  	s9 =	sor.u32 $0xD0000000, s2;
	s6 =	simm.s32 $0x108;
	_ =	swait.ge @!p0 [sflag:s8], $0x0  }
0x24: {  	s3 =	sadd.s32 $0x88, s3;
	s6 =	simm.s32 @!p1 $0x1082;
	[sflag:s4] =	ssyncset.s32 $0xFFFFF086  }
0x25: {  	[simem:s6], [sflag:s4] =	dma.local [hbm:s3], $0xF7A  }
0x26: {  	[smem:$0x3F9A] =	sst s1;
	(tag) =	ssettag s2;
	_ =	strace s9  }
0x27: {  	s1 =	sld [smem:$0x3FAA]  }
0x28: {  	s2 =	sld [smem:$0x3FAB]  }
0x29: {  	s4 =	sld [smem:$0x3FAD]  }
0x2a: {  	p0 =	seq.s32 s5, $0x0;
	s5 =	sld [smem:$0x3FAE]  }
0x2b: {  	s6 =	sld [smem:$0x3FAF]  }
0x2c: {  	s7 =	sld [smem:$0x3FB0]  }
0x2d: {  	s3 =	simm.s32 $0x108;
	s8 =	sld [smem:$0x3FB1]  }
0x2e: {  	s3 =	simm.s32 @!p0 $0x1082;
	s9 =	sld [smem:$0x3FB2]  }
0x2f: {  	lr =	sadd.s32 s0, s3;
	s0 =	sld [smem:$0x3FA9]  }
0x30: {  	s3 =	sld [smem:$0x3FAC]  }
0x31: {  	[smem:$0x3FB5] =	sst s10  }
0x32: {  	s10 =	sld [smem:$0x3FB3];
	_ =	sdelay $0x3  }
0x33: {  	p0 =	seq.s32 s10, $0x1;
	s10 =	sld [smem:$0x3FB5];
	_ =	sdelay $0x3  }
0x34: {  	[smem:$0x3FB5] =	sst s10  }
0x35: {  	s10 =	sld [smem:$0x3FB4];
	_ =	sdelay $0x3  }
0x36: {  	p1 =	seq.s32 s10, $0x1;
	s10 =	sld [smem:$0x3FB5];
	_ =	sdelay $0x3  }
0x37: {  	[smem:$0x3FB5] =	sst s10  }
0x38: {  	s10 =	sld [smem:$0x3FB6]  }
0x39: {  	_ = 	snop;
	(pc) =	sbr.ind lr, $3  }
0x3a: {  	_ = 	snop  }
0x3b: {  	_ = 	snop  }
0x3c: {  	p2 =	seq.s32 s10, $0x1;
	s10 =	sld [smem:$0x3FB5]  }
0x3d: {  	_ =	shalt  }
0x3e: {  	_ =	shalt  }
0x3f: {  	_ =	shalt  }
0x40: {  	_ =	shalt  }
0x41: {  	_ =	shalt  }
0x42: {  	_ =	shalt  }
0x43: {  	_ =	shalt  }
0x44: {  	_ =	shalt  }
0x45: {  	_ =	shalt  }
0x46: {  	_ =	shalt  }
0x47: {  	_ =	shalt  }
0x48: {  	_ =	shalt  }
0x49: {  	_ =	shalt  }
0x4a: {  	_ =	shalt  }
0x4b: {  	_ =	shalt  }
0x4c: {  	_ =	shalt  }
0x4d: {  	_ =	shalt  }
0x4e: {  	_ =	shalt  }
0x4f: {  	_ =	shalt  }
0x50: {  	_ =	shalt  }
0x51: {  	_ =	shalt  }
0x52: {  	_ =	shalt  }
0x53: {  	_ =	shalt  }
0x54: {  	_ =	shalt  }
0x55: {  	_ =	shalt  }
0x56: {  	_ =	shalt  }
0x57: {  	_ =	shalt  }
0x58: {  	_ =	shalt  }
0x59: {  	_ =	shalt  }
0x5a: {  	_ =	shalt  }
0x5b: {  	_ =	shalt  }
0x5c: {  	_ =	shalt  }
0x5d: {  	_ =	shalt  }
0x5e: {  	_ =	shalt  }
0x5f: {  	_ =	shalt  }
0x60: {  	_ =	shalt  }
0x61: {  	_ =	shalt  }
0x62: {  	_ =	shalt  }
0x63: {  	_ =	shalt  }
0x64: {  	_ =	shalt  }
0x65: {  	_ =	shalt  }
0x66: {  	_ =	shalt  }
0x67: {  	_ =	shalt  }
0x68: {  	_ =	shalt  }
0x69: {  	_ =	shalt  }
0x6a: {  	_ =	shalt  }
0x6b: {  	_ =	shalt  }
0x6c: {  	_ =	shalt  }
0x6d: {  	_ =	shalt  }
0x6e: {  	_ =	shalt  }
0x6f: {  	_ =	shalt  }
0x70: {  	_ =	shalt  }
0x71: {  	_ =	shalt  }
0x72: {  	_ =	shalt  }
0x73: {  	_ =	shalt  }
0x74: {  	_ =	shalt  }
0x75: {  	_ =	shalt  }
0x76: {  	_ =	shalt  }
0x77: {  	_ =	shalt  }
0x78: {  	_ =	shalt  }
0x79: {  	_ =	shalt  }
0x7a: {  	_ =	shalt  }
0x7b: {  	_ =	shalt  }
0x7c: {  	_ =	shalt  }
0x7d: {  	_ =	shalt  }
0x7e: {  	_ =	shalt  }
0x7f: {  	_ =	shalt  }
0x80: {  	_ =	shalt  }
0x81: {  	_ =	shalt  }
0x82: {  	_ =	shalt  }
0x83: {  	_ =	shalt  }
0x84: {  	_ =	shalt  }
0x85: {  	_ =	shalt  }
0x86: {  	_ =	shalt  }
0x87: {  	_ =	shalt  }
.Lfunc_end0:
.L_simem_size_0:
called_computation.1_lowered:
.L_overlay_start_0:
0x88: {  	s2 =	sld [smem:$0x3FD9]  }
0x89: {  	s3 =	sld [smem:$0x3FFE];
	_ =	sdelay $0x1  }
0x8a: {  	s1 =	srdreg.scid  }
0x8b: {  	s0 =	sand.u32 $0x1, s1  }
0x8c: {  	s17 =	sshll.u32 s0, $0xA;
	s2 =	sadd.s32 s3, s2  }
0x8d: {  	s2 =	sadd.s32 s2, s17  }
0x8e: {  	[smem:$0x3FC1] =	sst s2  }
0x8f: {  	_ = 	snop  }
0x90: {  	s2 =	sld [smem:$0x3FC9]  }
0x91: {  	s18 =	sld [smem:$0x3FC8];
	(tm) =	ssettm $0x1  }
0x92: {  	s4 =	sld [smem:$0x3FFB];
	_ =	sdelay $0x3  }
0x93: {  	_ =	strace s4  }
0x94: {  	s4 =	sld [smem:$0x3FFC];
	_ =	sdelay $0x3  }
0x95: {  	_ =	strace s4  }
0x96: {  	s4 =	sld [smem:$0x3FFD];
	_ =	sdelay $0x3  }
0x97: {  	_ =	strace s4  }
0x98: {  	_ =	strace $0x8FFFFFFF  }
0x99: {  	s19 =	sld [smem:$0x3FDB];
	_ =	sdelay $0x1  }
0x9a: {  	s5 =	simm.s32 $_scs_section_size  }
0x9b: {  	s6 =	simm.s32 $_size__tile_overlayer_lowered;
	s7 =	simm.s32 $_tile_overlayer_lowered  }
0x9c: {  	s22 =	simm.s32 $0x1BFF;
	s21 =	sshll.u32 s7, $0x1;
	s4 =	sadd.s32 s5, s19  }
0x9d: {  	s8 =	simm.s32 $0x0;
	s20 =	sshll.u32 s6, $0x1;
	s6 =	sadd.s32 s21, s4  }
0x9e: {  	[timem:s8], [sflag:s22] =	dma.local [hbm:s6], s20  }
0x9f: {  	_ =	swait.ge [sflag:s22], s20  }
0xa0: {  	s5 =	ssub.s32 $0x0, s20;
	[sflag:s22] =	ssyncset.done $0x0  }
0xa1: {  	[sflag:s22] =	ssyncadd.s32 s5;
	_ =	sdelay $0x1  }
0xa2: {  	s23 =	simm.s32 $0x1B8B  }
0xa3: {  	_ =	swait.ge [sflag:s23], $0x1  }
0xa4: {  	[sflag:s23] =	ssyncset.done $0x0  }
0xa5: {  	s25 =	simm.s32 $0x1B8E;
	s24 =	sld [smem:$0x3FFE];
	[sflag:s23] =	ssyncadd.s32 $0xFFFFFFFF  }
0xa6: {  	s26 =	simm.s32 $execute0_lowered;
	[smem:$0x3FD2] =	sst s25  }
0xa7: {  	s6 =	sshll.u32 s26, $0x1;
	_ =	strace $0x80000046;
	[dreg:$0x1] =	wrdreg $0xFFFFFFFF  }
0xa8: {  	s28 =	simm.s32 $_size_execute0_lowered;
	s4 =	sadd.s32 s4, s6;
	[dreg:$0x0] =	wrdreg $0x0  }
0xa9: {  	s6 =	sshll.u32 s28, $0x1;
	[dreg:$0x2] =	wrdreg s4  }
0xaa: {  	[dreg:$0x3] =	wrdreg s6  }
0xab: {  	[dreg:$0x4] =	wrdreg $0xC0  }
0xac: {  	_ =	task [dreg:s8], $0x5FFFF  }
0xad: {  	[dreg:$0x1] =	wrdreg $0xFFFFFFFF  }
0xae: {  	[dreg:$0x0] =	wrdreg $0x60  }
0xaf: {  	[dreg:$0x2] =	wrdreg s18  }
0xb0: {  	[dreg:$0x3] =	wrdreg s2  }
0xb1: {  	[dreg:$0x4] =	wrdreg s24  }
0xb2: {  	[dreg:$0x5] =	wrdreg $0xA  }
0xb3: {  	_ =	task.clear_ibuf [dreg:s8], $0x6FFFF;
	_ =	strace $0x90000046  }
0xb4: {  	s29 =	simm.s32 $0xA;
	_ =	strace $0x80000048  }
0xb5: {  	_ =	swait.ge [sflag:s29], $0x1  }
0xb6: {  	[sflag:s29] =	ssyncadd.s32 $0xFFFFFFFF  }
0xb7: {  	_ =	strace $0x90000048  }
0xb8: {  	_ =	sfence  }
0xb9: {  	s30 =	sld [smem:$0x0];
	_ =	sdelay $0x2  }
0xba: {  	s31 =	sshll.u32 s1, $0xD;
	s1 =	sshrl.u32 s1, $0x2  }
0xbb: {  	s3 =	sand.u32 $0x4000, s31;
	s1 =	sadd.s32 s1, s30  }
0xbc: {  	s0 =	sor.u32 s3, s0;
	s1 =	sshll.u32 s1, $0x11  }
0xbd: {  	s0 =	sor.u32 s1, s0  }
0xbe: {  	s0 =	sadd.s32 $0x8F2B, s0  }
0xbf: {  	[sflag:s0] =	ssyncadd.remote.s32 $0x1  }
0xc0: {  	_ =	sfence.sel $0xFFFF  }
0xc1: {  	[dreg:$0x0] =	wrdreg $0xFFFFFFFF;
	(pc) =	sbr.abs _section_cstart, $3  }
0xc2: {  	[dreg:$0x1] =	wrdreg $0xFFFFFFFF  }
0xc3: {  	_ =	task.clear_ibuf [dreg:s8], $0x2FFFF;
	_ =	strace $0x9FFFFFFF  }
0xc4: {  	(tm) =	ssettm $0x7FFFFFFF  }
0xc5: {  	_ =	shalt  }
tec
execute0_lowered:
.L_overlay_start_1:
0x0: {  	(tag) =	ssettag $0x1  }
0x1: {  	s1 =	rddreg [dreg:$0x0];
	s0 =	srdreg.scid  }
0x2: {  	s2 =	stileid.u32;
	s3 =	rddreg [dreg:$0x1]  }
0x3: {  	s6 =	rddreg [dreg:$0x2];
	s4 =	simm.s32 $0x0;
	s16 =	simm.s32 $0x28  }
0x4: {  	s18 =	simm.s32 $0x1;
	s19 =	simm.s32 $0x6;
	s20 =	simm.s32 $0xF000  }
0x5: {  	s21 =	simm.s32 $0x2;
	s22 =	simm.s32 $0x7;
	s23 =	simm.s32 $0x10400  }
0x6: {  	s24 =	simm.s32 $0x3;
	s25 =	simm.s32 $0x8;
	s28 =	simm.s32 $0x4  }
0x7: {  	s29 =	simm.s32 $0x9;
	s0 =	sand.u32 $0x1, s0;
	s2 =	sshll.u32 s2, $0x1  }
0x8: {  	s30 =	simm.s32 $0x12C00;
	s31 =	simm.s32 $0x5;
	s2 =	sor.u32 s0, s2  }
0x9: {  	s15 =	simm.s32 $0x14000;
	s0 =	ssub.s32 $0x2, s0;
	s5 =	smul.u32 $0x1388, s2  }
0xa: {  	s8 =	simm.s32 $0x0;
	[smem:$0x7FF] =	sst s4;
	s7 =	sshrl.u32 s0, $0x1  }
0xb: {  	_ =	strace $0x80000047;
	s0 =	ssub.s32 s0, s7;
	s2 =	sshrl.u32 s5, $0x3  }
.Ltmp0:
0xc: {  	s9 =	sadd.s32 $0x28, s5;
	s10 =	sadd.s32 $0x50, s5;
	(pc) =	sbr.rel .LBB2_1-.Ltmp0, $4  }
0xd: {  	s11 =	sadd.s32 $0x78, s5;
	s0 =	smax.u32 s0, $0x1;
	s2 =	sadd.s32 s2, s6  }
0xe: {  	s12 =	sadd.s32 $0xA0, s5;
	[dreg:$0x6] =	wrdreg s0;
	s26 =	sadd.s32 $0x6620, s2  }
0xf: {  	s6 =	sadd.s32 $0x15200, s6;
	s2 =	sadd.s32 $0x10260, s2;
	[dreg:$0x4] =	wrdreg s26  }
0x10: {  	s0 =	simm.s32 $0xA;
	[dreg:$0x5] =	wrdreg s2;
	s26 =	simm.s32 $0x11800  }
.LBB2_14:
0x11: {  	s2 =	simm.s32 $0xB  }
0x12: {  	_ =	swait.ge [sflag:s2], $0x1400  }
0x13: {  	[sflag:s2] =	ssyncset.done $0x0  }
0x14: {  	s8 =	simm.s32 $0xC;
	[sflag:s2] =	ssyncadd.s32 $0xFFFFEC00  }
0x15: {  	_ =	swait.ge [sflag:s8], $0x1400  }
0x16: {  	[sflag:s8] =	ssyncset.done $0x0  }
0x17: {  	s13 =	simm.s32 $0xD;
	[sflag:s8] =	ssyncadd.s32 $0xFFFFEC00  }
0x18: {  	_ =	swait.ge [sflag:s13], $0x1400  }
0x19: {  	[sflag:s13] =	ssyncset.done $0x0  }
0x1a: {  	s14 =	simm.s32 $0xE;
	[sflag:s13] =	ssyncadd.s32 $0xFFFFEC00  }
0x1b: {  	_ =	swait.ge [sflag:s14], $0x1400  }
0x1c: {  	[sflag:s14] =	ssyncset.done $0x0  }
0x1d: {  	s7 =	simm.s32 $0xF;
	[sflag:s14] =	ssyncadd.s32 $0xFFFFEC00  }
0x1e: {  	_ =	swait.ge [sflag:s7], $0x1400  }
0x1f: {  	s8 =	rddreg [dreg:$0x7]  }
0x20: {  	s17 =	rddreg [dreg:$0x6];
	s8 =	sadd.s32 $0x1, s8  }
0x21: {  	p0 =	sne.s32 s8, s17  }
.Ltmp1:
0x22: {  	_ = 	snop;
	(pc) =	sbr.rel @!p0 .LBB2_15-.Ltmp1, $3  }
0x23: {  	_ =	sdelay $0x1  }
0x24: {  	[sflag:s7] =	ssyncset.done $0x0  }
0x25: {  	[sflag:s7] =	ssyncadd.s32 $0xFFFFEC00  }
.LBB2_1:
0x26: {  	[dreg:$0x7] =	wrdreg s8  }
0x27: {  	s2 =	rddreg [dreg:$0x4];
	s7 =	simm.s32 $0x10  }
0x28: {  	[tilespmem:s4], [sflag:$0x10] =	stream.linear.gather [hbm4b:s2+s4], $0x1388, $0x38;
	[tilespmem:$0x15400] =	vst v63  }
0x29: {  	_ =	swait.ge [sflag:s7], $0x1388  }
0x2a: {  	[sflag:s7] =	ssyncset.done $0x0  }
0x2b: {  	s14 =	simm.s32 $0x1400;
	s13 =	rddreg [dreg:$0x5];
	[sflag:s7] =	ssyncadd.s32 $0xFFFFEC78  }
0x2c: {  	[tilespmem:s14], [sflag:$0x10] =	stream.linear.gather [hbm4b:s13+s4], $0x1388, $0x38;
	[tilespmem:$0x15400] =	vst v63  }
0x2d: {  	_ =	swait.ge [sflag:s7], $0x1388  }
0x2e: {  	[sflag:s7] =	ssyncset.done $0x0  }
0x2f: {  	s17 =	simm.s32 $0x2800;
	[sflag:s7] =	ssyncadd.s32 $0xFFFFEC78  }
0x30: {  	[tilespmem:s17], [sflag:$0x1] =	stream.indirect.gather [hbm4b:s1+s16], $0x80, s4, s16, $0xb8;
	[tilespmem:$0x15400] =	vst v63  }
0x31: {  	s7 =	simm.s32 $0x8C00  }
0x32: {  	[tilespmem:s7], [sflag:$0x6] =	stream.indirect.gather [hbm4b:s3+s16], $0x80, s14, s16, $0xb8;
	[tilespmem:$0x15400] =	vst v63  }
0x33: {  	s13 =	simm.s32 $0x3C00  }
0x34: {  	[tilespmem:s13], [sflag:$0x2] =	stream.indirect.gather [hbm4b:s1+s16], $0x80, s16, s16, $0xb8;
	[tilespmem:$0x15400] =	vst v63  }
0x35: {  	s17 =	simm.s32 $0xA000;
	s14 =	simm.s32 $0x1428  }
0x36: {  	[tilespmem:s17], [sflag:$0x7] =	stream.indirect.gather [hbm4b:s3+s16], $0x80, s14, s16, $0xb8;
	[tilespmem:$0x15400] =	vst v63  }
0x37: {  	s8 =	simm.s32 $0x50;
	s13 =	simm.s32 $0x5000  }
0x38: {  	[tilespmem:s13], [sflag:$0x3] =	stream.indirect.gather [hbm4b:s1+s16], $0x80, s8, s16, $0xb8;
	[tilespmem:$0x15400] =	vst v63  }
0x39: {  	s14 =	simm.s32 $0x1450;
	s17 =	simm.s32 $0xB400  }
0x3a: {  	[tilespmem:s17], [sflag:$0x8] =	stream.indirect.gather [hbm4b:s3+s16], $0x80, s14, s16, $0xb8;
	[tilespmem:$0x15400] =	vst v63  }
0x3b: {  	s8 =	simm.s32 $0x78;
	s13 =	simm.s32 $0x6400  }
0x3c: {  	[tilespmem:s13], [sflag:$0x4] =	stream.indirect.gather [hbm4b:s1+s16], $0x80, s8, s16, $0xb8;
	[tilespmem:$0x15400] =	vst v63  }
0x3d: {  	s14 =	simm.s32 $0x1478;
	s17 =	simm.s32 $0xC800  }
0x3e: {  	[tilespmem:s17], [sflag:$0x9] =	stream.indirect.gather [hbm4b:s3+s16], $0x80, s14, s16, $0xb8;
	[tilespmem:$0x15400] =	vst v63  }
0x3f: {  	s8 =	simm.s32 $0xA0;
	s13 =	simm.s32 $0x7800  }
0x40: {  	[tilespmem:s13], [sflag:$0x5] =	stream.indirect.gather [hbm4b:s1+s16], $0x80, s8, s16, $0xb8;
	[tilespmem:$0x15400] =	vst v63  }
0x41: {  	s7 =	simm.s32 $0x0;
	s14 =	simm.s32 $0x14A0;
	s17 =	simm.s32 $0xDC00  }
0x42: {  	[tilespmem:s17], [sflag:$0xA] =	stream.indirect.gather [hbm4b:s3+s16], $0x80, s14, s16, $0xb8;
	[tilespmem:$0x15400] =	vst v63  }
.LBB2_2:
0x43: {  	_ =	swait.ge [sflag:s18], $0x1400  }
0x44: {  	[sflag:s18] =	ssyncset.done $0x0  }
0x45: {  	[sflag:s18] =	ssyncadd.s32 $0xFFFFEC00  }
0x46: {  	_ =	swait.ge [sflag:s19], $0x1400  }
0x47: {  	p0 =	seq.s32 s7, $0x0;
	[sflag:s19] =	ssyncset.done $0x0  }
0x48: {  	s2 =	simm.s32 @!p0 $0xB;
	[sflag:s19] =	ssyncadd.s32 $0xFFFFEC00  }
0x49: {  	_ =	swait.ge @!p0 [sflag:s2], $0x1400  }
0x4a: {  	[sflag:s2] =	ssyncset.done @!p0 $0x0  }
0x4b: {  	s17 =	simm.s32 $0x2900;
	[sflag:s2] =	ssyncadd.s32 @!p0 $0xFFFFEC00  }
0x4c: {  	v0 =	vld [tilespmem:s17+$0x80]  }
0x4d: {  	s8 =	simm.s32 $0x8D00;
	v1 =	vld [tilespmem:s17+$0x90]  }
0x4e: {  	v2 =	vld [tilespmem:s8+$0x80]  }
0x4f: {  	v3 =	vld [tilespmem:s8+$0x90]  }
0x50: {  	v4 =	vld [tilespmem:s17+$0xFFFFFF10]  }
0x51: {  	v5 =	vld [tilespmem:s8+$0xFFFFFF00]  }
0x52: {  	v6 =	vld [tilespmem:s8+$0xFFFFFF10]  }
0x53: {  	v7 =	vld [tilespmem:s17+$0xFFFFFF80]  }
0x54: {  	v8 =	vld [tilespmem:s17+$0xFFFFFF90];
	v0 =	vmul.f32 v2, v0;
	v1 =	vmul.f32 v3, v1  }
0x55: {  	v2 =	vld [tilespmem:s8+$0xFFFFFF80]  }
0x56: {  	s14 =	simm.s32 $0xF100;
	v3 =	vld [tilespmem:s8+$0xFFFFFF90];
	v0 =	vpack.i.f32.bf16 v1, v0  }
0x57: {  	v1 =	vld [tilespmem:s17+$0x0];
	[tilespmem:s14+$0x80] =	vst v0  }
0x58: {  	v0 =	vld [tilespmem:s17+$0xA0]  }
0x59: {  	v9 =	vld [tilespmem:s17+$0xB0]  }
0x5a: {  	v10 =	vld [tilespmem:s8+$0xA0]  }
0x5b: {  	v11 =	vld [tilespmem:s8+$0xB0]  }
0x5c: {  	v2 =	vmul.f32 v2, v7;
	v3 =	vmul.f32 v3, v8;
	v7 =	vld [tilespmem:s17+$0x10]  }
0x5d: {  	v8 =	vld [tilespmem:s8+$0x0]  }
0x5e: {  	v2 =	vpack.i.f32.bf16 v3, v2;
	v3 =	vld [tilespmem:s8+$0x10]  }
0x5f: {  	[tilespmem:s14+$0xFFFFFF80] =	vst v2;
	v2 =	vld [tilespmem:s17+$0xFFFFFF00]  }
0x60: {  	v0 =	vmul.f32 v10, v0;
	v53 =	vld [tilespmem:s17+$0xFFFFFFA0];
	v9 =	vmul.f32 v11, v9  }
0x61: {  	v54 =	vld [tilespmem:s17+$0xFFFFFFB0]  }
0x62: {  	v55 =	vld [tilespmem:s8+$0xFFFFFFA0];
	v0 =	vpack.i.f32.bf16 v9, v0  }
0x63: {  	[tilespmem:s14+$0x90] =	vst v0;
	v0 =	vld [tilespmem:s8+$0xFFFFFFB0]  }
0x64: {  	v4 =	vmul.f32 v6, v4;
	v2 =	vmul.f32 v5, v2;
	v5 =	vld [tilespmem:s17+$0xC0]  }
0x65: {  	v6 =	vld [tilespmem:s17+$0xD0]  }
0x66: {  	v2 =	vpack.i.f32.bf16 v4, v2;
	v4 =	vld [tilespmem:s8+$0xC0]  }
0x67: {  	[tilespmem:s14+$0xFFFFFF00] =	vst v2;
	v2 =	vld [tilespmem:s8+$0xD0]  }
0x68: {  	v1 =	vmul.f32 v8, v1;
	v3 =	vmul.f32 v3, v7;
	v7 =	vld [tilespmem:s17+$0xFFFFFF20]  }
0x69: {  	v8 =	vld [tilespmem:s17+$0xFFFFFF30]  }
0x6a: {  	v1 =	vpack.i.f32.bf16 v3, v1;
	v3 =	vld [tilespmem:s8+$0xFFFFFF20]  }
0x6b: {  	[tilespmem:s14+$0x0] =	vst v1;
	v1 =	vld [tilespmem:s8+$0xFFFFFF30]  }
0x6c: {  	v4 =	vmul.f32 v4, v5;
	v5 =	vld [tilespmem:s17+$0x20];
	v2 =	vmul.f32 v2, v6  }
0x6d: {  	v6 =	vld [tilespmem:s17+$0x30]  }
0x6e: {  	v2 =	vpack.i.f32.bf16 v2, v4;
	v4 =	vld [tilespmem:s8+$0x20]  }
0x6f: {  	[tilespmem:s14+$0xA0] =	vst v2;
	v2 =	vld [tilespmem:s8+$0x30]  }
0x70: {  	v3 =	vmul.f32 v3, v7;
	v1 =	vmul.f32 v1, v8;
	v7 =	vld [tilespmem:s17+$0xE0]  }
0x71: {  	v8 =	vld [tilespmem:s17+$0xF0]  }
0x72: {  	v1 =	vpack.i.f32.bf16 v1, v3;
	v3 =	vld [tilespmem:s8+$0xE0]  }
0x73: {  	[tilespmem:s14+$0xFFFFFF10] =	vst v1;
	v1 =	vld [tilespmem:s8+$0xF0]  }
0x74: {  	v9 =	vmul.f32 v55, v53;
	v0 =	vmul.f32 v0, v54;
	v56 =	vld [tilespmem:s17+$0xFFFFFF40]  }
0x75: {  	v57 =	vld [tilespmem:s17+$0xFFFFFF50]  }
0x76: {  	v0 =	vpack.i.f32.bf16 v0, v9;
	v58 =	vld [tilespmem:s8+$0xFFFFFF40]  }
0x77: {  	[tilespmem:s14+$0xFFFFFF90] =	vst v0;
	v0 =	vld [tilespmem:s8+$0xFFFFFF50]  }
0x78: {  	v4 =	vmul.f32 v4, v5;
	v5 =	vld [tilespmem:s17+$0xFFFFFFC0];
	v2 =	vmul.f32 v2, v6  }
0x79: {  	v6 =	vld [tilespmem:s17+$0xFFFFFFD0]  }
0x7a: {  	v2 =	vpack.i.f32.bf16 v2, v4;
	v4 =	vld [tilespmem:s8+$0xFFFFFFC0]  }
0x7b: {  	[tilespmem:s14+$0x10] =	vst v2;
	v2 =	vld [tilespmem:s8+$0xFFFFFFD0]  }
0x7c: {  	v9 =	vmul.f32 v58, v56;
	v0 =	vmul.f32 v0, v57;
	v59 =	vld [tilespmem:s17+$0x40]  }
0x7d: {  	v60 =	vld [tilespmem:s17+$0x50]  }
0x7e: {  	v0 =	vpack.i.f32.bf16 v0, v9;
	v61 =	vld [tilespmem:s8+$0x40]  }
0x7f: {  	[tilespmem:s14+$0xFFFFFF20] =	vst v0;
	v0 =	vld [tilespmem:s8+$0x50]  }
0x80: {  	v4 =	vmul.f32 v4, v5;
	v5 =	vld [tilespmem:s17+$0xFFFFFF60];
	v2 =	vmul.f32 v2, v6  }
0x81: {  	v6 =	vld [tilespmem:s17+$0xFFFFFF70]  }
0x82: {  	v2 =	vpack.i.f32.bf16 v2, v4;
	v4 =	vld [tilespmem:s8+$0xFFFFFF60]  }
0x83: {  	[tilespmem:s14+$0xFFFFFFA0] =	vst v2;
	v2 =	vld [tilespmem:s8+$0xFFFFFF70]  }
0x84: {  	v9 =	vmul.f32 v61, v59;
	v11 =	vmul.f32 v0, v60;
	v62 =	vld [tilespmem:s17+$0xFFFFFFE0]  }
0x85: {  	v0 =	vld [tilespmem:s17+$0xFFFFFFF0]  }
0x86: {  	v9 =	vpack.i.f32.bf16 v11, v9;
	v63 =	vld [tilespmem:s8+$0xFFFFFFE0]  }
0x87: {  	v7 =	vmul.f32 v3, v7;
	v8 =	vmul.f32 v1, v8;
	v3 =	vld [tilespmem:s8+$0xFFFFFFF0];
	[tilespmem:s14+$0x20] =	vst v9  }
0x88: {  	v1 =	vld [tilespmem:s17+$0x60];
	v4 =	vmul.f32 v4, v5;
	v5 =	vmul.f32 v2, v6  }
0x89: {  	v6 =	vpack.i.f32.bf16 v8, v7;
	v2 =	vld [tilespmem:s17+$0x70]  }
0x8a: {  	[tilespmem:s14+$0xB0] =	vst v6;
	v5 =	vpack.i.f32.bf16 v5, v4;
	v4 =	vld [tilespmem:s8+$0x60]  }
0x8b: {  	s13 =	simm.s32 $0x0;
	s2 =	simm.s32 $0x2B00;
	v6 =	vmul.f32 v63, v62;
	[tilespmem:s14+$0xFFFFFF30] =	vst v5;
	v5 =	vld [tilespmem:s8+$0x70]  }
.LBB2_3:
0x8c: {  	v7 =	vld [tilespmem:s2+$0x80];
	v0 =	vmul.f32 v3, v0  }
0x8d: {  	s8 =	sadd.s32 $0x200, s8;
	v3 =	vld [tilespmem:s2+$0x90]  }
0x8e: {  	v8 =	vld [tilespmem:s8+$0x80];
	v0 =	vpack.i.f32.bf16 v0, v6  }
0x8f: {  	v6 =	vld [tilespmem:s8+$0x90];
	[tilespmem:s14+$0xFFFFFFB0] =	vst v0;
	v0 =	vmul.f32 v4, v1  }
0x90: {  	v1 =	vld [tilespmem:s2+$0xFFFFFF10];
	v2 =	vmul.f32 v5, v2  }
0x91: {  	v4 =	vld [tilespmem:s8+$0xFFFFFF00]  }
0x92: {  	v5 =	vld [tilespmem:s8+$0xFFFFFF10];
	v0 =	vpack.i.f32.bf16 v2, v0  }
0x93: {  	v2 =	vld [tilespmem:s2+$0xFFFFFF80];
	[tilespmem:s14+$0x30] =	vst v0  }
0x94: {  	v7 =	vmul.f32 v8, v7;
	v0 =	vld [tilespmem:s2+$0xFFFFFF90];
	v3 =	vmul.f32 v6, v3  }
0x95: {  	v6 =	vld [tilespmem:s8+$0xFFFFFF80]  }
0x96: {  	s14 =	sadd.s32 $0x200, s14;
	v8 =	vld [tilespmem:s8+$0xFFFFFF90];
	v3 =	vpack.i.f32.bf16 v3, v7  }
0x97: {  	v1 =	vmul.f32 v5, v1;
	v5 =	vld [tilespmem:s2+$0x0];
	[tilespmem:s14+$0x80] =	vst v3  }
0x98: {  	s13 =	sadd.s32 $0x4, s13;
	v3 =	vld [tilespmem:s2+$0xA0]  }
0x99: {  	p1 =	slt.u32 s13, $0x24;
	v7 =	vld [tilespmem:s2+$0xB0]  }
0x9a: {  	v2 =	vmul.f32 v6, v2;
	v6 =	vld [tilespmem:s8+$0xA0]  }
0x9b: {  	v0 =	vmul.f32 v8, v0;
	v8 =	vld [tilespmem:s8+$0xB0]  }
0x9c: {  	v9 =	vld [tilespmem:s2+$0x10]  }
0x9d: {  	v0 =	vpack.i.f32.bf16 v0, v2;
	v2 =	vld [tilespmem:s8+$0x0]  }
0x9e: {  	[tilespmem:s14+$0xFFFFFF80] =	vst v0;
	v0 =	vld [tilespmem:s8+$0x10]  }
0x9f: {  	v10 =	vld [tilespmem:s2+$0xFFFFFF00]  }
0xa0: {  	v3 =	vmul.f32 v6, v3;
	v11 =	vld [tilespmem:s2+$0xFFFFFFA0];
	v6 =	vmul.f32 v8, v7  }
0xa1: {  	v7 =	vld [tilespmem:s2+$0xFFFFFFB0]  }
0xa2: {  	v8 =	vld [tilespmem:s8+$0xFFFFFFA0];
	v2 =	vmul.f32 v2, v5;
	v3 =	vpack.i.f32.bf16 v6, v3  }
0xa3: {  	v5 =	vld [tilespmem:s8+$0xFFFFFFB0];
	v0 =	vmul.f32 v0, v9;
	[tilespmem:s14+$0x90] =	vst v3  }
0xa4: {  	v3 =	vmul.f32 v4, v10;
	v4 =	vld [tilespmem:s2+$0xC0]  }
0xa5: {  	v0 =	vpack.i.f32.bf16 v0, v2;
	v2 =	vld [tilespmem:s2+$0xD0]  }
0xa6: {  	v1 =	vpack.i.f32.bf16 v1, v3;
	[tilespmem:s14+$0x0] =	vst v0;
	v0 =	vld [tilespmem:s8+$0xC0]  }
0xa7: {  	[tilespmem:s14+$0xFFFFFF00] =	vst v1;
	v1 =	vmul.f32 v8, v11;
	v3 =	vld [tilespmem:s8+$0xD0]  }
0xa8: {  	v6 =	vld [tilespmem:s2+$0xFFFFFF20];
	v5 =	vmul.f32 v5, v7  }
0xa9: {  	v7 =	vld [tilespmem:s2+$0xFFFFFF30]  }
0xaa: {  	v8 =	vld [tilespmem:s8+$0xFFFFFF20];
	v1 =	vpack.i.f32.bf16 v5, v1  }
0xab: {  	v5 =	vld [tilespmem:s8+$0xFFFFFF30];
	[tilespmem:s14+$0xFFFFFF90] =	vst v1  }
0xac: {  	v0 =	vmul.f32 v0, v4;
	v1 =	vld [tilespmem:s2+$0x20];
	v2 =	vmul.f32 v3, v2  }
0xad: {  	v3 =	vld [tilespmem:s2+$0x30]  }
0xae: {  	v4 =	vld [tilespmem:s8+$0x20];
	v0 =	vpack.i.f32.bf16 v2, v0  }
0xaf: {  	v2 =	vmul.f32 v8, v6;
	v6 =	vld [tilespmem:s8+$0x30];
	[tilespmem:s14+$0xA0] =	vst v0  }
0xb0: {  	v0 =	vmul.f32 v5, v7;
	v5 =	vld [tilespmem:s2+$0xE0]  }
0xb1: {  	v7 =	vld [tilespmem:s2+$0xF0]  }
0xb2: {  	v0 =	vpack.i.f32.bf16 v0, v2;
	v2 =	vld [tilespmem:s8+$0xE0]  }
0xb3: {  	[tilespmem:s14+$0xFFFFFF10] =	vst v0;
	v0 =	vmul.f32 v4, v1;
	v1 =	vld [tilespmem:s8+$0xF0]  }
0xb4: {  	v4 =	vld [tilespmem:s2+$0xFFFFFF40];
	v3 =	vmul.f32 v6, v3  }
0xb5: {  	v6 =	vld [tilespmem:s2+$0xFFFFFF50]  }
0xb6: {  	v8 =	vld [tilespmem:s8+$0xFFFFFF40];
	v0 =	vpack.i.f32.bf16 v3, v0  }
0xb7: {  	v3 =	vld [tilespmem:s8+$0xFFFFFF50];
	[tilespmem:s14+$0x10] =	vst v0  }
0xb8: {  	v2 =	vmul.f32 v2, v5;
	v0 =	vld [tilespmem:s2+$0xFFFFFFC0];
	v1 =	vmul.f32 v1, v7  }
0xb9: {  	v5 =	vld [tilespmem:s2+$0xFFFFFFD0]  }
0xba: {  	v7 =	vld [tilespmem:s8+$0xFFFFFFC0];
	v1 =	vpack.i.f32.bf16 v1, v2  }
0xbb: {  	v2 =	vmul.f32 v8, v4;
	v4 =	vld [tilespmem:s8+$0xFFFFFFD0];
	[tilespmem:s14+$0xB0] =	vst v1  }
0xbc: {  	v1 =	vmul.f32 v3, v6;
	v3 =	vld [tilespmem:s2+$0x40]  }
0xbd: {  	v6 =	vld [tilespmem:s2+$0x50]  }
0xbe: {  	v1 =	vpack.i.f32.bf16 v1, v2;
	v2 =	vld [tilespmem:s8+$0x40]  }
0xbf: {  	[tilespmem:s14+$0xFFFFFF20] =	vst v1;
	v0 =	vmul.f32 v7, v0;
	v1 =	vld [tilespmem:s8+$0x50]  }
0xc0: {  	v7 =	vld [tilespmem:s2+$0xFFFFFF60];
	v4 =	vmul.f32 v4, v5  }
0xc1: {  	v5 =	vld [tilespmem:s2+$0xFFFFFF70]  }
0xc2: {  	v8 =	vld [tilespmem:s8+$0xFFFFFF60];
	v0 =	vpack.i.f32.bf16 v4, v0  }
0xc3: {  	v4 =	vld [tilespmem:s8+$0xFFFFFF70];
	[tilespmem:s14+$0xFFFFFFA0] =	vst v0;
	v2 =	vmul.f32 v2, v3  }
0xc4: {  	v9 =	vld [tilespmem:s2+$0xFFFFFFE0];
	v1 =	vmul.f32 v1, v6  }
0xc5: {  	v0 =	vld [tilespmem:s2+$0xFFFFFFF0]  }
0xc6: {  	v6 =	vld [tilespmem:s8+$0xFFFFFFE0];
	v1 =	vpack.i.f32.bf16 v1, v2  }
.Ltmp2:
0xc7: {  	v7 =	vmul.f32 v8, v7;
	v3 =	vld [tilespmem:s8+$0xFFFFFFF0];
	[tilespmem:s14+$0x20] =	vst v1;
	(pc) =	sbr.rel @p1 .LBB2_3-.Ltmp2, $4  }
0xc8: {  	v4 =	vmul.f32 v4, v5;
	v1 =	vld [tilespmem:s2+$0x60]  }
0xc9: {  	v2 =	vld [tilespmem:s2+$0x70]  }
0xca: {  	v5 =	vpack.i.f32.bf16 v4, v7;
	v4 =	vld [tilespmem:s8+$0x60]  }
0xcb: {  	s2 =	sadd.s32 $0x200, s2;
	[tilespmem:s14+$0xFFFFFF30] =	vst v5;
	v6 =	vmul.f32 v6, v9;
	v5 =	vld [tilespmem:s8+$0x70]  }
0xcc: {  	_ =	sdelay $0x2  }
0xcd: {  	v0 =	vmul.f32 v3, v0;
	s8 =	smul.u32 $0xC8, s7  }
0xce: {  	v1 =	vmul.f32 v4, v1;
	v2 =	vmul.f32 v5, v2  }
0xcf: {  	v0 =	vpack.i.f32.bf16 v0, v6;
	s2 =	sadd.s32 s5, s8  }
0xd0: {  	[tilespmem:s14+$0xFFFFFFB0] =	vst v0;
	s2 =	sshll.u32 s2, $0x4;
	v0 =	vpack.i.f32.bf16 v2, v1  }
0xd1: {  	p1 =	seq.s32 s7, $0x18;
	s2 =	sadd.s32 s6, s2;
	[tilespmem:s14+$0x30] =	vst v0  }
0xd2: {  	[hbm4b:s2+s4] =	stream.linear.scatter [tilespmem:s20], [sflag:$0xB], $0x1400, $0x38;
	[tilespmem:$0x15400] =	vst v63  }
0xd3: {  	s13 =	simm.s32 @!p1 $0x28;
	s14 =	simm.s32 @!p1 $0x2800;
	s2 =	sadd.s32 @!p1 $0xC8, s8  }
0xd4: {  	[tilespmem:s14], [sflag:$0x1] =	stream.indirect.gather @!p1 [hbm4b:s1+s13], $0x80, s2, s13, $0xb8;
	[tilespmem:$0x15400] =	vst v63  }
0xd5: {  	s2 =	sadd.s32 @!p1 $0x14C8, s8;
	s14 =	simm.s32 @!p1 $0x8C00  }
0xd6: {  	[tilespmem:s14], [sflag:$0x6] =	stream.indirect.gather @!p1 [hbm4b:s3+s13], $0x80, s2, s13, $0xb8;
	[tilespmem:$0x15400] =	vst v63  }
0xd7: {  	_ =	swait.ge [sflag:s21], $0x1400  }
0xd8: {  	[sflag:s21] =	ssyncset.done $0x0  }
0xd9: {  	[sflag:s21] =	ssyncadd.s32 $0xFFFFEC00  }
0xda: {  	_ =	swait.ge [sflag:s22], $0x1400  }
0xdb: {  	[sflag:s22] =	ssyncset.done $0x0  }
0xdc: {  	s2 =	simm.s32 @!p0 $0xC;
	[sflag:s22] =	ssyncadd.s32 $0xFFFFEC00  }
0xdd: {  	_ =	swait.ge @!p0 [sflag:s2], $0x1400  }
0xde: {  	[sflag:s2] =	ssyncset.done @!p0 $0x0  }
0xdf: {  	s17 =	simm.s32 $0x3D00;
	[sflag:s2] =	ssyncadd.s32 @!p0 $0xFFFFEC00  }
0xe0: {  	v0 =	vld [tilespmem:s17+$0x80]  }
0xe1: {  	s14 =	simm.s32 $0xA100;
	v1 =	vld [tilespmem:s17+$0x90]  }
0xe2: {  	v2 =	vld [tilespmem:s14+$0x80]  }
0xe3: {  	v3 =	vld [tilespmem:s14+$0x90]  }
0xe4: {  	v4 =	vld [tilespmem:s17+$0xFFFFFF10]  }
0xe5: {  	v5 =	vld [tilespmem:s14+$0xFFFFFF00]  }
0xe6: {  	v6 =	vld [tilespmem:s14+$0xFFFFFF10]  }
0xe7: {  	v7 =	vld [tilespmem:s17+$0xFFFFFF80]  }
0xe8: {  	v8 =	vld [tilespmem:s17+$0xFFFFFF90];
	v0 =	vmul.f32 v2, v0;
	v1 =	vmul.f32 v3, v1  }
0xe9: {  	v2 =	vld [tilespmem:s14+$0xFFFFFF80]  }
0xea: {  	s13 =	simm.s32 $0x10500;
	v3 =	vld [tilespmem:s14+$0xFFFFFF90];
	v0 =	vpack.i.f32.bf16 v1, v0  }
0xeb: {  	v1 =	vld [tilespmem:s17+$0x0];
	[tilespmem:s13+$0x80] =	vst v0  }
0xec: {  	v0 =	vld [tilespmem:s17+$0xA0]  }
0xed: {  	v9 =	vld [tilespmem:s17+$0xB0]  }
0xee: {  	v10 =	vld [tilespmem:s14+$0xA0]  }
0xef: {  	v11 =	vld [tilespmem:s14+$0xB0]  }
0xf0: {  	v2 =	vmul.f32 v2, v7;
	v3 =	vmul.f32 v3, v8;
	v7 =	vld [tilespmem:s17+$0x10]  }
0xf1: {  	v8 =	vld [tilespmem:s14+$0x0]  }
0xf2: {  	v2 =	vpack.i.f32.bf16 v3, v2;
	v3 =	vld [tilespmem:s14+$0x10]  }
0xf3: {  	[tilespmem:s13+$0xFFFFFF80] =	vst v2;
	v2 =	vld [tilespmem:s17+$0xFFFFFF00]  }
0xf4: {  	v0 =	vmul.f32 v10, v0;
	v53 =	vld [tilespmem:s17+$0xFFFFFFA0];
	v9 =	vmul.f32 v11, v9  }
0xf5: {  	v54 =	vld [tilespmem:s17+$0xFFFFFFB0]  }
0xf6: {  	v55 =	vld [tilespmem:s14+$0xFFFFFFA0];
	v0 =	vpack.i.f32.bf16 v9, v0  }
0xf7: {  	[tilespmem:s13+$0x90] =	vst v0;
	v0 =	vld [tilespmem:s14+$0xFFFFFFB0]  }
0xf8: {  	v4 =	vmul.f32 v6, v4;
	v2 =	vmul.f32 v5, v2;
	v5 =	vld [tilespmem:s17+$0xC0]  }
0xf9: {  	v6 =	vld [tilespmem:s17+$0xD0]  }
0xfa: {  	v2 =	vpack.i.f32.bf16 v4, v2;
	v4 =	vld [tilespmem:s14+$0xC0]  }
0xfb: {  	[tilespmem:s13+$0xFFFFFF00] =	vst v2;
	v2 =	vld [tilespmem:s14+$0xD0]  }
0xfc: {  	v1 =	vmul.f32 v8, v1;
	v3 =	vmul.f32 v3, v7;
	v7 =	vld [tilespmem:s17+$0xFFFFFF20]  }
0xfd: {  	v8 =	vld [tilespmem:s17+$0xFFFFFF30]  }
0xfe: {  	v1 =	vpack.i.f32.bf16 v3, v1;
	v3 =	vld [tilespmem:s14+$0xFFFFFF20]  }
0xff: {  	[tilespmem:s13+$0x0] =	vst v1;
	v1 =	vld [tilespmem:s14+$0xFFFFFF30]  }
0x100: {  	v4 =	vmul.f32 v4, v5;
	v5 =	vld [tilespmem:s17+$0x20];
	v2 =	vmul.f32 v2, v6  }
0x101: {  	v6 =	vld [tilespmem:s17+$0x30]  }
0x102: {  	v2 =	vpack.i.f32.bf16 v2, v4;
	v4 =	vld [tilespmem:s14+$0x20]  }
0x103: {  	[tilespmem:s13+$0xA0] =	vst v2;
	v2 =	vld [tilespmem:s14+$0x30]  }
0x104: {  	v3 =	vmul.f32 v3, v7;
	v1 =	vmul.f32 v1, v8;
	v7 =	vld [tilespmem:s17+$0xE0]  }
0x105: {  	v8 =	vld [tilespmem:s17+$0xF0]  }
0x106: {  	v1 =	vpack.i.f32.bf16 v1, v3;
	v3 =	vld [tilespmem:s14+$0xE0]  }
0x107: {  	[tilespmem:s13+$0xFFFFFF10] =	vst v1;
	v1 =	vld [tilespmem:s14+$0xF0]  }
0x108: {  	v9 =	vmul.f32 v55, v53;
	v0 =	vmul.f32 v0, v54;
	v56 =	vld [tilespmem:s17+$0xFFFFFF40]  }
0x109: {  	v57 =	vld [tilespmem:s17+$0xFFFFFF50]  }
0x10a: {  	v0 =	vpack.i.f32.bf16 v0, v9;
	v58 =	vld [tilespmem:s14+$0xFFFFFF40]  }
0x10b: {  	[tilespmem:s13+$0xFFFFFF90] =	vst v0;
	v0 =	vld [tilespmem:s14+$0xFFFFFF50]  }
0x10c: {  	v4 =	vmul.f32 v4, v5;
	v5 =	vld [tilespmem:s17+$0xFFFFFFC0];
	v2 =	vmul.f32 v2, v6  }
0x10d: {  	v6 =	vld [tilespmem:s17+$0xFFFFFFD0]  }
0x10e: {  	v2 =	vpack.i.f32.bf16 v2, v4;
	v4 =	vld [tilespmem:s14+$0xFFFFFFC0]  }
0x10f: {  	[tilespmem:s13+$0x10] =	vst v2;
	v2 =	vld [tilespmem:s14+$0xFFFFFFD0]  }
0x110: {  	v9 =	vmul.f32 v58, v56;
	v0 =	vmul.f32 v0, v57;
	v59 =	vld [tilespmem:s17+$0x40]  }
0x111: {  	v60 =	vld [tilespmem:s17+$0x50]  }
0x112: {  	v0 =	vpack.i.f32.bf16 v0, v9;
	v61 =	vld [tilespmem:s14+$0x40]  }
0x113: {  	[tilespmem:s13+$0xFFFFFF20] =	vst v0;
	v0 =	vld [tilespmem:s14+$0x50]  }
0x114: {  	v4 =	vmul.f32 v4, v5;
	v5 =	vld [tilespmem:s17+$0xFFFFFF60];
	v2 =	vmul.f32 v2, v6  }
0x115: {  	v6 =	vld [tilespmem:s17+$0xFFFFFF70]  }
0x116: {  	v2 =	vpack.i.f32.bf16 v2, v4;
	v4 =	vld [tilespmem:s14+$0xFFFFFF60]  }
0x117: {  	[tilespmem:s13+$0xFFFFFFA0] =	vst v2;
	v2 =	vld [tilespmem:s14+$0xFFFFFF70]  }
0x118: {  	v9 =	vmul.f32 v61, v59;
	v11 =	vmul.f32 v0, v60;
	v62 =	vld [tilespmem:s17+$0xFFFFFFE0]  }
0x119: {  	v0 =	vld [tilespmem:s17+$0xFFFFFFF0]  }
0x11a: {  	v9 =	vpack.i.f32.bf16 v11, v9;
	v63 =	vld [tilespmem:s14+$0xFFFFFFE0]  }
0x11b: {  	v7 =	vmul.f32 v3, v7;
	v8 =	vmul.f32 v1, v8;
	v3 =	vld [tilespmem:s14+$0xFFFFFFF0];
	[tilespmem:s13+$0x20] =	vst v9  }
0x11c: {  	v1 =	vld [tilespmem:s17+$0x60];
	v4 =	vmul.f32 v4, v5;
	v5 =	vmul.f32 v2, v6  }
0x11d: {  	v6 =	vpack.i.f32.bf16 v8, v7;
	v2 =	vld [tilespmem:s17+$0x70]  }
0x11e: {  	[tilespmem:s13+$0xB0] =	vst v6;
	v5 =	vpack.i.f32.bf16 v5, v4;
	v4 =	vld [tilespmem:s14+$0x60]  }
0x11f: {  	s2 =	simm.s32 $0x0;
	s17 =	simm.s32 $0x3F00;
	v6 =	vmul.f32 v63, v62;
	[tilespmem:s13+$0xFFFFFF30] =	vst v5;
	v5 =	vld [tilespmem:s14+$0x70]  }
.LBB2_5:
0x120: {  	v7 =	vld [tilespmem:s17+$0x80];
	v0 =	vmul.f32 v3, v0  }
0x121: {  	s14 =	sadd.s32 $0x200, s14;
	v3 =	vld [tilespmem:s17+$0x90]  }
0x122: {  	v8 =	vld [tilespmem:s14+$0x80];
	v0 =	vpack.i.f32.bf16 v0, v6  }
0x123: {  	v6 =	vld [tilespmem:s14+$0x90];
	[tilespmem:s13+$0xFFFFFFB0] =	vst v0;
	v0 =	vmul.f32 v4, v1  }
0x124: {  	v1 =	vld [tilespmem:s17+$0xFFFFFF10];
	v2 =	vmul.f32 v5, v2  }
0x125: {  	v4 =	vld [tilespmem:s14+$0xFFFFFF00]  }
0x126: {  	v5 =	vld [tilespmem:s14+$0xFFFFFF10];
	v0 =	vpack.i.f32.bf16 v2, v0  }
0x127: {  	v2 =	vld [tilespmem:s17+$0xFFFFFF80];
	[tilespmem:s13+$0x30] =	vst v0  }
0x128: {  	v7 =	vmul.f32 v8, v7;
	v0 =	vld [tilespmem:s17+$0xFFFFFF90];
	v3 =	vmul.f32 v6, v3  }
0x129: {  	v6 =	vld [tilespmem:s14+$0xFFFFFF80]  }
0x12a: {  	s13 =	sadd.s32 $0x200, s13;
	v8 =	vld [tilespmem:s14+$0xFFFFFF90];
	v3 =	vpack.i.f32.bf16 v3, v7  }
0x12b: {  	v1 =	vmul.f32 v5, v1;
	v5 =	vld [tilespmem:s17+$0x0];
	[tilespmem:s13+$0x80] =	vst v3  }
0x12c: {  	s2 =	sadd.s32 $0x4, s2;
	v3 =	vld [tilespmem:s17+$0xA0]  }
0x12d: {  	p2 =	slt.u32 s2, $0x24;
	v7 =	vld [tilespmem:s17+$0xB0]  }
0x12e: {  	v2 =	vmul.f32 v6, v2;
	v6 =	vld [tilespmem:s14+$0xA0]  }
0x12f: {  	v0 =	vmul.f32 v8, v0;
	v8 =	vld [tilespmem:s14+$0xB0]  }
0x130: {  	v9 =	vld [tilespmem:s17+$0x10]  }
0x131: {  	v0 =	vpack.i.f32.bf16 v0, v2;
	v2 =	vld [tilespmem:s14+$0x0]  }
0x132: {  	[tilespmem:s13+$0xFFFFFF80] =	vst v0;
	v0 =	vld [tilespmem:s14+$0x10]  }
0x133: {  	v10 =	vld [tilespmem:s17+$0xFFFFFF00]  }
0x134: {  	v3 =	vmul.f32 v6, v3;
	v11 =	vld [tilespmem:s17+$0xFFFFFFA0];
	v6 =	vmul.f32 v8, v7  }
0x135: {  	v7 =	vld [tilespmem:s17+$0xFFFFFFB0]  }
0x136: {  	v8 =	vld [tilespmem:s14+$0xFFFFFFA0];
	v2 =	vmul.f32 v2, v5;
	v3 =	vpack.i.f32.bf16 v6, v3  }
0x137: {  	v5 =	vld [tilespmem:s14+$0xFFFFFFB0];
	v0 =	vmul.f32 v0, v9;
	[tilespmem:s13+$0x90] =	vst v3  }
0x138: {  	v3 =	vmul.f32 v4, v10;
	v4 =	vld [tilespmem:s17+$0xC0]  }
0x139: {  	v0 =	vpack.i.f32.bf16 v0, v2;
	v2 =	vld [tilespmem:s17+$0xD0]  }
0x13a: {  	v1 =	vpack.i.f32.bf16 v1, v3;
	[tilespmem:s13+$0x0] =	vst v0;
	v0 =	vld [tilespmem:s14+$0xC0]  }
0x13b: {  	[tilespmem:s13+$0xFFFFFF00] =	vst v1;
	v1 =	vmul.f32 v8, v11;
	v3 =	vld [tilespmem:s14+$0xD0]  }
0x13c: {  	v6 =	vld [tilespmem:s17+$0xFFFFFF20];
	v5 =	vmul.f32 v5, v7  }
0x13d: {  	v7 =	vld [tilespmem:s17+$0xFFFFFF30]  }
0x13e: {  	v8 =	vld [tilespmem:s14+$0xFFFFFF20];
	v1 =	vpack.i.f32.bf16 v5, v1  }
0x13f: {  	v5 =	vld [tilespmem:s14+$0xFFFFFF30];
	[tilespmem:s13+$0xFFFFFF90] =	vst v1  }
0x140: {  	v0 =	vmul.f32 v0, v4;
	v1 =	vld [tilespmem:s17+$0x20];
	v2 =	vmul.f32 v3, v2  }
0x141: {  	v3 =	vld [tilespmem:s17+$0x30]  }
0x142: {  	v4 =	vld [tilespmem:s14+$0x20];
	v0 =	vpack.i.f32.bf16 v2, v0  }
0x143: {  	v2 =	vmul.f32 v8, v6;
	v6 =	vld [tilespmem:s14+$0x30];
	[tilespmem:s13+$0xA0] =	vst v0  }
0x144: {  	v0 =	vmul.f32 v5, v7;
	v5 =	vld [tilespmem:s17+$0xE0]  }
0x145: {  	v7 =	vld [tilespmem:s17+$0xF0]  }
0x146: {  	v0 =	vpack.i.f32.bf16 v0, v2;
	v2 =	vld [tilespmem:s14+$0xE0]  }
0x147: {  	[tilespmem:s13+$0xFFFFFF10] =	vst v0;
	v0 =	vmul.f32 v4, v1;
	v1 =	vld [tilespmem:s14+$0xF0]  }
0x148: {  	v4 =	vld [tilespmem:s17+$0xFFFFFF40];
	v3 =	vmul.f32 v6, v3  }
0x149: {  	v6 =	vld [tilespmem:s17+$0xFFFFFF50]  }
0x14a: {  	v8 =	vld [tilespmem:s14+$0xFFFFFF40];
	v0 =	vpack.i.f32.bf16 v3, v0  }
0x14b: {  	v3 =	vld [tilespmem:s14+$0xFFFFFF50];
	[tilespmem:s13+$0x10] =	vst v0  }
0x14c: {  	v2 =	vmul.f32 v2, v5;
	v0 =	vld [tilespmem:s17+$0xFFFFFFC0];
	v1 =	vmul.f32 v1, v7  }
0x14d: {  	v5 =	vld [tilespmem:s17+$0xFFFFFFD0]  }
0x14e: {  	v7 =	vld [tilespmem:s14+$0xFFFFFFC0];
	v1 =	vpack.i.f32.bf16 v1, v2  }
0x14f: {  	v2 =	vmul.f32 v8, v4;
	v4 =	vld [tilespmem:s14+$0xFFFFFFD0];
	[tilespmem:s13+$0xB0] =	vst v1  }
0x150: {  	v1 =	vmul.f32 v3, v6;
	v3 =	vld [tilespmem:s17+$0x40]  }
0x151: {  	v6 =	vld [tilespmem:s17+$0x50]  }
0x152: {  	v1 =	vpack.i.f32.bf16 v1, v2;
	v2 =	vld [tilespmem:s14+$0x40]  }
0x153: {  	[tilespmem:s13+$0xFFFFFF20] =	vst v1;
	v0 =	vmul.f32 v7, v0;
	v1 =	vld [tilespmem:s14+$0x50]  }
0x154: {  	v7 =	vld [tilespmem:s17+$0xFFFFFF60];
	v4 =	vmul.f32 v4, v5  }
0x155: {  	v5 =	vld [tilespmem:s17+$0xFFFFFF70]  }
0x156: {  	v8 =	vld [tilespmem:s14+$0xFFFFFF60];
	v0 =	vpack.i.f32.bf16 v4, v0  }
0x157: {  	v4 =	vld [tilespmem:s14+$0xFFFFFF70];
	[tilespmem:s13+$0xFFFFFFA0] =	vst v0;
	v2 =	vmul.f32 v2, v3  }
0x158: {  	v9 =	vld [tilespmem:s17+$0xFFFFFFE0];
	v1 =	vmul.f32 v1, v6  }
0x159: {  	v0 =	vld [tilespmem:s17+$0xFFFFFFF0]  }
0x15a: {  	v6 =	vld [tilespmem:s14+$0xFFFFFFE0];
	v1 =	vpack.i.f32.bf16 v1, v2  }
.Ltmp3:
0x15b: {  	v7 =	vmul.f32 v8, v7;
	v3 =	vld [tilespmem:s14+$0xFFFFFFF0];
	[tilespmem:s13+$0x20] =	vst v1;
	(pc) =	sbr.rel @p2 .LBB2_5-.Ltmp3, $4  }
0x15c: {  	v4 =	vmul.f32 v4, v5;
	v1 =	vld [tilespmem:s17+$0x60]  }
0x15d: {  	v2 =	vld [tilespmem:s17+$0x70]  }
0x15e: {  	v5 =	vpack.i.f32.bf16 v4, v7;
	v4 =	vld [tilespmem:s14+$0x60]  }
0x15f: {  	s17 =	sadd.s32 $0x200, s17;
	[tilespmem:s13+$0xFFFFFF30] =	vst v5;
	v6 =	vmul.f32 v6, v9;
	v5 =	vld [tilespmem:s14+$0x70]  }
0x160: {  	_ =	sdelay $0x2  }
0x161: {  	v0 =	vmul.f32 v3, v0  }
0x162: {  	v1 =	vmul.f32 v4, v1;
	v2 =	vmul.f32 v5, v2  }
0x163: {  	s2 =	sadd.s32 s8, s9;
	v0 =	vpack.i.f32.bf16 v0, v6  }
0x164: {  	s2 =	sshll.u32 s2, $0x4;
	[tilespmem:s13+$0xFFFFFFB0] =	vst v0;
	v0 =	vpack.i.f32.bf16 v2, v1  }
0x165: {  	s2 =	sadd.s32 s6, s2;
	[tilespmem:s13+$0x30] =	vst v0  }
0x166: {  	[hbm4b:s2+s4] =	stream.linear.scatter [tilespmem:s23], [sflag:$0xC], $0x1400, $0x38;
	[tilespmem:$0x15400] =	vst v63  }
0x167: {  	s14 =	simm.s32 @!p1 $0x3C00;
	s13 =	simm.s32 @!p1 $0x28;
	s2 =	sadd.s32 @!p1 $0xF0, s8  }
0x168: {  	[tilespmem:s14], [sflag:$0x2] =	stream.indirect.gather @!p1 [hbm4b:s1+s13], $0x80, s2, s13, $0xb8;
	[tilespmem:$0x15400] =	vst v63  }
0x169: {  	s2 =	sadd.s32 @!p1 $0x14F0, s8;
	s14 =	simm.s32 @!p1 $0xA000  }
0x16a: {  	[tilespmem:s14], [sflag:$0x7] =	stream.indirect.gather @!p1 [hbm4b:s3+s13], $0x80, s2, s13, $0xb8;
	[tilespmem:$0x15400] =	vst v63  }
0x16b: {  	_ =	swait.ge [sflag:s24], $0x1400  }
0x16c: {  	[sflag:s24] =	ssyncset.done $0x0  }
0x16d: {  	[sflag:s24] =	ssyncadd.s32 $0xFFFFEC00  }
0x16e: {  	_ =	swait.ge [sflag:s25], $0x1400  }
0x16f: {  	[sflag:s25] =	ssyncset.done $0x0  }
0x170: {  	s2 =	simm.s32 @!p0 $0xD;
	[sflag:s25] =	ssyncadd.s32 $0xFFFFEC00  }
0x171: {  	_ =	swait.ge @!p0 [sflag:s2], $0x1400  }
0x172: {  	[sflag:s2] =	ssyncset.done @!p0 $0x0  }
0x173: {  	s17 =	simm.s32 $0x5100;
	[sflag:s2] =	ssyncadd.s32 @!p0 $0xFFFFEC00  }
0x174: {  	v0 =	vld [tilespmem:s17+$0x80]  }
0x175: {  	s14 =	simm.s32 $0xB500;
	v1 =	vld [tilespmem:s17+$0x90]  }
0x176: {  	v2 =	vld [tilespmem:s14+$0x80]  }
0x177: {  	v3 =	vld [tilespmem:s14+$0x90]  }
0x178: {  	v4 =	vld [tilespmem:s17+$0xFFFFFF10]  }
0x179: {  	v5 =	vld [tilespmem:s14+$0xFFFFFF00]  }
0x17a: {  	v6 =	vld [tilespmem:s14+$0xFFFFFF10]  }
0x17b: {  	v7 =	vld [tilespmem:s17+$0xFFFFFF80]  }
0x17c: {  	v8 =	vld [tilespmem:s17+$0xFFFFFF90];
	v0 =	vmul.f32 v2, v0;
	v1 =	vmul.f32 v3, v1  }
0x17d: {  	v2 =	vld [tilespmem:s14+$0xFFFFFF80]  }
0x17e: {  	s13 =	simm.s32 $0x11900;
	v3 =	vld [tilespmem:s14+$0xFFFFFF90];
	v0 =	vpack.i.f32.bf16 v1, v0  }
0x17f: {  	v1 =	vld [tilespmem:s17+$0x0];
	[tilespmem:s13+$0x80] =	vst v0  }
0x180: {  	v0 =	vld [tilespmem:s17+$0xA0]  }
0x181: {  	v9 =	vld [tilespmem:s17+$0xB0]  }
0x182: {  	v10 =	vld [tilespmem:s14+$0xA0]  }
0x183: {  	v11 =	vld [tilespmem:s14+$0xB0]  }
0x184: {  	v2 =	vmul.f32 v2, v7;
	v3 =	vmul.f32 v3, v8;
	v7 =	vld [tilespmem:s17+$0x10]  }
0x185: {  	v8 =	vld [tilespmem:s14+$0x0]  }
0x186: {  	v2 =	vpack.i.f32.bf16 v3, v2;
	v3 =	vld [tilespmem:s14+$0x10]  }
0x187: {  	[tilespmem:s13+$0xFFFFFF80] =	vst v2;
	v2 =	vld [tilespmem:s17+$0xFFFFFF00]  }
0x188: {  	v0 =	vmul.f32 v10, v0;
	v53 =	vld [tilespmem:s17+$0xFFFFFFA0];
	v9 =	vmul.f32 v11, v9  }
0x189: {  	v54 =	vld [tilespmem:s17+$0xFFFFFFB0]  }
0x18a: {  	v55 =	vld [tilespmem:s14+$0xFFFFFFA0];
	v0 =	vpack.i.f32.bf16 v9, v0  }
0x18b: {  	[tilespmem:s13+$0x90] =	vst v0;
	v0 =	vld [tilespmem:s14+$0xFFFFFFB0]  }
0x18c: {  	v4 =	vmul.f32 v6, v4;
	v2 =	vmul.f32 v5, v2;
	v5 =	vld [tilespmem:s17+$0xC0]  }
0x18d: {  	v6 =	vld [tilespmem:s17+$0xD0]  }
0x18e: {  	v2 =	vpack.i.f32.bf16 v4, v2;
	v4 =	vld [tilespmem:s14+$0xC0]  }
0x18f: {  	[tilespmem:s13+$0xFFFFFF00] =	vst v2;
	v2 =	vld [tilespmem:s14+$0xD0]  }
0x190: {  	v1 =	vmul.f32 v8, v1;
	v3 =	vmul.f32 v3, v7;
	v7 =	vld [tilespmem:s17+$0xFFFFFF20]  }
0x191: {  	v8 =	vld [tilespmem:s17+$0xFFFFFF30]  }
0x192: {  	v1 =	vpack.i.f32.bf16 v3, v1;
	v3 =	vld [tilespmem:s14+$0xFFFFFF20]  }
0x193: {  	[tilespmem:s13+$0x0] =	vst v1;
	v1 =	vld [tilespmem:s14+$0xFFFFFF30]  }
0x194: {  	v4 =	vmul.f32 v4, v5;
	v5 =	vld [tilespmem:s17+$0x20];
	v2 =	vmul.f32 v2, v6  }
0x195: {  	v6 =	vld [tilespmem:s17+$0x30]  }
0x196: {  	v2 =	vpack.i.f32.bf16 v2, v4;
	v4 =	vld [tilespmem:s14+$0x20]  }
0x197: {  	[tilespmem:s13+$0xA0] =	vst v2;
	v2 =	vld [tilespmem:s14+$0x30]  }
0x198: {  	v3 =	vmul.f32 v3, v7;
	v1 =	vmul.f32 v1, v8;
	v7 =	vld [tilespmem:s17+$0xE0]  }
0x199: {  	v8 =	vld [tilespmem:s17+$0xF0]  }
0x19a: {  	v1 =	vpack.i.f32.bf16 v1, v3;
	v3 =	vld [tilespmem:s14+$0xE0]  }
0x19b: {  	[tilespmem:s13+$0xFFFFFF10] =	vst v1;
	v1 =	vld [tilespmem:s14+$0xF0]  }
0x19c: {  	v9 =	vmul.f32 v55, v53;
	v0 =	vmul.f32 v0, v54;
	v56 =	vld [tilespmem:s17+$0xFFFFFF40]  }
0x19d: {  	v57 =	vld [tilespmem:s17+$0xFFFFFF50]  }
0x19e: {  	v0 =	vpack.i.f32.bf16 v0, v9;
	v58 =	vld [tilespmem:s14+$0xFFFFFF40]  }
0x19f: {  	[tilespmem:s13+$0xFFFFFF90] =	vst v0;
	v0 =	vld [tilespmem:s14+$0xFFFFFF50]  }
0x1a0: {  	v4 =	vmul.f32 v4, v5;
	v5 =	vld [tilespmem:s17+$0xFFFFFFC0];
	v2 =	vmul.f32 v2, v6  }
0x1a1: {  	v6 =	vld [tilespmem:s17+$0xFFFFFFD0]  }
0x1a2: {  	v2 =	vpack.i.f32.bf16 v2, v4;
	v4 =	vld [tilespmem:s14+$0xFFFFFFC0]  }
0x1a3: {  	[tilespmem:s13+$0x10] =	vst v2;
	v2 =	vld [tilespmem:s14+$0xFFFFFFD0]  }
0x1a4: {  	v9 =	vmul.f32 v58, v56;
	v0 =	vmul.f32 v0, v57;
	v59 =	vld [tilespmem:s17+$0x40]  }
0x1a5: {  	v60 =	vld [tilespmem:s17+$0x50]  }
0x1a6: {  	v0 =	vpack.i.f32.bf16 v0, v9;
	v61 =	vld [tilespmem:s14+$0x40]  }
0x1a7: {  	[tilespmem:s13+$0xFFFFFF20] =	vst v0;
	v0 =	vld [tilespmem:s14+$0x50]  }
0x1a8: {  	v4 =	vmul.f32 v4, v5;
	v5 =	vld [tilespmem:s17+$0xFFFFFF60];
	v2 =	vmul.f32 v2, v6  }
0x1a9: {  	v6 =	vld [tilespmem:s17+$0xFFFFFF70]  }
0x1aa: {  	v2 =	vpack.i.f32.bf16 v2, v4;
	v4 =	vld [tilespmem:s14+$0xFFFFFF60]  }
0x1ab: {  	[tilespmem:s13+$0xFFFFFFA0] =	vst v2;
	v2 =	vld [tilespmem:s14+$0xFFFFFF70]  }
0x1ac: {  	v9 =	vmul.f32 v61, v59;
	v11 =	vmul.f32 v0, v60;
	v62 =	vld [tilespmem:s17+$0xFFFFFFE0]  }
0x1ad: {  	v0 =	vld [tilespmem:s17+$0xFFFFFFF0]  }
0x1ae: {  	v9 =	vpack.i.f32.bf16 v11, v9;
	v63 =	vld [tilespmem:s14+$0xFFFFFFE0]  }
0x1af: {  	v7 =	vmul.f32 v3, v7;
	v8 =	vmul.f32 v1, v8;
	v3 =	vld [tilespmem:s14+$0xFFFFFFF0];
	[tilespmem:s13+$0x20] =	vst v9  }
0x1b0: {  	v1 =	vld [tilespmem:s17+$0x60];
	v4 =	vmul.f32 v4, v5;
	v5 =	vmul.f32 v2, v6  }
0x1b1: {  	v6 =	vpack.i.f32.bf16 v8, v7;
	v2 =	vld [tilespmem:s17+$0x70]  }
0x1b2: {  	[tilespmem:s13+$0xB0] =	vst v6;
	v5 =	vpack.i.f32.bf16 v5, v4;
	v4 =	vld [tilespmem:s14+$0x60]  }
0x1b3: {  	s2 =	simm.s32 $0x0;
	s17 =	simm.s32 $0x5300;
	v6 =	vmul.f32 v63, v62;
	[tilespmem:s13+$0xFFFFFF30] =	vst v5;
	v5 =	vld [tilespmem:s14+$0x70]  }
.LBB2_7:
0x1b4: {  	v7 =	vld [tilespmem:s17+$0x80];
	v0 =	vmul.f32 v3, v0  }
0x1b5: {  	s14 =	sadd.s32 $0x200, s14;
	v3 =	vld [tilespmem:s17+$0x90]  }
0x1b6: {  	v8 =	vld [tilespmem:s14+$0x80];
	v0 =	vpack.i.f32.bf16 v0, v6  }
0x1b7: {  	v6 =	vld [tilespmem:s14+$0x90];
	[tilespmem:s13+$0xFFFFFFB0] =	vst v0;
	v0 =	vmul.f32 v4, v1  }
0x1b8: {  	v1 =	vld [tilespmem:s17+$0xFFFFFF10];
	v2 =	vmul.f32 v5, v2  }
0x1b9: {  	v4 =	vld [tilespmem:s14+$0xFFFFFF00]  }
0x1ba: {  	v5 =	vld [tilespmem:s14+$0xFFFFFF10];
	v0 =	vpack.i.f32.bf16 v2, v0  }
0x1bb: {  	v2 =	vld [tilespmem:s17+$0xFFFFFF80];
	[tilespmem:s13+$0x30] =	vst v0  }
0x1bc: {  	v7 =	vmul.f32 v8, v7;
	v0 =	vld [tilespmem:s17+$0xFFFFFF90];
	v3 =	vmul.f32 v6, v3  }
0x1bd: {  	v6 =	vld [tilespmem:s14+$0xFFFFFF80]  }
0x1be: {  	s13 =	sadd.s32 $0x200, s13;
	v8 =	vld [tilespmem:s14+$0xFFFFFF90];
	v3 =	vpack.i.f32.bf16 v3, v7  }
0x1bf: {  	v1 =	vmul.f32 v5, v1;
	v5 =	vld [tilespmem:s17+$0x0];
	[tilespmem:s13+$0x80] =	vst v3  }
0x1c0: {  	s2 =	sadd.s32 $0x4, s2;
	v3 =	vld [tilespmem:s17+$0xA0]  }
0x1c1: {  	p2 =	slt.u32 s2, $0x24;
	v7 =	vld [tilespmem:s17+$0xB0]  }
0x1c2: {  	v2 =	vmul.f32 v6, v2;
	v6 =	vld [tilespmem:s14+$0xA0]  }
0x1c3: {  	v0 =	vmul.f32 v8, v0;
	v8 =	vld [tilespmem:s14+$0xB0]  }
0x1c4: {  	v9 =	vld [tilespmem:s17+$0x10]  }
0x1c5: {  	v0 =	vpack.i.f32.bf16 v0, v2;
	v2 =	vld [tilespmem:s14+$0x0]  }
0x1c6: {  	[tilespmem:s13+$0xFFFFFF80] =	vst v0;
	v0 =	vld [tilespmem:s14+$0x10]  }
0x1c7: {  	v10 =	vld [tilespmem:s17+$0xFFFFFF00]  }
0x1c8: {  	v3 =	vmul.f32 v6, v3;
	v11 =	vld [tilespmem:s17+$0xFFFFFFA0];
	v6 =	vmul.f32 v8, v7  }
0x1c9: {  	v7 =	vld [tilespmem:s17+$0xFFFFFFB0]  }
0x1ca: {  	v8 =	vld [tilespmem:s14+$0xFFFFFFA0];
	v2 =	vmul.f32 v2, v5;
	v3 =	vpack.i.f32.bf16 v6, v3  }
0x1cb: {  	v5 =	vld [tilespmem:s14+$0xFFFFFFB0];
	v0 =	vmul.f32 v0, v9;
	[tilespmem:s13+$0x90] =	vst v3  }
0x1cc: {  	v3 =	vmul.f32 v4, v10;
	v4 =	vld [tilespmem:s17+$0xC0]  }
0x1cd: {  	v0 =	vpack.i.f32.bf16 v0, v2;
	v2 =	vld [tilespmem:s17+$0xD0]  }
0x1ce: {  	v1 =	vpack.i.f32.bf16 v1, v3;
	[tilespmem:s13+$0x0] =	vst v0;
	v0 =	vld [tilespmem:s14+$0xC0]  }
0x1cf: {  	[tilespmem:s13+$0xFFFFFF00] =	vst v1;
	v1 =	vmul.f32 v8, v11;
	v3 =	vld [tilespmem:s14+$0xD0]  }
0x1d0: {  	v6 =	vld [tilespmem:s17+$0xFFFFFF20];
	v5 =	vmul.f32 v5, v7  }
0x1d1: {  	v7 =	vld [tilespmem:s17+$0xFFFFFF30]  }
0x1d2: {  	v8 =	vld [tilespmem:s14+$0xFFFFFF20];
	v1 =	vpack.i.f32.bf16 v5, v1  }
0x1d3: {  	v5 =	vld [tilespmem:s14+$0xFFFFFF30];
	[tilespmem:s13+$0xFFFFFF90] =	vst v1  }
0x1d4: {  	v0 =	vmul.f32 v0, v4;
	v1 =	vld [tilespmem:s17+$0x20];
	v2 =	vmul.f32 v3, v2  }
0x1d5: {  	v3 =	vld [tilespmem:s17+$0x30]  }
0x1d6: {  	v4 =	vld [tilespmem:s14+$0x20];
	v0 =	vpack.i.f32.bf16 v2, v0  }
0x1d7: {  	v2 =	vmul.f32 v8, v6;
	v6 =	vld [tilespmem:s14+$0x30];
	[tilespmem:s13+$0xA0] =	vst v0  }
0x1d8: {  	v0 =	vmul.f32 v5, v7;
	v5 =	vld [tilespmem:s17+$0xE0]  }
0x1d9: {  	v7 =	vld [tilespmem:s17+$0xF0]  }
0x1da: {  	v0 =	vpack.i.f32.bf16 v0, v2;
	v2 =	vld [tilespmem:s14+$0xE0]  }
0x1db: {  	[tilespmem:s13+$0xFFFFFF10] =	vst v0;
	v0 =	vmul.f32 v4, v1;
	v1 =	vld [tilespmem:s14+$0xF0]  }
0x1dc: {  	v4 =	vld [tilespmem:s17+$0xFFFFFF40];
	v3 =	vmul.f32 v6, v3  }
0x1dd: {  	v6 =	vld [tilespmem:s17+$0xFFFFFF50]  }
0x1de: {  	v8 =	vld [tilespmem:s14+$0xFFFFFF40];
	v0 =	vpack.i.f32.bf16 v3, v0  }
0x1df: {  	v3 =	vld [tilespmem:s14+$0xFFFFFF50];
	[tilespmem:s13+$0x10] =	vst v0  }
0x1e0: {  	v2 =	vmul.f32 v2, v5;
	v0 =	vld [tilespmem:s17+$0xFFFFFFC0];
	v1 =	vmul.f32 v1, v7  }
0x1e1: {  	v5 =	vld [tilespmem:s17+$0xFFFFFFD0]  }
0x1e2: {  	v7 =	vld [tilespmem:s14+$0xFFFFFFC0];
	v1 =	vpack.i.f32.bf16 v1, v2  }
0x1e3: {  	v2 =	vmul.f32 v8, v4;
	v4 =	vld [tilespmem:s14+$0xFFFFFFD0];
	[tilespmem:s13+$0xB0] =	vst v1  }
0x1e4: {  	v1 =	vmul.f32 v3, v6;
	v3 =	vld [tilespmem:s17+$0x40]  }
0x1e5: {  	v6 =	vld [tilespmem:s17+$0x50]  }
0x1e6: {  	v1 =	vpack.i.f32.bf16 v1, v2;
	v2 =	vld [tilespmem:s14+$0x40]  }
0x1e7: {  	[tilespmem:s13+$0xFFFFFF20] =	vst v1;
	v0 =	vmul.f32 v7, v0;
	v1 =	vld [tilespmem:s14+$0x50]  }
0x1e8: {  	v7 =	vld [tilespmem:s17+$0xFFFFFF60];
	v4 =	vmul.f32 v4, v5  }
0x1e9: {  	v5 =	vld [tilespmem:s17+$0xFFFFFF70]  }
0x1ea: {  	v8 =	vld [tilespmem:s14+$0xFFFFFF60];
	v0 =	vpack.i.f32.bf16 v4, v0  }
0x1eb: {  	v4 =	vld [tilespmem:s14+$0xFFFFFF70];
	[tilespmem:s13+$0xFFFFFFA0] =	vst v0;
	v2 =	vmul.f32 v2, v3  }
0x1ec: {  	v9 =	vld [tilespmem:s17+$0xFFFFFFE0];
	v1 =	vmul.f32 v1, v6  }
0x1ed: {  	v0 =	vld [tilespmem:s17+$0xFFFFFFF0]  }
0x1ee: {  	v6 =	vld [tilespmem:s14+$0xFFFFFFE0];
	v1 =	vpack.i.f32.bf16 v1, v2  }
.Ltmp4:
0x1ef: {  	v7 =	vmul.f32 v8, v7;
	v3 =	vld [tilespmem:s14+$0xFFFFFFF0];
	[tilespmem:s13+$0x20] =	vst v1;
	(pc) =	sbr.rel @p2 .LBB2_7-.Ltmp4, $4  }
0x1f0: {  	v4 =	vmul.f32 v4, v5;
	v1 =	vld [tilespmem:s17+$0x60]  }
0x1f1: {  	v2 =	vld [tilespmem:s17+$0x70]  }
0x1f2: {  	v5 =	vpack.i.f32.bf16 v4, v7;
	v4 =	vld [tilespmem:s14+$0x60]  }
0x1f3: {  	s17 =	sadd.s32 $0x200, s17;
	[tilespmem:s13+$0xFFFFFF30] =	vst v5;
	v6 =	vmul.f32 v6, v9;
	v5 =	vld [tilespmem:s14+$0x70]  }
0x1f4: {  	_ =	sdelay $0x2  }
0x1f5: {  	v0 =	vmul.f32 v3, v0  }
0x1f6: {  	v1 =	vmul.f32 v4, v1;
	v2 =	vmul.f32 v5, v2  }
0x1f7: {  	s2 =	sadd.s32 s8, s10;
	v0 =	vpack.i.f32.bf16 v0, v6  }
0x1f8: {  	s2 =	sshll.u32 s2, $0x4;
	[tilespmem:s13+$0xFFFFFFB0] =	vst v0;
	v0 =	vpack.i.f32.bf16 v2, v1  }
0x1f9: {  	s2 =	sadd.s32 s6, s2;
	[tilespmem:s13+$0x30] =	vst v0  }
0x1fa: {  	[hbm4b:s2+s4] =	stream.linear.scatter [tilespmem:s26], [sflag:$0xD], $0x1400, $0x38;
	[tilespmem:$0x15400] =	vst v63  }
0x1fb: {  	s14 =	simm.s32 @!p1 $0x5000;
	s13 =	simm.s32 @!p1 $0x28;
	s2 =	sadd.s32 @!p1 $0x118, s8  }
0x1fc: {  	[tilespmem:s14], [sflag:$0x3] =	stream.indirect.gather @!p1 [hbm4b:s1+s13], $0x80, s2, s13, $0xb8;
	[tilespmem:$0x15400] =	vst v63  }
0x1fd: {  	s2 =	sadd.s32 @!p1 $0x1518, s8;
	s14 =	simm.s32 @!p1 $0xB400  }
0x1fe: {  	[tilespmem:s14], [sflag:$0x8] =	stream.indirect.gather @!p1 [hbm4b:s3+s13], $0x80, s2, s13, $0xb8;
	[tilespmem:$0x15400] =	vst v63  }
0x1ff: {  	_ =	swait.ge [sflag:s28], $0x1400  }
0x200: {  	[sflag:s28] =	ssyncset.done $0x0  }
0x201: {  	[sflag:s28] =	ssyncadd.s32 $0xFFFFEC00  }
0x202: {  	_ =	swait.ge [sflag:s29], $0x1400  }
0x203: {  	[sflag:s29] =	ssyncset.done $0x0  }
0x204: {  	s2 =	simm.s32 @!p0 $0xE;
	[sflag:s29] =	ssyncadd.s32 $0xFFFFEC00  }
0x205: {  	_ =	swait.ge @!p0 [sflag:s2], $0x1400  }
0x206: {  	[sflag:s2] =	ssyncset.done @!p0 $0x0  }
0x207: {  	s17 =	simm.s32 $0x6500;
	[sflag:s2] =	ssyncadd.s32 @!p0 $0xFFFFEC00  }
0x208: {  	v0 =	vld [tilespmem:s17+$0x80]  }
0x209: {  	s14 =	simm.s32 $0xC900;
	v1 =	vld [tilespmem:s17+$0x90]  }
0x20a: {  	v2 =	vld [tilespmem:s14+$0x80]  }
0x20b: {  	v3 =	vld [tilespmem:s14+$0x90]  }
0x20c: {  	v4 =	vld [tilespmem:s17+$0xFFFFFF10]  }
0x20d: {  	v5 =	vld [tilespmem:s14+$0xFFFFFF00]  }
0x20e: {  	v6 =	vld [tilespmem:s14+$0xFFFFFF10]  }
0x20f: {  	v7 =	vld [tilespmem:s17+$0xFFFFFF80]  }
0x210: {  	v8 =	vld [tilespmem:s17+$0xFFFFFF90];
	v0 =	vmul.f32 v2, v0;
	v1 =	vmul.f32 v3, v1  }
0x211: {  	v2 =	vld [tilespmem:s14+$0xFFFFFF80]  }
0x212: {  	s13 =	simm.s32 $0x12D00;
	v3 =	vld [tilespmem:s14+$0xFFFFFF90];
	v0 =	vpack.i.f32.bf16 v1, v0  }
0x213: {  	v1 =	vld [tilespmem:s17+$0x0];
	[tilespmem:s13+$0x80] =	vst v0  }
0x214: {  	v0 =	vld [tilespmem:s17+$0xA0]  }
0x215: {  	v9 =	vld [tilespmem:s17+$0xB0]  }
0x216: {  	v10 =	vld [tilespmem:s14+$0xA0]  }
0x217: {  	v11 =	vld [tilespmem:s14+$0xB0]  }
0x218: {  	v2 =	vmul.f32 v2, v7;
	v3 =	vmul.f32 v3, v8;
	v7 =	vld [tilespmem:s17+$0x10]  }
0x219: {  	v8 =	vld [tilespmem:s14+$0x0]  }
0x21a: {  	v2 =	vpack.i.f32.bf16 v3, v2;
	v3 =	vld [tilespmem:s14+$0x10]  }
0x21b: {  	[tilespmem:s13+$0xFFFFFF80] =	vst v2;
	v2 =	vld [tilespmem:s17+$0xFFFFFF00]  }
0x21c: {  	v0 =	vmul.f32 v10, v0;
	v53 =	vld [tilespmem:s17+$0xFFFFFFA0];
	v9 =	vmul.f32 v11, v9  }
0x21d: {  	v54 =	vld [tilespmem:s17+$0xFFFFFFB0]  }
0x21e: {  	v55 =	vld [tilespmem:s14+$0xFFFFFFA0];
	v0 =	vpack.i.f32.bf16 v9, v0  }
0x21f: {  	[tilespmem:s13+$0x90] =	vst v0;
	v0 =	vld [tilespmem:s14+$0xFFFFFFB0]  }
0x220: {  	v4 =	vmul.f32 v6, v4;
	v2 =	vmul.f32 v5, v2;
	v5 =	vld [tilespmem:s17+$0xC0]  }
0x221: {  	v6 =	vld [tilespmem:s17+$0xD0]  }
0x222: {  	v2 =	vpack.i.f32.bf16 v4, v2;
	v4 =	vld [tilespmem:s14+$0xC0]  }
0x223: {  	[tilespmem:s13+$0xFFFFFF00] =	vst v2;
	v2 =	vld [tilespmem:s14+$0xD0]  }
0x224: {  	v1 =	vmul.f32 v8, v1;
	v3 =	vmul.f32 v3, v7;
	v7 =	vld [tilespmem:s17+$0xFFFFFF20]  }
0x225: {  	v8 =	vld [tilespmem:s17+$0xFFFFFF30]  }
0x226: {  	v1 =	vpack.i.f32.bf16 v3, v1;
	v3 =	vld [tilespmem:s14+$0xFFFFFF20]  }
0x227: {  	[tilespmem:s13+$0x0] =	vst v1;
	v1 =	vld [tilespmem:s14+$0xFFFFFF30]  }
0x228: {  	v4 =	vmul.f32 v4, v5;
	v5 =	vld [tilespmem:s17+$0x20];
	v2 =	vmul.f32 v2, v6  }
0x229: {  	v6 =	vld [tilespmem:s17+$0x30]  }
0x22a: {  	v2 =	vpack.i.f32.bf16 v2, v4;
	v4 =	vld [tilespmem:s14+$0x20]  }
0x22b: {  	[tilespmem:s13+$0xA0] =	vst v2;
	v2 =	vld [tilespmem:s14+$0x30]  }
0x22c: {  	v3 =	vmul.f32 v3, v7;
	v1 =	vmul.f32 v1, v8;
	v7 =	vld [tilespmem:s17+$0xE0]  }
0x22d: {  	v8 =	vld [tilespmem:s17+$0xF0]  }
0x22e: {  	v1 =	vpack.i.f32.bf16 v1, v3;
	v3 =	vld [tilespmem:s14+$0xE0]  }
0x22f: {  	[tilespmem:s13+$0xFFFFFF10] =	vst v1;
	v1 =	vld [tilespmem:s14+$0xF0]  }
0x230: {  	v9 =	vmul.f32 v55, v53;
	v0 =	vmul.f32 v0, v54;
	v56 =	vld [tilespmem:s17+$0xFFFFFF40]  }
0x231: {  	v57 =	vld [tilespmem:s17+$0xFFFFFF50]  }
0x232: {  	v0 =	vpack.i.f32.bf16 v0, v9;
	v58 =	vld [tilespmem:s14+$0xFFFFFF40]  }
0x233: {  	[tilespmem:s13+$0xFFFFFF90] =	vst v0;
	v0 =	vld [tilespmem:s14+$0xFFFFFF50]  }
0x234: {  	v4 =	vmul.f32 v4, v5;
	v5 =	vld [tilespmem:s17+$0xFFFFFFC0];
	v2 =	vmul.f32 v2, v6  }
0x235: {  	v6 =	vld [tilespmem:s17+$0xFFFFFFD0]  }
0x236: {  	v2 =	vpack.i.f32.bf16 v2, v4;
	v4 =	vld [tilespmem:s14+$0xFFFFFFC0]  }
0x237: {  	[tilespmem:s13+$0x10] =	vst v2;
	v2 =	vld [tilespmem:s14+$0xFFFFFFD0]  }
0x238: {  	v9 =	vmul.f32 v58, v56;
	v0 =	vmul.f32 v0, v57;
	v59 =	vld [tilespmem:s17+$0x40]  }
0x239: {  	v60 =	vld [tilespmem:s17+$0x50]  }
0x23a: {  	v0 =	vpack.i.f32.bf16 v0, v9;
	v61 =	vld [tilespmem:s14+$0x40]  }
0x23b: {  	[tilespmem:s13+$0xFFFFFF20] =	vst v0;
	v0 =	vld [tilespmem:s14+$0x50]  }
0x23c: {  	v4 =	vmul.f32 v4, v5;
	v5 =	vld [tilespmem:s17+$0xFFFFFF60];
	v2 =	vmul.f32 v2, v6  }
0x23d: {  	v6 =	vld [tilespmem:s17+$0xFFFFFF70]  }
0x23e: {  	v2 =	vpack.i.f32.bf16 v2, v4;
	v4 =	vld [tilespmem:s14+$0xFFFFFF60]  }
0x23f: {  	[tilespmem:s13+$0xFFFFFFA0] =	vst v2;
	v2 =	vld [tilespmem:s14+$0xFFFFFF70]  }
0x240: {  	v9 =	vmul.f32 v61, v59;
	v11 =	vmul.f32 v0, v60;
	v62 =	vld [tilespmem:s17+$0xFFFFFFE0]  }
0x241: {  	v0 =	vld [tilespmem:s17+$0xFFFFFFF0]  }
0x242: {  	v9 =	vpack.i.f32.bf16 v11, v9;
	v63 =	vld [tilespmem:s14+$0xFFFFFFE0]  }
0x243: {  	v7 =	vmul.f32 v3, v7;
	v8 =	vmul.f32 v1, v8;
	v3 =	vld [tilespmem:s14+$0xFFFFFFF0];
	[tilespmem:s13+$0x20] =	vst v9  }
0x244: {  	v1 =	vld [tilespmem:s17+$0x60];
	v4 =	vmul.f32 v4, v5;
	v5 =	vmul.f32 v2, v6  }
0x245: {  	v6 =	vpack.i.f32.bf16 v8, v7;
	v2 =	vld [tilespmem:s17+$0x70]  }
0x246: {  	[tilespmem:s13+$0xB0] =	vst v6;
	v5 =	vpack.i.f32.bf16 v5, v4;
	v4 =	vld [tilespmem:s14+$0x60]  }
0x247: {  	s2 =	simm.s32 $0x0;
	s17 =	simm.s32 $0x6700;
	v6 =	vmul.f32 v63, v62;
	[tilespmem:s13+$0xFFFFFF30] =	vst v5;
	v5 =	vld [tilespmem:s14+$0x70]  }
.LBB2_9:
0x248: {  	v7 =	vld [tilespmem:s17+$0x80];
	v0 =	vmul.f32 v3, v0  }
0x249: {  	s14 =	sadd.s32 $0x200, s14;
	v3 =	vld [tilespmem:s17+$0x90]  }
0x24a: {  	v8 =	vld [tilespmem:s14+$0x80];
	v0 =	vpack.i.f32.bf16 v0, v6  }
0x24b: {  	v6 =	vld [tilespmem:s14+$0x90];
	[tilespmem:s13+$0xFFFFFFB0] =	vst v0;
	v0 =	vmul.f32 v4, v1  }
0x24c: {  	v1 =	vld [tilespmem:s17+$0xFFFFFF10];
	v2 =	vmul.f32 v5, v2  }
0x24d: {  	v4 =	vld [tilespmem:s14+$0xFFFFFF00]  }
0x24e: {  	v5 =	vld [tilespmem:s14+$0xFFFFFF10];
	v0 =	vpack.i.f32.bf16 v2, v0  }
0x24f: {  	v2 =	vld [tilespmem:s17+$0xFFFFFF80];
	[tilespmem:s13+$0x30] =	vst v0  }
0x250: {  	v7 =	vmul.f32 v8, v7;
	v0 =	vld [tilespmem:s17+$0xFFFFFF90];
	v3 =	vmul.f32 v6, v3  }
0x251: {  	v6 =	vld [tilespmem:s14+$0xFFFFFF80]  }
0x252: {  	s13 =	sadd.s32 $0x200, s13;
	v8 =	vld [tilespmem:s14+$0xFFFFFF90];
	v3 =	vpack.i.f32.bf16 v3, v7  }
0x253: {  	v1 =	vmul.f32 v5, v1;
	v5 =	vld [tilespmem:s17+$0x0];
	[tilespmem:s13+$0x80] =	vst v3  }
0x254: {  	s2 =	sadd.s32 $0x4, s2;
	v3 =	vld [tilespmem:s17+$0xA0]  }
0x255: {  	p2 =	slt.u32 s2, $0x24;
	v7 =	vld [tilespmem:s17+$0xB0]  }
0x256: {  	v2 =	vmul.f32 v6, v2;
	v6 =	vld [tilespmem:s14+$0xA0]  }
0x257: {  	v0 =	vmul.f32 v8, v0;
	v8 =	vld [tilespmem:s14+$0xB0]  }
0x258: {  	v9 =	vld [tilespmem:s17+$0x10]  }
0x259: {  	v0 =	vpack.i.f32.bf16 v0, v2;
	v2 =	vld [tilespmem:s14+$0x0]  }
0x25a: {  	[tilespmem:s13+$0xFFFFFF80] =	vst v0;
	v0 =	vld [tilespmem:s14+$0x10]  }
0x25b: {  	v10 =	vld [tilespmem:s17+$0xFFFFFF00]  }
0x25c: {  	v3 =	vmul.f32 v6, v3;
	v11 =	vld [tilespmem:s17+$0xFFFFFFA0];
	v6 =	vmul.f32 v8, v7  }
0x25d: {  	v7 =	vld [tilespmem:s17+$0xFFFFFFB0]  }
0x25e: {  	v8 =	vld [tilespmem:s14+$0xFFFFFFA0];
	v2 =	vmul.f32 v2, v5;
	v3 =	vpack.i.f32.bf16 v6, v3  }
0x25f: {  	v5 =	vld [tilespmem:s14+$0xFFFFFFB0];
	v0 =	vmul.f32 v0, v9;
	[tilespmem:s13+$0x90] =	vst v3  }
0x260: {  	v3 =	vmul.f32 v4, v10;
	v4 =	vld [tilespmem:s17+$0xC0]  }
0x261: {  	v0 =	vpack.i.f32.bf16 v0, v2;
	v2 =	vld [tilespmem:s17+$0xD0]  }
0x262: {  	v1 =	vpack.i.f32.bf16 v1, v3;
	[tilespmem:s13+$0x0] =	vst v0;
	v0 =	vld [tilespmem:s14+$0xC0]  }
0x263: {  	[tilespmem:s13+$0xFFFFFF00] =	vst v1;
	v1 =	vmul.f32 v8, v11;
	v3 =	vld [tilespmem:s14+$0xD0]  }
0x264: {  	v6 =	vld [tilespmem:s17+$0xFFFFFF20];
	v5 =	vmul.f32 v5, v7  }
0x265: {  	v7 =	vld [tilespmem:s17+$0xFFFFFF30]  }
0x266: {  	v8 =	vld [tilespmem:s14+$0xFFFFFF20];
	v1 =	vpack.i.f32.bf16 v5, v1  }
0x267: {  	v5 =	vld [tilespmem:s14+$0xFFFFFF30];
	[tilespmem:s13+$0xFFFFFF90] =	vst v1  }
0x268: {  	v0 =	vmul.f32 v0, v4;
	v1 =	vld [tilespmem:s17+$0x20];
	v2 =	vmul.f32 v3, v2  }
0x269: {  	v3 =	vld [tilespmem:s17+$0x30]  }
0x26a: {  	v4 =	vld [tilespmem:s14+$0x20];
	v0 =	vpack.i.f32.bf16 v2, v0  }
0x26b: {  	v2 =	vmul.f32 v8, v6;
	v6 =	vld [tilespmem:s14+$0x30];
	[tilespmem:s13+$0xA0] =	vst v0  }
0x26c: {  	v0 =	vmul.f32 v5, v7;
	v5 =	vld [tilespmem:s17+$0xE0]  }
0x26d: {  	v7 =	vld [tilespmem:s17+$0xF0]  }
0x26e: {  	v0 =	vpack.i.f32.bf16 v0, v2;
	v2 =	vld [tilespmem:s14+$0xE0]  }
0x26f: {  	[tilespmem:s13+$0xFFFFFF10] =	vst v0;
	v0 =	vmul.f32 v4, v1;
	v1 =	vld [tilespmem:s14+$0xF0]  }
0x270: {  	v4 =	vld [tilespmem:s17+$0xFFFFFF40];
	v3 =	vmul.f32 v6, v3  }
0x271: {  	v6 =	vld [tilespmem:s17+$0xFFFFFF50]  }
0x272: {  	v8 =	vld [tilespmem:s14+$0xFFFFFF40];
	v0 =	vpack.i.f32.bf16 v3, v0  }
0x273: {  	v3 =	vld [tilespmem:s14+$0xFFFFFF50];
	[tilespmem:s13+$0x10] =	vst v0  }
0x274: {  	v2 =	vmul.f32 v2, v5;
	v0 =	vld [tilespmem:s17+$0xFFFFFFC0];
	v1 =	vmul.f32 v1, v7  }
0x275: {  	v5 =	vld [tilespmem:s17+$0xFFFFFFD0]  }
0x276: {  	v7 =	vld [tilespmem:s14+$0xFFFFFFC0];
	v1 =	vpack.i.f32.bf16 v1, v2  }
0x277: {  	v2 =	vmul.f32 v8, v4;
	v4 =	vld [tilespmem:s14+$0xFFFFFFD0];
	[tilespmem:s13+$0xB0] =	vst v1  }
0x278: {  	v1 =	vmul.f32 v3, v6;
	v3 =	vld [tilespmem:s17+$0x40]  }
0x279: {  	v6 =	vld [tilespmem:s17+$0x50]  }
0x27a: {  	v1 =	vpack.i.f32.bf16 v1, v2;
	v2 =	vld [tilespmem:s14+$0x40]  }
0x27b: {  	[tilespmem:s13+$0xFFFFFF20] =	vst v1;
	v0 =	vmul.f32 v7, v0;
	v1 =	vld [tilespmem:s14+$0x50]  }
0x27c: {  	v7 =	vld [tilespmem:s17+$0xFFFFFF60];
	v4 =	vmul.f32 v4, v5  }
0x27d: {  	v5 =	vld [tilespmem:s17+$0xFFFFFF70]  }
0x27e: {  	v8 =	vld [tilespmem:s14+$0xFFFFFF60];
	v0 =	vpack.i.f32.bf16 v4, v0  }
0x27f: {  	v4 =	vld [tilespmem:s14+$0xFFFFFF70];
	[tilespmem:s13+$0xFFFFFFA0] =	vst v0;
	v2 =	vmul.f32 v2, v3  }
0x280: {  	v9 =	vld [tilespmem:s17+$0xFFFFFFE0];
	v1 =	vmul.f32 v1, v6  }
0x281: {  	v0 =	vld [tilespmem:s17+$0xFFFFFFF0]  }
0x282: {  	v6 =	vld [tilespmem:s14+$0xFFFFFFE0];
	v1 =	vpack.i.f32.bf16 v1, v2  }
.Ltmp5:
0x283: {  	v7 =	vmul.f32 v8, v7;
	v3 =	vld [tilespmem:s14+$0xFFFFFFF0];
	[tilespmem:s13+$0x20] =	vst v1;
	(pc) =	sbr.rel @p2 .LBB2_9-.Ltmp5, $4  }
0x284: {  	v4 =	vmul.f32 v4, v5;
	v1 =	vld [tilespmem:s17+$0x60]  }
0x285: {  	v2 =	vld [tilespmem:s17+$0x70]  }
0x286: {  	v5 =	vpack.i.f32.bf16 v4, v7;
	v4 =	vld [tilespmem:s14+$0x60]  }
0x287: {  	s17 =	sadd.s32 $0x200, s17;
	[tilespmem:s13+$0xFFFFFF30] =	vst v5;
	v6 =	vmul.f32 v6, v9;
	v5 =	vld [tilespmem:s14+$0x70]  }
0x288: {  	_ =	sdelay $0x2  }
0x289: {  	v0 =	vmul.f32 v3, v0  }
0x28a: {  	v1 =	vmul.f32 v4, v1;
	v2 =	vmul.f32 v5, v2  }
0x28b: {  	s2 =	sadd.s32 s8, s11;
	v0 =	vpack.i.f32.bf16 v0, v6  }
0x28c: {  	s2 =	sshll.u32 s2, $0x4;
	[tilespmem:s13+$0xFFFFFFB0] =	vst v0;
	v0 =	vpack.i.f32.bf16 v2, v1  }
0x28d: {  	s2 =	sadd.s32 s6, s2;
	[tilespmem:s13+$0x30] =	vst v0  }
0x28e: {  	[hbm4b:s2+s4] =	stream.linear.scatter [tilespmem:s30], [sflag:$0xE], $0x1400, $0x38;
	[tilespmem:$0x15400] =	vst v63  }
0x28f: {  	s14 =	simm.s32 @!p1 $0x6400;
	s13 =	simm.s32 @!p1 $0x28;
	s2 =	sadd.s32 @!p1 $0x140, s8  }
0x290: {  	[tilespmem:s14], [sflag:$0x4] =	stream.indirect.gather @!p1 [hbm4b:s1+s13], $0x80, s2, s13, $0xb8;
	[tilespmem:$0x15400] =	vst v63  }
0x291: {  	s2 =	sadd.s32 @!p1 $0x1540, s8;
	s14 =	simm.s32 @!p1 $0xC800  }
0x292: {  	[tilespmem:s14], [sflag:$0x9] =	stream.indirect.gather @!p1 [hbm4b:s3+s13], $0x80, s2, s13, $0xb8;
	[tilespmem:$0x15400] =	vst v63  }
0x293: {  	_ =	swait.ge [sflag:s31], $0x1400  }
0x294: {  	[sflag:s31] =	ssyncset.done $0x0  }
0x295: {  	[sflag:s31] =	ssyncadd.s32 $0xFFFFEC00  }
0x296: {  	_ =	swait.ge [sflag:s0], $0x1400  }
0x297: {  	[sflag:s0] =	ssyncset.done $0x0  }
0x298: {  	s2 =	simm.s32 @!p0 $0xF;
	[sflag:s0] =	ssyncadd.s32 $0xFFFFEC00  }
0x299: {  	_ =	swait.ge @!p0 [sflag:s2], $0x1400  }
0x29a: {  	[sflag:s2] =	ssyncset.done @!p0 $0x0  }
0x29b: {  	s17 =	simm.s32 $0x7900;
	[sflag:s2] =	ssyncadd.s32 @!p0 $0xFFFFEC00  }
0x29c: {  	v0 =	vld [tilespmem:s17+$0x80]  }
0x29d: {  	s14 =	simm.s32 $0xDD00;
	v1 =	vld [tilespmem:s17+$0x90]  }
0x29e: {  	v2 =	vld [tilespmem:s14+$0x80]  }
0x29f: {  	v3 =	vld [tilespmem:s14+$0x90]  }
0x2a0: {  	v4 =	vld [tilespmem:s17+$0xFFFFFF10]  }
0x2a1: {  	v5 =	vld [tilespmem:s14+$0xFFFFFF00]  }
0x2a2: {  	v6 =	vld [tilespmem:s14+$0xFFFFFF10]  }
0x2a3: {  	v7 =	vld [tilespmem:s17+$0xFFFFFF80]  }
0x2a4: {  	v8 =	vld [tilespmem:s17+$0xFFFFFF90];
	v0 =	vmul.f32 v2, v0;
	v1 =	vmul.f32 v3, v1  }
0x2a5: {  	v2 =	vld [tilespmem:s14+$0xFFFFFF80]  }
0x2a6: {  	s13 =	simm.s32 $0x14100;
	v3 =	vld [tilespmem:s14+$0xFFFFFF90];
	v0 =	vpack.i.f32.bf16 v1, v0  }
0x2a7: {  	v1 =	vld [tilespmem:s17+$0x0];
	[tilespmem:s13+$0x80] =	vst v0  }
0x2a8: {  	v0 =	vld [tilespmem:s17+$0xA0]  }
0x2a9: {  	v9 =	vld [tilespmem:s17+$0xB0]  }
0x2aa: {  	v10 =	vld [tilespmem:s14+$0xA0]  }
0x2ab: {  	v11 =	vld [tilespmem:s14+$0xB0]  }
0x2ac: {  	v2 =	vmul.f32 v2, v7;
	v3 =	vmul.f32 v3, v8;
	v7 =	vld [tilespmem:s17+$0x10]  }
0x2ad: {  	v8 =	vld [tilespmem:s14+$0x0]  }
0x2ae: {  	v2 =	vpack.i.f32.bf16 v3, v2;
	v3 =	vld [tilespmem:s14+$0x10]  }
0x2af: {  	[tilespmem:s13+$0xFFFFFF80] =	vst v2;
	v2 =	vld [tilespmem:s17+$0xFFFFFF00]  }
0x2b0: {  	v0 =	vmul.f32 v10, v0;
	v53 =	vld [tilespmem:s17+$0xFFFFFFA0];
	v9 =	vmul.f32 v11, v9  }
0x2b1: {  	v54 =	vld [tilespmem:s17+$0xFFFFFFB0]  }
0x2b2: {  	v55 =	vld [tilespmem:s14+$0xFFFFFFA0];
	v0 =	vpack.i.f32.bf16 v9, v0  }
0x2b3: {  	[tilespmem:s13+$0x90] =	vst v0;
	v0 =	vld [tilespmem:s14+$0xFFFFFFB0]  }
0x2b4: {  	v4 =	vmul.f32 v6, v4;
	v2 =	vmul.f32 v5, v2;
	v5 =	vld [tilespmem:s17+$0xC0]  }
0x2b5: {  	v6 =	vld [tilespmem:s17+$0xD0]  }
0x2b6: {  	v2 =	vpack.i.f32.bf16 v4, v2;
	v4 =	vld [tilespmem:s14+$0xC0]  }
0x2b7: {  	[tilespmem:s13+$0xFFFFFF00] =	vst v2;
	v2 =	vld [tilespmem:s14+$0xD0]  }
0x2b8: {  	v1 =	vmul.f32 v8, v1;
	v3 =	vmul.f32 v3, v7;
	v7 =	vld [tilespmem:s17+$0xFFFFFF20]  }
0x2b9: {  	v8 =	vld [tilespmem:s17+$0xFFFFFF30]  }
0x2ba: {  	v1 =	vpack.i.f32.bf16 v3, v1;
	v3 =	vld [tilespmem:s14+$0xFFFFFF20]  }
0x2bb: {  	[tilespmem:s13+$0x0] =	vst v1;
	v1 =	vld [tilespmem:s14+$0xFFFFFF30]  }
0x2bc: {  	v4 =	vmul.f32 v4, v5;
	v5 =	vld [tilespmem:s17+$0x20];
	v2 =	vmul.f32 v2, v6  }
0x2bd: {  	v6 =	vld [tilespmem:s17+$0x30]  }
0x2be: {  	v2 =	vpack.i.f32.bf16 v2, v4;
	v4 =	vld [tilespmem:s14+$0x20]  }
0x2bf: {  	[tilespmem:s13+$0xA0] =	vst v2;
	v2 =	vld [tilespmem:s14+$0x30]  }
0x2c0: {  	v3 =	vmul.f32 v3, v7;
	v1 =	vmul.f32 v1, v8;
	v7 =	vld [tilespmem:s17+$0xE0]  }
0x2c1: {  	v8 =	vld [tilespmem:s17+$0xF0]  }
0x2c2: {  	v1 =	vpack.i.f32.bf16 v1, v3;
	v3 =	vld [tilespmem:s14+$0xE0]  }
0x2c3: {  	[tilespmem:s13+$0xFFFFFF10] =	vst v1;
	v1 =	vld [tilespmem:s14+$0xF0]  }
0x2c4: {  	v9 =	vmul.f32 v55, v53;
	v0 =	vmul.f32 v0, v54;
	v56 =	vld [tilespmem:s17+$0xFFFFFF40]  }
0x2c5: {  	v57 =	vld [tilespmem:s17+$0xFFFFFF50]  }
0x2c6: {  	v0 =	vpack.i.f32.bf16 v0, v9;
	v58 =	vld [tilespmem:s14+$0xFFFFFF40]  }
0x2c7: {  	[tilespmem:s13+$0xFFFFFF90] =	vst v0;
	v0 =	vld [tilespmem:s14+$0xFFFFFF50]  }
0x2c8: {  	v4 =	vmul.f32 v4, v5;
	v5 =	vld [tilespmem:s17+$0xFFFFFFC0];
	v2 =	vmul.f32 v2, v6  }
0x2c9: {  	v6 =	vld [tilespmem:s17+$0xFFFFFFD0]  }
0x2ca: {  	v2 =	vpack.i.f32.bf16 v2, v4;
	v4 =	vld [tilespmem:s14+$0xFFFFFFC0]  }
0x2cb: {  	[tilespmem:s13+$0x10] =	vst v2;
	v2 =	vld [tilespmem:s14+$0xFFFFFFD0]  }
0x2cc: {  	v9 =	vmul.f32 v58, v56;
	v0 =	vmul.f32 v0, v57;
	v59 =	vld [tilespmem:s17+$0x40]  }
0x2cd: {  	v60 =	vld [tilespmem:s17+$0x50]  }
0x2ce: {  	v0 =	vpack.i.f32.bf16 v0, v9;
	v61 =	vld [tilespmem:s14+$0x40]  }
0x2cf: {  	[tilespmem:s13+$0xFFFFFF20] =	vst v0;
	v0 =	vld [tilespmem:s14+$0x50]  }
0x2d0: {  	v4 =	vmul.f32 v4, v5;
	v5 =	vld [tilespmem:s17+$0xFFFFFF60];
	v2 =	vmul.f32 v2, v6  }
0x2d1: {  	v6 =	vld [tilespmem:s17+$0xFFFFFF70]  }
0x2d2: {  	v2 =	vpack.i.f32.bf16 v2, v4;
	v4 =	vld [tilespmem:s14+$0xFFFFFF60]  }
0x2d3: {  	[tilespmem:s13+$0xFFFFFFA0] =	vst v2;
	v2 =	vld [tilespmem:s14+$0xFFFFFF70]  }
0x2d4: {  	v9 =	vmul.f32 v61, v59;
	v11 =	vmul.f32 v0, v60;
	v62 =	vld [tilespmem:s17+$0xFFFFFFE0]  }
0x2d5: {  	v0 =	vld [tilespmem:s17+$0xFFFFFFF0]  }
0x2d6: {  	v9 =	vpack.i.f32.bf16 v11, v9;
	v63 =	vld [tilespmem:s14+$0xFFFFFFE0]  }
0x2d7: {  	v7 =	vmul.f32 v3, v7;
	v8 =	vmul.f32 v1, v8;
	v3 =	vld [tilespmem:s14+$0xFFFFFFF0];
	[tilespmem:s13+$0x20] =	vst v9  }
0x2d8: {  	v1 =	vld [tilespmem:s17+$0x60];
	v4 =	vmul.f32 v4, v5;
	v5 =	vmul.f32 v2, v6  }
0x2d9: {  	v6 =	vpack.i.f32.bf16 v8, v7;
	v2 =	vld [tilespmem:s17+$0x70]  }
0x2da: {  	[tilespmem:s13+$0xB0] =	vst v6;
	v5 =	vpack.i.f32.bf16 v5, v4;
	v4 =	vld [tilespmem:s14+$0x60]  }
0x2db: {  	s2 =	simm.s32 $0x0;
	s17 =	simm.s32 $0x7B00;
	v6 =	vmul.f32 v63, v62;
	[tilespmem:s13+$0xFFFFFF30] =	vst v5;
	v5 =	vld [tilespmem:s14+$0x70]  }
.LBB2_11:
0x2dc: {  	v7 =	vld [tilespmem:s17+$0x80];
	v0 =	vmul.f32 v3, v0  }
0x2dd: {  	s14 =	sadd.s32 $0x200, s14;
	v3 =	vld [tilespmem:s17+$0x90]  }
0x2de: {  	v8 =	vld [tilespmem:s14+$0x80];
	v0 =	vpack.i.f32.bf16 v0, v6  }
0x2df: {  	v6 =	vld [tilespmem:s14+$0x90];
	[tilespmem:s13+$0xFFFFFFB0] =	vst v0;
	v0 =	vmul.f32 v4, v1  }
0x2e0: {  	v1 =	vld [tilespmem:s17+$0xFFFFFF10];
	v2 =	vmul.f32 v5, v2  }
0x2e1: {  	v4 =	vld [tilespmem:s14+$0xFFFFFF00]  }
0x2e2: {  	v5 =	vld [tilespmem:s14+$0xFFFFFF10];
	v0 =	vpack.i.f32.bf16 v2, v0  }
0x2e3: {  	v2 =	vld [tilespmem:s17+$0xFFFFFF80];
	[tilespmem:s13+$0x30] =	vst v0  }
0x2e4: {  	v7 =	vmul.f32 v8, v7;
	v0 =	vld [tilespmem:s17+$0xFFFFFF90];
	v3 =	vmul.f32 v6, v3  }
0x2e5: {  	v6 =	vld [tilespmem:s14+$0xFFFFFF80]  }
0x2e6: {  	s13 =	sadd.s32 $0x200, s13;
	v8 =	vld [tilespmem:s14+$0xFFFFFF90];
	v3 =	vpack.i.f32.bf16 v3, v7  }
0x2e7: {  	v1 =	vmul.f32 v5, v1;
	v5 =	vld [tilespmem:s17+$0x0];
	[tilespmem:s13+$0x80] =	vst v3  }
0x2e8: {  	s2 =	sadd.s32 $0x4, s2;
	v3 =	vld [tilespmem:s17+$0xA0]  }
0x2e9: {  	p0 =	slt.u32 s2, $0x24;
	v7 =	vld [tilespmem:s17+$0xB0]  }
0x2ea: {  	v2 =	vmul.f32 v6, v2;
	v6 =	vld [tilespmem:s14+$0xA0]  }
0x2eb: {  	v0 =	vmul.f32 v8, v0;
	v8 =	vld [tilespmem:s14+$0xB0]  }
0x2ec: {  	v9 =	vld [tilespmem:s17+$0x10]  }
0x2ed: {  	v0 =	vpack.i.f32.bf16 v0, v2;
	v2 =	vld [tilespmem:s14+$0x0]  }
0x2ee: {  	[tilespmem:s13+$0xFFFFFF80] =	vst v0;
	v0 =	vld [tilespmem:s14+$0x10]  }
0x2ef: {  	v10 =	vld [tilespmem:s17+$0xFFFFFF00]  }
0x2f0: {  	v3 =	vmul.f32 v6, v3;
	v11 =	vld [tilespmem:s17+$0xFFFFFFA0];
	v6 =	vmul.f32 v8, v7  }
0x2f1: {  	v7 =	vld [tilespmem:s17+$0xFFFFFFB0]  }
0x2f2: {  	v8 =	vld [tilespmem:s14+$0xFFFFFFA0];
	v2 =	vmul.f32 v2, v5;
	v3 =	vpack.i.f32.bf16 v6, v3  }
0x2f3: {  	v5 =	vld [tilespmem:s14+$0xFFFFFFB0];
	v0 =	vmul.f32 v0, v9;
	[tilespmem:s13+$0x90] =	vst v3  }
0x2f4: {  	v3 =	vmul.f32 v4, v10;
	v4 =	vld [tilespmem:s17+$0xC0]  }
0x2f5: {  	v0 =	vpack.i.f32.bf16 v0, v2;
	v2 =	vld [tilespmem:s17+$0xD0]  }
0x2f6: {  	v1 =	vpack.i.f32.bf16 v1, v3;
	[tilespmem:s13+$0x0] =	vst v0;
	v0 =	vld [tilespmem:s14+$0xC0]  }
0x2f7: {  	[tilespmem:s13+$0xFFFFFF00] =	vst v1;
	v1 =	vmul.f32 v8, v11;
	v3 =	vld [tilespmem:s14+$0xD0]  }
0x2f8: {  	v6 =	vld [tilespmem:s17+$0xFFFFFF20];
	v5 =	vmul.f32 v5, v7  }
0x2f9: {  	v7 =	vld [tilespmem:s17+$0xFFFFFF30]  }
0x2fa: {  	v8 =	vld [tilespmem:s14+$0xFFFFFF20];
	v1 =	vpack.i.f32.bf16 v5, v1  }
0x2fb: {  	v5 =	vld [tilespmem:s14+$0xFFFFFF30];
	[tilespmem:s13+$0xFFFFFF90] =	vst v1  }
0x2fc: {  	v0 =	vmul.f32 v0, v4;
	v1 =	vld [tilespmem:s17+$0x20];
	v2 =	vmul.f32 v3, v2  }
0x2fd: {  	v3 =	vld [tilespmem:s17+$0x30]  }
0x2fe: {  	v4 =	vld [tilespmem:s14+$0x20];
	v0 =	vpack.i.f32.bf16 v2, v0  }
0x2ff: {  	v2 =	vmul.f32 v8, v6;
	v6 =	vld [tilespmem:s14+$0x30];
	[tilespmem:s13+$0xA0] =	vst v0  }
0x300: {  	v0 =	vmul.f32 v5, v7;
	v5 =	vld [tilespmem:s17+$0xE0]  }
0x301: {  	v7 =	vld [tilespmem:s17+$0xF0]  }
0x302: {  	v0 =	vpack.i.f32.bf16 v0, v2;
	v2 =	vld [tilespmem:s14+$0xE0]  }
0x303: {  	[tilespmem:s13+$0xFFFFFF10] =	vst v0;
	v0 =	vmul.f32 v4, v1;
	v1 =	vld [tilespmem:s14+$0xF0]  }
0x304: {  	v4 =	vld [tilespmem:s17+$0xFFFFFF40];
	v3 =	vmul.f32 v6, v3  }
0x305: {  	v6 =	vld [tilespmem:s17+$0xFFFFFF50]  }
0x306: {  	v8 =	vld [tilespmem:s14+$0xFFFFFF40];
	v0 =	vpack.i.f32.bf16 v3, v0  }
0x307: {  	v3 =	vld [tilespmem:s14+$0xFFFFFF50];
	[tilespmem:s13+$0x10] =	vst v0  }
0x308: {  	v2 =	vmul.f32 v2, v5;
	v0 =	vld [tilespmem:s17+$0xFFFFFFC0];
	v1 =	vmul.f32 v1, v7  }
0x309: {  	v5 =	vld [tilespmem:s17+$0xFFFFFFD0]  }
0x30a: {  	v7 =	vld [tilespmem:s14+$0xFFFFFFC0];
	v1 =	vpack.i.f32.bf16 v1, v2  }
0x30b: {  	v2 =	vmul.f32 v8, v4;
	v4 =	vld [tilespmem:s14+$0xFFFFFFD0];
	[tilespmem:s13+$0xB0] =	vst v1  }
0x30c: {  	v1 =	vmul.f32 v3, v6;
	v3 =	vld [tilespmem:s17+$0x40]  }
0x30d: {  	v6 =	vld [tilespmem:s17+$0x50]  }
0x30e: {  	v1 =	vpack.i.f32.bf16 v1, v2;
	v2 =	vld [tilespmem:s14+$0x40]  }
0x30f: {  	[tilespmem:s13+$0xFFFFFF20] =	vst v1;
	v0 =	vmul.f32 v7, v0;
	v1 =	vld [tilespmem:s14+$0x50]  }
0x310: {  	v7 =	vld [tilespmem:s17+$0xFFFFFF60];
	v4 =	vmul.f32 v4, v5  }
0x311: {  	v5 =	vld [tilespmem:s17+$0xFFFFFF70]  }
0x312: {  	v8 =	vld [tilespmem:s14+$0xFFFFFF60];
	v0 =	vpack.i.f32.bf16 v4, v0  }
0x313: {  	v4 =	vld [tilespmem:s14+$0xFFFFFF70];
	[tilespmem:s13+$0xFFFFFFA0] =	vst v0;
	v2 =	vmul.f32 v2, v3  }
0x314: {  	v9 =	vld [tilespmem:s17+$0xFFFFFFE0];
	v1 =	vmul.f32 v1, v6  }
0x315: {  	v0 =	vld [tilespmem:s17+$0xFFFFFFF0]  }
0x316: {  	v6 =	vld [tilespmem:s14+$0xFFFFFFE0];
	v1 =	vpack.i.f32.bf16 v1, v2  }
.Ltmp6:
0x317: {  	v7 =	vmul.f32 v8, v7;
	v3 =	vld [tilespmem:s14+$0xFFFFFFF0];
	[tilespmem:s13+$0x20] =	vst v1;
	(pc) =	sbr.rel @p0 .LBB2_11-.Ltmp6, $4  }
0x318: {  	v4 =	vmul.f32 v4, v5;
	v1 =	vld [tilespmem:s17+$0x60]  }
0x319: {  	v2 =	vld [tilespmem:s17+$0x70]  }
0x31a: {  	v5 =	vpack.i.f32.bf16 v4, v7;
	v4 =	vld [tilespmem:s14+$0x60]  }
0x31b: {  	s17 =	sadd.s32 $0x200, s17;
	[tilespmem:s13+$0xFFFFFF30] =	vst v5;
	v6 =	vmul.f32 v6, v9;
	v5 =	vld [tilespmem:s14+$0x70]  }
0x31c: {  	_ =	sdelay $0x2  }
0x31d: {  	v0 =	vmul.f32 v3, v0  }
.Ltmp7:
0x31e: {  	v1 =	vmul.f32 v4, v1;
	v2 =	vmul.f32 v5, v2;
	(pc) =	sbr.rel @p1 .LBB2_14-.Ltmp7, $4  }
0x31f: {  	s2 =	sadd.s32 s8, s12;
	v0 =	vpack.i.f32.bf16 v0, v6  }
0x320: {  	s2 =	sshll.u32 s2, $0x4;
	[tilespmem:s13+$0xFFFFFFB0] =	vst v0;
	v63 =	vpack.i.f32.bf16 v2, v1  }
0x321: {  	s2 =	sadd.s32 s6, s2;
	[tilespmem:s13+$0x30] =	vst v63  }
0x322: {  	[hbm4b:s2+s4] =	stream.linear.scatter [tilespmem:s15], [sflag:$0xF], $0x1400, $0x38;
	[tilespmem:$0x15400] =	vst v63  }
.Ltmp8:
0x323: {  	(pc) =	sbr.rel .LBB2_2-.Ltmp8, $4  }
0x324: {  	s2 =	sadd.s32 $0x168, s8;
	s13 =	simm.s32 $0x7800  }
0x325: {  	[tilespmem:s13], [sflag:$0x5] =	stream.indirect.gather [hbm4b:s1+s16], $0x80, s2, s16, $0xb8;
	[tilespmem:$0x15400] =	vst v63  }
0x326: {  	s14 =	sadd.s32 $0x1568, s8;
	s17 =	simm.s32 $0xDC00;
	s7 =	sadd.s32 $0x1, s7  }
0x327: {  	[tilespmem:s17], [sflag:$0xA] =	stream.indirect.gather [hbm4b:s3+s16], $0x80, s14, s16, $0xb8;
	[tilespmem:$0x15400] =	vst v63  }
.LBB2_15:
0x328: {  	_ =	sfence.sel $0x180000  }
0x329: {  	[bflag:$0x0] =	sbarrier.arrive $0xFFFF  }
0x32a: {  	_ =	strace $0x90000047  }
0x32b: {  	s0 =	stileid.u32;
	[bflag:$0x2] =	sbarrier.arrive $0xFFFF  }
0x32c: {  	p0 =	sne.s32 s0, $0x0;
	s0 =	rddreg [dreg:$0x3]  }
0x32d: {  	s0 =	sadd.s32 @!p0 $0x100000, s0  }
0x32e: {  	[sflag:s0] =	ssyncadd.tile.s32 @!p0 $0x1;
	_ =	shalt  }
.Lfunc_end2:
_tile_overlayer_lowered:
.L_overlay_start_2:
0x32f: {  	(tag) =	ssettag $0x2  }
0x330: {  	s0 =	rddreg [dreg:$0x0];
	s2 =	stileid.u32  }
0x331: {  	s1 =	rddreg [dreg:$0x1];
	p0 =	sne.s32 s2, $0x0  }
0x332: {  	s3 =	rddreg [dreg:$0x2];
	[bflag:$0x3] =	sbarrier.arrive $0xFFFF;
	s2 =	simm.s32 @!p0 $0x1C10  }
0x333: {  	[timem:s3], [sflag:s2] =	dma.local @!p0 [hbm:s0], s1  }
0x334: {  	s0 =	simm.s32 @!p0 $0x10  }
0x335: {  	_ =	swait.ge @!p0 [sflag:s0], s1  }
0x336: {  	s1 =	ssub.s32 @!p0 $0x0, s1;
	[sflag:s0] =	ssyncset.done @!p0 $0x0  }
0x337: {  	[sflag:s0] =	ssyncadd.s32 @!p0 s1  }
0x338: {  	[bflag:$0x3] =	sbarrier.arrive $0xFFFF  }
0x339: {  	_ =	shalt  }

</sc_bundles>
